<compile_context>
chip_gen: v7x
topology: tpu7x:2x2x1
jax: 0.10.2.dev20260603
libtpu: 0.0.44.dev20260713+nightly
codegen_flags: <defaults>
</compile_context>

<pallas_src>
import functools

import jax
import jax.numpy as jnp
from jax import lax
from jax.experimental import pallas as pl
from jax.experimental.pallas import tpu as pltpu
from jax.experimental.pallas import tpu_sc as plsc

N = 1048576
VOL = 256
VOL3 = VOL * VOL * VOL
NW = 32
SPW = N // NW
C = 512
G = C // 16
NCHUNK = SPW // C
DEPTH = 8


def _tec_body(smp_hbm, table_hbm, out_hbm, *scr):
    wid = lax.axis_index("s") * 2 + lax.axis_index("c")
    bufs = tuple(scr[8 * b:8 * b + 8] for b in range(DEPTH))

    def stage(k, b):
        smp_v = bufs[b][0]
        base = wid * SPW + k * C
        pltpu.sync_copy(smp_hbm.at[pl.ds(0, 7), pl.ds(base, C)], smp_v)

    def pass1(b):
        smp_v, idx_v, _, wx_v, wy_v, wz_v, _, _ = bufs[b]

        def idx_body(g, carry2):
            r = g * 16
            c0 = smp_v[0, pl.ds(r, 16)]
            c1 = smp_v[1, pl.ds(r, 16)]
            c2 = smp_v[2, pl.ds(r, 16)]
            c3 = smp_v[3, pl.ds(r, 16)]
            c4 = smp_v[4, pl.ds(r, 16)]
            c5 = smp_v[5, pl.ds(r, 16)]
            fl = smp_v[6, pl.ds(r, 16)]
            is_yin = fl == 0.0
            x = (jnp.where(is_yin, c0, c3) + 1.0) * 127.5
            y = (jnp.where(is_yin, c1, c4) + 1.0) * 127.5
            z = (jnp.where(is_yin, c2, c5) + 1.0) * 127.5
            xi = x.astype(jnp.int32)
            yi = y.astype(jnp.int32)
            zi = z.astype(jnp.int32)
            wx_v[pl.ds(r, 16)] = x - xi.astype(jnp.float32)
            wy_v[pl.ds(r, 16)] = y - yi.astype(jnp.float32)
            wz_v[pl.ds(r, 16)] = z - zi.astype(jnp.float32)
            xt0 = xi + (xi & 0x80) * 7
            xj = xi + 1
            xt1 = xj + (xj & 0x80) * 7
            yt0 = (yi << 7) + ((yi >> 3) << 10)
            yj = yi + 1
            yt1 = (yj << 7) + ((yj >> 3) << 10)
            vz0 = jnp.where(is_yin, 0, VOL3) + (zi << 16)
            zy00 = vz0 + yt0
            zy01 = vz0 + yt1
            zy10 = zy00 + 65536
            zy11 = zy01 + 65536
            idx_v[pl.ds(0 * C + r, 16)] = zy00 + xt0
            idx_v[pl.ds(1 * C + r, 16)] = zy00 + xt1
            idx_v[pl.ds(2 * C + r, 16)] = zy01 + xt0
            idx_v[pl.ds(3 * C + r, 16)] = zy01 + xt1
            idx_v[pl.ds(4 * C + r, 16)] = zy10 + xt0
            idx_v[pl.ds(5 * C + r, 16)] = zy10 + xt1
            idx_v[pl.ds(6 * C + r, 16)] = zy11 + xt0
            idx_v[pl.ds(7 * C + r, 16)] = zy11 + xt1
            return carry2

        lax.fori_loop(0, G, idx_body, 0, unroll=False)

    def fire(b):
        _, idx_v, val_v, _, _, _, _, sem = bufs[b]
        pltpu.async_copy(table_hbm.at[idx_v], val_v, sem)

    def drain(b):
        _, idx_v, val_v, _, _, _, _, sem = bufs[b]
        pltpu.make_async_copy(table_hbm.at[idx_v], val_v, sem).wait()

    def pass2(k, b):
        _, _, val_v, wx_v, wy_v, wz_v, out_v, _ = bufs[b]

        def mix_body(g, carry2):
            r = g * 16
            wx = wx_v[pl.ds(r, 16)]
            wy = wy_v[pl.ds(r, 16)]
            wz = wz_v[pl.ds(r, 16)]
            v000 = val_v[pl.ds(0 * C + r, 16)]
            v001 = val_v[pl.ds(1 * C + r, 16)]
            v010 = val_v[pl.ds(2 * C + r, 16)]
            v011 = val_v[pl.ds(3 * C + r, 16)]
            v100 = val_v[pl.ds(4 * C + r, 16)]
            v101 = val_v[pl.ds(5 * C + r, 16)]
            v110 = val_v[pl.ds(6 * C + r, 16)]
            v111 = val_v[pl.ds(7 * C + r, 16)]
            a00 = v000 + wx * (v001 - v000)
            a01 = v010 + wx * (v011 - v010)
            a10 = v100 + wx * (v101 - v100)
            a11 = v110 + wx * (v111 - v110)
            b0 = a00 + wy * (a01 - a00)
            b1 = a10 + wy * (a11 - a10)
            out_v[pl.ds(r, 16)] = b0 + wz * (b1 - b0)
            return carry2

        lax.fori_loop(0, G, mix_body, 0, unroll=False)
        base = wid * SPW + k * C
        pltpu.sync_copy(out_v, out_hbm.at[pl.ds(base, C)])

    for b in range(DEPTH - 1):
        stage(b, b)
        pass1(b)
        fire(b)

    def pipe_body(k2, carry):
        for b in range(DEPTH):
            k = k2 * DEPTH + b
            kf = k + DEPTH - 1
            bf = (b + DEPTH - 1) % DEPTH

            @pl.when(kf < NCHUNK)
            def _(kf=kf, bf=bf):
                stage(kf, bf)
                pass1(bf)
                fire(bf)

            drain(b)
            pass2(k, b)
        return carry

    lax.fori_loop(0, NCHUNK // DEPTH, pipe_body, 0, unroll=False)


@jax.jit
def _run(samples_t, table):
    mesh = plsc.VectorSubcoreMesh(core_axis_name="c", subcore_axis_name="s")
    f = functools.partial(
        pl.kernel,
        mesh=mesh,
        compiler_params=pltpu.CompilerParams(use_tc_tiling_on_sc=True,
                                             needs_layout_passes=False),
        out_type=jax.ShapeDtypeStruct((N,), jnp.float32),
        scratch_types=[t for _ in range(DEPTH) for t in (
            pltpu.VMEM((7, C), jnp.float32),
            pltpu.VMEM((8 * C,), jnp.int32),
            pltpu.VMEM((8 * C,), jnp.float32),
            pltpu.VMEM((C,), jnp.float32),
            pltpu.VMEM((C,), jnp.float32),
            pltpu.VMEM((C,), jnp.float32),
            pltpu.VMEM((C,), jnp.float32),
            pltpu.SemaphoreType.DMA,
        )],
    )(_tec_body)
    return f(samples_t, table)


def _tile_view(vol):
    v5 = vol.reshape(VOL, VOL // 8, 8, 2, 128)
    return v5.transpose(0, 1, 3, 2, 4).reshape(-1)


def kernel(norm_samples, alpha_volume_yin, alpha_volume_yang):
    table = jnp.concatenate(
        [_tile_view(alpha_volume_yin), _tile_view(alpha_volume_yang)])
    return _run(norm_samples.T, table)

# --- scband reference (transcript-rebuilt; emitter-appended) ---
"""Pipeline reference for scband-yin-yang-alpha-grid-mask-76012331204898 (READ-ONLY COPY).

The authoritative reference and input builder live on the scoring server;
editing this copy changes nothing except your own understanding.
"""

import jax, jax.numpy as jnp
import numpy as np

VOL = 256
N_SAMPLES = 1048576


def _trilinear_sample(vol, xyz):
    # vol: [D, H, W]; xyz: [N, 3] in grid_sample order (x, y, z) -> (W, H, D)
    # align_corners=True, padding_mode='zeros' (PyTorch F.grid_sample defaults)
    D, H, W = vol.shape
    x = (xyz[:, 0] + 1.0) * 0.5 * (W - 1)
    y = (xyz[:, 1] + 1.0) * 0.5 * (H - 1)
    z = (xyz[:, 2] + 1.0) * 0.5 * (D - 1)
    x0 = jnp.floor(x); y0 = jnp.floor(y); z0 = jnp.floor(z)
    x1 = x0 + 1.0;    y1 = y0 + 1.0;    z1 = z0 + 1.0
    wx = x - x0; wy = y - y0; wz = z - z0

    def corner(zi, yi, xi):
        inb = (xi >= 0) & (xi <= W - 1) & (yi >= 0) & (yi <= H - 1) & (zi >= 0) & (zi <= D - 1)
        xc = jnp.clip(xi, 0, W - 1).astype(jnp.int32)
        yc = jnp.clip(yi, 0, H - 1).astype(jnp.int32)
        zc = jnp.clip(zi, 0, D - 1).astype(jnp.int32)
        v = vol[zc, yc, xc]
        return jnp.where(inb, v, 0.0)

    c000 = corner(z0, y0, x0); c001 = corner(z0, y0, x1)
    c010 = corner(z0, y1, x0); c011 = corner(z0, y1, x1)
    c100 = corner(z1, y0, x0); c101 = corner(z1, y0, x1)
    c110 = corner(z1, y1, x0); c111 = corner(z1, y1, x1)

    out = (c000 * (1 - wx) * (1 - wy) * (1 - wz)
           + c001 * wx * (1 - wy) * (1 - wz)
           + c010 * (1 - wx) * wy * (1 - wz)
           + c011 * wx * wy * (1 - wz)
           + c100 * (1 - wx) * (1 - wy) * wz
           + c101 * wx * (1 - wy) * wz
           + c110 * (1 - wx) * wy * wz
           + c111 * wx * wy * wz)
    return out


def setup_inputs(seed: int = 0) -> dict:
    key = jax.random.key(seed)
    k1, k2, k3, k4 = jax.random.split(key, 4)
    coords = jax.random.uniform(k1, (N_SAMPLES, 6), minval=-1.0, maxval=1.0, dtype=jnp.float32)
    flag = jax.random.randint(k2, (N_SAMPLES, 1), 0, 2).astype(jnp.float32)
    norm_samples = jnp.concatenate([coords, flag], axis=1)
    alpha_volume_yin = jax.random.uniform(k3, (VOL, VOL, VOL), dtype=jnp.float32)
    alpha_volume_yang = jax.random.uniform(k4, (VOL, VOL, VOL), dtype=jnp.float32)
    return {"norm_samples": norm_samples,
            "alpha_volume_yin": alpha_volume_yin,
            "alpha_volume_yang": alpha_volume_yang}


def reference(norm_samples, alpha_volume_yin, alpha_volume_yang):
    # Module stores volumes as (1, 1, D, H, W); grid_sample over flat point list.
    vol_yin = alpha_volume_yin.reshape(alpha_volume_yin.shape[-3:])
    vol_yang = alpha_volume_yang.reshape(alpha_volume_yang.shape[-3:])
    is_yin_grid = norm_samples[:, -1] == 0
    yin_vals = _trilinear_sample(vol_yin, norm_samples[:, :3])
    yang_vals = _trilinear_sample(vol_yang, norm_samples[:, 3:6])
    alpha_vals = jnp.where(is_yin_grid, yin_vals, yang_vals)
    return alpha_vals

if __name__ == "__main__":
    import jax
    _d = setup_inputs()
    print(jax.jit(kernel)(*tuple(_d.values())))

</pallas_src>

<mosaic_0001>
#map = affine_map<(d0, d1) -> (0, 0)>
#map1 = affine_map<(d0, d1) -> (0)>
module attributes {stable_mosaic.version = 14 : i64} {
  func.func @_tec_body(%arg0: i32, %arg1: i32, %arg2: memref<7x1048576xf32, #tpu.memory_space<hbm>>, %arg3: memref<33554432xf32, #tpu.memory_space<hbm>>, %arg4: memref<1048576xf32, #tpu.memory_space<hbm>>, %arg5: memref<7x512xf32, #tpu.memory_space<vmem>>, %arg6: memref<4096xi32, #tpu.memory_space<vmem>>, %arg7: memref<4096xf32, #tpu.memory_space<vmem>>, %arg8: memref<512xf32, #tpu.memory_space<vmem>>, %arg9: memref<512xf32, #tpu.memory_space<vmem>>, %arg10: memref<512xf32, #tpu.memory_space<vmem>>, %arg11: memref<512xf32, #tpu.memory_space<vmem>>, %arg12: memref<!tpu.dma_semaphore, #tpu.memory_space<semaphore_mem>>, %arg13: memref<7x512xf32, #tpu.memory_space<vmem>>, %arg14: memref<4096xi32, #tpu.memory_space<vmem>>, %arg15: memref<4096xf32, #tpu.memory_space<vmem>>, %arg16: memref<512xf32, #tpu.memory_space<vmem>>, %arg17: memref<512xf32, #tpu.memory_space<vmem>>, %arg18: memref<512xf32, #tpu.memory_space<vmem>>, %arg19: memref<512xf32, #tpu.memory_space<vmem>>, %arg20: memref<!tpu.dma_semaphore, #tpu.memory_space<semaphore_mem>>, %arg21: memref<7x512xf32, #tpu.memory_space<vmem>>, %arg22: memref<4096xi32, #tpu.memory_space<vmem>>, %arg23: memref<4096xf32, #tpu.memory_space<vmem>>, %arg24: memref<512xf32, #tpu.memory_space<vmem>>, %arg25: memref<512xf32, #tpu.memory_space<vmem>>, %arg26: memref<512xf32, #tpu.memory_space<vmem>>, %arg27: memref<512xf32, #tpu.memory_space<vmem>>, %arg28: memref<!tpu.dma_semaphore, #tpu.memory_space<semaphore_mem>>, %arg29: memref<7x512xf32, #tpu.memory_space<vmem>>, %arg30: memref<4096xi32, #tpu.memory_space<vmem>>, %arg31: memref<4096xf32, #tpu.memory_space<vmem>>, %arg32: memref<512xf32, #tpu.memory_space<vmem>>, %arg33: memref<512xf32, #tpu.memory_space<vmem>>, %arg34: memref<512xf32, #tpu.memory_space<vmem>>, %arg35: memref<512xf32, #tpu.memory_space<vmem>>, %arg36: memref<!tpu.dma_semaphore, #tpu.memory_space<semaphore_mem>>, %arg37: memref<7x512xf32, #tpu.memory_space<vmem>>, %arg38: memref<4096xi32, #tpu.memory_space<vmem>>, %arg39: memref<4096xf32, #tpu.memory_space<vmem>>, %arg40: memref<512xf32, #tpu.memory_space<vmem>>, %arg41: memref<512xf32, #tpu.memory_space<vmem>>, %arg42: memref<512xf32, #tpu.memory_space<vmem>>, %arg43: memref<512xf32, #tpu.memory_space<vmem>>, %arg44: memref<!tpu.dma_semaphore, #tpu.memory_space<semaphore_mem>>, %arg45: memref<7x512xf32, #tpu.memory_space<vmem>>, %arg46: memref<4096xi32, #tpu.memory_space<vmem>>, %arg47: memref<4096xf32, #tpu.memory_space<vmem>>, %arg48: memref<512xf32, #tpu.memory_space<vmem>>, %arg49: memref<512xf32, #tpu.memory_space<vmem>>, %arg50: memref<512xf32, #tpu.memory_space<vmem>>, %arg51: memref<512xf32, #tpu.memory_space<vmem>>, %arg52: memref<!tpu.dma_semaphore, #tpu.memory_space<semaphore_mem>>, %arg53: memref<7x512xf32, #tpu.memory_space<vmem>>, %arg54: memref<4096xi32, #tpu.memory_space<vmem>>, %arg55: memref<4096xf32, #tpu.memory_space<vmem>>, %arg56: memref<512xf32, #tpu.memory_space<vmem>>, %arg57: memref<512xf32, #tpu.memory_space<vmem>>, %arg58: memref<512xf32, #tpu.memory_space<vmem>>, %arg59: memref<512xf32, #tpu.memory_space<vmem>>, %arg60: memref<!tpu.dma_semaphore, #tpu.memory_space<semaphore_mem>>, %arg61: memref<7x512xf32, #tpu.memory_space<vmem>>, %arg62: memref<4096xi32, #tpu.memory_space<vmem>>, %arg63: memref<4096xf32, #tpu.memory_space<vmem>>, %arg64: memref<512xf32, #tpu.memory_space<vmem>>, %arg65: memref<512xf32, #tpu.memory_space<vmem>>, %arg66: memref<512xf32, #tpu.memory_space<vmem>>, %arg67: memref<512xf32, #tpu.memory_space<vmem>>, %arg68: memref<!tpu.dma_semaphore, #tpu.memory_space<semaphore_mem>>) attributes {dimension_semantics = [#tpu.dimension_semantics<core_parallel>, #tpu.dimension_semantics<subcore_parallel>], iteration_bounds = array<i64: 2, 16>, scalar_prefetch = 0 : i64, scratch_operands = 64 : i64, tpu.core_type = #tpu.core_type<sc_vector_subcore>, window_params = [{transform_indices = #map}, {transform_indices = #map1}, {transform_indices = #map1}]} {
    %mul3A = arith.constant 2 : i32
    %mul3A_0 = arith.muli %arg1, %mul3A : i32
    %add3A = arith.addi %mul3A_0, %arg0 : i32
    %mul3A_1 = arith.constant 32768 : i32
    %mul3A_2 = arith.muli %add3A, %mul3A_1 : i32
    %add3A_3 = arith.constant 0 : i32
    %add3A_4 = arith.addi %mul3A_2, %add3A_3 : i32
    "tpu.region"() ({
      %run_scoped3A = tpu.sem_alloc : memref<!tpu.dma_semaphore, #tpu.memory_space<semaphore_mem>>
      %dma_start3A_89 = arith.constant 0 : i32
      %dma_start3A_90 = tpu.memref_slice %arg2[%dma_start3A_89, %add3A_4] : memref<7x1048576xf32, #tpu.memory_space<hbm>> -> memref<7x512xf32, #tpu.memory_space<hbm>>
      %dma_start3A_91 = arith.constant 0 : i32
      %dma_start3A_92 = tpu.memref_slice %arg2[%dma_start3A_91, %add3A_4] : memref<7x1048576xf32, #tpu.memory_space<hbm>> -> memref<7x512xf32, #tpu.memory_space<hbm>>
      tpu.enqueue_dma source(%dma_start3A_92 : memref<7x512xf32, #tpu.memory_space<hbm>>) target(%arg5 : memref<7x512xf32, #tpu.memory_space<vmem>>) target_semaphore(%run_scoped3A : memref<!tpu.dma_semaphore, #tpu.memory_space<semaphore_mem>>)
      %dma_wait3A = arith.constant 0 : i32
      %dma_wait3A_93 = tpu.memref_slice %arg2[%dma_wait3A, %add3A_4] : memref<7x1048576xf32, #tpu.memory_space<hbm>> -> memref<7x512xf32, #tpu.memory_space<hbm>>
      %dma_wait3A_94 = arith.constant 0 : i32
      %dma_wait3A_95 = tpu.memref_slice %arg2[%dma_wait3A_94, %add3A_4] : memref<7x1048576xf32, #tpu.memory_space<hbm>> -> memref<7x512xf32, #tpu.memory_space<hbm>>
      tpu.wait_dma2 semaphore(%run_scoped3A : memref<!tpu.dma_semaphore, #tpu.memory_space<semaphore_mem>>) src(%dma_wait3A_95 : memref<7x512xf32, #tpu.memory_space<hbm>>) dst(%arg5 : memref<7x512xf32, #tpu.memory_space<vmem>>)
      tpu.yield
    }) : () -> ()
    %scan3A = arith.constant 0 : i32
    %scan3A_5 = arith.constant 0 : i32
    %scan3A_6 = arith.constant 32 : i32
    %scan3A_7 = arith.addi %scan3A_5, %scan3A_6 : i32
    %scan3A_8 = arith.constant 1 : i32
    scf.for %scan3A_89 = %scan3A_5 to %scan3A_7 step %scan3A_8  : i32 {
      %mul3A_90 = arith.constant 16 : i32
      %mul3A_91 = arith.muli %scan3A_89, %mul3A_90 : i32
      %get3A = arith.constant 0 : i32
      %get3A_92 = arith.index_cast %get3A : i32 to index
      %get3A_93 = arith.index_cast %mul3A_91 : i32 to index
      %get3A_94 = tpu.vector_load %arg5[%get3A_92, %get3A_93] {strides = array<i32>} : memref<7x512xf32, #tpu.memory_space<vmem>>, vector<16xf32>,
      %get3A_95 = arith.constant 1 : i32
      %get3A_96 = arith.index_cast %get3A_95 : i32 to index
      %get3A_97 = arith.index_cast %mul3A_91 : i32 to index
      %get3A_98 = tpu.vector_load %arg5[%get3A_96, %get3A_97] {strides = array<i32>} : memref<7x512xf32, #tpu.memory_space<vmem>>, vector<16xf32>,
      %get3A_99 = arith.constant 2 : i32
      %get3A_100 = arith.index_cast %get3A_99 : i32 to index
      %get3A_101 = arith.index_cast %mul3A_91 : i32 to index
      %get3A_102 = tpu.vector_load %arg5[%get3A_100, %get3A_101] {strides = array<i32>} : memref<7x512xf32, #tpu.memory_space<vmem>>, vector<16xf32>,
      %get3A_103 = arith.constant 3 : i32
      %get3A_104 = arith.index_cast %get3A_103 : i32 to index
      %get3A_105 = arith.index_cast %mul3A_91 : i32 to index
      %get3A_106 = tpu.vector_load %arg5[%get3A_104, %get3A_105] {strides = array<i32>} : memref<7x512xf32, #tpu.memory_space<vmem>>, vector<16xf32>,
      %get3A_107 = arith.constant 4 : i32
      %get3A_108 = arith.index_cast %get3A_107 : i32 to index
      %get3A_109 = arith.index_cast %mul3A_91 : i32 to index
      %get3A_110 = tpu.vector_load %arg5[%get3A_108, %get3A_109] {strides = array<i32>} : memref<7x512xf32, #tpu.memory_space<vmem>>, vector<16xf32>,
      %get3A_111 = arith.constant 5 : i32
      %get3A_112 = arith.index_cast %get3A_111 : i32 to index
      %get3A_113 = arith.index_cast %mul3A_91 : i32 to index
      %get3A_114 = tpu.vector_load %arg5[%get3A_112, %get3A_113] {strides = array<i32>} : memref<7x512xf32, #tpu.memory_space<vmem>>, vector<16xf32>,
      %get3A_115 = arith.constant 6 : i32
      %get3A_116 = arith.index_cast %get3A_115 : i32 to index
      %get3A_117 = arith.index_cast %mul3A_91 : i32 to index
      %get3A_118 = tpu.vector_load %arg5[%get3A_116, %get3A_117] {strides = array<i32>} : memref<7x512xf32, #tpu.memory_space<vmem>>, vector<16xf32>,
      %eq3A = arith.constant 0.000000e+00 : f32
      %eq3A_119 = vector.broadcast %eq3A : f32 to vector<16xf32>
      %eq3A_120 = arith.cmpf oeq, %get3A_118, %eq3A_119 : vector<16xf32>
      %select_n3A = arith.select %eq3A_120, %get3A_94, %get3A_106 : vector<16xi1>, vector<16xf32>
      %add3A_121 = arith.constant 1.000000e+00 : f32
      %add3A_122 = vector.broadcast %add3A_121 : f32 to vector<16xf32>
      %add3A_123 = arith.addf %select_n3A, %add3A_122 : vector<16xf32>
      %mul3A_124 = arith.constant 1.275000e+02 : f32
      %mul3A_125 = vector.broadcast %mul3A_124 : f32 to vector<16xf32>
      %mul3A_126 = arith.mulf %add3A_123, %mul3A_125 : vector<16xf32>
      %select_n3A_127 = arith.select %eq3A_120, %get3A_98, %get3A_110 : vector<16xi1>, vector<16xf32>
      %add3A_128 = arith.constant 1.000000e+00 : f32
      %add3A_129 = vector.broadcast %add3A_128 : f32 to vector<16xf32>
      %add3A_130 = arith.addf %select_n3A_127, %add3A_129 : vector<16xf32>
      %mul3A_131 = arith.constant 1.275000e+02 : f32
      %mul3A_132 = vector.broadcast %mul3A_131 : f32 to vector<16xf32>
      %mul3A_133 = arith.mulf %add3A_130, %mul3A_132 : vector<16xf32>
      %select_n3A_134 = arith.select %eq3A_120, %get3A_102, %get3A_114 : vector<16xi1>, vector<16xf32>
      %add3A_135 = arith.constant 1.000000e+00 : f32
      %add3A_136 = vector.broadcast %add3A_135 : f32 to vector<16xf32>
      %add3A_137 = arith.addf %select_n3A_134, %add3A_136 : vector<16xf32>
      %mul3A_138 = arith.constant 1.275000e+02 : f32
      %mul3A_139 = vector.broadcast %mul3A_138 : f32 to vector<16xf32>
      %mul3A_140 = arith.mulf %add3A_137, %mul3A_139 : vector<16xf32>
      %convert_element_type3A = arith.fptosi %mul3A_126 : vector<16xf32> to vector<16xi32>
      %convert_element_type3A_141 = arith.fptosi %mul3A_133 : vector<16xf32> to vector<16xi32>
      %convert_element_type3A_142 = arith.fptosi %mul3A_140 : vector<16xf32> to vector<16xi32>
      %convert_element_type3A_143 = arith.sitofp %convert_element_type3A : vector<16xi32> to vector<16xf32>
      %sub3A = arith.subf %mul3A_126, %convert_element_type3A_143 : vector<16xf32>
      %swap3A = arith.index_cast %mul3A_91 : i32 to index
      %swap3A_144 = tpu.vector_load %arg8[%swap3A] {strides = array<i32>} : memref<512xf32, #tpu.memory_space<vmem>>, vector<16xf32>,
      tpu.vector_store %arg8[%swap3A], %sub3A {strides = array<i32>} : memref<512xf32, #tpu.memory_space<vmem>>, vector<16xf32>,
      %convert_element_type3A_145 = arith.sitofp %convert_element_type3A_141 : vector<16xi32> to vector<16xf32>
      %sub3A_146 = arith.subf %mul3A_133, %convert_element_type3A_145 : vector<16xf32>
      %swap3A_147 = arith.index_cast %mul3A_91 : i32 to index
      %swap3A_148 = tpu.vector_load %arg9[%swap3A_147] {strides = array<i32>} : memref<512xf32, #tpu.memory_space<vmem>>, vector<16xf32>,
      tpu.vector_store %arg9[%swap3A_147], %sub3A_146 {strides = array<i32>} : memref<512xf32, #tpu.memory_space<vmem>>, vector<16xf32>,
      %convert_element_type3A_149 = arith.sitofp %convert_element_type3A_142 : vector<16xi32> to vector<16xf32>
      %sub3A_150 = arith.subf %mul3A_140, %convert_element_type3A_149 : vector<16xf32>
      %swap3A_151 = arith.index_cast %mul3A_91 : i32 to index
      %swap3A_152 = tpu.vector_load %arg10[%swap3A_151] {strides = array<i32>} : memref<512xf32, #tpu.memory_space<vmem>>, vector<16xf32>,
      tpu.vector_store %arg10[%swap3A_151], %sub3A_150 {strides = array<i32>} : memref<512xf32, #tpu.memory_space<vmem>>, vector<16xf32>,
      %and3A = arith.constant 128 : i32
      %and3A_153 = vector.broadcast %and3A : i32 to vector<16xi32>
      %and3A_154 = arith.andi %convert_element_type3A, %and3A_153 : vector<16xi32>
      %mul3A_155 = arith.constant 7 : i32
      %mul3A_156 = vector.broadcast %mul3A_155 : i32 to vector<16xi32>
      %mul3A_157 = arith.muli %and3A_154, %mul3A_156 : vector<16xi32>
      %add3A_158 = arith.addi %convert_element_type3A, %mul3A_157 : vector<16xi32>
      %add3A_159 = arith.constant 1 : i32
      %add3A_160 = vector.broadcast %add3A_159 : i32 to vector<16xi32>
      %add3A_161 = arith.addi %convert_element_type3A, %add3A_160 : vector<16xi32>
      %and3A_162 = arith.constant 128 : i32
      %and3A_163 = vector.broadcast %and3A_162 : i32 to vector<16xi32>
      %and3A_164 = arith.andi %add3A_161, %and3A_163 : vector<16xi32>
      %mul3A_165 = arith.constant 7 : i32
      %mul3A_166 = vector.broadcast %mul3A_165 : i32 to vector<16xi32>
      %mul3A_167 = arith.muli %and3A_164, %mul3A_166 : vector<16xi32>
      %add3A_168 = arith.addi %add3A_161, %mul3A_167 : vector<16xi32>
      %shift_left3A = arith.constant 7 : i32
      %shift_left3A_169 = vector.broadcast %shift_left3A : i32 to vector<16xi32>
      %shift_left3A_170 = arith.shli %convert_element_type3A_141, %shift_left3A_169 : vector<16xi32>
      %shift_right_arithmetic3A = arith.constant 3 : i32
      %shift_right_arithmetic3A_171 = vector.broadcast %shift_right_arithmetic3A : i32 to vector<16xi32>
      %shift_right_arithmetic3A_172 = arith.shrsi %convert_element_type3A_141, %shift_right_arithmetic3A_171 : vector<16xi32>
      %shift_left3A_173 = arith.constant 10 : i32
      %shift_left3A_174 = vector.broadcast %shift_left3A_173 : i32 to vector<16xi32>
      %shift_left3A_175 = arith.shli %shift_right_arithmetic3A_172, %shift_left3A_174 : vector<16xi32>
      %add3A_176 = arith.addi %shift_left3A_170, %shift_left3A_175 : vector<16xi32>
      %add3A_177 = arith.constant 1 : i32
      %add3A_178 = vector.broadcast %add3A_177 : i32 to vector<16xi32>
      %add3A_179 = arith.addi %convert_element_type3A_141, %add3A_178 : vector<16xi32>
      %shift_left3A_180 = arith.constant 7 : i32
      %shift_left3A_181 = vector.broadcast %shift_left3A_180 : i32 to vector<16xi32>
      %shift_left3A_182 = arith.shli %add3A_179, %shift_left3A_181 : vector<16xi32>
      %shift_right_arithmetic3A_183 = arith.constant 3 : i32
      %shift_right_arithmetic3A_184 = vector.broadcast %shift_right_arithmetic3A_183 : i32 to vector<16xi32>
      %shift_right_arithmetic3A_185 = arith.shrsi %add3A_179, %shift_right_arithmetic3A_184 : vector<16xi32>
      %shift_left3A_186 = arith.constant 10 : i32
      %shift_left3A_187 = vector.broadcast %shift_left3A_186 : i32 to vector<16xi32>
      %shift_left3A_188 = arith.shli %shift_right_arithmetic3A_185, %shift_left3A_187 : vector<16xi32>
      %add3A_189 = arith.addi %shift_left3A_182, %shift_left3A_188 : vector<16xi32>
      %jit3A = arith.constant 0 : i32
      %jit3A_190 = arith.constant 16777216 : i32
      %broadcast_in_dim3A = vector.broadcast %jit3A : i32 to vector<16xi32>
      %broadcast_in_dim3A_191 = vector.broadcast %jit3A_190 : i32 to vector<16xi32>
      %select_n3A_192 = arith.select %eq3A_120, %broadcast_in_dim3A, %broadcast_in_dim3A_191 : vector<16xi1>, vector<16xi32>
      %shift_left3A_193 = arith.constant 16 : i32
      %shift_left3A_194 = vector.broadcast %shift_left3A_193 : i32 to vector<16xi32>
      %shift_left3A_195 = arith.shli %convert_element_type3A_142, %shift_left3A_194 : vector<16xi32>
      %add3A_196 = arith.addi %select_n3A_192, %shift_left3A_195 : vector<16xi32>
      %add3A_197 = arith.addi %add3A_196, %add3A_176 : vector<16xi32>
      %add3A_198 = arith.addi %add3A_196, %add3A_189 : vector<16xi32>
      %add3A_199 = arith.constant 65536 : i32
      %add3A_200 = vector.broadcast %add3A_199 : i32 to vector<16xi32>
      %add3A_201 = arith.addi %add3A_197, %add3A_200 : vector<16xi32>
      %add3A_202 = arith.constant 65536 : i32
      %add3A_203 = vector.broadcast %add3A_202 : i32 to vector<16xi32>
      %add3A_204 = arith.addi %add3A_198, %add3A_203 : vector<16xi32>
      %add3A_205 = arith.addi %add3A_197, %add3A_158 : vector<16xi32>
      %add3A_206 = arith.constant 0 : i32
      %add3A_207 = arith.addi %add3A_206, %mul3A_91 : i32
      %swap3A_208 = arith.index_cast %add3A_207 : i32 to index
      %swap3A_209 = tpu.vector_load %arg6[%swap3A_208] {strides = array<i32>} : memref<4096xi32, #tpu.memory_space<vmem>>, vector<16xi32>,
      tpu.vector_store %arg6[%swap3A_208], %add3A_205 {strides = array<i32>} : memref<4096xi32, #tpu.memory_space<vmem>>, vector<16xi32>,
      %add3A_210 = arith.addi %add3A_197, %add3A_168 : vector<16xi32>
      %add3A_211 = arith.constant 512 : i32
      %add3A_212 = arith.addi %add3A_211, %mul3A_91 : i32
      %swap3A_213 = arith.index_cast %add3A_212 : i32 to index
      %swap3A_214 = tpu.vector_load %arg6[%swap3A_213] {strides = array<i32>} : memref<4096xi32, #tpu.memory_space<vmem>>, vector<16xi32>,
      tpu.vector_store %arg6[%swap3A_213], %add3A_210 {strides = array<i32>} : memref<4096xi32, #tpu.memory_space<vmem>>, vector<16xi32>,
      %add3A_215 = arith.addi %add3A_198, %add3A_158 : vector<16xi32>
      %add3A_216 = arith.constant 1024 : i32
      %add3A_217 = arith.addi %add3A_216, %mul3A_91 : i32
      %swap3A_218 = arith.index_cast %add3A_217 : i32 to index
      %swap3A_219 = tpu.vector_load %arg6[%swap3A_218] {strides = array<i32>} : memref<4096xi32, #tpu.memory_space<vmem>>, vector<16xi32>,
      tpu.vector_store %arg6[%swap3A_218], %add3A_215 {strides = array<i32>} : memref<4096xi32, #tpu.memory_space<vmem>>, vector<16xi32>,
      %add3A_220 = arith.addi %add3A_198, %add3A_168 : vector<16xi32>
      %add3A_221 = arith.constant 1536 : i32
      %add3A_222 = arith.addi %add3A_221, %mul3A_91 : i32
      %swap3A_223 = arith.index_cast %add3A_222 : i32 to index
      %swap3A_224 = tpu.vector_load %arg6[%swap3A_223] {strides = array<i32>} : memref<4096xi32, #tpu.memory_space<vmem>>, vector<16xi32>,
      tpu.vector_store %arg6[%swap3A_223], %add3A_220 {strides = array<i32>} : memref<4096xi32, #tpu.memory_space<vmem>>, vector<16xi32>,
      %add3A_225 = arith.addi %add3A_201, %add3A_158 : vector<16xi32>
      %add3A_226 = arith.constant 2048 : i32
      %add3A_227 = arith.addi %add3A_226, %mul3A_91 : i32
      %swap3A_228 = arith.index_cast %add3A_227 : i32 to index
      %swap3A_229 = tpu.vector_load %arg6[%swap3A_228] {strides = array<i32>} : memref<4096xi32, #tpu.memory_space<vmem>>, vector<16xi32>,
      tpu.vector_store %arg6[%swap3A_228], %add3A_225 {strides = array<i32>} : memref<4096xi32, #tpu.memory_space<vmem>>, vector<16xi32>,
      %add3A_230 = arith.addi %add3A_201, %add3A_168 : vector<16xi32>
      %add3A_231 = arith.constant 2560 : i32
      %add3A_232 = arith.addi %add3A_231, %mul3A_91 : i32
      %swap3A_233 = arith.index_cast %add3A_232 : i32 to index
      %swap3A_234 = tpu.vector_load %arg6[%swap3A_233] {strides = array<i32>} : memref<4096xi32, #tpu.memory_space<vmem>>, vector<16xi32>,
      tpu.vector_store %arg6[%swap3A_233], %add3A_230 {strides = array<i32>} : memref<4096xi32, #tpu.memory_space<vmem>>, vector<16xi32>,
      %add3A_235 = arith.addi %add3A_204, %add3A_158 : vector<16xi32>
      %add3A_236 = arith.constant 3072 : i32
      %add3A_237 = arith.addi %add3A_236, %mul3A_91 : i32
      %swap3A_238 = arith.index_cast %add3A_237 : i32 to index
      %swap3A_239 = tpu.vector_load %arg6[%swap3A_238] {strides = array<i32>} : memref<4096xi32, #tpu.memory_space<vmem>>, vector<16xi32>,
      tpu.vector_store %arg6[%swap3A_238], %add3A_235 {strides = array<i32>} : memref<4096xi32, #tpu.memory_space<vmem>>, vector<16xi32>,
      %add3A_240 = arith.addi %add3A_204, %add3A_168 : vector<16xi32>
      %add3A_241 = arith.constant 3584 : i32
      %add3A_242 = arith.addi %add3A_241, %mul3A_91 : i32
      %swap3A_243 = arith.index_cast %add3A_242 : i32 to index
      %swap3A_244 = tpu.vector_load %arg6[%swap3A_243] {strides = array<i32>} : memref<4096xi32, #tpu.memory_space<vmem>>, vector<16xi32>,
      tpu.vector_store %arg6[%swap3A_243], %add3A_240 {strides = array<i32>} : memref<4096xi32, #tpu.memory_space<vmem>>, vector<16xi32>,
    }
    %scan3A_9 = arith.constant 32 : i32
    %dma_start3A = arith.constant 0 : i32
    %dma_start3A_10 = tpu.memref_slice %arg3[%dma_start3A] : memref<33554432xf32, #tpu.memory_space<hbm>> -> memref<33554432xf32, #tpu.memory_space<hbm>>
    tpu.enqueue_indirect_dma source(%dma_start3A_10 : memref<33554432xf32, #tpu.memory_space<hbm>>) target(%arg7 : memref<4096xf32, #tpu.memory_space<vmem>>) offsets(%arg6 : memref<4096xi32, #tpu.memory_space<vmem>>) semaphore(%arg12 : memref<!tpu.dma_semaphore, #tpu.memory_space<semaphore_mem>>)
    %mul3A_11 = arith.constant 32768 : i32
    %mul3A_12 = arith.muli %add3A, %mul3A_11 : i32
    %add3A_13 = arith.constant 512 : i32
    %add3A_14 = arith.addi %mul3A_12, %add3A_13 : i32
    "tpu.region"() ({
      %run_scoped3A = tpu.sem_alloc : memref<!tpu.dma_semaphore, #tpu.memory_space<semaphore_mem>>
      %dma_start3A_89 = arith.constant 0 : i32
      %dma_start3A_90 = tpu.memref_slice %arg2[%dma_start3A_89, %add3A_14] : memref<7x1048576xf32, #tpu.memory_space<hbm>> -> memref<7x512xf32, #tpu.memory_space<hbm>>
      %dma_start3A_91 = arith.constant 0 : i32
      %dma_start3A_92 = tpu.memref_slice %arg2[%dma_start3A_91, %add3A_14] : memref<7x1048576xf32, #tpu.memory_space<hbm>> -> memref<7x512xf32, #tpu.memory_space<hbm>>
      tpu.enqueue_dma source(%dma_start3A_92 : memref<7x512xf32, #tpu.memory_space<hbm>>) target(%arg13 : memref<7x512xf32, #tpu.memory_space<vmem>>) target_semaphore(%run_scoped3A : memref<!tpu.dma_semaphore, #tpu.memory_space<semaphore_mem>>)
      %dma_wait3A = arith.constant 0 : i32
      %dma_wait3A_93 = tpu.memref_slice %arg2[%dma_wait3A, %add3A_14] : memref<7x1048576xf32, #tpu.memory_space<hbm>> -> memref<7x512xf32, #tpu.memory_space<hbm>>
      %dma_wait3A_94 = arith.constant 0 : i32
      %dma_wait3A_95 = tpu.memref_slice %arg2[%dma_wait3A_94, %add3A_14] : memref<7x1048576xf32, #tpu.memory_space<hbm>> -> memref<7x512xf32, #tpu.memory_space<hbm>>
      tpu.wait_dma2 semaphore(%run_scoped3A : memref<!tpu.dma_semaphore, #tpu.memory_space<semaphore_mem>>) src(%dma_wait3A_95 : memref<7x512xf32, #tpu.memory_space<hbm>>) dst(%arg13 : memref<7x512xf32, #tpu.memory_space<vmem>>)
      tpu.yield
    }) : () -> ()
    %scan3A_15 = arith.constant 0 : i32
    %scan3A_16 = arith.constant 0 : i32
    %scan3A_17 = arith.constant 32 : i32
    %scan3A_18 = arith.addi %scan3A_16, %scan3A_17 : i32
    %scan3A_19 = arith.constant 1 : i32
    scf.for %scan3A_89 = %scan3A_16 to %scan3A_18 step %scan3A_19  : i32 {
      %mul3A_90 = arith.constant 16 : i32
      %mul3A_91 = arith.muli %scan3A_89, %mul3A_90 : i32
      %get3A = arith.constant 0 : i32
      %get3A_92 = arith.index_cast %get3A : i32 to index
      %get3A_93 = arith.index_cast %mul3A_91 : i32 to index
      %get3A_94 = tpu.vector_load %arg13[%get3A_92, %get3A_93] {strides = array<i32>} : memref<7x512xf32, #tpu.memory_space<vmem>>, vector<16xf32>,
      %get3A_95 = arith.constant 1 : i32
      %get3A_96 = arith.index_cast %get3A_95 : i32 to index
      %get3A_97 = arith.index_cast %mul3A_91 : i32 to index
      %get3A_98 = tpu.vector_load %arg13[%get3A_96, %get3A_97] {strides = array<i32>} : memref<7x512xf32, #tpu.memory_space<vmem>>, vector<16xf32>,
      %get3A_99 = arith.constant 2 : i32
      %get3A_100 = arith.index_cast %get3A_99 : i32 to index
      %get3A_101 = arith.index_cast %mul3A_91 : i32 to index
      %get3A_102 = tpu.vector_load %arg13[%get3A_100, %get3A_101] {strides = array<i32>} : memref<7x512xf32, #tpu.memory_space<vmem>>, vector<16xf32>,
      %get3A_103 = arith.constant 3 : i32
      %get3A_104 = arith.index_cast %get3A_103 : i32 to index
      %get3A_105 = arith.index_cast %mul3A_91 : i32 to index
      %get3A_106 = tpu.vector_load %arg13[%get3A_104, %get3A_105] {strides = array<i32>} : memref<7x512xf32, #tpu.memory_space<vmem>>, vector<16xf32>,
      %get3A_107 = arith.constant 4 : i32
      %get3A_108 = arith.index_cast %get3A_107 : i32 to index
      %get3A_109 = arith.index_cast %mul3A_91 : i32 to index
      %get3A_110 = tpu.vector_load %arg13[%get3A_108, %get3A_109] {strides = array<i32>} : memref<7x512xf32, #tpu.memory_space<vmem>>, vector<16xf32>,
      %get3A_111 = arith.constant 5 : i32
      %get3A_112 = arith.index_cast %get3A_111 : i32 to index
      %get3A_113 = arith.index_cast %mul3A_91 : i32 to index
      %get3A_114 = tpu.vector_load %arg13[%get3A_112, %get3A_113] {strides = array<i32>} : memref<7x512xf32, #tpu.memory_space<vmem>>, vector<16xf32>,
      %get3A_115 = arith.constant 6 : i32
      %get3A_116 = arith.index_cast %get3A_115 : i32 to index
      %get3A_117 = arith.index_cast %mul3A_91 : i32 to index
      %get3A_118 = tpu.vector_load %arg13[%get3A_116, %get3A_117] {strides = array<i32>} : memref<7x512xf32, #tpu.memory_space<vmem>>, vector<16xf32>,
      %eq3A = arith.constant 0.000000e+00 : f32
      %eq3A_119 = vector.broadcast %eq3A : f32 to vector<16xf32>
      %eq3A_120 = arith.cmpf oeq, %get3A_118, %eq3A_119 : vector<16xf32>
      %select_n3A = arith.select %eq3A_120, %get3A_94, %get3A_106 : vector<16xi1>, vector<16xf32>
      %add3A_121 = arith.constant 1.000000e+00 : f32
      %add3A_122 = vector.broadcast %add3A_121 : f32 to vector<16xf32>
      %add3A_123 = arith.addf %select_n3A, %add3A_122 : vector<16xf32>
      %mul3A_124 = arith.constant 1.275000e+02 : f32
      %mul3A_125 = vector.broadcast %mul3A_124 : f32 to vector<16xf32>
      %mul3A_126 = arith.mulf %add3A_123, %mul3A_125 : vector<16xf32>
      %select_n3A_127 = arith.select %eq3A_120, %get3A_98, %get3A_110 : vector<16xi1>, vector<16xf32>
      %add3A_128 = arith.constant 1.000000e+00 : f32
      %add3A_129 = vector.broadcast %add3A_128 : f32 to vector<16xf32>
      %add3A_130 = arith.addf %select_n3A_127, %add3A_129 : vector<16xf32>
      %mul3A_131 = arith.constant 1.275000e+02 : f32
      %mul3A_132 = vector.broadcast %mul3A_131 : f32 to vector<16xf32>
      %mul3A_133 = arith.mulf %add3A_130, %mul3A_132 : vector<16xf32>
      %select_n3A_134 = arith.select %eq3A_120, %get3A_102, %get3A_114 : vector<16xi1>, vector<16xf32>
      %add3A_135 = arith.constant 1.000000e+00 : f32
      %add3A_136 = vector.broadcast %add3A_135 : f32 to vector<16xf32>
      %add3A_137 = arith.addf %select_n3A_134, %add3A_136 : vector<16xf32>
      %mul3A_138 = arith.constant 1.275000e+02 : f32
      %mul3A_139 = vector.broadcast %mul3A_138 : f32 to vector<16xf32>
      %mul3A_140 = arith.mulf %add3A_137, %mul3A_139 : vector<16xf32>
      %convert_element_type3A = arith.fptosi %mul3A_126 : vector<16xf32> to vector<16xi32>
      %convert_element_type3A_141 = arith.fptosi %mul3A_133 : vector<16xf32> to vector<16xi32>
      %convert_element_type3A_142 = arith.fptosi %mul3A_140 : vector<16xf32> to vector<16xi32>
      %convert_element_type3A_143 = arith.sitofp %convert_element_type3A : vector<16xi32> to vector<16xf32>
      %sub3A = arith.subf %mul3A_126, %convert_element_type3A_143 : vector<16xf32>
      %swap3A = arith.index_cast %mul3A_91 : i32 to index
      %swap3A_144 = tpu.vector_load %arg16[%swap3A] {strides = array<i32>} : memref<512xf32, #tpu.memory_space<vmem>>, vector<16xf32>,
      tpu.vector_store %arg16[%swap3A], %sub3A {strides = array<i32>} : memref<512xf32, #tpu.memory_space<vmem>>, vector<16xf32>,
      %convert_element_type3A_145 = arith.sitofp %convert_element_type3A_141 : vector<16xi32> to vector<16xf32>
      %sub3A_146 = arith.subf %mul3A_133, %convert_element_type3A_145 : vector<16xf32>
      %swap3A_147 = arith.index_cast %mul3A_91 : i32 to index
      %swap3A_148 = tpu.vector_load %arg17[%swap3A_147] {strides = array<i32>} : memref<512xf32, #tpu.memory_space<vmem>>, vector<16xf32>,
      tpu.vector_store %arg17[%swap3A_147], %sub3A_146 {strides = array<i32>} : memref<512xf32, #tpu.memory_space<vmem>>, vector<16xf32>,
      %convert_element_type3A_149 = arith.sitofp %convert_element_type3A_142 : vector<16xi32> to vector<16xf32>
      %sub3A_150 = arith.subf %mul3A_140, %convert_element_type3A_149 : vector<16xf32>
      %swap3A_151 = arith.index_cast %mul3A_91 : i32 to index
      %swap3A_152 = tpu.vector_load %arg18[%swap3A_151] {strides = array<i32>} : memref<512xf32, #tpu.memory_space<vmem>>, vector<16xf32>,
      tpu.vector_store %arg18[%swap3A_151], %sub3A_150 {strides = array<i32>} : memref<512xf32, #tpu.memory_space<vmem>>, vector<16xf32>,
      %and3A = arith.constant 128 : i32
      %and3A_153 = vector.broadcast %and3A : i32 to vector<16xi32>
      %and3A_154 = arith.andi %convert_element_type3A, %and3A_153 : vector<16xi32>
      %mul3A_155 = arith.constant 7 : i32
      %mul3A_156 = vector.broadcast %mul3A_155 : i32 to vector<16xi32>
      %mul3A_157 = arith.muli %and3A_154, %mul3A_156 : vector<16xi32>
      %add3A_158 = arith.addi %convert_element_type3A, %mul3A_157 : vector<16xi32>
      %add3A_159 = arith.constant 1 : i32
      %add3A_160 = vector.broadcast %add3A_159 : i32 to vector<16xi32>
      %add3A_161 = arith.addi %convert_element_type3A, %add3A_160 : vector<16xi32>
      %and3A_162 = arith.constant 128 : i32
      %and3A_163 = vector.broadcast %and3A_162 : i32 to vector<16xi32>
      %and3A_164 = arith.andi %add3A_161, %and3A_163 : vector<16xi32>
      %mul3A_165 = arith.constant 7 : i32
      %mul3A_166 = vector.broadcast %mul3A_165 : i32 to vector<16xi32>
      %mul3A_167 = arith.muli %and3A_164, %mul3A_166 : vector<16xi32>
      %add3A_168 = arith.addi %add3A_161, %mul3A_167 : vector<16xi32>
      %shift_left3A = arith.constant 7 : i32
      %shift_left3A_169 = vector.broadcast %shift_left3A : i32 to vector<16xi32>
      %shift_left3A_170 = arith.shli %convert_element_type3A_141, %shift_left3A_169 : vector<16xi32>
      %shift_right_arithmetic3A = arith.constant 3 : i32
      %shift_right_arithmetic3A_171 = vector.broadcast %shift_right_arithmetic3A : i32 to vector<16xi32>
      %shift_right_arithmetic3A_172 = arith.shrsi %convert_element_type3A_141, %shift_right_arithmetic3A_171 : vector<16xi32>
      %shift_left3A_173 = arith.constant 10 : i32
      %shift_left3A_174 = vector.broadcast %shift_left3A_173 : i32 to vector<16xi32>
      %shift_left3A_175 = arith.shli %shift_right_arithmetic3A_172, %shift_left3A_174 : vector<16xi32>
      %add3A_176 = arith.addi %shift_left3A_170, %shift_left3A_175 : vector<16xi32>
      %add3A_177 = arith.constant 1 : i32
      %add3A_178 = vector.broadcast %add3A_177 : i32 to vector<16xi32>
      %add3A_179 = arith.addi %convert_element_type3A_141, %add3A_178 : vector<16xi32>
      %shift_left3A_180 = arith.constant 7 : i32
      %shift_left3A_181 = vector.broadcast %shift_left3A_180 : i32 to vector<16xi32>
      %shift_left3A_182 = arith.shli %add3A_179, %shift_left3A_181 : vector<16xi32>
      %shift_right_arithmetic3A_183 = arith.constant 3 : i32
      %shift_right_arithmetic3A_184 = vector.broadcast %shift_right_arithmetic3A_183 : i32 to vector<16xi32>
      %shift_right_arithmetic3A_185 = arith.shrsi %add3A_179, %shift_right_arithmetic3A_184 : vector<16xi32>
      %shift_left3A_186 = arith.constant 10 : i32
      %shift_left3A_187 = vector.broadcast %shift_left3A_186 : i32 to vector<16xi32>
      %shift_left3A_188 = arith.shli %shift_right_arithmetic3A_185, %shift_left3A_187 : vector<16xi32>
      %add3A_189 = arith.addi %shift_left3A_182, %shift_left3A_188 : vector<16xi32>
      %jit3A = arith.constant 0 : i32
      %jit3A_190 = arith.constant 16777216 : i32
      %broadcast_in_dim3A = vector.broadcast %jit3A : i32 to vector<16xi32>
      %broadcast_in_dim3A_191 = vector.broadcast %jit3A_190 : i32 to vector<16xi32>
      %select_n3A_192 = arith.select %eq3A_120, %broadcast_in_dim3A, %broadcast_in_dim3A_191 : vector<16xi1>, vector<16xi32>
      %shift_left3A_193 = arith.constant 16 : i32
      %shift_left3A_194 = vector.broadcast %shift_left3A_193 : i32 to vector<16xi32>
      %shift_left3A_195 = arith.shli %convert_element_type3A_142, %shift_left3A_194 : vector<16xi32>
      %add3A_196 = arith.addi %select_n3A_192, %shift_left3A_195 : vector<16xi32>
      %add3A_197 = arith.addi %add3A_196, %add3A_176 : vector<16xi32>
      %add3A_198 = arith.addi %add3A_196, %add3A_189 : vector<16xi32>
      %add3A_199 = arith.constant 65536 : i32
      %add3A_200 = vector.broadcast %add3A_199 : i32 to vector<16xi32>
      %add3A_201 = arith.addi %add3A_197, %add3A_200 : vector<16xi32>
      %add3A_202 = arith.constant 65536 : i32
      %add3A_203 = vector.broadcast %add3A_202 : i32 to vector<16xi32>
      %add3A_204 = arith.addi %add3A_198, %add3A_203 : vector<16xi32>
      %add3A_205 = arith.addi %add3A_197, %add3A_158 : vector<16xi32>
      %add3A_206 = arith.constant 0 : i32
      %add3A_207 = arith.addi %add3A_206, %mul3A_91 : i32
      %swap3A_208 = arith.index_cast %add3A_207 : i32 to index
      %swap3A_209 = tpu.vector_load %arg14[%swap3A_208] {strides = array<i32>} : memref<4096xi32, #tpu.memory_space<vmem>>, vector<16xi32>,
      tpu.vector_store %arg14[%swap3A_208], %add3A_205 {strides = array<i32>} : memref<4096xi32, #tpu.memory_space<vmem>>, vector<16xi32>,
      %add3A_210 = arith.addi %add3A_197, %add3A_168 : vector<16xi32>
      %add3A_211 = arith.constant 512 : i32
      %add3A_212 = arith.addi %add3A_211, %mul3A_91 : i32
      %swap3A_213 = arith.index_cast %add3A_212 : i32 to index
      %swap3A_214 = tpu.vector_load %arg14[%swap3A_213] {strides = array<i32>} : memref<4096xi32, #tpu.memory_space<vmem>>, vector<16xi32>,
      tpu.vector_store %arg14[%swap3A_213], %add3A_210 {strides = array<i32>} : memref<4096xi32, #tpu.memory_space<vmem>>, vector<16xi32>,
      %add3A_215 = arith.addi %add3A_198, %add3A_158 : vector<16xi32>
      %add3A_216 = arith.constant 1024 : i32
      %add3A_217 = arith.addi %add3A_216, %mul3A_91 : i32
      %swap3A_218 = arith.index_cast %add3A_217 : i32 to index
      %swap3A_219 = tpu.vector_load %arg14[%swap3A_218] {strides = array<i32>} : memref<4096xi32, #tpu.memory_space<vmem>>, vector<16xi32>,
      tpu.vector_store %arg14[%swap3A_218], %add3A_215 {strides = array<i32>} : memref<4096xi32, #tpu.memory_space<vmem>>, vector<16xi32>,
      %add3A_220 = arith.addi %add3A_198, %add3A_168 : vector<16xi32>
      %add3A_221 = arith.constant 1536 : i32
      %add3A_222 = arith.addi %add3A_221, %mul3A_91 : i32
      %swap3A_223 = arith.index_cast %add3A_222 : i32 to index
      %swap3A_224 = tpu.vector_load %arg14[%swap3A_223] {strides = array<i32>} : memref<4096xi32, #tpu.memory_space<vmem>>, vector<16xi32>,
      tpu.vector_store %arg14[%swap3A_223], %add3A_220 {strides = array<i32>} : memref<4096xi32, #tpu.memory_space<vmem>>, vector<16xi32>,
      %add3A_225 = arith.addi %add3A_201, %add3A_158 : vector<16xi32>
      %add3A_226 = arith.constant 2048 : i32
      %add3A_227 = arith.addi %add3A_226, %mul3A_91 : i32
      %swap3A_228 = arith.index_cast %add3A_227 : i32 to index
      %swap3A_229 = tpu.vector_load %arg14[%swap3A_228] {strides = array<i32>} : memref<4096xi32, #tpu.memory_space<vmem>>, vector<16xi32>,
      tpu.vector_store %arg14[%swap3A_228], %add3A_225 {strides = array<i32>} : memref<4096xi32, #tpu.memory_space<vmem>>, vector<16xi32>,
      %add3A_230 = arith.addi %add3A_201, %add3A_168 : vector<16xi32>
      %add3A_231 = arith.constant 2560 : i32
      %add3A_232 = arith.addi %add3A_231, %mul3A_91 : i32
      %swap3A_233 = arith.index_cast %add3A_232 : i32 to index
      %swap3A_234 = tpu.vector_load %arg14[%swap3A_233] {strides = array<i32>} : memref<4096xi32, #tpu.memory_space<vmem>>, vector<16xi32>,
      tpu.vector_store %arg14[%swap3A_233], %add3A_230 {strides = array<i32>} : memref<4096xi32, #tpu.memory_space<vmem>>, vector<16xi32>,
      %add3A_235 = arith.addi %add3A_204, %add3A_158 : vector<16xi32>
      %add3A_236 = arith.constant 3072 : i32
      %add3A_237 = arith.addi %add3A_236, %mul3A_91 : i32
      %swap3A_238 = arith.index_cast %add3A_237 : i32 to index
      %swap3A_239 = tpu.vector_load %arg14[%swap3A_238] {strides = array<i32>} : memref<4096xi32, #tpu.memory_space<vmem>>, vector<16xi32>,
      tpu.vector_store %arg14[%swap3A_238], %add3A_235 {strides = array<i32>} : memref<4096xi32, #tpu.memory_space<vmem>>, vector<16xi32>,
      %add3A_240 = arith.addi %add3A_204, %add3A_168 : vector<16xi32>
      %add3A_241 = arith.constant 3584 : i32
      %add3A_242 = arith.addi %add3A_241, %mul3A_91 : i32
      %swap3A_243 = arith.index_cast %add3A_242 : i32 to index
      %swap3A_244 = tpu.vector_load %arg14[%swap3A_243] {strides = array<i32>} : memref<4096xi32, #tpu.memory_space<vmem>>, vector<16xi32>,
      tpu.vector_store %arg14[%swap3A_243], %add3A_240 {strides = array<i32>} : memref<4096xi32, #tpu.memory_space<vmem>>, vector<16xi32>,
    }
    %scan3A_20 = arith.constant 32 : i32
    %dma_start3A_21 = arith.constant 0 : i32
    %dma_start3A_22 = tpu.memref_slice %arg3[%dma_start3A_21] : memref<33554432xf32, #tpu.memory_space<hbm>> -> memref<33554432xf32, #tpu.memory_space<hbm>>
    tpu.enqueue_indirect_dma source(%dma_start3A_22 : memref<33554432xf32, #tpu.memory_space<hbm>>) target(%arg15 : memref<4096xf32, #tpu.memory_space<vmem>>) offsets(%arg14 : memref<4096xi32, #tpu.memory_space<vmem>>) semaphore(%arg20 : memref<!tpu.dma_semaphore, #tpu.memory_space<semaphore_mem>>)
    %mul3A_23 = arith.constant 32768 : i32
    %mul3A_24 = arith.muli %add3A, %mul3A_23 : i32
    %add3A_25 = arith.constant 1024 : i32
    %add3A_26 = arith.addi %mul3A_24, %add3A_25 : i32
    "tpu.region"() ({
      %run_scoped3A = tpu.sem_alloc : memref<!tpu.dma_semaphore, #tpu.memory_space<semaphore_mem>>
      %dma_start3A_89 = arith.constant 0 : i32
      %dma_start3A_90 = tpu.memref_slice %arg2[%dma_start3A_89, %add3A_26] : memref<7x1048576xf32, #tpu.memory_space<hbm>> -> memref<7x512xf32, #tpu.memory_space<hbm>>
      %dma_start3A_91 = arith.constant 0 : i32
      %dma_start3A_92 = tpu.memref_slice %arg2[%dma_start3A_91, %add3A_26] : memref<7x1048576xf32, #tpu.memory_space<hbm>> -> memref<7x512xf32, #tpu.memory_space<hbm>>
      tpu.enqueue_dma source(%dma_start3A_92 : memref<7x512xf32, #tpu.memory_space<hbm>>) target(%arg21 : memref<7x512xf32, #tpu.memory_space<vmem>>) target_semaphore(%run_scoped3A : memref<!tpu.dma_semaphore, #tpu.memory_space<semaphore_mem>>)
      %dma_wait3A = arith.constant 0 : i32
      %dma_wait3A_93 = tpu.memref_slice %arg2[%dma_wait3A, %add3A_26] : memref<7x1048576xf32, #tpu.memory_space<hbm>> -> memref<7x512xf32, #tpu.memory_space<hbm>>
      %dma_wait3A_94 = arith.constant 0 : i32
      %dma_wait3A_95 = tpu.memref_slice %arg2[%dma_wait3A_94, %add3A_26] : memref<7x1048576xf32, #tpu.memory_space<hbm>> -> memref<7x512xf32, #tpu.memory_space<hbm>>
      tpu.wait_dma2 semaphore(%run_scoped3A : memref<!tpu.dma_semaphore, #tpu.memory_space<semaphore_mem>>) src(%dma_wait3A_95 : memref<7x512xf32, #tpu.memory_space<hbm>>) dst(%arg21 : memref<7x512xf32, #tpu.memory_space<vmem>>)
      tpu.yield
    }) : () -> ()
    %scan3A_27 = arith.constant 0 : i32
    %scan3A_28 = arith.constant 0 : i32
    %scan3A_29 = arith.constant 32 : i32
    %scan3A_30 = arith.addi %scan3A_28, %scan3A_29 : i32
    %scan3A_31 = arith.constant 1 : i32
    scf.for %scan3A_89 = %scan3A_28 to %scan3A_30 step %scan3A_31  : i32 {
      %mul3A_90 = arith.constant 16 : i32
      %mul3A_91 = arith.muli %scan3A_89, %mul3A_90 : i32
      %get3A = arith.constant 0 : i32
      %get3A_92 = arith.index_cast %get3A : i32 to index
      %get3A_93 = arith.index_cast %mul3A_91 : i32 to index
      %get3A_94 = tpu.vector_load %arg21[%get3A_92, %get3A_93] {strides = array<i32>} : memref<7x512xf32, #tpu.memory_space<vmem>>, vector<16xf32>,
      %get3A_95 = arith.constant 1 : i32
      %get3A_96 = arith.index_cast %get3A_95 : i32 to index
      %get3A_97 = arith.index_cast %mul3A_91 : i32 to index
      %get3A_98 = tpu.vector_load %arg21[%get3A_96, %get3A_97] {strides = array<i32>} : memref<7x512xf32, #tpu.memory_space<vmem>>, vector<16xf32>,
      %get3A_99 = arith.constant 2 : i32
      %get3A_100 = arith.index_cast %get3A_99 : i32 to index
      %get3A_101 = arith.index_cast %mul3A_91 : i32 to index
      %get3A_102 = tpu.vector_load %arg21[%get3A_100, %get3A_101] {strides = array<i32>} : memref<7x512xf32, #tpu.memory_space<vmem>>, vector<16xf32>,
      %get3A_103 = arith.constant 3 : i32
      %get3A_104 = arith.index_cast %get3A_103 : i32 to index
      %get3A_105 = arith.index_cast %mul3A_91 : i32 to index
      %get3A_106 = tpu.vector_load %arg21[%get3A_104, %get3A_105] {strides = array<i32>} : memref<7x512xf32, #tpu.memory_space<vmem>>, vector<16xf32>,
      %get3A_107 = arith.constant 4 : i32
      %get3A_108 = arith.index_cast %get3A_107 : i32 to index
      %get3A_109 = arith.index_cast %mul3A_91 : i32 to index
      %get3A_110 = tpu.vector_load %arg21[%get3A_108, %get3A_109] {strides = array<i32>} : memref<7x512xf32, #tpu.memory_space<vmem>>, vector<16xf32>,
      %get3A_111 = arith.constant 5 : i32
      %get3A_112 = arith.index_cast %get3A_111 : i32 to index
      %get3A_113 = arith.index_cast %mul3A_91 : i32 to index
      %get3A_114 = tpu.vector_load %arg21[%get3A_112, %get3A_113] {strides = array<i32>} : memref<7x512xf32, #tpu.memory_space<vmem>>, vector<16xf32>,
      %get3A_115 = arith.constant 6 : i32
      %get3A_116 = arith.index_cast %get3A_115 : i32 to index
      %get3A_117 = arith.index_cast %mul3A_91 : i32 to index
      %get3A_118 = tpu.vector_load %arg21[%get3A_116, %get3A_117] {strides = array<i32>} : memref<7x512xf32, #tpu.memory_space<vmem>>, vector<16xf32>,
      %eq3A = arith.constant 0.000000e+00 : f32
      %eq3A_119 = vector.broadcast %eq3A : f32 to vector<16xf32>
      %eq3A_120 = arith.cmpf oeq, %get3A_118, %eq3A_119 : vector<16xf32>
      %select_n3A = arith.select %eq3A_120, %get3A_94, %get3A_106 : vector<16xi1>, vector<16xf32>
      %add3A_121 = arith.constant 1.000000e+00 : f32
      %add3A_122 = vector.broadcast %add3A_121 : f32 to vector<16xf32>
      %add3A_123 = arith.addf %select_n3A, %add3A_122 : vector<16xf32>
      %mul3A_124 = arith.constant 1.275000e+02 : f32
      %mul3A_125 = vector.broadcast %mul3A_124 : f32 to vector<16xf32>
      %mul3A_126 = arith.mulf %add3A_123, %mul3A_125 : vector<16xf32>
      %select_n3A_127 = arith.select %eq3A_120, %get3A_98, %get3A_110 : vector<16xi1>, vector<16xf32>
      %add3A_128 = arith.constant 1.000000e+00 : f32
      %add3A_129 = vector.broadcast %add3A_128 : f32 to vector<16xf32>
      %add3A_130 = arith.addf %select_n3A_127, %add3A_129 : vector<16xf32>
      %mul3A_131 = arith.constant 1.275000e+02 : f32
      %mul3A_132 = vector.broadcast %mul3A_131 : f32 to vector<16xf32>
      %mul3A_133 = arith.mulf %add3A_130, %mul3A_132 : vector<16xf32>
      %select_n3A_134 = arith.select %eq3A_120, %get3A_102, %get3A_114 : vector<16xi1>, vector<16xf32>
      %add3A_135 = arith.constant 1.000000e+00 : f32
      %add3A_136 = vector.broadcast %add3A_135 : f32 to vector<16xf32>
      %add3A_137 = arith.addf %select_n3A_134, %add3A_136 : vector<16xf32>
      %mul3A_138 = arith.constant 1.275000e+02 : f32
      %mul3A_139 = vector.broadcast %mul3A_138 : f32 to vector<16xf32>
      %mul3A_140 = arith.mulf %add3A_137, %mul3A_139 : vector<16xf32>
      %convert_element_type3A = arith.fptosi %mul3A_126 : vector<16xf32> to vector<16xi32>
      %convert_element_type3A_141 = arith.fptosi %mul3A_133 : vector<16xf32> to vector<16xi32>
      %convert_element_type3A_142 = arith.fptosi %mul3A_140 : vector<16xf32> to vector<16xi32>
      %convert_element_type3A_143 = arith.sitofp %convert_element_type3A : vector<16xi32> to vector<16xf32>
      %sub3A = arith.subf %mul3A_126, %convert_element_type3A_143 : vector<16xf32>
      %swap3A = arith.index_cast %mul3A_91 : i32 to index
      %swap3A_144 = tpu.vector_load %arg24[%swap3A] {strides = array<i32>} : memref<512xf32, #tpu.memory_space<vmem>>, vector<16xf32>,
      tpu.vector_store %arg24[%swap3A], %sub3A {strides = array<i32>} : memref<512xf32, #tpu.memory_space<vmem>>, vector<16xf32>,
      %convert_element_type3A_145 = arith.sitofp %convert_element_type3A_141 : vector<16xi32> to vector<16xf32>
      %sub3A_146 = arith.subf %mul3A_133, %convert_element_type3A_145 : vector<16xf32>
      %swap3A_147 = arith.index_cast %mul3A_91 : i32 to index
      %swap3A_148 = tpu.vector_load %arg25[%swap3A_147] {strides = array<i32>} : memref<512xf32, #tpu.memory_space<vmem>>, vector<16xf32>,
      tpu.vector_store %arg25[%swap3A_147], %sub3A_146 {strides = array<i32>} : memref<512xf32, #tpu.memory_space<vmem>>, vector<16xf32>,
      %convert_element_type3A_149 = arith.sitofp %convert_element_type3A_142 : vector<16xi32> to vector<16xf32>
      %sub3A_150 = arith.subf %mul3A_140, %convert_element_type3A_149 : vector<16xf32>
      %swap3A_151 = arith.index_cast %mul3A_91 : i32 to index
      %swap3A_152 = tpu.vector_load %arg26[%swap3A_151] {strides = array<i32>} : memref<512xf32, #tpu.memory_space<vmem>>, vector<16xf32>,
      tpu.vector_store %arg26[%swap3A_151], %sub3A_150 {strides = array<i32>} : memref<512xf32, #tpu.memory_space<vmem>>, vector<16xf32>,
      %and3A = arith.constant 128 : i32
      %and3A_153 = vector.broadcast %and3A : i32 to vector<16xi32>
      %and3A_154 = arith.andi %convert_element_type3A, %and3A_153 : vector<16xi32>
      %mul3A_155 = arith.constant 7 : i32
      %mul3A_156 = vector.broadcast %mul3A_155 : i32 to vector<16xi32>
      %mul3A_157 = arith.muli %and3A_154, %mul3A_156 : vector<16xi32>
      %add3A_158 = arith.addi %convert_element_type3A, %mul3A_157 : vector<16xi32>
      %add3A_159 = arith.constant 1 : i32
      %add3A_160 = vector.broadcast %add3A_159 : i32 to vector<16xi32>
      %add3A_161 = arith.addi %convert_element_type3A, %add3A_160 : vector<16xi32>
      %and3A_162 = arith.constant 128 : i32
      %and3A_163 = vector.broadcast %and3A_162 : i32 to vector<16xi32>
      %and3A_164 = arith.andi %add3A_161, %and3A_163 : vector<16xi32>
      %mul3A_165 = arith.constant 7 : i32
      %mul3A_166 = vector.broadcast %mul3A_165 : i32 to vector<16xi32>
      %mul3A_167 = arith.muli %and3A_164, %mul3A_166 : vector<16xi32>
      %add3A_168 = arith.addi %add3A_161, %mul3A_167 : vector<16xi32>
      %shift_left3A = arith.constant 7 : i32
      %shift_left3A_169 = vector.broadcast %shift_left3A : i32 to vector<16xi32>
      %shift_left3A_170 = arith.shli %convert_element_type3A_141, %shift_left3A_169 : vector<16xi32>
      %shift_right_arithmetic3A = arith.constant 3 : i32
      %shift_right_arithmetic3A_171 = vector.broadcast %shift_right_arithmetic3A : i32 to vector<16xi32>
      %shift_right_arithmetic3A_172 = arith.shrsi %convert_element_type3A_141, %shift_right_arithmetic3A_171 : vector<16xi32>
      %shift_left3A_173 = arith.constant 10 : i32
      %shift_left3A_174 = vector.broadcast %shift_left3A_173 : i32 to vector<16xi32>
      %shift_left3A_175 = arith.shli %shift_right_arithmetic3A_172, %shift_left3A_174 : vector<16xi32>
      %add3A_176 = arith.addi %shift_left3A_170, %shift_left3A_175 : vector<16xi32>
      %add3A_177 = arith.constant 1 : i32
      %add3A_178 = vector.broadcast %add3A_177 : i32 to vector<16xi32>
      %add3A_179 = arith.addi %convert_element_type3A_141, %add3A_178 : vector<16xi32>
      %shift_left3A_180 = arith.constant 7 : i32
      %shift_left3A_181 = vector.broadcast %shift_left3A_180 : i32 to vector<16xi32>
      %shift_left3A_182 = arith.shli %add3A_179, %shift_left3A_181 : vector<16xi32>
      %shift_right_arithmetic3A_183 = arith.constant 3 : i32
      %shift_right_arithmetic3A_184 = vector.broadcast %shift_right_arithmetic3A_183 : i32 to vector<16xi32>
      %shift_right_arithmetic3A_185 = arith.shrsi %add3A_179, %shift_right_arithmetic3A_184 : vector<16xi32>
      %shift_left3A_186 = arith.constant 10 : i32
      %shift_left3A_187 = vector.broadcast %shift_left3A_186 : i32 to vector<16xi32>
      %shift_left3A_188 = arith.shli %shift_right_arithmetic3A_185, %shift_left3A_187 : vector<16xi32>
      %add3A_189 = arith.addi %shift_left3A_182, %shift_left3A_188 : vector<16xi32>
      %jit3A = arith.constant 0 : i32
      %jit3A_190 = arith.constant 16777216 : i32
      %broadcast_in_dim3A = vector.broadcast %jit3A : i32 to vector<16xi32>
      %broadcast_in_dim3A_191 = vector.broadcast %jit3A_190 : i32 to vector<16xi32>
      %select_n3A_192 = arith.select %eq3A_120, %broadcast_in_dim3A, %broadcast_in_dim3A_191 : vector<16xi1>, vector<16xi32>
      %shift_left3A_193 = arith.constant 16 : i32
      %shift_left3A_194 = vector.broadcast %shift_left3A_193 : i32 to vector<16xi32>
      %shift_left3A_195 = arith.shli %convert_element_type3A_142, %shift_left3A_194 : vector<16xi32>
      %add3A_196 = arith.addi %select_n3A_192, %shift_left3A_195 : vector<16xi32>
      %add3A_197 = arith.addi %add3A_196, %add3A_176 : vector<16xi32>
      %add3A_198 = arith.addi %add3A_196, %add3A_189 : vector<16xi32>
      %add3A_199 = arith.constant 65536 : i32
      %add3A_200 = vector.broadcast %add3A_199 : i32 to vector<16xi32>
      %add3A_201 = arith.addi %add3A_197, %add3A_200 : vector<16xi32>
      %add3A_202 = arith.constant 65536 : i32
      %add3A_203 = vector.broadcast %add3A_202 : i32 to vector<16xi32>
      %add3A_204 = arith.addi %add3A_198, %add3A_203 : vector<16xi32>
      %add3A_205 = arith.addi %add3A_197, %add3A_158 : vector<16xi32>
      %add3A_206 = arith.constant 0 : i32
      %add3A_207 = arith.addi %add3A_206, %mul3A_91 : i32
      %swap3A_208 = arith.index_cast %add3A_207 : i32 to index
      %swap3A_209 = tpu.vector_load %arg22[%swap3A_208] {strides = array<i32>} : memref<4096xi32, #tpu.memory_space<vmem>>, vector<16xi32>,
      tpu.vector_store %arg22[%swap3A_208], %add3A_205 {strides = array<i32>} : memref<4096xi32, #tpu.memory_space<vmem>>, vector<16xi32>,
      %add3A_210 = arith.addi %add3A_197, %add3A_168 : vector<16xi32>
      %add3A_211 = arith.constant 512 : i32
      %add3A_212 = arith.addi %add3A_211, %mul3A_91 : i32
      %swap3A_213 = arith.index_cast %add3A_212 : i32 to index
      %swap3A_214 = tpu.vector_load %arg22[%swap3A_213] {strides = array<i32>} : memref<4096xi32, #tpu.memory_space<vmem>>, vector<16xi32>,
      tpu.vector_store %arg22[%swap3A_213], %add3A_210 {strides = array<i32>} : memref<4096xi32, #tpu.memory_space<vmem>>, vector<16xi32>,
      %add3A_215 = arith.addi %add3A_198, %add3A_158 : vector<16xi32>
      %add3A_216 = arith.constant 1024 : i32
      %add3A_217 = arith.addi %add3A_216, %mul3A_91 : i32
      %swap3A_218 = arith.index_cast %add3A_217 : i32 to index
      %swap3A_219 = tpu.vector_load %arg22[%swap3A_218] {strides = array<i32>} : memref<4096xi32, #tpu.memory_space<vmem>>, vector<16xi32>,
      tpu.vector_store %arg22[%swap3A_218], %add3A_215 {strides = array<i32>} : memref<4096xi32, #tpu.memory_space<vmem>>, vector<16xi32>,
      %add3A_220 = arith.addi %add3A_198, %add3A_168 : vector<16xi32>
      %add3A_221 = arith.constant 1536 : i32
      %add3A_222 = arith.addi %add3A_221, %mul3A_91 : i32
      %swap3A_223 = arith.index_cast %add3A_222 : i32 to index
      %swap3A_224 = tpu.vector_load %arg22[%swap3A_223] {strides = array<i32>} : memref<4096xi32, #tpu.memory_space<vmem>>, vector<16xi32>,
      tpu.vector_store %arg22[%swap3A_223], %add3A_220 {strides = array<i32>} : memref<4096xi32, #tpu.memory_space<vmem>>, vector<16xi32>,
      %add3A_225 = arith.addi %add3A_201, %add3A_158 : vector<16xi32>
      %add3A_226 = arith.constant 2048 : i32
      %add3A_227 = arith.addi %add3A_226, %mul3A_91 : i32
      %swap3A_228 = arith.index_cast %add3A_227 : i32 to index
      %swap3A_229 = tpu.vector_load %arg22[%swap3A_228] {strides = array<i32>} : memref<4096xi32, #tpu.memory_space<vmem>>, vector<16xi32>,
      tpu.vector_store %arg22[%swap3A_228], %add3A_225 {strides = array<i32>} : memref<4096xi32, #tpu.memory_space<vmem>>, vector<16xi32>,
      %add3A_230 = arith.addi %add3A_201, %add3A_168 : vector<16xi32>
      %add3A_231 = arith.constant 2560 : i32
      %add3A_232 = arith.addi %add3A_231, %mul3A_91 : i32
      %swap3A_233 = arith.index_cast %add3A_232 : i32 to index
      %swap3A_234 = tpu.vector_load %arg22[%swap3A_233] {strides = array<i32>} : memref<4096xi32, #tpu.memory_space<vmem>>, vector<16xi32>,
      tpu.vector_store %arg22[%swap3A_233], %add3A_230 {strides = array<i32>} : memref<4096xi32, #tpu.memory_space<vmem>>, vector<16xi32>,
      %add3A_235 = arith.addi %add3A_204, %add3A_158 : vector<16xi32>
      %add3A_236 = arith.constant 3072 : i32
      %add3A_237 = arith.addi %add3A_236, %mul3A_91 : i32
      %swap3A_238 = arith.index_cast %add3A_237 : i32 to index
      %swap3A_239 = tpu.vector_load %arg22[%swap3A_238] {strides = array<i32>} : memref<4096xi32, #tpu.memory_space<vmem>>, vector<16xi32>,
      tpu.vector_store %arg22[%swap3A_238], %add3A_235 {strides = array<i32>} : memref<4096xi32, #tpu.memory_space<vmem>>, vector<16xi32>,
      %add3A_240 = arith.addi %add3A_204, %add3A_168 : vector<16xi32>
      %add3A_241 = arith.constant 3584 : i32
      %add3A_242 = arith.addi %add3A_241, %mul3A_91 : i32
      %swap3A_243 = arith.index_cast %add3A_242 : i32 to index
      %swap3A_244 = tpu.vector_load %arg22[%swap3A_243] {strides = array<i32>} : memref<4096xi32, #tpu.memory_space<vmem>>, vector<16xi32>,
      tpu.vector_store %arg22[%swap3A_243], %add3A_240 {strides = array<i32>} : memref<4096xi32, #tpu.memory_space<vmem>>, vector<16xi32>,
    }
    %scan3A_32 = arith.constant 32 : i32
    %dma_start3A_33 = arith.constant 0 : i32
    %dma_start3A_34 = tpu.memref_slice %arg3[%dma_start3A_33] : memref<33554432xf32, #tpu.memory_space<hbm>> -> memref<33554432xf32, #tpu.memory_space<hbm>>
    tpu.enqueue_indirect_dma source(%dma_start3A_34 : memref<33554432xf32, #tpu.memory_space<hbm>>) target(%arg23 : memref<4096xf32, #tpu.memory_space<vmem>>) offsets(%arg22 : memref<4096xi32, #tpu.memory_space<vmem>>) semaphore(%arg28 : memref<!tpu.dma_semaphore, #tpu.memory_space<semaphore_mem>>)
    %mul3A_35 = arith.constant 32768 : i32
    %mul3A_36 = arith.muli %add3A, %mul3A_35 : i32
    %add3A_37 = arith.constant 1536 : i32
    %add3A_38 = arith.addi %mul3A_36, %add3A_37 : i32
    "tpu.region"() ({
      %run_scoped3A = tpu.sem_alloc : memref<!tpu.dma_semaphore, #tpu.memory_space<semaphore_mem>>
      %dma_start3A_89 = arith.constant 0 : i32
      %dma_start3A_90 = tpu.memref_slice %arg2[%dma_start3A_89, %add3A_38] : memref<7x1048576xf32, #tpu.memory_space<hbm>> -> memref<7x512xf32, #tpu.memory_space<hbm>>
      %dma_start3A_91 = arith.constant 0 : i32
      %dma_start3A_92 = tpu.memref_slice %arg2[%dma_start3A_91, %add3A_38] : memref<7x1048576xf32, #tpu.memory_space<hbm>> -> memref<7x512xf32, #tpu.memory_space<hbm>>
      tpu.enqueue_dma source(%dma_start3A_92 : memref<7x512xf32, #tpu.memory_space<hbm>>) target(%arg29 : memref<7x512xf32, #tpu.memory_space<vmem>>) target_semaphore(%run_scoped3A : memref<!tpu.dma_semaphore, #tpu.memory_space<semaphore_mem>>)
      %dma_wait3A = arith.constant 0 : i32
      %dma_wait3A_93 = tpu.memref_slice %arg2[%dma_wait3A, %add3A_38] : memref<7x1048576xf32, #tpu.memory_space<hbm>> -> memref<7x512xf32, #tpu.memory_space<hbm>>
      %dma_wait3A_94 = arith.constant 0 : i32
      %dma_wait3A_95 = tpu.memref_slice %arg2[%dma_wait3A_94, %add3A_38] : memref<7x1048576xf32, #tpu.memory_space<hbm>> -> memref<7x512xf32, #tpu.memory_space<hbm>>
      tpu.wait_dma2 semaphore(%run_scoped3A : memref<!tpu.dma_semaphore, #tpu.memory_space<semaphore_mem>>) src(%dma_wait3A_95 : memref<7x512xf32, #tpu.memory_space<hbm>>) dst(%arg29 : memref<7x512xf32, #tpu.memory_space<vmem>>)
      tpu.yield
    }) : () -> ()
    %scan3A_39 = arith.constant 0 : i32
    %scan3A_40 = arith.constant 0 : i32
    %scan3A_41 = arith.constant 32 : i32
    %scan3A_42 = arith.addi %scan3A_40, %scan3A_41 : i32
    %scan3A_43 = arith.constant 1 : i32
    scf.for %scan3A_89 = %scan3A_40 to %scan3A_42 step %scan3A_43  : i32 {
      %mul3A_90 = arith.constant 16 : i32
      %mul3A_91 = arith.muli %scan3A_89, %mul3A_90 : i32
      %get3A = arith.constant 0 : i32
      %get3A_92 = arith.index_cast %get3A : i32 to index
      %get3A_93 = arith.index_cast %mul3A_91 : i32 to index
      %get3A_94 = tpu.vector_load %arg29[%get3A_92, %get3A_93] {strides = array<i32>} : memref<7x512xf32, #tpu.memory_space<vmem>>, vector<16xf32>,
      %get3A_95 = arith.constant 1 : i32
      %get3A_96 = arith.index_cast %get3A_95 : i32 to index
      %get3A_97 = arith.index_cast %mul3A_91 : i32 to index
      %get3A_98 = tpu.vector_load %arg29[%get3A_96, %get3A_97] {strides = array<i32>} : memref<7x512xf32, #tpu.memory_space<vmem>>, vector<16xf32>,
      %get3A_99 = arith.constant 2 : i32
      %get3A_100 = arith.index_cast %get3A_99 : i32 to index
      %get3A_101 = arith.index_cast %mul3A_91 : i32 to index
      %get3A_102 = tpu.vector_load %arg29[%get3A_100, %get3A_101] {strides = array<i32>} : memref<7x512xf32, #tpu.memory_space<vmem>>, vector<16xf32>,
      %get3A_103 = arith.constant 3 : i32
      %get3A_104 = arith.index_cast %get3A_103 : i32 to index
      %get3A_105 = arith.index_cast %mul3A_91 : i32 to index
      %get3A_106 = tpu.vector_load %arg29[%get3A_104, %get3A_105] {strides = array<i32>} : memref<7x512xf32, #tpu.memory_space<vmem>>, vector<16xf32>,
      %get3A_107 = arith.constant 4 : i32
      %get3A_108 = arith.index_cast %get3A_107 : i32 to index
      %get3A_109 = arith.index_cast %mul3A_91 : i32 to index
      %get3A_110 = tpu.vector_load %arg29[%get3A_108, %get3A_109] {strides = array<i32>} : memref<7x512xf32, #tpu.memory_space<vmem>>, vector<16xf32>,
      %get3A_111 = arith.constant 5 : i32
      %get3A_112 = arith.index_cast %get3A_111 : i32 to index
      %get3A_113 = arith.index_cast %mul3A_91 : i32 to index
      %get3A_114 = tpu.vector_load %arg29[%get3A_112, %get3A_113] {strides = array<i32>} : memref<7x512xf32, #tpu.memory_space<vmem>>, vector<16xf32>,
      %get3A_115 = arith.constant 6 : i32
      %get3A_116 = arith.index_cast %get3A_115 : i32 to index
      %get3A_117 = arith.index_cast %mul3A_91 : i32 to index
      %get3A_118 = tpu.vector_load %arg29[%get3A_116, %get3A_117] {strides = array<i32>} : memref<7x512xf32, #tpu.memory_space<vmem>>, vector<16xf32>,
      %eq3A = arith.constant 0.000000e+00 : f32
      %eq3A_119 = vector.broadcast %eq3A : f32 to vector<16xf32>
      %eq3A_120 = arith.cmpf oeq, %get3A_118, %eq3A_119 : vector<16xf32>
      %select_n3A = arith.select %eq3A_120, %get3A_94, %get3A_106 : vector<16xi1>, vector<16xf32>
      %add3A_121 = arith.constant 1.000000e+00 : f32
      %add3A_122 = vector.broadcast %add3A_121 : f32 to vector<16xf32>
      %add3A_123 = arith.addf %select_n3A, %add3A_122 : vector<16xf32>
      %mul3A_124 = arith.constant 1.275000e+02 : f32
      %mul3A_125 = vector.broadcast %mul3A_124 : f32 to vector<16xf32>
      %mul3A_126 = arith.mulf %add3A_123, %mul3A_125 : vector<16xf32>
      %select_n3A_127 = arith.select %eq3A_120, %get3A_98, %get3A_110 : vector<16xi1>, vector<16xf32>
      %add3A_128 = arith.constant 1.000000e+00 : f32
      %add3A_129 = vector.broadcast %add3A_128 : f32 to vector<16xf32>
      %add3A_130 = arith.addf %select_n3A_127, %add3A_129 : vector<16xf32>
      %mul3A_131 = arith.constant 1.275000e+02 : f32
      %mul3A_132 = vector.broadcast %mul3A_131 : f32 to vector<16xf32>
      %mul3A_133 = arith.mulf %add3A_130, %mul3A_132 : vector<16xf32>
      %select_n3A_134 = arith.select %eq3A_120, %get3A_102, %get3A_114 : vector<16xi1>, vector<16xf32>
      %add3A_135 = arith.constant 1.000000e+00 : f32
      %add3A_136 = vector.broadcast %add3A_135 : f32 to vector<16xf32>
      %add3A_137 = arith.addf %select_n3A_134, %add3A_136 : vector<16xf32>
      %mul3A_138 = arith.constant 1.275000e+02 : f32
      %mul3A_139 = vector.broadcast %mul3A_138 : f32 to vector<16xf32>
      %mul3A_140 = arith.mulf %add3A_137, %mul3A_139 : vector<16xf32>
      %convert_element_type3A = arith.fptosi %mul3A_126 : vector<16xf32> to vector<16xi32>
      %convert_element_type3A_141 = arith.fptosi %mul3A_133 : vector<16xf32> to vector<16xi32>
      %convert_element_type3A_142 = arith.fptosi %mul3A_140 : vector<16xf32> to vector<16xi32>
      %convert_element_type3A_143 = arith.sitofp %convert_element_type3A : vector<16xi32> to vector<16xf32>
      %sub3A = arith.subf %mul3A_126, %convert_element_type3A_143 : vector<16xf32>
      %swap3A = arith.index_cast %mul3A_91 : i32 to index
      %swap3A_144 = tpu.vector_load %arg32[%swap3A] {strides = array<i32>} : memref<512xf32, #tpu.memory_space<vmem>>, vector<16xf32>,
      tpu.vector_store %arg32[%swap3A], %sub3A {strides = array<i32>} : memref<512xf32, #tpu.memory_space<vmem>>, vector<16xf32>,
      %convert_element_type3A_145 = arith.sitofp %convert_element_type3A_141 : vector<16xi32> to vector<16xf32>
      %sub3A_146 = arith.subf %mul3A_133, %convert_element_type3A_145 : vector<16xf32>
      %swap3A_147 = arith.index_cast %mul3A_91 : i32 to index
      %swap3A_148 = tpu.vector_load %arg33[%swap3A_147] {strides = array<i32>} : memref<512xf32, #tpu.memory_space<vmem>>, vector<16xf32>,
      tpu.vector_store %arg33[%swap3A_147], %sub3A_146 {strides = array<i32>} : memref<512xf32, #tpu.memory_space<vmem>>, vector<16xf32>,
      %convert_element_type3A_149 = arith.sitofp %convert_element_type3A_142 : vector<16xi32> to vector<16xf32>
      %sub3A_150 = arith.subf %mul3A_140, %convert_element_type3A_149 : vector<16xf32>
      %swap3A_151 = arith.index_cast %mul3A_91 : i32 to index
      %swap3A_152 = tpu.vector_load %arg34[%swap3A_151] {strides = array<i32>} : memref<512xf32, #tpu.memory_space<vmem>>, vector<16xf32>,
      tpu.vector_store %arg34[%swap3A_151], %sub3A_150 {strides = array<i32>} : memref<512xf32, #tpu.memory_space<vmem>>, vector<16xf32>,
      %and3A = arith.constant 128 : i32
      %and3A_153 = vector.broadcast %and3A : i32 to vector<16xi32>
      %and3A_154 = arith.andi %convert_element_type3A, %and3A_153 : vector<16xi32>
      %mul3A_155 = arith.constant 7 : i32
      %mul3A_156 = vector.broadcast %mul3A_155 : i32 to vector<16xi32>
      %mul3A_157 = arith.muli %and3A_154, %mul3A_156 : vector<16xi32>
      %add3A_158 = arith.addi %convert_element_type3A, %mul3A_157 : vector<16xi32>
      %add3A_159 = arith.constant 1 : i32
      %add3A_160 = vector.broadcast %add3A_159 : i32 to vector<16xi32>
      %add3A_161 = arith.addi %convert_element_type3A, %add3A_160 : vector<16xi32>
      %and3A_162 = arith.constant 128 : i32
      %and3A_163 = vector.broadcast %and3A_162 : i32 to vector<16xi32>
      %and3A_164 = arith.andi %add3A_161, %and3A_163 : vector<16xi32>
      %mul3A_165 = arith.constant 7 : i32
      %mul3A_166 = vector.broadcast %mul3A_165 : i32 to vector<16xi32>
      %mul3A_167 = arith.muli %and3A_164, %mul3A_166 : vector<16xi32>
      %add3A_168 = arith.addi %add3A_161, %mul3A_167 : vector<16xi32>
      %shift_left3A = arith.constant 7 : i32
      %shift_left3A_169 = vector.broadcast %shift_left3A : i32 to vector<16xi32>
      %shift_left3A_170 = arith.shli %convert_element_type3A_141, %shift_left3A_169 : vector<16xi32>
      %shift_right_arithmetic3A = arith.constant 3 : i32
      %shift_right_arithmetic3A_171 = vector.broadcast %shift_right_arithmetic3A : i32 to vector<16xi32>
      %shift_right_arithmetic3A_172 = arith.shrsi %convert_element_type3A_141, %shift_right_arithmetic3A_171 : vector<16xi32>
      %shift_left3A_173 = arith.constant 10 : i32
      %shift_left3A_174 = vector.broadcast %shift_left3A_173 : i32 to vector<16xi32>
      %shift_left3A_175 = arith.shli %shift_right_arithmetic3A_172, %shift_left3A_174 : vector<16xi32>
      %add3A_176 = arith.addi %shift_left3A_170, %shift_left3A_175 : vector<16xi32>
      %add3A_177 = arith.constant 1 : i32
      %add3A_178 = vector.broadcast %add3A_177 : i32 to vector<16xi32>
      %add3A_179 = arith.addi %convert_element_type3A_141, %add3A_178 : vector<16xi32>
      %shift_left3A_180 = arith.constant 7 : i32
      %shift_left3A_181 = vector.broadcast %shift_left3A_180 : i32 to vector<16xi32>
      %shift_left3A_182 = arith.shli %add3A_179, %shift_left3A_181 : vector<16xi32>
      %shift_right_arithmetic3A_183 = arith.constant 3 : i32
      %shift_right_arithmetic3A_184 = vector.broadcast %shift_right_arithmetic3A_183 : i32 to vector<16xi32>
      %shift_right_arithmetic3A_185 = arith.shrsi %add3A_179, %shift_right_arithmetic3A_184 : vector<16xi32>
      %shift_left3A_186 = arith.constant 10 : i32
      %shift_left3A_187 = vector.broadcast %shift_left3A_186 : i32 to vector<16xi32>
      %shift_left3A_188 = arith.shli %shift_right_arithmetic3A_185, %shift_left3A_187 : vector<16xi32>
      %add3A_189 = arith.addi %shift_left3A_182, %shift_left3A_188 : vector<16xi32>
      %jit3A = arith.constant 0 : i32
      %jit3A_190 = arith.constant 16777216 : i32
      %broadcast_in_dim3A = vector.broadcast %jit3A : i32 to vector<16xi32>
      %broadcast_in_dim3A_191 = vector.broadcast %jit3A_190 : i32 to vector<16xi32>
      %select_n3A_192 = arith.select %eq3A_120, %broadcast_in_dim3A, %broadcast_in_dim3A_191 : vector<16xi1>, vector<16xi32>
      %shift_left3A_193 = arith.constant 16 : i32
      %shift_left3A_194 = vector.broadcast %shift_left3A_193 : i32 to vector<16xi32>
      %shift_left3A_195 = arith.shli %convert_element_type3A_142, %shift_left3A_194 : vector<16xi32>
      %add3A_196 = arith.addi %select_n3A_192, %shift_left3A_195 : vector<16xi32>
      %add3A_197 = arith.addi %add3A_196, %add3A_176 : vector<16xi32>
      %add3A_198 = arith.addi %add3A_196, %add3A_189 : vector<16xi32>
      %add3A_199 = arith.constant 65536 : i32
      %add3A_200 = vector.broadcast %add3A_199 : i32 to vector<16xi32>
      %add3A_201 = arith.addi %add3A_197, %add3A_200 : vector<16xi32>
      %add3A_202 = arith.constant 65536 : i32
      %add3A_203 = vector.broadcast %add3A_202 : i32 to vector<16xi32>
      %add3A_204 = arith.addi %add3A_198, %add3A_203 : vector<16xi32>
      %add3A_205 = arith.addi %add3A_197, %add3A_158 : vector<16xi32>
      %add3A_206 = arith.constant 0 : i32
      %add3A_207 = arith.addi %add3A_206, %mul3A_91 : i32
      %swap3A_208 = arith.index_cast %add3A_207 : i32 to index
      %swap3A_209 = tpu.vector_load %arg30[%swap3A_208] {strides = array<i32>} : memref<4096xi32, #tpu.memory_space<vmem>>, vector<16xi32>,
      tpu.vector_store %arg30[%swap3A_208], %add3A_205 {strides = array<i32>} : memref<4096xi32, #tpu.memory_space<vmem>>, vector<16xi32>,
      %add3A_210 = arith.addi %add3A_197, %add3A_168 : vector<16xi32>
      %add3A_211 = arith.constant 512 : i32
      %add3A_212 = arith.addi %add3A_211, %mul3A_91 : i32
      %swap3A_213 = arith.index_cast %add3A_212 : i32 to index
      %swap3A_214 = tpu.vector_load %arg30[%swap3A_213] {strides = array<i32>} : memref<4096xi32, #tpu.memory_space<vmem>>, vector<16xi32>,
      tpu.vector_store %arg30[%swap3A_213], %add3A_210 {strides = array<i32>} : memref<4096xi32, #tpu.memory_space<vmem>>, vector<16xi32>,
      %add3A_215 = arith.addi %add3A_198, %add3A_158 : vector<16xi32>
      %add3A_216 = arith.constant 1024 : i32
      %add3A_217 = arith.addi %add3A_216, %mul3A_91 : i32
      %swap3A_218 = arith.index_cast %add3A_217 : i32 to index
      %swap3A_219 = tpu.vector_load %arg30[%swap3A_218] {strides = array<i32>} : memref<4096xi32, #tpu.memory_space<vmem>>, vector<16xi32>,
      tpu.vector_store %arg30[%swap3A_218], %add3A_215 {strides = array<i32>} : memref<4096xi32, #tpu.memory_space<vmem>>, vector<16xi32>,
      %add3A_220 = arith.addi %add3A_198, %add3A_168 : vector<16xi32>
      %add3A_221 = arith.constant 1536 : i32
      %add3A_222 = arith.addi %add3A_221, %mul3A_91 : i32
      %swap3A_223 = arith.index_cast %add3A_222 : i32 to index
      %swap3A_224 = tpu.vector_load %arg30[%swap3A_223] {strides = array<i32>} : memref<4096xi32, #tpu.memory_space<vmem>>, vector<16xi32>,
      tpu.vector_store %arg30[%swap3A_223], %add3A_220 {strides = array<i32>} : memref<4096xi32, #tpu.memory_space<vmem>>, vector<16xi32>,
      %add3A_225 = arith.addi %add3A_201, %add3A_158 : vector<16xi32>
      %add3A_226 = arith.constant 2048 : i32
      %add3A_227 = arith.addi %add3A_226, %mul3A_91 : i32
      %swap3A_228 = arith.index_cast %add3A_227 : i32 to index
      %swap3A_229 = tpu.vector_load %arg30[%swap3A_228] {strides = array<i32>} : memref<4096xi32, #tpu.memory_space<vmem>>, vector<16xi32>,
      tpu.vector_store %arg30[%swap3A_228], %add3A_225 {strides = array<i32>} : memref<4096xi32, #tpu.memory_space<vmem>>, vector<16xi32>,
      %add3A_230 = arith.addi %add3A_201, %add3A_168 : vector<16xi32>
      %add3A_231 = arith.constant 2560 : i32
      %add3A_232 = arith.addi %add3A_231, %mul3A_91 : i32
      %swap3A_233 = arith.index_cast %add3A_232 : i32 to index
      %swap3A_234 = tpu.vector_load %arg30[%swap3A_233] {strides = array<i32>} : memref<4096xi32, #tpu.memory_space<vmem>>, vector<16xi32>,
      tpu.vector_store %arg30[%swap3A_233], %add3A_230 {strides = array<i32>} : memref<4096xi32, #tpu.memory_space<vmem>>, vector<16xi32>,
      %add3A_235 = arith.addi %add3A_204, %add3A_158 : vector<16xi32>
      %add3A_236 = arith.constant 3072 : i32
      %add3A_237 = arith.addi %add3A_236, %mul3A_91 : i32
      %swap3A_238 = arith.index_cast %add3A_237 : i32 to index
      %swap3A_239 = tpu.vector_load %arg30[%swap3A_238] {strides = array<i32>} : memref<4096xi32, #tpu.memory_space<vmem>>, vector<16xi32>,
      tpu.vector_store %arg30[%swap3A_238], %add3A_235 {strides = array<i32>} : memref<4096xi32, #tpu.memory_space<vmem>>, vector<16xi32>,
      %add3A_240 = arith.addi %add3A_204, %add3A_168 : vector<16xi32>
      %add3A_241 = arith.constant 3584 : i32
      %add3A_242 = arith.addi %add3A_241, %mul3A_91 : i32
      %swap3A_243 = arith.index_cast %add3A_242 : i32 to index
      %swap3A_244 = tpu.vector_load %arg30[%swap3A_243] {strides = array<i32>} : memref<4096xi32, #tpu.memory_space<vmem>>, vector<16xi32>,
      tpu.vector_store %arg30[%swap3A_243], %add3A_240 {strides = array<i32>} : memref<4096xi32, #tpu.memory_space<vmem>>, vector<16xi32>,
    }
    %scan3A_44 = arith.constant 32 : i32
    %dma_start3A_45 = arith.constant 0 : i32
    %dma_start3A_46 = tpu.memref_slice %arg3[%dma_start3A_45] : memref<33554432xf32, #tpu.memory_space<hbm>> -> memref<33554432xf32, #tpu.memory_space<hbm>>
    tpu.enqueue_indirect_dma source(%dma_start3A_46 : memref<33554432xf32, #tpu.memory_space<hbm>>) target(%arg31 : memref<4096xf32, #tpu.memory_space<vmem>>) offsets(%arg30 : memref<4096xi32, #tpu.memory_space<vmem>>) semaphore(%arg36 : memref<!tpu.dma_semaphore, #tpu.memory_space<semaphore_mem>>)
    %mul3A_47 = arith.constant 32768 : i32
    %mul3A_48 = arith.muli %add3A, %mul3A_47 : i32
    %add3A_49 = arith.constant 2048 : i32
    %add3A_50 = arith.addi %mul3A_48, %add3A_49 : i32
    "tpu.region"() ({
      %run_scoped3A = tpu.sem_alloc : memref<!tpu.dma_semaphore, #tpu.memory_space<semaphore_mem>>
      %dma_start3A_89 = arith.constant 0 : i32
      %dma_start3A_90 = tpu.memref_slice %arg2[%dma_start3A_89, %add3A_50] : memref<7x1048576xf32, #tpu.memory_space<hbm>> -> memref<7x512xf32, #tpu.memory_space<hbm>>
      %dma_start3A_91 = arith.constant 0 : i32
      %dma_start3A_92 = tpu.memref_slice %arg2[%dma_start3A_91, %add3A_50] : memref<7x1048576xf32, #tpu.memory_space<hbm>> -> memref<7x512xf32, #tpu.memory_space<hbm>>
      tpu.enqueue_dma source(%dma_start3A_92 : memref<7x512xf32, #tpu.memory_space<hbm>>) target(%arg37 : memref<7x512xf32, #tpu.memory_space<vmem>>) target_semaphore(%run_scoped3A : memref<!tpu.dma_semaphore, #tpu.memory_space<semaphore_mem>>)
      %dma_wait3A = arith.constant 0 : i32
      %dma_wait3A_93 = tpu.memref_slice %arg2[%dma_wait3A, %add3A_50] : memref<7x1048576xf32, #tpu.memory_space<hbm>> -> memref<7x512xf32, #tpu.memory_space<hbm>>
      %dma_wait3A_94 = arith.constant 0 : i32
      %dma_wait3A_95 = tpu.memref_slice %arg2[%dma_wait3A_94, %add3A_50] : memref<7x1048576xf32, #tpu.memory_space<hbm>> -> memref<7x512xf32, #tpu.memory_space<hbm>>
      tpu.wait_dma2 semaphore(%run_scoped3A : memref<!tpu.dma_semaphore, #tpu.memory_space<semaphore_mem>>) src(%dma_wait3A_95 : memref<7x512xf32, #tpu.memory_space<hbm>>) dst(%arg37 : memref<7x512xf32, #tpu.memory_space<vmem>>)
      tpu.yield
    }) : () -> ()
    %scan3A_51 = arith.constant 0 : i32
    %scan3A_52 = arith.constant 0 : i32
    %scan3A_53 = arith.constant 32 : i32
    %scan3A_54 = arith.addi %scan3A_52, %scan3A_53 : i32
    %scan3A_55 = arith.constant 1 : i32
    scf.for %scan3A_89 = %scan3A_52 to %scan3A_54 step %scan3A_55  : i32 {
      %mul3A_90 = arith.constant 16 : i32
      %mul3A_91 = arith.muli %scan3A_89, %mul3A_90 : i32
      %get3A = arith.constant 0 : i32
      %get3A_92 = arith.index_cast %get3A : i32 to index
      %get3A_93 = arith.index_cast %mul3A_91 : i32 to index
      %get3A_94 = tpu.vector_load %arg37[%get3A_92, %get3A_93] {strides = array<i32>} : memref<7x512xf32, #tpu.memory_space<vmem>>, vector<16xf32>,
      %get3A_95 = arith.constant 1 : i32
      %get3A_96 = arith.index_cast %get3A_95 : i32 to index
      %get3A_97 = arith.index_cast %mul3A_91 : i32 to index
      %get3A_98 = tpu.vector_load %arg37[%get3A_96, %get3A_97] {strides = array<i32>} : memref<7x512xf32, #tpu.memory_space<vmem>>, vector<16xf32>,
      %get3A_99 = arith.constant 2 : i32
      %get3A_100 = arith.index_cast %get3A_99 : i32 to index
      %get3A_101 = arith.index_cast %mul3A_91 : i32 to index
      %get3A_102 = tpu.vector_load %arg37[%get3A_100, %get3A_101] {strides = array<i32>} : memref<7x512xf32, #tpu.memory_space<vmem>>, vector<16xf32>,
      %get3A_103 = arith.constant 3 : i32
      %get3A_104 = arith.index_cast %get3A_103 : i32 to index
      %get3A_105 = arith.index_cast %mul3A_91 : i32 to index
      %get3A_106 = tpu.vector_load %arg37[%get3A_104, %get3A_105] {strides = array<i32>} : memref<7x512xf32, #tpu.memory_space<vmem>>, vector<16xf32>,
      %get3A_107 = arith.constant 4 : i32
      %get3A_108 = arith.index_cast %get3A_107 : i32 to index
      %get3A_109 = arith.index_cast %mul3A_91 : i32 to index
      %get3A_110 = tpu.vector_load %arg37[%get3A_108, %get3A_109] {strides = array<i32>} : memref<7x512xf32, #tpu.memory_space<vmem>>, vector<16xf32>,
      %get3A_111 = arith.constant 5 : i32
      %get3A_112 = arith.index_cast %get3A_111 : i32 to index
      %get3A_113 = arith.index_cast %mul3A_91 : i32 to index
      %get3A_114 = tpu.vector_load %arg37[%get3A_112, %get3A_113] {strides = array<i32>} : memref<7x512xf32, #tpu.memory_space<vmem>>, vector<16xf32>,
      %get3A_115 = arith.constant 6 : i32
      %get3A_116 = arith.index_cast %get3A_115 : i32 to index
      %get3A_117 = arith.index_cast %mul3A_91 : i32 to index
      %get3A_118 = tpu.vector_load %arg37[%get3A_116, %get3A_117] {strides = array<i32>} : memref<7x512xf32, #tpu.memory_space<vmem>>, vector<16xf32>,
      %eq3A = arith.constant 0.000000e+00 : f32
      %eq3A_119 = vector.broadcast %eq3A : f32 to vector<16xf32>
      %eq3A_120 = arith.cmpf oeq, %get3A_118, %eq3A_119 : vector<16xf32>
      %select_n3A = arith.select %eq3A_120, %get3A_94, %get3A_106 : vector<16xi1>, vector<16xf32>
      %add3A_121 = arith.constant 1.000000e+00 : f32
      %add3A_122 = vector.broadcast %add3A_121 : f32 to vector<16xf32>
      %add3A_123 = arith.addf %select_n3A, %add3A_122 : vector<16xf32>
      %mul3A_124 = arith.constant 1.275000e+02 : f32
      %mul3A_125 = vector.broadcast %mul3A_124 : f32 to vector<16xf32>
      %mul3A_126 = arith.mulf %add3A_123, %mul3A_125 : vector<16xf32>
      %select_n3A_127 = arith.select %eq3A_120, %get3A_98, %get3A_110 : vector<16xi1>, vector<16xf32>
      %add3A_128 = arith.constant 1.000000e+00 : f32
      %add3A_129 = vector.broadcast %add3A_128 : f32 to vector<16xf32>
      %add3A_130 = arith.addf %select_n3A_127, %add3A_129 : vector<16xf32>
      %mul3A_131 = arith.constant 1.275000e+02 : f32
      %mul3A_132 = vector.broadcast %mul3A_131 : f32 to vector<16xf32>
      %mul3A_133 = arith.mulf %add3A_130, %mul3A_132 : vector<16xf32>
      %select_n3A_134 = arith.select %eq3A_120, %get3A_102, %get3A_114 : vector<16xi1>, vector<16xf32>
      %add3A_135 = arith.constant 1.000000e+00 : f32
      %add3A_136 = vector.broadcast %add3A_135 : f32 to vector<16xf32>
      %add3A_137 = arith.addf %select_n3A_134, %add3A_136 : vector<16xf32>
      %mul3A_138 = arith.constant 1.275000e+02 : f32
      %mul3A_139 = vector.broadcast %mul3A_138 : f32 to vector<16xf32>
      %mul3A_140 = arith.mulf %add3A_137, %mul3A_139 : vector<16xf32>
      %convert_element_type3A = arith.fptosi %mul3A_126 : vector<16xf32> to vector<16xi32>
      %convert_element_type3A_141 = arith.fptosi %mul3A_133 : vector<16xf32> to vector<16xi32>
      %convert_element_type3A_142 = arith.fptosi %mul3A_140 : vector<16xf32> to vector<16xi32>
      %convert_element_type3A_143 = arith.sitofp %convert_element_type3A : vector<16xi32> to vector<16xf32>
      %sub3A = arith.subf %mul3A_126, %convert_element_type3A_143 : vector<16xf32>
      %swap3A = arith.index_cast %mul3A_91 : i32 to index
      %swap3A_144 = tpu.vector_load %arg40[%swap3A] {strides = array<i32>} : memref<512xf32, #tpu.memory_space<vmem>>, vector<16xf32>,
      tpu.vector_store %arg40[%swap3A], %sub3A {strides = array<i32>} : memref<512xf32, #tpu.memory_space<vmem>>, vector<16xf32>,
      %convert_element_type3A_145 = arith.sitofp %convert_element_type3A_141 : vector<16xi32> to vector<16xf32>
      %sub3A_146 = arith.subf %mul3A_133, %convert_element_type3A_145 : vector<16xf32>
      %swap3A_147 = arith.index_cast %mul3A_91 : i32 to index
      %swap3A_148 = tpu.vector_load %arg41[%swap3A_147] {strides = array<i32>} : memref<512xf32, #tpu.memory_space<vmem>>, vector<16xf32>,
      tpu.vector_store %arg41[%swap3A_147], %sub3A_146 {strides = array<i32>} : memref<512xf32, #tpu.memory_space<vmem>>, vector<16xf32>,
      %convert_element_type3A_149 = arith.sitofp %convert_element_type3A_142 : vector<16xi32> to vector<16xf32>
      %sub3A_150 = arith.subf %mul3A_140, %convert_element_type3A_149 : vector<16xf32>
      %swap3A_151 = arith.index_cast %mul3A_91 : i32 to index
      %swap3A_152 = tpu.vector_load %arg42[%swap3A_151] {strides = array<i32>} : memref<512xf32, #tpu.memory_space<vmem>>, vector<16xf32>,
      tpu.vector_store %arg42[%swap3A_151], %sub3A_150 {strides = array<i32>} : memref<512xf32, #tpu.memory_space<vmem>>, vector<16xf32>,
      %and3A = arith.constant 128 : i32
      %and3A_153 = vector.broadcast %and3A : i32 to vector<16xi32>
      %and3A_154 = arith.andi %convert_element_type3A, %and3A_153 : vector<16xi32>
      %mul3A_155 = arith.constant 7 : i32
      %mul3A_156 = vector.broadcast %mul3A_155 : i32 to vector<16xi32>
      %mul3A_157 = arith.muli %and3A_154, %mul3A_156 : vector<16xi32>
      %add3A_158 = arith.addi %convert_element_type3A, %mul3A_157 : vector<16xi32>
      %add3A_159 = arith.constant 1 : i32
      %add3A_160 = vector.broadcast %add3A_159 : i32 to vector<16xi32>
      %add3A_161 = arith.addi %convert_element_type3A, %add3A_160 : vector<16xi32>
      %and3A_162 = arith.constant 128 : i32
      %and3A_163 = vector.broadcast %and3A_162 : i32 to vector<16xi32>
      %and3A_164 = arith.andi %add3A_161, %and3A_163 : vector<16xi32>
      %mul3A_165 = arith.constant 7 : i32
      %mul3A_166 = vector.broadcast %mul3A_165 : i32 to vector<16xi32>
      %mul3A_167 = arith.muli %and3A_164, %mul3A_166 : vector<16xi32>
      %add3A_168 = arith.addi %add3A_161, %mul3A_167 : vector<16xi32>
      %shift_left3A = arith.constant 7 : i32
      %shift_left3A_169 = vector.broadcast %shift_left3A : i32 to vector<16xi32>
      %shift_left3A_170 = arith.shli %convert_element_type3A_141, %shift_left3A_169 : vector<16xi32>
      %shift_right_arithmetic3A = arith.constant 3 : i32
      %shift_right_arithmetic3A_171 = vector.broadcast %shift_right_arithmetic3A : i32 to vector<16xi32>
      %shift_right_arithmetic3A_172 = arith.shrsi %convert_element_type3A_141, %shift_right_arithmetic3A_171 : vector<16xi32>
      %shift_left3A_173 = arith.constant 10 : i32
      %shift_left3A_174 = vector.broadcast %shift_left3A_173 : i32 to vector<16xi32>
      %shift_left3A_175 = arith.shli %shift_right_arithmetic3A_172, %shift_left3A_174 : vector<16xi32>
      %add3A_176 = arith.addi %shift_left3A_170, %shift_left3A_175 : vector<16xi32>
      %add3A_177 = arith.constant 1 : i32
      %add3A_178 = vector.broadcast %add3A_177 : i32 to vector<16xi32>
      %add3A_179 = arith.addi %convert_element_type3A_141, %add3A_178 : vector<16xi32>
      %shift_left3A_180 = arith.constant 7 : i32
      %shift_left3A_181 = vector.broadcast %shift_left3A_180 : i32 to vector<16xi32>
      %shift_left3A_182 = arith.shli %add3A_179, %shift_left3A_181 : vector<16xi32>
      %shift_right_arithmetic3A_183 = arith.constant 3 : i32
      %shift_right_arithmetic3A_184 = vector.broadcast %shift_right_arithmetic3A_183 : i32 to vector<16xi32>
      %shift_right_arithmetic3A_185 = arith.shrsi %add3A_179, %shift_right_arithmetic3A_184 : vector<16xi32>
      %shift_left3A_186 = arith.constant 10 : i32
      %shift_left3A_187 = vector.broadcast %shift_left3A_186 : i32 to vector<16xi32>
      %shift_left3A_188 = arith.shli %shift_right_arithmetic3A_185, %shift_left3A_187 : vector<16xi32>
      %add3A_189 = arith.addi %shift_left3A_182, %shift_left3A_188 : vector<16xi32>
      %jit3A = arith.constant 0 : i32
      %jit3A_190 = arith.constant 16777216 : i32
      %broadcast_in_dim3A = vector.broadcast %jit3A : i32 to vector<16xi32>
      %broadcast_in_dim3A_191 = vector.broadcast %jit3A_190 : i32 to vector<16xi32>
      %select_n3A_192 = arith.select %eq3A_120, %broadcast_in_dim3A, %broadcast_in_dim3A_191 : vector<16xi1>, vector<16xi32>
      %shift_left3A_193 = arith.constant 16 : i32
      %shift_left3A_194 = vector.broadcast %shift_left3A_193 : i32 to vector<16xi32>
      %shift_left3A_195 = arith.shli %convert_element_type3A_142, %shift_left3A_194 : vector<16xi32>
      %add3A_196 = arith.addi %select_n3A_192, %shift_left3A_195 : vector<16xi32>
      %add3A_197 = arith.addi %add3A_196, %add3A_176 : vector<16xi32>
      %add3A_198 = arith.addi %add3A_196, %add3A_189 : vector<16xi32>
      %add3A_199 = arith.constant 65536 : i32
      %add3A_200 = vector.broadcast %add3A_199 : i32 to vector<16xi32>
      %add3A_201 = arith.addi %add3A_197, %add3A_200 : vector<16xi32>
      %add3A_202 = arith.constant 65536 : i32
      %add3A_203 = vector.broadcast %add3A_202 : i32 to vector<16xi32>
      %add3A_204 = arith.addi %add3A_198, %add3A_203 : vector<16xi32>
      %add3A_205 = arith.addi %add3A_197, %add3A_158 : vector<16xi32>
      %add3A_206 = arith.constant 0 : i32
      %add3A_207 = arith.addi %add3A_206, %mul3A_91 : i32
      %swap3A_208 = arith.index_cast %add3A_207 : i32 to index
      %swap3A_209 = tpu.vector_load %arg38[%swap3A_208] {strides = array<i32>} : memref<4096xi32, #tpu.memory_space<vmem>>, vector<16xi32>,
      tpu.vector_store %arg38[%swap3A_208], %add3A_205 {strides = array<i32>} : memref<4096xi32, #tpu.memory_space<vmem>>, vector<16xi32>,
      %add3A_210 = arith.addi %add3A_197, %add3A_168 : vector<16xi32>
      %add3A_211 = arith.constant 512 : i32
      %add3A_212 = arith.addi %add3A_211, %mul3A_91 : i32
      %swap3A_213 = arith.index_cast %add3A_212 : i32 to index
      %swap3A_214 = tpu.vector_load %arg38[%swap3A_213] {strides = array<i32>} : memref<4096xi32, #tpu.memory_space<vmem>>, vector<16xi32>,
      tpu.vector_store %arg38[%swap3A_213], %add3A_210 {strides = array<i32>} : memref<4096xi32, #tpu.memory_space<vmem>>, vector<16xi32>,
      %add3A_215 = arith.addi %add3A_198, %add3A_158 : vector<16xi32>
      %add3A_216 = arith.constant 1024 : i32
      %add3A_217 = arith.addi %add3A_216, %mul3A_91 : i32
      %swap3A_218 = arith.index_cast %add3A_217 : i32 to index
      %swap3A_219 = tpu.vector_load %arg38[%swap3A_218] {strides = array<i32>} : memref<4096xi32, #tpu.memory_space<vmem>>, vector<16xi32>,
      tpu.vector_store %arg38[%swap3A_218], %add3A_215 {strides = array<i32>} : memref<4096xi32, #tpu.memory_space<vmem>>, vector<16xi32>,
      %add3A_220 = arith.addi %add3A_198, %add3A_168 : vector<16xi32>
      %add3A_221 = arith.constant 1536 : i32
      %add3A_222 = arith.addi %add3A_221, %mul3A_91 : i32
      %swap3A_223 = arith.index_cast %add3A_222 : i32 to index
      %swap3A_224 = tpu.vector_load %arg38[%swap3A_223] {strides = array<i32>} : memref<4096xi32, #tpu.memory_space<vmem>>, vector<16xi32>,
      tpu.vector_store %arg38[%swap3A_223], %add3A_220 {strides = array<i32>} : memref<4096xi32, #tpu.memory_space<vmem>>, vector<16xi32>,
      %add3A_225 = arith.addi %add3A_201, %add3A_158 : vector<16xi32>
      %add3A_226 = arith.constant 2048 : i32
      %add3A_227 = arith.addi %add3A_226, %mul3A_91 : i32
      %swap3A_228 = arith.index_cast %add3A_227 : i32 to index
      %swap3A_229 = tpu.vector_load %arg38[%swap3A_228] {strides = array<i32>} : memref<4096xi32, #tpu.memory_space<vmem>>, vector<16xi32>,
      tpu.vector_store %arg38[%swap3A_228], %add3A_225 {strides = array<i32>} : memref<4096xi32, #tpu.memory_space<vmem>>, vector<16xi32>,
      %add3A_230 = arith.addi %add3A_201, %add3A_168 : vector<16xi32>
      %add3A_231 = arith.constant 2560 : i32
      %add3A_232 = arith.addi %add3A_231, %mul3A_91 : i32
      %swap3A_233 = arith.index_cast %add3A_232 : i32 to index
      %swap3A_234 = tpu.vector_load %arg38[%swap3A_233] {strides = array<i32>} : memref<4096xi32, #tpu.memory_space<vmem>>, vector<16xi32>,
      tpu.vector_store %arg38[%swap3A_233], %add3A_230 {strides = array<i32>} : memref<4096xi32, #tpu.memory_space<vmem>>, vector<16xi32>,
      %add3A_235 = arith.addi %add3A_204, %add3A_158 : vector<16xi32>
      %add3A_236 = arith.constant 3072 : i32
      %add3A_237 = arith.addi %add3A_236, %mul3A_91 : i32
      %swap3A_238 = arith.index_cast %add3A_237 : i32 to index
      %swap3A_239 = tpu.vector_load %arg38[%swap3A_238] {strides = array<i32>} : memref<4096xi32, #tpu.memory_space<vmem>>, vector<16xi32>,
      tpu.vector_store %arg38[%swap3A_238], %add3A_235 {strides = array<i32>} : memref<4096xi32, #tpu.memory_space<vmem>>, vector<16xi32>,
      %add3A_240 = arith.addi %add3A_204, %add3A_168 : vector<16xi32>
      %add3A_241 = arith.constant 3584 : i32
      %add3A_242 = arith.addi %add3A_241, %mul3A_91 : i32
      %swap3A_243 = arith.index_cast %add3A_242 : i32 to index
      %swap3A_244 = tpu.vector_load %arg38[%swap3A_243] {strides = array<i32>} : memref<4096xi32, #tpu.memory_space<vmem>>, vector<16xi32>,
      tpu.vector_store %arg38[%swap3A_243], %add3A_240 {strides = array<i32>} : memref<4096xi32, #tpu.memory_space<vmem>>, vector<16xi32>,
    }
    %scan3A_56 = arith.constant 32 : i32
    %dma_start3A_57 = arith.constant 0 : i32
    %dma_start3A_58 = tpu.memref_slice %arg3[%dma_start3A_57] : memref<33554432xf32, #tpu.memory_space<hbm>> -> memref<33554432xf32, #tpu.memory_space<hbm>>
    tpu.enqueue_indirect_dma source(%dma_start3A_58 : memref<33554432xf32, #tpu.memory_space<hbm>>) target(%arg39 : memref<4096xf32, #tpu.memory_space<vmem>>) offsets(%arg38 : memref<4096xi32, #tpu.memory_space<vmem>>) semaphore(%arg44 : memref<!tpu.dma_semaphore, #tpu.memory_space<semaphore_mem>>)
    %mul3A_59 = arith.constant 32768 : i32
    %mul3A_60 = arith.muli %add3A, %mul3A_59 : i32
    %add3A_61 = arith.constant 2560 : i32
    %add3A_62 = arith.addi %mul3A_60, %add3A_61 : i32
    "tpu.region"() ({
      %run_scoped3A = tpu.sem_alloc : memref<!tpu.dma_semaphore, #tpu.memory_space<semaphore_mem>>
      %dma_start3A_89 = arith.constant 0 : i32
      %dma_start3A_90 = tpu.memref_slice %arg2[%dma_start3A_89, %add3A_62] : memref<7x1048576xf32, #tpu.memory_space<hbm>> -> memref<7x512xf32, #tpu.memory_space<hbm>>
      %dma_start3A_91 = arith.constant 0 : i32
      %dma_start3A_92 = tpu.memref_slice %arg2[%dma_start3A_91, %add3A_62] : memref<7x1048576xf32, #tpu.memory_space<hbm>> -> memref<7x512xf32, #tpu.memory_space<hbm>>
      tpu.enqueue_dma source(%dma_start3A_92 : memref<7x512xf32, #tpu.memory_space<hbm>>) target(%arg45 : memref<7x512xf32, #tpu.memory_space<vmem>>) target_semaphore(%run_scoped3A : memref<!tpu.dma_semaphore, #tpu.memory_space<semaphore_mem>>)
      %dma_wait3A = arith.constant 0 : i32
      %dma_wait3A_93 = tpu.memref_slice %arg2[%dma_wait3A, %add3A_62] : memref<7x1048576xf32, #tpu.memory_space<hbm>> -> memref<7x512xf32, #tpu.memory_space<hbm>>
      %dma_wait3A_94 = arith.constant 0 : i32
      %dma_wait3A_95 = tpu.memref_slice %arg2[%dma_wait3A_94, %add3A_62] : memref<7x1048576xf32, #tpu.memory_space<hbm>> -> memref<7x512xf32, #tpu.memory_space<hbm>>
      tpu.wait_dma2 semaphore(%run_scoped3A : memref<!tpu.dma_semaphore, #tpu.memory_space<semaphore_mem>>) src(%dma_wait3A_95 : memref<7x512xf32, #tpu.memory_space<hbm>>) dst(%arg45 : memref<7x512xf32, #tpu.memory_space<vmem>>)
      tpu.yield
    }) : () -> ()
    %scan3A_63 = arith.constant 0 : i32
    %scan3A_64 = arith.constant 0 : i32
    %scan3A_65 = arith.constant 32 : i32
    %scan3A_66 = arith.addi %scan3A_64, %scan3A_65 : i32
    %scan3A_67 = arith.constant 1 : i32
    scf.for %scan3A_89 = %scan3A_64 to %scan3A_66 step %scan3A_67  : i32 {
      %mul3A_90 = arith.constant 16 : i32
      %mul3A_91 = arith.muli %scan3A_89, %mul3A_90 : i32
      %get3A = arith.constant 0 : i32
      %get3A_92 = arith.index_cast %get3A : i32 to index
      %get3A_93 = arith.index_cast %mul3A_91 : i32 to index
      %get3A_94 = tpu.vector_load %arg45[%get3A_92, %get3A_93] {strides = array<i32>} : memref<7x512xf32, #tpu.memory_space<vmem>>, vector<16xf32>,
      %get3A_95 = arith.constant 1 : i32
      %get3A_96 = arith.index_cast %get3A_95 : i32 to index
      %get3A_97 = arith.index_cast %mul3A_91 : i32 to index
      %get3A_98 = tpu.vector_load %arg45[%get3A_96, %get3A_97] {strides = array<i32>} : memref<7x512xf32, #tpu.memory_space<vmem>>, vector<16xf32>,
      %get3A_99 = arith.constant 2 : i32
      %get3A_100 = arith.index_cast %get3A_99 : i32 to index
      %get3A_101 = arith.index_cast %mul3A_91 : i32 to index
      %get3A_102 = tpu.vector_load %arg45[%get3A_100, %get3A_101] {strides = array<i32>} : memref<7x512xf32, #tpu.memory_space<vmem>>, vector<16xf32>,
      %get3A_103 = arith.constant 3 : i32
      %get3A_104 = arith.index_cast %get3A_103 : i32 to index
      %get3A_105 = arith.index_cast %mul3A_91 : i32 to index
      %get3A_106 = tpu.vector_load %arg45[%get3A_104, %get3A_105] {strides = array<i32>} : memref<7x512xf32, #tpu.memory_space<vmem>>, vector<16xf32>,
      %get3A_107 = arith.constant 4 : i32
      %get3A_108 = arith.index_cast %get3A_107 : i32 to index
      %get3A_109 = arith.index_cast %mul3A_91 : i32 to index
      %get3A_110 = tpu.vector_load %arg45[%get3A_108, %get3A_109] {strides = array<i32>} : memref<7x512xf32, #tpu.memory_space<vmem>>, vector<16xf32>,
      %get3A_111 = arith.constant 5 : i32
      %get3A_112 = arith.index_cast %get3A_111 : i32 to index
      %get3A_113 = arith.index_cast %mul3A_91 : i32 to index
      %get3A_114 = tpu.vector_load %arg45[%get3A_112, %get3A_113] {strides = array<i32>} : memref<7x512xf32, #tpu.memory_space<vmem>>, vector<16xf32>,
      %get3A_115 = arith.constant 6 : i32
      %get3A_116 = arith.index_cast %get3A_115 : i32 to index
      %get3A_117 = arith.index_cast %mul3A_91 : i32 to index
      %get3A_118 = tpu.vector_load %arg45[%get3A_116, %get3A_117] {strides = array<i32>} : memref<7x512xf32, #tpu.memory_space<vmem>>, vector<16xf32>,
      %eq3A = arith.constant 0.000000e+00 : f32
      %eq3A_119 = vector.broadcast %eq3A : f32 to vector<16xf32>
      %eq3A_120 = arith.cmpf oeq, %get3A_118, %eq3A_119 : vector<16xf32>
      %select_n3A = arith.select %eq3A_120, %get3A_94, %get3A_106 : vector<16xi1>, vector<16xf32>
      %add3A_121 = arith.constant 1.000000e+00 : f32
      %add3A_122 = vector.broadcast %add3A_121 : f32 to vector<16xf32>
      %add3A_123 = arith.addf %select_n3A, %add3A_122 : vector<16xf32>
      %mul3A_124 = arith.constant 1.275000e+02 : f32
      %mul3A_125 = vector.broadcast %mul3A_124 : f32 to vector<16xf32>
      %mul3A_126 = arith.mulf %add3A_123, %mul3A_125 : vector<16xf32>
      %select_n3A_127 = arith.select %eq3A_120, %get3A_98, %get3A_110 : vector<16xi1>, vector<16xf32>
      %add3A_128 = arith.constant 1.000000e+00 : f32
      %add3A_129 = vector.broadcast %add3A_128 : f32 to vector<16xf32>
      %add3A_130 = arith.addf %select_n3A_127, %add3A_129 : vector<16xf32>
      %mul3A_131 = arith.constant 1.275000e+02 : f32
      %mul3A_132 = vector.broadcast %mul3A_131 : f32 to vector<16xf32>
      %mul3A_133 = arith.mulf %add3A_130, %mul3A_132 : vector<16xf32>
      %select_n3A_134 = arith.select %eq3A_120, %get3A_102, %get3A_114 : vector<16xi1>, vector<16xf32>
      %add3A_135 = arith.constant 1.000000e+00 : f32
      %add3A_136 = vector.broadcast %add3A_135 : f32 to vector<16xf32>
      %add3A_137 = arith.addf %select_n3A_134, %add3A_136 : vector<16xf32>
      %mul3A_138 = arith.constant 1.275000e+02 : f32
      %mul3A_139 = vector.broadcast %mul3A_138 : f32 to vector<16xf32>
      %mul3A_140 = arith.mulf %add3A_137, %mul3A_139 : vector<16xf32>
      %convert_element_type3A = arith.fptosi %mul3A_126 : vector<16xf32> to vector<16xi32>
      %convert_element_type3A_141 = arith.fptosi %mul3A_133 : vector<16xf32> to vector<16xi32>
      %convert_element_type3A_142 = arith.fptosi %mul3A_140 : vector<16xf32> to vector<16xi32>
      %convert_element_type3A_143 = arith.sitofp %convert_element_type3A : vector<16xi32> to vector<16xf32>
      %sub3A = arith.subf %mul3A_126, %convert_element_type3A_143 : vector<16xf32>
      %swap3A = arith.index_cast %mul3A_91 : i32 to index
      %swap3A_144 = tpu.vector_load %arg48[%swap3A] {strides = array<i32>} : memref<512xf32, #tpu.memory_space<vmem>>, vector<16xf32>,
      tpu.vector_store %arg48[%swap3A], %sub3A {strides = array<i32>} : memref<512xf32, #tpu.memory_space<vmem>>, vector<16xf32>,
      %convert_element_type3A_145 = arith.sitofp %convert_element_type3A_141 : vector<16xi32> to vector<16xf32>
      %sub3A_146 = arith.subf %mul3A_133, %convert_element_type3A_145 : vector<16xf32>
      %swap3A_147 = arith.index_cast %mul3A_91 : i32 to index
      %swap3A_148 = tpu.vector_load %arg49[%swap3A_147] {strides = array<i32>} : memref<512xf32, #tpu.memory_space<vmem>>, vector<16xf32>,
      tpu.vector_store %arg49[%swap3A_147], %sub3A_146 {strides = array<i32>} : memref<512xf32, #tpu.memory_space<vmem>>, vector<16xf32>,
      %convert_element_type3A_149 = arith.sitofp %convert_element_type3A_142 : vector<16xi32> to vector<16xf32>
      %sub3A_150 = arith.subf %mul3A_140, %convert_element_type3A_149 : vector<16xf32>
      %swap3A_151 = arith.index_cast %mul3A_91 : i32 to index
      %swap3A_152 = tpu.vector_load %arg50[%swap3A_151] {strides = array<i32>} : memref<512xf32, #tpu.memory_space<vmem>>, vector<16xf32>,
      tpu.vector_store %arg50[%swap3A_151], %sub3A_150 {strides = array<i32>} : memref<512xf32, #tpu.memory_space<vmem>>, vector<16xf32>,
      %and3A = arith.constant 128 : i32
      %and3A_153 = vector.broadcast %and3A : i32 to vector<16xi32>
      %and3A_154 = arith.andi %convert_element_type3A, %and3A_153 : vector<16xi32>
      %mul3A_155 = arith.constant 7 : i32
      %mul3A_156 = vector.broadcast %mul3A_155 : i32 to vector<16xi32>
      %mul3A_157 = arith.muli %and3A_154, %mul3A_156 : vector<16xi32>
      %add3A_158 = arith.addi %convert_element_type3A, %mul3A_157 : vector<16xi32>
      %add3A_159 = arith.constant 1 : i32
      %add3A_160 = vector.broadcast %add3A_159 : i32 to vector<16xi32>
      %add3A_161 = arith.addi %convert_element_type3A, %add3A_160 : vector<16xi32>
      %and3A_162 = arith.constant 128 : i32
      %and3A_163 = vector.broadcast %and3A_162 : i32 to vector<16xi32>
      %and3A_164 = arith.andi %add3A_161, %and3A_163 : vector<16xi32>
      %mul3A_165 = arith.constant 7 : i32
      %mul3A_166 = vector.broadcast %mul3A_165 : i32 to vector<16xi32>
      %mul3A_167 = arith.muli %and3A_164, %mul3A_166 : vector<16xi32>
      %add3A_168 = arith.addi %add3A_161, %mul3A_167 : vector<16xi32>
      %shift_left3A = arith.constant 7 : i32
      %shift_left3A_169 = vector.broadcast %shift_left3A : i32 to vector<16xi32>
      %shift_left3A_170 = arith.shli %convert_element_type3A_141, %shift_left3A_169 : vector<16xi32>
      %shift_right_arithmetic3A = arith.constant 3 : i32
      %shift_right_arithmetic3A_171 = vector.broadcast %shift_right_arithmetic3A : i32 to vector<16xi32>
      %shift_right_arithmetic3A_172 = arith.shrsi %convert_element_type3A_141, %shift_right_arithmetic3A_171 : vector<16xi32>
      %shift_left3A_173 = arith.constant 10 : i32
      %shift_left3A_174 = vector.broadcast %shift_left3A_173 : i32 to vector<16xi32>
      %shift_left3A_175 = arith.shli %shift_right_arithmetic3A_172, %shift_left3A_174 : vector<16xi32>
      %add3A_176 = arith.addi %shift_left3A_170, %shift_left3A_175 : vector<16xi32>
      %add3A_177 = arith.constant 1 : i32
      %add3A_178 = vector.broadcast %add3A_177 : i32 to vector<16xi32>
      %add3A_179 = arith.addi %convert_element_type3A_141, %add3A_178 : vector<16xi32>
      %shift_left3A_180 = arith.constant 7 : i32
      %shift_left3A_181 = vector.broadcast %shift_left3A_180 : i32 to vector<16xi32>
      %shift_left3A_182 = arith.shli %add3A_179, %shift_left3A_181 : vector<16xi32>
      %shift_right_arithmetic3A_183 = arith.constant 3 : i32
      %shift_right_arithmetic3A_184 = vector.broadcast %shift_right_arithmetic3A_183 : i32 to vector<16xi32>
      %shift_right_arithmetic3A_185 = arith.shrsi %add3A_179, %shift_right_arithmetic3A_184 : vector<16xi32>
      %shift_left3A_186 = arith.constant 10 : i32
      %shift_left3A_187 = vector.broadcast %shift_left3A_186 : i32 to vector<16xi32>
      %shift_left3A_188 = arith.shli %shift_right_arithmetic3A_185, %shift_left3A_187 : vector<16xi32>
      %add3A_189 = arith.addi %shift_left3A_182, %shift_left3A_188 : vector<16xi32>
      %jit3A = arith.constant 0 : i32
      %jit3A_190 = arith.constant 16777216 : i32
      %broadcast_in_dim3A = vector.broadcast %jit3A : i32 to vector<16xi32>
      %broadcast_in_dim3A_191 = vector.broadcast %jit3A_190 : i32 to vector<16xi32>
      %select_n3A_192 = arith.select %eq3A_120, %broadcast_in_dim3A, %broadcast_in_dim3A_191 : vector<16xi1>, vector<16xi32>
      %shift_left3A_193 = arith.constant 16 : i32
      %shift_left3A_194 = vector.broadcast %shift_left3A_193 : i32 to vector<16xi32>
      %shift_left3A_195 = arith.shli %convert_element_type3A_142, %shift_left3A_194 : vector<16xi32>
      %add3A_196 = arith.addi %select_n3A_192, %shift_left3A_195 : vector<16xi32>
      %add3A_197 = arith.addi %add3A_196, %add3A_176 : vector<16xi32>
      %add3A_198 = arith.addi %add3A_196, %add3A_189 : vector<16xi32>
      %add3A_199 = arith.constant 65536 : i32
      %add3A_200 = vector.broadcast %add3A_199 : i32 to vector<16xi32>
      %add3A_201 = arith.addi %add3A_197, %add3A_200 : vector<16xi32>
      %add3A_202 = arith.constant 65536 : i32
      %add3A_203 = vector.broadcast %add3A_202 : i32 to vector<16xi32>
      %add3A_204 = arith.addi %add3A_198, %add3A_203 : vector<16xi32>
      %add3A_205 = arith.addi %add3A_197, %add3A_158 : vector<16xi32>
      %add3A_206 = arith.constant 0 : i32
      %add3A_207 = arith.addi %add3A_206, %mul3A_91 : i32
      %swap3A_208 = arith.index_cast %add3A_207 : i32 to index
      %swap3A_209 = tpu.vector_load %arg46[%swap3A_208] {strides = array<i32>} : memref<4096xi32, #tpu.memory_space<vmem>>, vector<16xi32>,
      tpu.vector_store %arg46[%swap3A_208], %add3A_205 {strides = array<i32>} : memref<4096xi32, #tpu.memory_space<vmem>>, vector<16xi32>,
      %add3A_210 = arith.addi %add3A_197, %add3A_168 : vector<16xi32>
      %add3A_211 = arith.constant 512 : i32
      %add3A_212 = arith.addi %add3A_211, %mul3A_91 : i32
      %swap3A_213 = arith.index_cast %add3A_212 : i32 to index
      %swap3A_214 = tpu.vector_load %arg46[%swap3A_213] {strides = array<i32>} : memref<4096xi32, #tpu.memory_space<vmem>>, vector<16xi32>,
      tpu.vector_store %arg46[%swap3A_213], %add3A_210 {strides = array<i32>} : memref<4096xi32, #tpu.memory_space<vmem>>, vector<16xi32>,
      %add3A_215 = arith.addi %add3A_198, %add3A_158 : vector<16xi32>
      %add3A_216 = arith.constant 1024 : i32
      %add3A_217 = arith.addi %add3A_216, %mul3A_91 : i32
      %swap3A_218 = arith.index_cast %add3A_217 : i32 to index
      %swap3A_219 = tpu.vector_load %arg46[%swap3A_218] {strides = array<i32>} : memref<4096xi32, #tpu.memory_space<vmem>>, vector<16xi32>,
      tpu.vector_store %arg46[%swap3A_218], %add3A_215 {strides = array<i32>} : memref<4096xi32, #tpu.memory_space<vmem>>, vector<16xi32>,
      %add3A_220 = arith.addi %add3A_198, %add3A_168 : vector<16xi32>
      %add3A_221 = arith.constant 1536 : i32
      %add3A_222 = arith.addi %add3A_221, %mul3A_91 : i32
      %swap3A_223 = arith.index_cast %add3A_222 : i32 to index
      %swap3A_224 = tpu.vector_load %arg46[%swap3A_223] {strides = array<i32>} : memref<4096xi32, #tpu.memory_space<vmem>>, vector<16xi32>,
      tpu.vector_store %arg46[%swap3A_223], %add3A_220 {strides = array<i32>} : memref<4096xi32, #tpu.memory_space<vmem>>, vector<16xi32>,
      %add3A_225 = arith.addi %add3A_201, %add3A_158 : vector<16xi32>
      %add3A_226 = arith.constant 2048 : i32
      %add3A_227 = arith.addi %add3A_226, %mul3A_91 : i32
      %swap3A_228 = arith.index_cast %add3A_227 : i32 to index
      %swap3A_229 = tpu.vector_load %arg46[%swap3A_228] {strides = array<i32>} : memref<4096xi32, #tpu.memory_space<vmem>>, vector<16xi32>,
      tpu.vector_store %arg46[%swap3A_228], %add3A_225 {strides = array<i32>} : memref<4096xi32, #tpu.memory_space<vmem>>, vector<16xi32>,
      %add3A_230 = arith.addi %add3A_201, %add3A_168 : vector<16xi32>
      %add3A_231 = arith.constant 2560 : i32
      %add3A_232 = arith.addi %add3A_231, %mul3A_91 : i32
      %swap3A_233 = arith.index_cast %add3A_232 : i32 to index
      %swap3A_234 = tpu.vector_load %arg46[%swap3A_233] {strides = array<i32>} : memref<4096xi32, #tpu.memory_space<vmem>>, vector<16xi32>,
      tpu.vector_store %arg46[%swap3A_233], %add3A_230 {strides = array<i32>} : memref<4096xi32, #tpu.memory_space<vmem>>, vector<16xi32>,
      %add3A_235 = arith.addi %add3A_204, %add3A_158 : vector<16xi32>
      %add3A_236 = arith.constant 3072 : i32
      %add3A_237 = arith.addi %add3A_236, %mul3A_91 : i32
      %swap3A_238 = arith.index_cast %add3A_237 : i32 to index
      %swap3A_239 = tpu.vector_load %arg46[%swap3A_238] {strides = array<i32>} : memref<4096xi32, #tpu.memory_space<vmem>>, vector<16xi32>,
      tpu.vector_store %arg46[%swap3A_238], %add3A_235 {strides = array<i32>} : memref<4096xi32, #tpu.memory_space<vmem>>, vector<16xi32>,
      %add3A_240 = arith.addi %add3A_204, %add3A_168 : vector<16xi32>
      %add3A_241 = arith.constant 3584 : i32
      %add3A_242 = arith.addi %add3A_241, %mul3A_91 : i32
      %swap3A_243 = arith.index_cast %add3A_242 : i32 to index
      %swap3A_244 = tpu.vector_load %arg46[%swap3A_243] {strides = array<i32>} : memref<4096xi32, #tpu.memory_space<vmem>>, vector<16xi32>,
      tpu.vector_store %arg46[%swap3A_243], %add3A_240 {strides = array<i32>} : memref<4096xi32, #tpu.memory_space<vmem>>, vector<16xi32>,
    }
    %scan3A_68 = arith.constant 32 : i32
    %dma_start3A_69 = arith.constant 0 : i32
    %dma_start3A_70 = tpu.memref_slice %arg3[%dma_start3A_69] : memref<33554432xf32, #tpu.memory_space<hbm>> -> memref<33554432xf32, #tpu.memory_space<hbm>>
    tpu.enqueue_indirect_dma source(%dma_start3A_70 : memref<33554432xf32, #tpu.memory_space<hbm>>) target(%arg47 : memref<4096xf32, #tpu.memory_space<vmem>>) offsets(%arg46 : memref<4096xi32, #tpu.memory_space<vmem>>) semaphore(%arg52 : memref<!tpu.dma_semaphore, #tpu.memory_space<semaphore_mem>>)
    %mul3A_71 = arith.constant 32768 : i32
    %mul3A_72 = arith.muli %add3A, %mul3A_71 : i32
    %add3A_73 = arith.constant 3072 : i32
    %add3A_74 = arith.addi %mul3A_72, %add3A_73 : i32
    "tpu.region"() ({
      %run_scoped3A = tpu.sem_alloc : memref<!tpu.dma_semaphore, #tpu.memory_space<semaphore_mem>>
      %dma_start3A_89 = arith.constant 0 : i32
      %dma_start3A_90 = tpu.memref_slice %arg2[%dma_start3A_89, %add3A_74] : memref<7x1048576xf32, #tpu.memory_space<hbm>> -> memref<7x512xf32, #tpu.memory_space<hbm>>
      %dma_start3A_91 = arith.constant 0 : i32
      %dma_start3A_92 = tpu.memref_slice %arg2[%dma_start3A_91, %add3A_74] : memref<7x1048576xf32, #tpu.memory_space<hbm>> -> memref<7x512xf32, #tpu.memory_space<hbm>>
      tpu.enqueue_dma source(%dma_start3A_92 : memref<7x512xf32, #tpu.memory_space<hbm>>) target(%arg53 : memref<7x512xf32, #tpu.memory_space<vmem>>) target_semaphore(%run_scoped3A : memref<!tpu.dma_semaphore, #tpu.memory_space<semaphore_mem>>)
      %dma_wait3A = arith.constant 0 : i32
      %dma_wait3A_93 = tpu.memref_slice %arg2[%dma_wait3A, %add3A_74] : memref<7x1048576xf32, #tpu.memory_space<hbm>> -> memref<7x512xf32, #tpu.memory_space<hbm>>
      %dma_wait3A_94 = arith.constant 0 : i32
      %dma_wait3A_95 = tpu.memref_slice %arg2[%dma_wait3A_94, %add3A_74] : memref<7x1048576xf32, #tpu.memory_space<hbm>> -> memref<7x512xf32, #tpu.memory_space<hbm>>
      tpu.wait_dma2 semaphore(%run_scoped3A : memref<!tpu.dma_semaphore, #tpu.memory_space<semaphore_mem>>) src(%dma_wait3A_95 : memref<7x512xf32, #tpu.memory_space<hbm>>) dst(%arg53 : memref<7x512xf32, #tpu.memory_space<vmem>>)
      tpu.yield
    }) : () -> ()
    %scan3A_75 = arith.constant 0 : i32
    %scan3A_76 = arith.constant 0 : i32
    %scan3A_77 = arith.constant 32 : i32
    %scan3A_78 = arith.addi %scan3A_76, %scan3A_77 : i32
    %scan3A_79 = arith.constant 1 : i32
    scf.for %scan3A_89 = %scan3A_76 to %scan3A_78 step %scan3A_79  : i32 {
      %mul3A_90 = arith.constant 16 : i32
      %mul3A_91 = arith.muli %scan3A_89, %mul3A_90 : i32
      %get3A = arith.constant 0 : i32
      %get3A_92 = arith.index_cast %get3A : i32 to index
      %get3A_93 = arith.index_cast %mul3A_91 : i32 to index
      %get3A_94 = tpu.vector_load %arg53[%get3A_92, %get3A_93] {strides = array<i32>} : memref<7x512xf32, #tpu.memory_space<vmem>>, vector<16xf32>,
      %get3A_95 = arith.constant 1 : i32
      %get3A_96 = arith.index_cast %get3A_95 : i32 to index
      %get3A_97 = arith.index_cast %mul3A_91 : i32 to index
      %get3A_98 = tpu.vector_load %arg53[%get3A_96, %get3A_97] {strides = array<i32>} : memref<7x512xf32, #tpu.memory_space<vmem>>, vector<16xf32>,
      %get3A_99 = arith.constant 2 : i32
      %get3A_100 = arith.index_cast %get3A_99 : i32 to index
      %get3A_101 = arith.index_cast %mul3A_91 : i32 to index
      %get3A_102 = tpu.vector_load %arg53[%get3A_100, %get3A_101] {strides = array<i32>} : memref<7x512xf32, #tpu.memory_space<vmem>>, vector<16xf32>,
      %get3A_103 = arith.constant 3 : i32
      %get3A_104 = arith.index_cast %get3A_103 : i32 to index
      %get3A_105 = arith.index_cast %mul3A_91 : i32 to index
      %get3A_106 = tpu.vector_load %arg53[%get3A_104, %get3A_105] {strides = array<i32>} : memref<7x512xf32, #tpu.memory_space<vmem>>, vector<16xf32>,
      %get3A_107 = arith.constant 4 : i32
      %get3A_108 = arith.index_cast %get3A_107 : i32 to index
      %get3A_109 = arith.index_cast %mul3A_91 : i32 to index
      %get3A_110 = tpu.vector_load %arg53[%get3A_108, %get3A_109] {strides = array<i32>} : memref<7x512xf32, #tpu.memory_space<vmem>>, vector<16xf32>,
      %get3A_111 = arith.constant 5 : i32
      %get3A_112 = arith.index_cast %get3A_111 : i32 to index
      %get3A_113 = arith.index_cast %mul3A_91 : i32 to index
      %get3A_114 = tpu.vector_load %arg53[%get3A_112, %get3A_113] {strides = array<i32>} : memref<7x512xf32, #tpu.memory_space<vmem>>, vector<16xf32>,
      %get3A_115 = arith.constant 6 : i32
      %get3A_116 = arith.index_cast %get3A_115 : i32 to index
      %get3A_117 = arith.index_cast %mul3A_91 : i32 to index
      %get3A_118 = tpu.vector_load %arg53[%get3A_116, %get3A_117] {strides = array<i32>} : memref<7x512xf32, #tpu.memory_space<vmem>>, vector<16xf32>,
      %eq3A = arith.constant 0.000000e+00 : f32
      %eq3A_119 = vector.broadcast %eq3A : f32 to vector<16xf32>
      %eq3A_120 = arith.cmpf oeq, %get3A_118, %eq3A_119 : vector<16xf32>
      %select_n3A = arith.select %eq3A_120, %get3A_94, %get3A_106 : vector<16xi1>, vector<16xf32>
      %add3A_121 = arith.constant 1.000000e+00 : f32
      %add3A_122 = vector.broadcast %add3A_121 : f32 to vector<16xf32>
      %add3A_123 = arith.addf %select_n3A, %add3A_122 : vector<16xf32>
      %mul3A_124 = arith.constant 1.275000e+02 : f32
      %mul3A_125 = vector.broadcast %mul3A_124 : f32 to vector<16xf32>
      %mul3A_126 = arith.mulf %add3A_123, %mul3A_125 : vector<16xf32>
      %select_n3A_127 = arith.select %eq3A_120, %get3A_98, %get3A_110 : vector<16xi1>, vector<16xf32>
      %add3A_128 = arith.constant 1.000000e+00 : f32
      %add3A_129 = vector.broadcast %add3A_128 : f32 to vector<16xf32>
      %add3A_130 = arith.addf %select_n3A_127, %add3A_129 : vector<16xf32>
      %mul3A_131 = arith.constant 1.275000e+02 : f32
      %mul3A_132 = vector.broadcast %mul3A_131 : f32 to vector<16xf32>
      %mul3A_133 = arith.mulf %add3A_130, %mul3A_132 : vector<16xf32>
      %select_n3A_134 = arith.select %eq3A_120, %get3A_102, %get3A_114 : vector<16xi1>, vector<16xf32>
      %add3A_135 = arith.constant 1.000000e+00 : f32
      %add3A_136 = vector.broadcast %add3A_135 : f32 to vector<16xf32>
      %add3A_137 = arith.addf %select_n3A_134, %add3A_136 : vector<16xf32>
      %mul3A_138 = arith.constant 1.275000e+02 : f32
      %mul3A_139 = vector.broadcast %mul3A_138 : f32 to vector<16xf32>
      %mul3A_140 = arith.mulf %add3A_137, %mul3A_139 : vector<16xf32>
      %convert_element_type3A = arith.fptosi %mul3A_126 : vector<16xf32> to vector<16xi32>
      %convert_element_type3A_141 = arith.fptosi %mul3A_133 : vector<16xf32> to vector<16xi32>
      %convert_element_type3A_142 = arith.fptosi %mul3A_140 : vector<16xf32> to vector<16xi32>
      %convert_element_type3A_143 = arith.sitofp %convert_element_type3A : vector<16xi32> to vector<16xf32>
      %sub3A = arith.subf %mul3A_126, %convert_element_type3A_143 : vector<16xf32>
      %swap3A = arith.index_cast %mul3A_91 : i32 to index
      %swap3A_144 = tpu.vector_load %arg56[%swap3A] {strides = array<i32>} : memref<512xf32, #tpu.memory_space<vmem>>, vector<16xf32>,
      tpu.vector_store %arg56[%swap3A], %sub3A {strides = array<i32>} : memref<512xf32, #tpu.memory_space<vmem>>, vector<16xf32>,
      %convert_element_type3A_145 = arith.sitofp %convert_element_type3A_141 : vector<16xi32> to vector<16xf32>
      %sub3A_146 = arith.subf %mul3A_133, %convert_element_type3A_145 : vector<16xf32>
      %swap3A_147 = arith.index_cast %mul3A_91 : i32 to index
      %swap3A_148 = tpu.vector_load %arg57[%swap3A_147] {strides = array<i32>} : memref<512xf32, #tpu.memory_space<vmem>>, vector<16xf32>,
      tpu.vector_store %arg57[%swap3A_147], %sub3A_146 {strides = array<i32>} : memref<512xf32, #tpu.memory_space<vmem>>, vector<16xf32>,
      %convert_element_type3A_149 = arith.sitofp %convert_element_type3A_142 : vector<16xi32> to vector<16xf32>
      %sub3A_150 = arith.subf %mul3A_140, %convert_element_type3A_149 : vector<16xf32>
      %swap3A_151 = arith.index_cast %mul3A_91 : i32 to index
      %swap3A_152 = tpu.vector_load %arg58[%swap3A_151] {strides = array<i32>} : memref<512xf32, #tpu.memory_space<vmem>>, vector<16xf32>,
      tpu.vector_store %arg58[%swap3A_151], %sub3A_150 {strides = array<i32>} : memref<512xf32, #tpu.memory_space<vmem>>, vector<16xf32>,
      %and3A = arith.constant 128 : i32
      %and3A_153 = vector.broadcast %and3A : i32 to vector<16xi32>
      %and3A_154 = arith.andi %convert_element_type3A, %and3A_153 : vector<16xi32>
      %mul3A_155 = arith.constant 7 : i32
      %mul3A_156 = vector.broadcast %mul3A_155 : i32 to vector<16xi32>
      %mul3A_157 = arith.muli %and3A_154, %mul3A_156 : vector<16xi32>
      %add3A_158 = arith.addi %convert_element_type3A, %mul3A_157 : vector<16xi32>
      %add3A_159 = arith.constant 1 : i32
      %add3A_160 = vector.broadcast %add3A_159 : i32 to vector<16xi32>
      %add3A_161 = arith.addi %convert_element_type3A, %add3A_160 : vector<16xi32>
      %and3A_162 = arith.constant 128 : i32
      %and3A_163 = vector.broadcast %and3A_162 : i32 to vector<16xi32>
      %and3A_164 = arith.andi %add3A_161, %and3A_163 : vector<16xi32>
      %mul3A_165 = arith.constant 7 : i32
      %mul3A_166 = vector.broadcast %mul3A_165 : i32 to vector<16xi32>
      %mul3A_167 = arith.muli %and3A_164, %mul3A_166 : vector<16xi32>
      %add3A_168 = arith.addi %add3A_161, %mul3A_167 : vector<16xi32>
      %shift_left3A = arith.constant 7 : i32
      %shift_left3A_169 = vector.broadcast %shift_left3A : i32 to vector<16xi32>
      %shift_left3A_170 = arith.shli %convert_element_type3A_141, %shift_left3A_169 : vector<16xi32>
      %shift_right_arithmetic3A = arith.constant 3 : i32
      %shift_right_arithmetic3A_171 = vector.broadcast %shift_right_arithmetic3A : i32 to vector<16xi32>
      %shift_right_arithmetic3A_172 = arith.shrsi %convert_element_type3A_141, %shift_right_arithmetic3A_171 : vector<16xi32>
      %shift_left3A_173 = arith.constant 10 : i32
      %shift_left3A_174 = vector.broadcast %shift_left3A_173 : i32 to vector<16xi32>
      %shift_left3A_175 = arith.shli %shift_right_arithmetic3A_172, %shift_left3A_174 : vector<16xi32>
      %add3A_176 = arith.addi %shift_left3A_170, %shift_left3A_175 : vector<16xi32>
      %add3A_177 = arith.constant 1 : i32
      %add3A_178 = vector.broadcast %add3A_177 : i32 to vector<16xi32>
      %add3A_179 = arith.addi %convert_element_type3A_141, %add3A_178 : vector<16xi32>
      %shift_left3A_180 = arith.constant 7 : i32
      %shift_left3A_181 = vector.broadcast %shift_left3A_180 : i32 to vector<16xi32>
      %shift_left3A_182 = arith.shli %add3A_179, %shift_left3A_181 : vector<16xi32>
      %shift_right_arithmetic3A_183 = arith.constant 3 : i32
      %shift_right_arithmetic3A_184 = vector.broadcast %shift_right_arithmetic3A_183 : i32 to vector<16xi32>
      %shift_right_arithmetic3A_185 = arith.shrsi %add3A_179, %shift_right_arithmetic3A_184 : vector<16xi32>
      %shift_left3A_186 = arith.constant 10 : i32
      %shift_left3A_187 = vector.broadcast %shift_left3A_186 : i32 to vector<16xi32>
      %shift_left3A_188 = arith.shli %shift_right_arithmetic3A_185, %shift_left3A_187 : vector<16xi32>
      %add3A_189 = arith.addi %shift_left3A_182, %shift_left3A_188 : vector<16xi32>
      %jit3A = arith.constant 0 : i32
      %jit3A_190 = arith.constant 16777216 : i32
      %broadcast_in_dim3A = vector.broadcast %jit3A : i32 to vector<16xi32>
      %broadcast_in_dim3A_191 = vector.broadcast %jit3A_190 : i32 to vector<16xi32>
      %select_n3A_192 = arith.select %eq3A_120, %broadcast_in_dim3A, %broadcast_in_dim3A_191 : vector<16xi1>, vector<16xi32>
      %shift_left3A_193 = arith.constant 16 : i32
      %shift_left3A_194 = vector.broadcast %shift_left3A_193 : i32 to vector<16xi32>
      %shift_left3A_195 = arith.shli %convert_element_type3A_142, %shift_left3A_194 : vector<16xi32>
      %add3A_196 = arith.addi %select_n3A_192, %shift_left3A_195 : vector<16xi32>
      %add3A_197 = arith.addi %add3A_196, %add3A_176 : vector<16xi32>
      %add3A_198 = arith.addi %add3A_196, %add3A_189 : vector<16xi32>
      %add3A_199 = arith.constant 65536 : i32
      %add3A_200 = vector.broadcast %add3A_199 : i32 to vector<16xi32>
      %add3A_201 = arith.addi %add3A_197, %add3A_200 : vector<16xi32>
      %add3A_202 = arith.constant 65536 : i32
      %add3A_203 = vector.broadcast %add3A_202 : i32 to vector<16xi32>
      %add3A_204 = arith.addi %add3A_198, %add3A_203 : vector<16xi32>
      %add3A_205 = arith.addi %add3A_197, %add3A_158 : vector<16xi32>
      %add3A_206 = arith.constant 0 : i32
      %add3A_207 = arith.addi %add3A_206, %mul3A_91 : i32
      %swap3A_208 = arith.index_cast %add3A_207 : i32 to index
      %swap3A_209 = tpu.vector_load %arg54[%swap3A_208] {strides = array<i32>} : memref<4096xi32, #tpu.memory_space<vmem>>, vector<16xi32>,
      tpu.vector_store %arg54[%swap3A_208], %add3A_205 {strides = array<i32>} : memref<4096xi32, #tpu.memory_space<vmem>>, vector<16xi32>,
      %add3A_210 = arith.addi %add3A_197, %add3A_168 : vector<16xi32>
      %add3A_211 = arith.constant 512 : i32
      %add3A_212 = arith.addi %add3A_211, %mul3A_91 : i32
      %swap3A_213 = arith.index_cast %add3A_212 : i32 to index
      %swap3A_214 = tpu.vector_load %arg54[%swap3A_213] {strides = array<i32>} : memref<4096xi32, #tpu.memory_space<vmem>>, vector<16xi32>,
      tpu.vector_store %arg54[%swap3A_213], %add3A_210 {strides = array<i32>} : memref<4096xi32, #tpu.memory_space<vmem>>, vector<16xi32>,
      %add3A_215 = arith.addi %add3A_198, %add3A_158 : vector<16xi32>
      %add3A_216 = arith.constant 1024 : i32
      %add3A_217 = arith.addi %add3A_216, %mul3A_91 : i32
      %swap3A_218 = arith.index_cast %add3A_217 : i32 to index
      %swap3A_219 = tpu.vector_load %arg54[%swap3A_218] {strides = array<i32>} : memref<4096xi32, #tpu.memory_space<vmem>>, vector<16xi32>,
      tpu.vector_store %arg54[%swap3A_218], %add3A_215 {strides = array<i32>} : memref<4096xi32, #tpu.memory_space<vmem>>, vector<16xi32>,
      %add3A_220 = arith.addi %add3A_198, %add3A_168 : vector<16xi32>
      %add3A_221 = arith.constant 1536 : i32
      %add3A_222 = arith.addi %add3A_221, %mul3A_91 : i32
      %swap3A_223 = arith.index_cast %add3A_222 : i32 to index
      %swap3A_224 = tpu.vector_load %arg54[%swap3A_223] {strides = array<i32>} : memref<4096xi32, #tpu.memory_space<vmem>>, vector<16xi32>,
      tpu.vector_store %arg54[%swap3A_223], %add3A_220 {strides = array<i32>} : memref<4096xi32, #tpu.memory_space<vmem>>, vector<16xi32>,
      %add3A_225 = arith.addi %add3A_201, %add3A_158 : vector<16xi32>
      %add3A_226 = arith.constant 2048 : i32
      %add3A_227 = arith.addi %add3A_226, %mul3A_91 : i32
      %swap3A_228 = arith.index_cast %add3A_227 : i32 to index
      %swap3A_229 = tpu.vector_load %arg54[%swap3A_228] {strides = array<i32>} : memref<4096xi32, #tpu.memory_space<vmem>>, vector<16xi32>,
      tpu.vector_store %arg54[%swap3A_228], %add3A_225 {strides = array<i32>} : memref<4096xi32, #tpu.memory_space<vmem>>, vector<16xi32>,
      %add3A_230 = arith.addi %add3A_201, %add3A_168 : vector<16xi32>
      %add3A_231 = arith.constant 2560 : i32
      %add3A_232 = arith.addi %add3A_231, %mul3A_91 : i32
      %swap3A_233 = arith.index_cast %add3A_232 : i32 to index
      %swap3A_234 = tpu.vector_load %arg54[%swap3A_233] {strides = array<i32>} : memref<4096xi32, #tpu.memory_space<vmem>>, vector<16xi32>,
      tpu.vector_store %arg54[%swap3A_233], %add3A_230 {strides = array<i32>} : memref<4096xi32, #tpu.memory_space<vmem>>, vector<16xi32>,
      %add3A_235 = arith.addi %add3A_204, %add3A_158 : vector<16xi32>
      %add3A_236 = arith.constant 3072 : i32
      %add3A_237 = arith.addi %add3A_236, %mul3A_91 : i32
      %swap3A_238 = arith.index_cast %add3A_237 : i32 to index
      %swap3A_239 = tpu.vector_load %arg54[%swap3A_238] {strides = array<i32>} : memref<4096xi32, #tpu.memory_space<vmem>>, vector<16xi32>,
      tpu.vector_store %arg54[%swap3A_238], %add3A_235 {strides = array<i32>} : memref<4096xi32, #tpu.memory_space<vmem>>, vector<16xi32>,
      %add3A_240 = arith.addi %add3A_204, %add3A_168 : vector<16xi32>
      %add3A_241 = arith.constant 3584 : i32
      %add3A_242 = arith.addi %add3A_241, %mul3A_91 : i32
      %swap3A_243 = arith.index_cast %add3A_242 : i32 to index
      %swap3A_244 = tpu.vector_load %arg54[%swap3A_243] {strides = array<i32>} : memref<4096xi32, #tpu.memory_space<vmem>>, vector<16xi32>,
      tpu.vector_store %arg54[%swap3A_243], %add3A_240 {strides = array<i32>} : memref<4096xi32, #tpu.memory_space<vmem>>, vector<16xi32>,
    }
    %scan3A_80 = arith.constant 32 : i32
    %dma_start3A_81 = arith.constant 0 : i32
    %dma_start3A_82 = tpu.memref_slice %arg3[%dma_start3A_81] : memref<33554432xf32, #tpu.memory_space<hbm>> -> memref<33554432xf32, #tpu.memory_space<hbm>>
    tpu.enqueue_indirect_dma source(%dma_start3A_82 : memref<33554432xf32, #tpu.memory_space<hbm>>) target(%arg55 : memref<4096xf32, #tpu.memory_space<vmem>>) offsets(%arg54 : memref<4096xi32, #tpu.memory_space<vmem>>) semaphore(%arg60 : memref<!tpu.dma_semaphore, #tpu.memory_space<semaphore_mem>>)
    %scan3A_83 = arith.constant 0 : i32
    %scan3A_84 = arith.constant 0 : i32
    %scan3A_85 = arith.constant 8 : i32
    %scan3A_86 = arith.addi %scan3A_84, %scan3A_85 : i32
    %scan3A_87 = arith.constant 1 : i32
    scf.for %scan3A_89 = %scan3A_84 to %scan3A_86 step %scan3A_87  : i32 {
      %mul3A_90 = arith.constant 8 : i32
      %mul3A_91 = arith.muli %scan3A_89, %mul3A_90 : i32
      %add3A_92 = arith.constant 0 : i32
      %add3A_93 = arith.addi %mul3A_91, %add3A_92 : i32
      %add3A_94 = arith.constant 8 : i32
      %add3A_95 = arith.addi %add3A_93, %add3A_94 : i32
      %sub3A = arith.constant 1 : i32
      %sub3A_96 = arith.subi %add3A_95, %sub3A : i32
      %lt3A = arith.constant 64 : i32
      %lt3A_97 = arith.cmpi slt, %sub3A_96, %lt3A : i32
      %convert_element_type3A = arith.extui %lt3A_97 : i1 to i32
      %cond3A = arith.constant 0 : i32
      %cond3A_98 = arith.cmpi ne, %convert_element_type3A, %cond3A : i32
      scf.if %cond3A_98 {
        %mul3A_293 = arith.constant 32768 : i32
        %mul3A_294 = arith.muli %add3A, %mul3A_293 : i32
        %mul3A_295 = arith.constant 512 : i32
        %mul3A_296 = arith.muli %sub3A_96, %mul3A_295 : i32
        %add3A_297 = arith.addi %mul3A_294, %mul3A_296 : i32
        "tpu.region"() ({
          %run_scoped3A = tpu.sem_alloc : memref<!tpu.dma_semaphore, #tpu.memory_space<semaphore_mem>>
          %dma_start3A_306 = arith.constant 0 : i32
          %dma_start3A_307 = tpu.memref_slice %arg2[%dma_start3A_306, %add3A_297] : memref<7x1048576xf32, #tpu.memory_space<hbm>> -> memref<7x512xf32, #tpu.memory_space<hbm>>
          %dma_start3A_308 = arith.constant 0 : i32
          %dma_start3A_309 = tpu.memref_slice %arg2[%dma_start3A_308, %add3A_297] : memref<7x1048576xf32, #tpu.memory_space<hbm>> -> memref<7x512xf32, #tpu.memory_space<hbm>>
          tpu.enqueue_dma source(%dma_start3A_309 : memref<7x512xf32, #tpu.memory_space<hbm>>) target(%arg61 : memref<7x512xf32, #tpu.memory_space<vmem>>) target_semaphore(%run_scoped3A : memref<!tpu.dma_semaphore, #tpu.memory_space<semaphore_mem>>)
          %dma_wait3A_310 = arith.constant 0 : i32
          %dma_wait3A_311 = tpu.memref_slice %arg2[%dma_wait3A_310, %add3A_297] : memref<7x1048576xf32, #tpu.memory_space<hbm>> -> memref<7x512xf32, #tpu.memory_space<hbm>>
          %dma_wait3A_312 = arith.constant 0 : i32
          %dma_wait3A_313 = tpu.memref_slice %arg2[%dma_wait3A_312, %add3A_297] : memref<7x1048576xf32, #tpu.memory_space<hbm>> -> memref<7x512xf32, #tpu.memory_space<hbm>>
          tpu.wait_dma2 semaphore(%run_scoped3A : memref<!tpu.dma_semaphore, #tpu.memory_space<semaphore_mem>>) src(%dma_wait3A_313 : memref<7x512xf32, #tpu.memory_space<hbm>>) dst(%arg61 : memref<7x512xf32, #tpu.memory_space<vmem>>)
          tpu.yield
        }) : () -> ()
        %scan3A_298 = arith.constant 0 : i32
        %scan3A_299 = arith.constant 0 : i32
        %scan3A_300 = arith.constant 32 : i32
        %scan3A_301 = arith.addi %scan3A_299, %scan3A_300 : i32
        %scan3A_302 = arith.constant 1 : i32
        scf.for %scan3A_306 = %scan3A_299 to %scan3A_301 step %scan3A_302  : i32 {
          %mul3A_307 = arith.constant 16 : i32
          %mul3A_308 = arith.muli %scan3A_306, %mul3A_307 : i32
          %get3A = arith.constant 0 : i32
          %get3A_309 = arith.index_cast %get3A : i32 to index
          %get3A_310 = arith.index_cast %mul3A_308 : i32 to index
          %get3A_311 = tpu.vector_load %arg61[%get3A_309, %get3A_310] {strides = array<i32>} : memref<7x512xf32, #tpu.memory_space<vmem>>, vector<16xf32>,
          %get3A_312 = arith.constant 1 : i32
          %get3A_313 = arith.index_cast %get3A_312 : i32 to index
          %get3A_314 = arith.index_cast %mul3A_308 : i32 to index
          %get3A_315 = tpu.vector_load %arg61[%get3A_313, %get3A_314] {strides = array<i32>} : memref<7x512xf32, #tpu.memory_space<vmem>>, vector<16xf32>,
          %get3A_316 = arith.constant 2 : i32
          %get3A_317 = arith.index_cast %get3A_316 : i32 to index
          %get3A_318 = arith.index_cast %mul3A_308 : i32 to index
          %get3A_319 = tpu.vector_load %arg61[%get3A_317, %get3A_318] {strides = array<i32>} : memref<7x512xf32, #tpu.memory_space<vmem>>, vector<16xf32>,
          %get3A_320 = arith.constant 3 : i32
          %get3A_321 = arith.index_cast %get3A_320 : i32 to index
          %get3A_322 = arith.index_cast %mul3A_308 : i32 to index
          %get3A_323 = tpu.vector_load %arg61[%get3A_321, %get3A_322] {strides = array<i32>} : memref<7x512xf32, #tpu.memory_space<vmem>>, vector<16xf32>,
          %get3A_324 = arith.constant 4 : i32
          %get3A_325 = arith.index_cast %get3A_324 : i32 to index
          %get3A_326 = arith.index_cast %mul3A_308 : i32 to index
          %get3A_327 = tpu.vector_load %arg61[%get3A_325, %get3A_326] {strides = array<i32>} : memref<7x512xf32, #tpu.memory_space<vmem>>, vector<16xf32>,
          %get3A_328 = arith.constant 5 : i32
          %get3A_329 = arith.index_cast %get3A_328 : i32 to index
          %get3A_330 = arith.index_cast %mul3A_308 : i32 to index
          %get3A_331 = tpu.vector_load %arg61[%get3A_329, %get3A_330] {strides = array<i32>} : memref<7x512xf32, #tpu.memory_space<vmem>>, vector<16xf32>,
          %get3A_332 = arith.constant 6 : i32
          %get3A_333 = arith.index_cast %get3A_332 : i32 to index
          %get3A_334 = arith.index_cast %mul3A_308 : i32 to index
          %get3A_335 = tpu.vector_load %arg61[%get3A_333, %get3A_334] {strides = array<i32>} : memref<7x512xf32, #tpu.memory_space<vmem>>, vector<16xf32>,
          %eq3A = arith.constant 0.000000e+00 : f32
          %eq3A_336 = vector.broadcast %eq3A : f32 to vector<16xf32>
          %eq3A_337 = arith.cmpf oeq, %get3A_335, %eq3A_336 : vector<16xf32>
          %select_n3A = arith.select %eq3A_337, %get3A_311, %get3A_323 : vector<16xi1>, vector<16xf32>
          %add3A_338 = arith.constant 1.000000e+00 : f32
          %add3A_339 = vector.broadcast %add3A_338 : f32 to vector<16xf32>
          %add3A_340 = arith.addf %select_n3A, %add3A_339 : vector<16xf32>
          %mul3A_341 = arith.constant 1.275000e+02 : f32
          %mul3A_342 = vector.broadcast %mul3A_341 : f32 to vector<16xf32>
          %mul3A_343 = arith.mulf %add3A_340, %mul3A_342 : vector<16xf32>
          %select_n3A_344 = arith.select %eq3A_337, %get3A_315, %get3A_327 : vector<16xi1>, vector<16xf32>
          %add3A_345 = arith.constant 1.000000e+00 : f32
          %add3A_346 = vector.broadcast %add3A_345 : f32 to vector<16xf32>
          %add3A_347 = arith.addf %select_n3A_344, %add3A_346 : vector<16xf32>
          %mul3A_348 = arith.constant 1.275000e+02 : f32
          %mul3A_349 = vector.broadcast %mul3A_348 : f32 to vector<16xf32>
          %mul3A_350 = arith.mulf %add3A_347, %mul3A_349 : vector<16xf32>
          %select_n3A_351 = arith.select %eq3A_337, %get3A_319, %get3A_331 : vector<16xi1>, vector<16xf32>
          %add3A_352 = arith.constant 1.000000e+00 : f32
          %add3A_353 = vector.broadcast %add3A_352 : f32 to vector<16xf32>
          %add3A_354 = arith.addf %select_n3A_351, %add3A_353 : vector<16xf32>
          %mul3A_355 = arith.constant 1.275000e+02 : f32
          %mul3A_356 = vector.broadcast %mul3A_355 : f32 to vector<16xf32>
          %mul3A_357 = arith.mulf %add3A_354, %mul3A_356 : vector<16xf32>
          %convert_element_type3A_358 = arith.fptosi %mul3A_343 : vector<16xf32> to vector<16xi32>
          %convert_element_type3A_359 = arith.fptosi %mul3A_350 : vector<16xf32> to vector<16xi32>
          %convert_element_type3A_360 = arith.fptosi %mul3A_357 : vector<16xf32> to vector<16xi32>
          %convert_element_type3A_361 = arith.sitofp %convert_element_type3A_358 : vector<16xi32> to vector<16xf32>
          %sub3A_362 = arith.subf %mul3A_343, %convert_element_type3A_361 : vector<16xf32>
          %swap3A = arith.index_cast %mul3A_308 : i32 to index
          %swap3A_363 = tpu.vector_load %arg64[%swap3A] {strides = array<i32>} : memref<512xf32, #tpu.memory_space<vmem>>, vector<16xf32>,
          tpu.vector_store %arg64[%swap3A], %sub3A_362 {strides = array<i32>} : memref<512xf32, #tpu.memory_space<vmem>>, vector<16xf32>,
          %convert_element_type3A_364 = arith.sitofp %convert_element_type3A_359 : vector<16xi32> to vector<16xf32>
          %sub3A_365 = arith.subf %mul3A_350, %convert_element_type3A_364 : vector<16xf32>
          %swap3A_366 = arith.index_cast %mul3A_308 : i32 to index
          %swap3A_367 = tpu.vector_load %arg65[%swap3A_366] {strides = array<i32>} : memref<512xf32, #tpu.memory_space<vmem>>, vector<16xf32>,
          tpu.vector_store %arg65[%swap3A_366], %sub3A_365 {strides = array<i32>} : memref<512xf32, #tpu.memory_space<vmem>>, vector<16xf32>,
          %convert_element_type3A_368 = arith.sitofp %convert_element_type3A_360 : vector<16xi32> to vector<16xf32>
          %sub3A_369 = arith.subf %mul3A_357, %convert_element_type3A_368 : vector<16xf32>
          %swap3A_370 = arith.index_cast %mul3A_308 : i32 to index
          %swap3A_371 = tpu.vector_load %arg66[%swap3A_370] {strides = array<i32>} : memref<512xf32, #tpu.memory_space<vmem>>, vector<16xf32>,
          tpu.vector_store %arg66[%swap3A_370], %sub3A_369 {strides = array<i32>} : memref<512xf32, #tpu.memory_space<vmem>>, vector<16xf32>,
          %and3A = arith.constant 128 : i32
          %and3A_372 = vector.broadcast %and3A : i32 to vector<16xi32>
          %and3A_373 = arith.andi %convert_element_type3A_358, %and3A_372 : vector<16xi32>
          %mul3A_374 = arith.constant 7 : i32
          %mul3A_375 = vector.broadcast %mul3A_374 : i32 to vector<16xi32>
          %mul3A_376 = arith.muli %and3A_373, %mul3A_375 : vector<16xi32>
          %add3A_377 = arith.addi %convert_element_type3A_358, %mul3A_376 : vector<16xi32>
          %add3A_378 = arith.constant 1 : i32
          %add3A_379 = vector.broadcast %add3A_378 : i32 to vector<16xi32>
          %add3A_380 = arith.addi %convert_element_type3A_358, %add3A_379 : vector<16xi32>
          %and3A_381 = arith.constant 128 : i32
          %and3A_382 = vector.broadcast %and3A_381 : i32 to vector<16xi32>
          %and3A_383 = arith.andi %add3A_380, %and3A_382 : vector<16xi32>
          %mul3A_384 = arith.constant 7 : i32
          %mul3A_385 = vector.broadcast %mul3A_384 : i32 to vector<16xi32>
          %mul3A_386 = arith.muli %and3A_383, %mul3A_385 : vector<16xi32>
          %add3A_387 = arith.addi %add3A_380, %mul3A_386 : vector<16xi32>
          %shift_left3A = arith.constant 7 : i32
          %shift_left3A_388 = vector.broadcast %shift_left3A : i32 to vector<16xi32>
          %shift_left3A_389 = arith.shli %convert_element_type3A_359, %shift_left3A_388 : vector<16xi32>
          %shift_right_arithmetic3A = arith.constant 3 : i32
          %shift_right_arithmetic3A_390 = vector.broadcast %shift_right_arithmetic3A : i32 to vector<16xi32>
          %shift_right_arithmetic3A_391 = arith.shrsi %convert_element_type3A_359, %shift_right_arithmetic3A_390 : vector<16xi32>
          %shift_left3A_392 = arith.constant 10 : i32
          %shift_left3A_393 = vector.broadcast %shift_left3A_392 : i32 to vector<16xi32>
          %shift_left3A_394 = arith.shli %shift_right_arithmetic3A_391, %shift_left3A_393 : vector<16xi32>
          %add3A_395 = arith.addi %shift_left3A_389, %shift_left3A_394 : vector<16xi32>
          %add3A_396 = arith.constant 1 : i32
          %add3A_397 = vector.broadcast %add3A_396 : i32 to vector<16xi32>
          %add3A_398 = arith.addi %convert_element_type3A_359, %add3A_397 : vector<16xi32>
          %shift_left3A_399 = arith.constant 7 : i32
          %shift_left3A_400 = vector.broadcast %shift_left3A_399 : i32 to vector<16xi32>
          %shift_left3A_401 = arith.shli %add3A_398, %shift_left3A_400 : vector<16xi32>
          %shift_right_arithmetic3A_402 = arith.constant 3 : i32
          %shift_right_arithmetic3A_403 = vector.broadcast %shift_right_arithmetic3A_402 : i32 to vector<16xi32>
          %shift_right_arithmetic3A_404 = arith.shrsi %add3A_398, %shift_right_arithmetic3A_403 : vector<16xi32>
          %shift_left3A_405 = arith.constant 10 : i32
          %shift_left3A_406 = vector.broadcast %shift_left3A_405 : i32 to vector<16xi32>
          %shift_left3A_407 = arith.shli %shift_right_arithmetic3A_404, %shift_left3A_406 : vector<16xi32>
          %add3A_408 = arith.addi %shift_left3A_401, %shift_left3A_407 : vector<16xi32>
          %jit3A = arith.constant 0 : i32
          %jit3A_409 = arith.constant 16777216 : i32
          %broadcast_in_dim3A = vector.broadcast %jit3A : i32 to vector<16xi32>
          %broadcast_in_dim3A_410 = vector.broadcast %jit3A_409 : i32 to vector<16xi32>
          %select_n3A_411 = arith.select %eq3A_337, %broadcast_in_dim3A, %broadcast_in_dim3A_410 : vector<16xi1>, vector<16xi32>
          %shift_left3A_412 = arith.constant 16 : i32
          %shift_left3A_413 = vector.broadcast %shift_left3A_412 : i32 to vector<16xi32>
          %shift_left3A_414 = arith.shli %convert_element_type3A_360, %shift_left3A_413 : vector<16xi32>
          %add3A_415 = arith.addi %select_n3A_411, %shift_left3A_414 : vector<16xi32>
          %add3A_416 = arith.addi %add3A_415, %add3A_395 : vector<16xi32>
          %add3A_417 = arith.addi %add3A_415, %add3A_408 : vector<16xi32>
          %add3A_418 = arith.constant 65536 : i32
          %add3A_419 = vector.broadcast %add3A_418 : i32 to vector<16xi32>
          %add3A_420 = arith.addi %add3A_416, %add3A_419 : vector<16xi32>
          %add3A_421 = arith.constant 65536 : i32
          %add3A_422 = vector.broadcast %add3A_421 : i32 to vector<16xi32>
          %add3A_423 = arith.addi %add3A_417, %add3A_422 : vector<16xi32>
          %add3A_424 = arith.addi %add3A_416, %add3A_377 : vector<16xi32>
          %add3A_425 = arith.constant 0 : i32
          %add3A_426 = arith.addi %add3A_425, %mul3A_308 : i32
          %swap3A_427 = arith.index_cast %add3A_426 : i32 to index
          %swap3A_428 = tpu.vector_load %arg62[%swap3A_427] {strides = array<i32>} : memref<4096xi32, #tpu.memory_space<vmem>>, vector<16xi32>,
          tpu.vector_store %arg62[%swap3A_427], %add3A_424 {strides = array<i32>} : memref<4096xi32, #tpu.memory_space<vmem>>, vector<16xi32>,
          %add3A_429 = arith.addi %add3A_416, %add3A_387 : vector<16xi32>
          %add3A_430 = arith.constant 512 : i32
          %add3A_431 = arith.addi %add3A_430, %mul3A_308 : i32
          %swap3A_432 = arith.index_cast %add3A_431 : i32 to index
          %swap3A_433 = tpu.vector_load %arg62[%swap3A_432] {strides = array<i32>} : memref<4096xi32, #tpu.memory_space<vmem>>, vector<16xi32>,
          tpu.vector_store %arg62[%swap3A_432], %add3A_429 {strides = array<i32>} : memref<4096xi32, #tpu.memory_space<vmem>>, vector<16xi32>,
          %add3A_434 = arith.addi %add3A_417, %add3A_377 : vector<16xi32>
          %add3A_435 = arith.constant 1024 : i32
          %add3A_436 = arith.addi %add3A_435, %mul3A_308 : i32
          %swap3A_437 = arith.index_cast %add3A_436 : i32 to index
          %swap3A_438 = tpu.vector_load %arg62[%swap3A_437] {strides = array<i32>} : memref<4096xi32, #tpu.memory_space<vmem>>, vector<16xi32>,
          tpu.vector_store %arg62[%swap3A_437], %add3A_434 {strides = array<i32>} : memref<4096xi32, #tpu.memory_space<vmem>>, vector<16xi32>,
          %add3A_439 = arith.addi %add3A_417, %add3A_387 : vector<16xi32>
          %add3A_440 = arith.constant 1536 : i32
          %add3A_441 = arith.addi %add3A_440, %mul3A_308 : i32
          %swap3A_442 = arith.index_cast %add3A_441 : i32 to index
          %swap3A_443 = tpu.vector_load %arg62[%swap3A_442] {strides = array<i32>} : memref<4096xi32, #tpu.memory_space<vmem>>, vector<16xi32>,
          tpu.vector_store %arg62[%swap3A_442], %add3A_439 {strides = array<i32>} : memref<4096xi32, #tpu.memory_space<vmem>>, vector<16xi32>,
          %add3A_444 = arith.addi %add3A_420, %add3A_377 : vector<16xi32>
          %add3A_445 = arith.constant 2048 : i32
          %add3A_446 = arith.addi %add3A_445, %mul3A_308 : i32
          %swap3A_447 = arith.index_cast %add3A_446 : i32 to index
          %swap3A_448 = tpu.vector_load %arg62[%swap3A_447] {strides = array<i32>} : memref<4096xi32, #tpu.memory_space<vmem>>, vector<16xi32>,
          tpu.vector_store %arg62[%swap3A_447], %add3A_444 {strides = array<i32>} : memref<4096xi32, #tpu.memory_space<vmem>>, vector<16xi32>,
          %add3A_449 = arith.addi %add3A_420, %add3A_387 : vector<16xi32>
          %add3A_450 = arith.constant 2560 : i32
          %add3A_451 = arith.addi %add3A_450, %mul3A_308 : i32
          %swap3A_452 = arith.index_cast %add3A_451 : i32 to index
          %swap3A_453 = tpu.vector_load %arg62[%swap3A_452] {strides = array<i32>} : memref<4096xi32, #tpu.memory_space<vmem>>, vector<16xi32>,
          tpu.vector_store %arg62[%swap3A_452], %add3A_449 {strides = array<i32>} : memref<4096xi32, #tpu.memory_space<vmem>>, vector<16xi32>,
          %add3A_454 = arith.addi %add3A_423, %add3A_377 : vector<16xi32>
          %add3A_455 = arith.constant 3072 : i32
          %add3A_456 = arith.addi %add3A_455, %mul3A_308 : i32
          %swap3A_457 = arith.index_cast %add3A_456 : i32 to index
          %swap3A_458 = tpu.vector_load %arg62[%swap3A_457] {strides = array<i32>} : memref<4096xi32, #tpu.memory_space<vmem>>, vector<16xi32>,
          tpu.vector_store %arg62[%swap3A_457], %add3A_454 {strides = array<i32>} : memref<4096xi32, #tpu.memory_space<vmem>>, vector<16xi32>,
          %add3A_459 = arith.addi %add3A_423, %add3A_387 : vector<16xi32>
          %add3A_460 = arith.constant 3584 : i32
          %add3A_461 = arith.addi %add3A_460, %mul3A_308 : i32
          %swap3A_462 = arith.index_cast %add3A_461 : i32 to index
          %swap3A_463 = tpu.vector_load %arg62[%swap3A_462] {strides = array<i32>} : memref<4096xi32, #tpu.memory_space<vmem>>, vector<16xi32>,
          tpu.vector_store %arg62[%swap3A_462], %add3A_459 {strides = array<i32>} : memref<4096xi32, #tpu.memory_space<vmem>>, vector<16xi32>,
        }
        %scan3A_303 = arith.constant 32 : i32
        %dma_start3A_304 = arith.constant 0 : i32
        %dma_start3A_305 = tpu.memref_slice %arg3[%dma_start3A_304] : memref<33554432xf32, #tpu.memory_space<hbm>> -> memref<33554432xf32, #tpu.memory_space<hbm>>
        tpu.enqueue_indirect_dma source(%dma_start3A_305 : memref<33554432xf32, #tpu.memory_space<hbm>>) target(%arg63 : memref<4096xf32, #tpu.memory_space<vmem>>) offsets(%arg62 : memref<4096xi32, #tpu.memory_space<vmem>>) semaphore(%arg68 : memref<!tpu.dma_semaphore, #tpu.memory_space<semaphore_mem>>)
      } else {
      }
      %dma_wait3A = arith.constant 0 : i32
      %dma_wait3A_99 = tpu.memref_slice %arg3[%dma_wait3A] : memref<33554432xf32, #tpu.memory_space<hbm>> -> memref<33554432xf32, #tpu.memory_space<hbm>>
      tpu.wait_indirect_dma semaphore(%arg12 : memref<!tpu.dma_semaphore, #tpu.memory_space<semaphore_mem>>) src(%dma_wait3A_99 : memref<33554432xf32, #tpu.memory_space<hbm>>) dst(%arg7 : memref<4096xf32, #tpu.memory_space<vmem>>)
      %scan3A_100 = arith.constant 0 : i32
      %scan3A_101 = arith.constant 0 : i32
      %scan3A_102 = arith.constant 32 : i32
      %scan3A_103 = arith.addi %scan3A_101, %scan3A_102 : i32
      %scan3A_104 = arith.constant 1 : i32
      scf.for %scan3A_293 = %scan3A_101 to %scan3A_103 step %scan3A_104  : i32 {
        %mul3A_294 = arith.constant 16 : i32
        %mul3A_295 = arith.muli %scan3A_293, %mul3A_294 : i32
        %get3A = arith.index_cast %mul3A_295 : i32 to index
        %get3A_296 = tpu.vector_load %arg8[%get3A] {strides = array<i32>} : memref<512xf32, #tpu.memory_space<vmem>>, vector<16xf32>,
        %get3A_297 = arith.index_cast %mul3A_295 : i32 to index
        %get3A_298 = tpu.vector_load %arg9[%get3A_297] {strides = array<i32>} : memref<512xf32, #tpu.memory_space<vmem>>, vector<16xf32>,
        %get3A_299 = arith.index_cast %mul3A_295 : i32 to index
        %get3A_300 = tpu.vector_load %arg10[%get3A_299] {strides = array<i32>} : memref<512xf32, #tpu.memory_space<vmem>>, vector<16xf32>,
        %add3A_301 = arith.constant 0 : i32
        %add3A_302 = arith.addi %add3A_301, %mul3A_295 : i32
        %get3A_303 = arith.index_cast %add3A_302 : i32 to index
        %get3A_304 = tpu.vector_load %arg7[%get3A_303] {strides = array<i32>} : memref<4096xf32, #tpu.memory_space<vmem>>, vector<16xf32>,
        %add3A_305 = arith.constant 512 : i32
        %add3A_306 = arith.addi %add3A_305, %mul3A_295 : i32
        %get3A_307 = arith.index_cast %add3A_306 : i32 to index
        %get3A_308 = tpu.vector_load %arg7[%get3A_307] {strides = array<i32>} : memref<4096xf32, #tpu.memory_space<vmem>>, vector<16xf32>,
        %add3A_309 = arith.constant 1024 : i32
        %add3A_310 = arith.addi %add3A_309, %mul3A_295 : i32
        %get3A_311 = arith.index_cast %add3A_310 : i32 to index
        %get3A_312 = tpu.vector_load %arg7[%get3A_311] {strides = array<i32>} : memref<4096xf32, #tpu.memory_space<vmem>>, vector<16xf32>,
        %add3A_313 = arith.constant 1536 : i32
        %add3A_314 = arith.addi %add3A_313, %mul3A_295 : i32
        %get3A_315 = arith.index_cast %add3A_314 : i32 to index
        %get3A_316 = tpu.vector_load %arg7[%get3A_315] {strides = array<i32>} : memref<4096xf32, #tpu.memory_space<vmem>>, vector<16xf32>,
        %add3A_317 = arith.constant 2048 : i32
        %add3A_318 = arith.addi %add3A_317, %mul3A_295 : i32
        %get3A_319 = arith.index_cast %add3A_318 : i32 to index
        %get3A_320 = tpu.vector_load %arg7[%get3A_319] {strides = array<i32>} : memref<4096xf32, #tpu.memory_space<vmem>>, vector<16xf32>,
        %add3A_321 = arith.constant 2560 : i32
        %add3A_322 = arith.addi %add3A_321, %mul3A_295 : i32
        %get3A_323 = arith.index_cast %add3A_322 : i32 to index
        %get3A_324 = tpu.vector_load %arg7[%get3A_323] {strides = array<i32>} : memref<4096xf32, #tpu.memory_space<vmem>>, vector<16xf32>,
        %add3A_325 = arith.constant 3072 : i32
        %add3A_326 = arith.addi %add3A_325, %mul3A_295 : i32
        %get3A_327 = arith.index_cast %add3A_326 : i32 to index
        %get3A_328 = tpu.vector_load %arg7[%get3A_327] {strides = array<i32>} : memref<4096xf32, #tpu.memory_space<vmem>>, vector<16xf32>,
        %add3A_329 = arith.constant 3584 : i32
        %add3A_330 = arith.addi %add3A_329, %mul3A_295 : i32
        %get3A_331 = arith.index_cast %add3A_330 : i32 to index
        %get3A_332 = tpu.vector_load %arg7[%get3A_331] {strides = array<i32>} : memref<4096xf32, #tpu.memory_space<vmem>>, vector<16xf32>,
        %sub3A_333 = arith.subf %get3A_308, %get3A_304 : vector<16xf32>
        %mul3A_334 = arith.mulf %get3A_296, %sub3A_333 : vector<16xf32>
        %add3A_335 = arith.addf %get3A_304, %mul3A_334 : vector<16xf32>
        %sub3A_336 = arith.subf %get3A_316, %get3A_312 : vector<16xf32>
        %mul3A_337 = arith.mulf %get3A_296, %sub3A_336 : vector<16xf32>
        %add3A_338 = arith.addf %get3A_312, %mul3A_337 : vector<16xf32>
        %sub3A_339 = arith.subf %get3A_324, %get3A_320 : vector<16xf32>
        %mul3A_340 = arith.mulf %get3A_296, %sub3A_339 : vector<16xf32>
        %add3A_341 = arith.addf %get3A_320, %mul3A_340 : vector<16xf32>
        %sub3A_342 = arith.subf %get3A_332, %get3A_328 : vector<16xf32>
        %mul3A_343 = arith.mulf %get3A_296, %sub3A_342 : vector<16xf32>
        %add3A_344 = arith.addf %get3A_328, %mul3A_343 : vector<16xf32>
        %sub3A_345 = arith.subf %add3A_338, %add3A_335 : vector<16xf32>
        %mul3A_346 = arith.mulf %get3A_298, %sub3A_345 : vector<16xf32>
        %add3A_347 = arith.addf %add3A_335, %mul3A_346 : vector<16xf32>
        %sub3A_348 = arith.subf %add3A_344, %add3A_341 : vector<16xf32>
        %mul3A_349 = arith.mulf %get3A_298, %sub3A_348 : vector<16xf32>
        %add3A_350 = arith.addf %add3A_341, %mul3A_349 : vector<16xf32>
        %sub3A_351 = arith.subf %add3A_350, %add3A_347 : vector<16xf32>
        %mul3A_352 = arith.mulf %get3A_300, %sub3A_351 : vector<16xf32>
        %add3A_353 = arith.addf %add3A_347, %mul3A_352 : vector<16xf32>
        %swap3A = arith.index_cast %mul3A_295 : i32 to index
        %swap3A_354 = tpu.vector_load %arg11[%swap3A] {strides = array<i32>} : memref<512xf32, #tpu.memory_space<vmem>>, vector<16xf32>,
        tpu.vector_store %arg11[%swap3A], %add3A_353 {strides = array<i32>} : memref<512xf32, #tpu.memory_space<vmem>>, vector<16xf32>,
      }
      %scan3A_105 = arith.constant 32 : i32
      %mul3A_106 = arith.constant 32768 : i32
      %mul3A_107 = arith.muli %add3A, %mul3A_106 : i32
      %mul3A_108 = arith.constant 512 : i32
      %mul3A_109 = arith.muli %add3A_93, %mul3A_108 : i32
      %add3A_110 = arith.addi %mul3A_107, %mul3A_109 : i32
      "tpu.region"() ({
        %run_scoped3A = tpu.sem_alloc : memref<!tpu.dma_semaphore, #tpu.memory_space<semaphore_mem>>
        %dma_start3A_293 = tpu.memref_slice %arg4[%add3A_110] : memref<1048576xf32, #tpu.memory_space<hbm>> -> memref<512xf32, #tpu.memory_space<hbm>>
        %dma_start3A_294 = tpu.memref_slice %arg4[%add3A_110] : memref<1048576xf32, #tpu.memory_space<hbm>> -> memref<512xf32, #tpu.memory_space<hbm>>
        tpu.enqueue_dma source(%arg11 : memref<512xf32, #tpu.memory_space<vmem>>) target(%dma_start3A_294 : memref<512xf32, #tpu.memory_space<hbm>>) target_semaphore(%run_scoped3A : memref<!tpu.dma_semaphore, #tpu.memory_space<semaphore_mem>>)
        %dma_wait3A_295 = tpu.memref_slice %arg4[%add3A_110] : memref<1048576xf32, #tpu.memory_space<hbm>> -> memref<512xf32, #tpu.memory_space<hbm>>
        %dma_wait3A_296 = tpu.memref_slice %arg4[%add3A_110] : memref<1048576xf32, #tpu.memory_space<hbm>> -> memref<512xf32, #tpu.memory_space<hbm>>
        tpu.wait_dma2 semaphore(%run_scoped3A : memref<!tpu.dma_semaphore, #tpu.memory_space<semaphore_mem>>) src(%arg11 : memref<512xf32, #tpu.memory_space<vmem>>) dst(%dma_wait3A_296 : memref<512xf32, #tpu.memory_space<hbm>>)
        tpu.yield
      }) : () -> ()
      %mul3A_111 = arith.constant 8 : i32
      %mul3A_112 = arith.muli %scan3A_89, %mul3A_111 : i32
      %add3A_113 = arith.constant 1 : i32
      %add3A_114 = arith.addi %mul3A_112, %add3A_113 : i32
      %add3A_115 = arith.constant 8 : i32
      %add3A_116 = arith.addi %add3A_114, %add3A_115 : i32
      %sub3A_117 = arith.constant 1 : i32
      %sub3A_118 = arith.subi %add3A_116, %sub3A_117 : i32
      %lt3A_119 = arith.constant 64 : i32
      %lt3A_120 = arith.cmpi slt, %sub3A_118, %lt3A_119 : i32
      %convert_element_type3A_121 = arith.extui %lt3A_120 : i1 to i32
      %cond3A_122 = arith.constant 0 : i32
      %cond3A_123 = arith.cmpi ne, %convert_element_type3A_121, %cond3A_122 : i32
      scf.if %cond3A_123 {
        %mul3A_293 = arith.constant 32768 : i32
        %mul3A_294 = arith.muli %add3A, %mul3A_293 : i32
        %mul3A_295 = arith.constant 512 : i32
        %mul3A_296 = arith.muli %sub3A_118, %mul3A_295 : i32
        %add3A_297 = arith.addi %mul3A_294, %mul3A_296 : i32
        "tpu.region"() ({
          %run_scoped3A = tpu.sem_alloc : memref<!tpu.dma_semaphore, #tpu.memory_space<semaphore_mem>>
          %dma_start3A_306 = arith.constant 0 : i32
          %dma_start3A_307 = tpu.memref_slice %arg2[%dma_start3A_306, %add3A_297] : memref<7x1048576xf32, #tpu.memory_space<hbm>> -> memref<7x512xf32, #tpu.memory_space<hbm>>
          %dma_start3A_308 = arith.constant 0 : i32
          %dma_start3A_309 = tpu.memref_slice %arg2[%dma_start3A_308, %add3A_297] : memref<7x1048576xf32, #tpu.memory_space<hbm>> -> memref<7x512xf32, #tpu.memory_space<hbm>>
          tpu.enqueue_dma source(%dma_start3A_309 : memref<7x512xf32, #tpu.memory_space<hbm>>) target(%arg5 : memref<7x512xf32, #tpu.memory_space<vmem>>) target_semaphore(%run_scoped3A : memref<!tpu.dma_semaphore, #tpu.memory_space<semaphore_mem>>)
          %dma_wait3A_310 = arith.constant 0 : i32
          %dma_wait3A_311 = tpu.memref_slice %arg2[%dma_wait3A_310, %add3A_297] : memref<7x1048576xf32, #tpu.memory_space<hbm>> -> memref<7x512xf32, #tpu.memory_space<hbm>>
          %dma_wait3A_312 = arith.constant 0 : i32
          %dma_wait3A_313 = tpu.memref_slice %arg2[%dma_wait3A_312, %add3A_297] : memref<7x1048576xf32, #tpu.memory_space<hbm>> -> memref<7x512xf32, #tpu.memory_space<hbm>>
          tpu.wait_dma2 semaphore(%run_scoped3A : memref<!tpu.dma_semaphore, #tpu.memory_space<semaphore_mem>>) src(%dma_wait3A_313 : memref<7x512xf32, #tpu.memory_space<hbm>>) dst(%arg5 : memref<7x512xf32, #tpu.memory_space<vmem>>)
          tpu.yield
        }) : () -> ()
        %scan3A_298 = arith.constant 0 : i32
        %scan3A_299 = arith.constant 0 : i32
        %scan3A_300 = arith.constant 32 : i32
        %scan3A_301 = arith.addi %scan3A_299, %scan3A_300 : i32
        %scan3A_302 = arith.constant 1 : i32
        scf.for %scan3A_306 = %scan3A_299 to %scan3A_301 step %scan3A_302  : i32 {
          %mul3A_307 = arith.constant 16 : i32
          %mul3A_308 = arith.muli %scan3A_306, %mul3A_307 : i32
          %get3A = arith.constant 0 : i32
          %get3A_309 = arith.index_cast %get3A : i32 to index
          %get3A_310 = arith.index_cast %mul3A_308 : i32 to index
          %get3A_311 = tpu.vector_load %arg5[%get3A_309, %get3A_310] {strides = array<i32>} : memref<7x512xf32, #tpu.memory_space<vmem>>, vector<16xf32>,
          %get3A_312 = arith.constant 1 : i32
          %get3A_313 = arith.index_cast %get3A_312 : i32 to index
          %get3A_314 = arith.index_cast %mul3A_308 : i32 to index
          %get3A_315 = tpu.vector_load %arg5[%get3A_313, %get3A_314] {strides = array<i32>} : memref<7x512xf32, #tpu.memory_space<vmem>>, vector<16xf32>,
          %get3A_316 = arith.constant 2 : i32
          %get3A_317 = arith.index_cast %get3A_316 : i32 to index
          %get3A_318 = arith.index_cast %mul3A_308 : i32 to index
          %get3A_319 = tpu.vector_load %arg5[%get3A_317, %get3A_318] {strides = array<i32>} : memref<7x512xf32, #tpu.memory_space<vmem>>, vector<16xf32>,
          %get3A_320 = arith.constant 3 : i32
          %get3A_321 = arith.index_cast %get3A_320 : i32 to index
          %get3A_322 = arith.index_cast %mul3A_308 : i32 to index
          %get3A_323 = tpu.vector_load %arg5[%get3A_321, %get3A_322] {strides = array<i32>} : memref<7x512xf32, #tpu.memory_space<vmem>>, vector<16xf32>,
          %get3A_324 = arith.constant 4 : i32
          %get3A_325 = arith.index_cast %get3A_324 : i32 to index
          %get3A_326 = arith.index_cast %mul3A_308 : i32 to index
          %get3A_327 = tpu.vector_load %arg5[%get3A_325, %get3A_326] {strides = array<i32>} : memref<7x512xf32, #tpu.memory_space<vmem>>, vector<16xf32>,
          %get3A_328 = arith.constant 5 : i32
          %get3A_329 = arith.index_cast %get3A_328 : i32 to index
          %get3A_330 = arith.index_cast %mul3A_308 : i32 to index
          %get3A_331 = tpu.vector_load %arg5[%get3A_329, %get3A_330] {strides = array<i32>} : memref<7x512xf32, #tpu.memory_space<vmem>>, vector<16xf32>,
          %get3A_332 = arith.constant 6 : i32
          %get3A_333 = arith.index_cast %get3A_332 : i32 to index
          %get3A_334 = arith.index_cast %mul3A_308 : i32 to index
          %get3A_335 = tpu.vector_load %arg5[%get3A_333, %get3A_334] {strides = array<i32>} : memref<7x512xf32, #tpu.memory_space<vmem>>, vector<16xf32>,
          %eq3A = arith.constant 0.000000e+00 : f32
          %eq3A_336 = vector.broadcast %eq3A : f32 to vector<16xf32>
          %eq3A_337 = arith.cmpf oeq, %get3A_335, %eq3A_336 : vector<16xf32>
          %select_n3A = arith.select %eq3A_337, %get3A_311, %get3A_323 : vector<16xi1>, vector<16xf32>
          %add3A_338 = arith.constant 1.000000e+00 : f32
          %add3A_339 = vector.broadcast %add3A_338 : f32 to vector<16xf32>
          %add3A_340 = arith.addf %select_n3A, %add3A_339 : vector<16xf32>
          %mul3A_341 = arith.constant 1.275000e+02 : f32
          %mul3A_342 = vector.broadcast %mul3A_341 : f32 to vector<16xf32>
          %mul3A_343 = arith.mulf %add3A_340, %mul3A_342 : vector<16xf32>
          %select_n3A_344 = arith.select %eq3A_337, %get3A_315, %get3A_327 : vector<16xi1>, vector<16xf32>
          %add3A_345 = arith.constant 1.000000e+00 : f32
          %add3A_346 = vector.broadcast %add3A_345 : f32 to vector<16xf32>
          %add3A_347 = arith.addf %select_n3A_344, %add3A_346 : vector<16xf32>
          %mul3A_348 = arith.constant 1.275000e+02 : f32
          %mul3A_349 = vector.broadcast %mul3A_348 : f32 to vector<16xf32>
          %mul3A_350 = arith.mulf %add3A_347, %mul3A_349 : vector<16xf32>
          %select_n3A_351 = arith.select %eq3A_337, %get3A_319, %get3A_331 : vector<16xi1>, vector<16xf32>
          %add3A_352 = arith.constant 1.000000e+00 : f32
          %add3A_353 = vector.broadcast %add3A_352 : f32 to vector<16xf32>
          %add3A_354 = arith.addf %select_n3A_351, %add3A_353 : vector<16xf32>
          %mul3A_355 = arith.constant 1.275000e+02 : f32
          %mul3A_356 = vector.broadcast %mul3A_355 : f32 to vector<16xf32>
          %mul3A_357 = arith.mulf %add3A_354, %mul3A_356 : vector<16xf32>
          %convert_element_type3A_358 = arith.fptosi %mul3A_343 : vector<16xf32> to vector<16xi32>
          %convert_element_type3A_359 = arith.fptosi %mul3A_350 : vector<16xf32> to vector<16xi32>
          %convert_element_type3A_360 = arith.fptosi %mul3A_357 : vector<16xf32> to vector<16xi32>
          %convert_element_type3A_361 = arith.sitofp %convert_element_type3A_358 : vector<16xi32> to vector<16xf32>
          %sub3A_362 = arith.subf %mul3A_343, %convert_element_type3A_361 : vector<16xf32>
          %swap3A = arith.index_cast %mul3A_308 : i32 to index
          %swap3A_363 = tpu.vector_load %arg8[%swap3A] {strides = array<i32>} : memref<512xf32, #tpu.memory_space<vmem>>, vector<16xf32>,
          tpu.vector_store %arg8[%swap3A], %sub3A_362 {strides = array<i32>} : memref<512xf32, #tpu.memory_space<vmem>>, vector<16xf32>,
          %convert_element_type3A_364 = arith.sitofp %convert_element_type3A_359 : vector<16xi32> to vector<16xf32>
          %sub3A_365 = arith.subf %mul3A_350, %convert_element_type3A_364 : vector<16xf32>
          %swap3A_366 = arith.index_cast %mul3A_308 : i32 to index
          %swap3A_367 = tpu.vector_load %arg9[%swap3A_366] {strides = array<i32>} : memref<512xf32, #tpu.memory_space<vmem>>, vector<16xf32>,
          tpu.vector_store %arg9[%swap3A_366], %sub3A_365 {strides = array<i32>} : memref<512xf32, #tpu.memory_space<vmem>>, vector<16xf32>,
          %convert_element_type3A_368 = arith.sitofp %convert_element_type3A_360 : vector<16xi32> to vector<16xf32>
          %sub3A_369 = arith.subf %mul3A_357, %convert_element_type3A_368 : vector<16xf32>
          %swap3A_370 = arith.index_cast %mul3A_308 : i32 to index
          %swap3A_371 = tpu.vector_load %arg10[%swap3A_370] {strides = array<i32>} : memref<512xf32, #tpu.memory_space<vmem>>, vector<16xf32>,
          tpu.vector_store %arg10[%swap3A_370], %sub3A_369 {strides = array<i32>} : memref<512xf32, #tpu.memory_space<vmem>>, vector<16xf32>,
          %and3A = arith.constant 128 : i32
          %and3A_372 = vector.broadcast %and3A : i32 to vector<16xi32>
          %and3A_373 = arith.andi %convert_element_type3A_358, %and3A_372 : vector<16xi32>
          %mul3A_374 = arith.constant 7 : i32
          %mul3A_375 = vector.broadcast %mul3A_374 : i32 to vector<16xi32>
          %mul3A_376 = arith.muli %and3A_373, %mul3A_375 : vector<16xi32>
          %add3A_377 = arith.addi %convert_element_type3A_358, %mul3A_376 : vector<16xi32>
          %add3A_378 = arith.constant 1 : i32
          %add3A_379 = vector.broadcast %add3A_378 : i32 to vector<16xi32>
          %add3A_380 = arith.addi %convert_element_type3A_358, %add3A_379 : vector<16xi32>
          %and3A_381 = arith.constant 128 : i32
          %and3A_382 = vector.broadcast %and3A_381 : i32 to vector<16xi32>
          %and3A_383 = arith.andi %add3A_380, %and3A_382 : vector<16xi32>
          %mul3A_384 = arith.constant 7 : i32
          %mul3A_385 = vector.broadcast %mul3A_384 : i32 to vector<16xi32>
          %mul3A_386 = arith.muli %and3A_383, %mul3A_385 : vector<16xi32>
          %add3A_387 = arith.addi %add3A_380, %mul3A_386 : vector<16xi32>
          %shift_left3A = arith.constant 7 : i32
          %shift_left3A_388 = vector.broadcast %shift_left3A : i32 to vector<16xi32>
          %shift_left3A_389 = arith.shli %convert_element_type3A_359, %shift_left3A_388 : vector<16xi32>
          %shift_right_arithmetic3A = arith.constant 3 : i32
          %shift_right_arithmetic3A_390 = vector.broadcast %shift_right_arithmetic3A : i32 to vector<16xi32>
          %shift_right_arithmetic3A_391 = arith.shrsi %convert_element_type3A_359, %shift_right_arithmetic3A_390 : vector<16xi32>
          %shift_left3A_392 = arith.constant 10 : i32
          %shift_left3A_393 = vector.broadcast %shift_left3A_392 : i32 to vector<16xi32>
          %shift_left3A_394 = arith.shli %shift_right_arithmetic3A_391, %shift_left3A_393 : vector<16xi32>
          %add3A_395 = arith.addi %shift_left3A_389, %shift_left3A_394 : vector<16xi32>
          %add3A_396 = arith.constant 1 : i32
          %add3A_397 = vector.broadcast %add3A_396 : i32 to vector<16xi32>
          %add3A_398 = arith.addi %convert_element_type3A_359, %add3A_397 : vector<16xi32>
          %shift_left3A_399 = arith.constant 7 : i32
          %shift_left3A_400 = vector.broadcast %shift_left3A_399 : i32 to vector<16xi32>
          %shift_left3A_401 = arith.shli %add3A_398, %shift_left3A_400 : vector<16xi32>
          %shift_right_arithmetic3A_402 = arith.constant 3 : i32
          %shift_right_arithmetic3A_403 = vector.broadcast %shift_right_arithmetic3A_402 : i32 to vector<16xi32>
          %shift_right_arithmetic3A_404 = arith.shrsi %add3A_398, %shift_right_arithmetic3A_403 : vector<16xi32>
          %shift_left3A_405 = arith.constant 10 : i32
          %shift_left3A_406 = vector.broadcast %shift_left3A_405 : i32 to vector<16xi32>
          %shift_left3A_407 = arith.shli %shift_right_arithmetic3A_404, %shift_left3A_406 : vector<16xi32>
          %add3A_408 = arith.addi %shift_left3A_401, %shift_left3A_407 : vector<16xi32>
          %jit3A = arith.constant 0 : i32
          %jit3A_409 = arith.constant 16777216 : i32
          %broadcast_in_dim3A = vector.broadcast %jit3A : i32 to vector<16xi32>
          %broadcast_in_dim3A_410 = vector.broadcast %jit3A_409 : i32 to vector<16xi32>
          %select_n3A_411 = arith.select %eq3A_337, %broadcast_in_dim3A, %broadcast_in_dim3A_410 : vector<16xi1>, vector<16xi32>
          %shift_left3A_412 = arith.constant 16 : i32
          %shift_left3A_413 = vector.broadcast %shift_left3A_412 : i32 to vector<16xi32>
          %shift_left3A_414 = arith.shli %convert_element_type3A_360, %shift_left3A_413 : vector<16xi32>
          %add3A_415 = arith.addi %select_n3A_411, %shift_left3A_414 : vector<16xi32>
          %add3A_416 = arith.addi %add3A_415, %add3A_395 : vector<16xi32>
          %add3A_417 = arith.addi %add3A_415, %add3A_408 : vector<16xi32>
          %add3A_418 = arith.constant 65536 : i32
          %add3A_419 = vector.broadcast %add3A_418 : i32 to vector<16xi32>
          %add3A_420 = arith.addi %add3A_416, %add3A_419 : vector<16xi32>
          %add3A_421 = arith.constant 65536 : i32
          %add3A_422 = vector.broadcast %add3A_421 : i32 to vector<16xi32>
          %add3A_423 = arith.addi %add3A_417, %add3A_422 : vector<16xi32>
          %add3A_424 = arith.addi %add3A_416, %add3A_377 : vector<16xi32>
          %add3A_425 = arith.constant 0 : i32
          %add3A_426 = arith.addi %add3A_425, %mul3A_308 : i32
          %swap3A_427 = arith.index_cast %add3A_426 : i32 to index
          %swap3A_428 = tpu.vector_load %arg6[%swap3A_427] {strides = array<i32>} : memref<4096xi32, #tpu.memory_space<vmem>>, vector<16xi32>,
          tpu.vector_store %arg6[%swap3A_427], %add3A_424 {strides = array<i32>} : memref<4096xi32, #tpu.memory_space<vmem>>, vector<16xi32>,
          %add3A_429 = arith.addi %add3A_416, %add3A_387 : vector<16xi32>
          %add3A_430 = arith.constant 512 : i32
          %add3A_431 = arith.addi %add3A_430, %mul3A_308 : i32
          %swap3A_432 = arith.index_cast %add3A_431 : i32 to index
          %swap3A_433 = tpu.vector_load %arg6[%swap3A_432] {strides = array<i32>} : memref<4096xi32, #tpu.memory_space<vmem>>, vector<16xi32>,
          tpu.vector_store %arg6[%swap3A_432], %add3A_429 {strides = array<i32>} : memref<4096xi32, #tpu.memory_space<vmem>>, vector<16xi32>,
          %add3A_434 = arith.addi %add3A_417, %add3A_377 : vector<16xi32>
          %add3A_435 = arith.constant 1024 : i32
          %add3A_436 = arith.addi %add3A_435, %mul3A_308 : i32
          %swap3A_437 = arith.index_cast %add3A_436 : i32 to index
          %swap3A_438 = tpu.vector_load %arg6[%swap3A_437] {strides = array<i32>} : memref<4096xi32, #tpu.memory_space<vmem>>, vector<16xi32>,
          tpu.vector_store %arg6[%swap3A_437], %add3A_434 {strides = array<i32>} : memref<4096xi32, #tpu.memory_space<vmem>>, vector<16xi32>,
          %add3A_439 = arith.addi %add3A_417, %add3A_387 : vector<16xi32>
          %add3A_440 = arith.constant 1536 : i32
          %add3A_441 = arith.addi %add3A_440, %mul3A_308 : i32
          %swap3A_442 = arith.index_cast %add3A_441 : i32 to index
          %swap3A_443 = tpu.vector_load %arg6[%swap3A_442] {strides = array<i32>} : memref<4096xi32, #tpu.memory_space<vmem>>, vector<16xi32>,
          tpu.vector_store %arg6[%swap3A_442], %add3A_439 {strides = array<i32>} : memref<4096xi32, #tpu.memory_space<vmem>>, vector<16xi32>,
          %add3A_444 = arith.addi %add3A_420, %add3A_377 : vector<16xi32>
          %add3A_445 = arith.constant 2048 : i32
          %add3A_446 = arith.addi %add3A_445, %mul3A_308 : i32
          %swap3A_447 = arith.index_cast %add3A_446 : i32 to index
          %swap3A_448 = tpu.vector_load %arg6[%swap3A_447] {strides = array<i32>} : memref<4096xi32, #tpu.memory_space<vmem>>, vector<16xi32>,
          tpu.vector_store %arg6[%swap3A_447], %add3A_444 {strides = array<i32>} : memref<4096xi32, #tpu.memory_space<vmem>>, vector<16xi32>,
          %add3A_449 = arith.addi %add3A_420, %add3A_387 : vector<16xi32>
          %add3A_450 = arith.constant 2560 : i32
          %add3A_451 = arith.addi %add3A_450, %mul3A_308 : i32
          %swap3A_452 = arith.index_cast %add3A_451 : i32 to index
          %swap3A_453 = tpu.vector_load %arg6[%swap3A_452] {strides = array<i32>} : memref<4096xi32, #tpu.memory_space<vmem>>, vector<16xi32>,
          tpu.vector_store %arg6[%swap3A_452], %add3A_449 {strides = array<i32>} : memref<4096xi32, #tpu.memory_space<vmem>>, vector<16xi32>,
          %add3A_454 = arith.addi %add3A_423, %add3A_377 : vector<16xi32>
          %add3A_455 = arith.constant 3072 : i32
          %add3A_456 = arith.addi %add3A_455, %mul3A_308 : i32
          %swap3A_457 = arith.index_cast %add3A_456 : i32 to index
          %swap3A_458 = tpu.vector_load %arg6[%swap3A_457] {strides = array<i32>} : memref<4096xi32, #tpu.memory_space<vmem>>, vector<16xi32>,
          tpu.vector_store %arg6[%swap3A_457], %add3A_454 {strides = array<i32>} : memref<4096xi32, #tpu.memory_space<vmem>>, vector<16xi32>,
          %add3A_459 = arith.addi %add3A_423, %add3A_387 : vector<16xi32>
          %add3A_460 = arith.constant 3584 : i32
          %add3A_461 = arith.addi %add3A_460, %mul3A_308 : i32
          %swap3A_462 = arith.index_cast %add3A_461 : i32 to index
          %swap3A_463 = tpu.vector_load %arg6[%swap3A_462] {strides = array<i32>} : memref<4096xi32, #tpu.memory_space<vmem>>, vector<16xi32>,
          tpu.vector_store %arg6[%swap3A_462], %add3A_459 {strides = array<i32>} : memref<4096xi32, #tpu.memory_space<vmem>>, vector<16xi32>,
        }
        %scan3A_303 = arith.constant 32 : i32
        %dma_start3A_304 = arith.constant 0 : i32
        %dma_start3A_305 = tpu.memref_slice %arg3[%dma_start3A_304] : memref<33554432xf32, #tpu.memory_space<hbm>> -> memref<33554432xf32, #tpu.memory_space<hbm>>
        tpu.enqueue_indirect_dma source(%dma_start3A_305 : memref<33554432xf32, #tpu.memory_space<hbm>>) target(%arg7 : memref<4096xf32, #tpu.memory_space<vmem>>) offsets(%arg6 : memref<4096xi32, #tpu.memory_space<vmem>>) semaphore(%arg12 : memref<!tpu.dma_semaphore, #tpu.memory_space<semaphore_mem>>)
      } else {
      }
      %dma_wait3A_124 = arith.constant 0 : i32
      %dma_wait3A_125 = tpu.memref_slice %arg3[%dma_wait3A_124] : memref<33554432xf32, #tpu.memory_space<hbm>> -> memref<33554432xf32, #tpu.memory_space<hbm>>
      tpu.wait_indirect_dma semaphore(%arg20 : memref<!tpu.dma_semaphore, #tpu.memory_space<semaphore_mem>>) src(%dma_wait3A_125 : memref<33554432xf32, #tpu.memory_space<hbm>>) dst(%arg15 : memref<4096xf32, #tpu.memory_space<vmem>>)
      %scan3A_126 = arith.constant 0 : i32
      %scan3A_127 = arith.constant 0 : i32
      %scan3A_128 = arith.constant 32 : i32
      %scan3A_129 = arith.addi %scan3A_127, %scan3A_128 : i32
      %scan3A_130 = arith.constant 1 : i32
      scf.for %scan3A_293 = %scan3A_127 to %scan3A_129 step %scan3A_130  : i32 {
        %mul3A_294 = arith.constant 16 : i32
        %mul3A_295 = arith.muli %scan3A_293, %mul3A_294 : i32
        %get3A = arith.index_cast %mul3A_295 : i32 to index
        %get3A_296 = tpu.vector_load %arg16[%get3A] {strides = array<i32>} : memref<512xf32, #tpu.memory_space<vmem>>, vector<16xf32>,
        %get3A_297 = arith.index_cast %mul3A_295 : i32 to index
        %get3A_298 = tpu.vector_load %arg17[%get3A_297] {strides = array<i32>} : memref<512xf32, #tpu.memory_space<vmem>>, vector<16xf32>,
        %get3A_299 = arith.index_cast %mul3A_295 : i32 to index
        %get3A_300 = tpu.vector_load %arg18[%get3A_299] {strides = array<i32>} : memref<512xf32, #tpu.memory_space<vmem>>, vector<16xf32>,
        %add3A_301 = arith.constant 0 : i32
        %add3A_302 = arith.addi %add3A_301, %mul3A_295 : i32
        %get3A_303 = arith.index_cast %add3A_302 : i32 to index
        %get3A_304 = tpu.vector_load %arg15[%get3A_303] {strides = array<i32>} : memref<4096xf32, #tpu.memory_space<vmem>>, vector<16xf32>,
        %add3A_305 = arith.constant 512 : i32
        %add3A_306 = arith.addi %add3A_305, %mul3A_295 : i32
        %get3A_307 = arith.index_cast %add3A_306 : i32 to index
        %get3A_308 = tpu.vector_load %arg15[%get3A_307] {strides = array<i32>} : memref<4096xf32, #tpu.memory_space<vmem>>, vector<16xf32>,
        %add3A_309 = arith.constant 1024 : i32
        %add3A_310 = arith.addi %add3A_309, %mul3A_295 : i32
        %get3A_311 = arith.index_cast %add3A_310 : i32 to index
        %get3A_312 = tpu.vector_load %arg15[%get3A_311] {strides = array<i32>} : memref<4096xf32, #tpu.memory_space<vmem>>, vector<16xf32>,
        %add3A_313 = arith.constant 1536 : i32
        %add3A_314 = arith.addi %add3A_313, %mul3A_295 : i32
        %get3A_315 = arith.index_cast %add3A_314 : i32 to index
        %get3A_316 = tpu.vector_load %arg15[%get3A_315] {strides = array<i32>} : memref<4096xf32, #tpu.memory_space<vmem>>, vector<16xf32>,
        %add3A_317 = arith.constant 2048 : i32
        %add3A_318 = arith.addi %add3A_317, %mul3A_295 : i32
        %get3A_319 = arith.index_cast %add3A_318 : i32 to index
        %get3A_320 = tpu.vector_load %arg15[%get3A_319] {strides = array<i32>} : memref<4096xf32, #tpu.memory_space<vmem>>, vector<16xf32>,
        %add3A_321 = arith.constant 2560 : i32
        %add3A_322 = arith.addi %add3A_321, %mul3A_295 : i32
        %get3A_323 = arith.index_cast %add3A_322 : i32 to index
        %get3A_324 = tpu.vector_load %arg15[%get3A_323] {strides = array<i32>} : memref<4096xf32, #tpu.memory_space<vmem>>, vector<16xf32>,
        %add3A_325 = arith.constant 3072 : i32
        %add3A_326 = arith.addi %add3A_325, %mul3A_295 : i32
        %get3A_327 = arith.index_cast %add3A_326 : i32 to index
        %get3A_328 = tpu.vector_load %arg15[%get3A_327] {strides = array<i32>} : memref<4096xf32, #tpu.memory_space<vmem>>, vector<16xf32>,
        %add3A_329 = arith.constant 3584 : i32
        %add3A_330 = arith.addi %add3A_329, %mul3A_295 : i32
        %get3A_331 = arith.index_cast %add3A_330 : i32 to index
        %get3A_332 = tpu.vector_load %arg15[%get3A_331] {strides = array<i32>} : memref<4096xf32, #tpu.memory_space<vmem>>, vector<16xf32>,
        %sub3A_333 = arith.subf %get3A_308, %get3A_304 : vector<16xf32>
        %mul3A_334 = arith.mulf %get3A_296, %sub3A_333 : vector<16xf32>
        %add3A_335 = arith.addf %get3A_304, %mul3A_334 : vector<16xf32>
        %sub3A_336 = arith.subf %get3A_316, %get3A_312 : vector<16xf32>
        %mul3A_337 = arith.mulf %get3A_296, %sub3A_336 : vector<16xf32>
        %add3A_338 = arith.addf %get3A_312, %mul3A_337 : vector<16xf32>
        %sub3A_339 = arith.subf %get3A_324, %get3A_320 : vector<16xf32>
        %mul3A_340 = arith.mulf %get3A_296, %sub3A_339 : vector<16xf32>
        %add3A_341 = arith.addf %get3A_320, %mul3A_340 : vector<16xf32>
        %sub3A_342 = arith.subf %get3A_332, %get3A_328 : vector<16xf32>
        %mul3A_343 = arith.mulf %get3A_296, %sub3A_342 : vector<16xf32>
        %add3A_344 = arith.addf %get3A_328, %mul3A_343 : vector<16xf32>
        %sub3A_345 = arith.subf %add3A_338, %add3A_335 : vector<16xf32>
        %mul3A_346 = arith.mulf %get3A_298, %sub3A_345 : vector<16xf32>
        %add3A_347 = arith.addf %add3A_335, %mul3A_346 : vector<16xf32>
        %sub3A_348 = arith.subf %add3A_344, %add3A_341 : vector<16xf32>
        %mul3A_349 = arith.mulf %get3A_298, %sub3A_348 : vector<16xf32>
        %add3A_350 = arith.addf %add3A_341, %mul3A_349 : vector<16xf32>
        %sub3A_351 = arith.subf %add3A_350, %add3A_347 : vector<16xf32>
        %mul3A_352 = arith.mulf %get3A_300, %sub3A_351 : vector<16xf32>
        %add3A_353 = arith.addf %add3A_347, %mul3A_352 : vector<16xf32>
        %swap3A = arith.index_cast %mul3A_295 : i32 to index
        %swap3A_354 = tpu.vector_load %arg19[%swap3A] {strides = array<i32>} : memref<512xf32, #tpu.memory_space<vmem>>, vector<16xf32>,
        tpu.vector_store %arg19[%swap3A], %add3A_353 {strides = array<i32>} : memref<512xf32, #tpu.memory_space<vmem>>, vector<16xf32>,
      }
      %scan3A_131 = arith.constant 32 : i32
      %mul3A_132 = arith.constant 32768 : i32
      %mul3A_133 = arith.muli %add3A, %mul3A_132 : i32
      %mul3A_134 = arith.constant 512 : i32
      %mul3A_135 = arith.muli %add3A_114, %mul3A_134 : i32
      %add3A_136 = arith.addi %mul3A_133, %mul3A_135 : i32
      "tpu.region"() ({
        %run_scoped3A = tpu.sem_alloc : memref<!tpu.dma_semaphore, #tpu.memory_space<semaphore_mem>>
        %dma_start3A_293 = tpu.memref_slice %arg4[%add3A_136] : memref<1048576xf32, #tpu.memory_space<hbm>> -> memref<512xf32, #tpu.memory_space<hbm>>
        %dma_start3A_294 = tpu.memref_slice %arg4[%add3A_136] : memref<1048576xf32, #tpu.memory_space<hbm>> -> memref<512xf32, #tpu.memory_space<hbm>>
        tpu.enqueue_dma source(%arg19 : memref<512xf32, #tpu.memory_space<vmem>>) target(%dma_start3A_294 : memref<512xf32, #tpu.memory_space<hbm>>) target_semaphore(%run_scoped3A : memref<!tpu.dma_semaphore, #tpu.memory_space<semaphore_mem>>)
        %dma_wait3A_295 = tpu.memref_slice %arg4[%add3A_136] : memref<1048576xf32, #tpu.memory_space<hbm>> -> memref<512xf32, #tpu.memory_space<hbm>>
        %dma_wait3A_296 = tpu.memref_slice %arg4[%add3A_136] : memref<1048576xf32, #tpu.memory_space<hbm>> -> memref<512xf32, #tpu.memory_space<hbm>>
        tpu.wait_dma2 semaphore(%run_scoped3A : memref<!tpu.dma_semaphore, #tpu.memory_space<semaphore_mem>>) src(%arg19 : memref<512xf32, #tpu.memory_space<vmem>>) dst(%dma_wait3A_296 : memref<512xf32, #tpu.memory_space<hbm>>)
        tpu.yield
      }) : () -> ()
      %mul3A_137 = arith.constant 8 : i32
      %mul3A_138 = arith.muli %scan3A_89, %mul3A_137 : i32
      %add3A_139 = arith.constant 2 : i32
      %add3A_140 = arith.addi %mul3A_138, %add3A_139 : i32
      %add3A_141 = arith.constant 8 : i32
      %add3A_142 = arith.addi %add3A_140, %add3A_141 : i32
      %sub3A_143 = arith.constant 1 : i32
      %sub3A_144 = arith.subi %add3A_142, %sub3A_143 : i32
      %lt3A_145 = arith.constant 64 : i32
      %lt3A_146 = arith.cmpi slt, %sub3A_144, %lt3A_145 : i32
      %convert_element_type3A_147 = arith.extui %lt3A_146 : i1 to i32
      %cond3A_148 = arith.constant 0 : i32
      %cond3A_149 = arith.cmpi ne, %convert_element_type3A_147, %cond3A_148 : i32
      scf.if %cond3A_149 {
        %mul3A_293 = arith.constant 32768 : i32
        %mul3A_294 = arith.muli %add3A, %mul3A_293 : i32
        %mul3A_295 = arith.constant 512 : i32
        %mul3A_296 = arith.muli %sub3A_144, %mul3A_295 : i32
        %add3A_297 = arith.addi %mul3A_294, %mul3A_296 : i32
        "tpu.region"() ({
          %run_scoped3A = tpu.sem_alloc : memref<!tpu.dma_semaphore, #tpu.memory_space<semaphore_mem>>
          %dma_start3A_306 = arith.constant 0 : i32
          %dma_start3A_307 = tpu.memref_slice %arg2[%dma_start3A_306, %add3A_297] : memref<7x1048576xf32, #tpu.memory_space<hbm>> -> memref<7x512xf32, #tpu.memory_space<hbm>>
          %dma_start3A_308 = arith.constant 0 : i32
          %dma_start3A_309 = tpu.memref_slice %arg2[%dma_start3A_308, %add3A_297] : memref<7x1048576xf32, #tpu.memory_space<hbm>> -> memref<7x512xf32, #tpu.memory_space<hbm>>
          tpu.enqueue_dma source(%dma_start3A_309 : memref<7x512xf32, #tpu.memory_space<hbm>>) target(%arg13 : memref<7x512xf32, #tpu.memory_space<vmem>>) target_semaphore(%run_scoped3A : memref<!tpu.dma_semaphore, #tpu.memory_space<semaphore_mem>>)
          %dma_wait3A_310 = arith.constant 0 : i32
          %dma_wait3A_311 = tpu.memref_slice %arg2[%dma_wait3A_310, %add3A_297] : memref<7x1048576xf32, #tpu.memory_space<hbm>> -> memref<7x512xf32, #tpu.memory_space<hbm>>
          %dma_wait3A_312 = arith.constant 0 : i32
          %dma_wait3A_313 = tpu.memref_slice %arg2[%dma_wait3A_312, %add3A_297] : memref<7x1048576xf32, #tpu.memory_space<hbm>> -> memref<7x512xf32, #tpu.memory_space<hbm>>
          tpu.wait_dma2 semaphore(%run_scoped3A : memref<!tpu.dma_semaphore, #tpu.memory_space<semaphore_mem>>) src(%dma_wait3A_313 : memref<7x512xf32, #tpu.memory_space<hbm>>) dst(%arg13 : memref<7x512xf32, #tpu.memory_space<vmem>>)
          tpu.yield
        }) : () -> ()
        %scan3A_298 = arith.constant 0 : i32
        %scan3A_299 = arith.constant 0 : i32
        %scan3A_300 = arith.constant 32 : i32
        %scan3A_301 = arith.addi %scan3A_299, %scan3A_300 : i32
        %scan3A_302 = arith.constant 1 : i32
        scf.for %scan3A_306 = %scan3A_299 to %scan3A_301 step %scan3A_302  : i32 {
          %mul3A_307 = arith.constant 16 : i32
          %mul3A_308 = arith.muli %scan3A_306, %mul3A_307 : i32
          %get3A = arith.constant 0 : i32
          %get3A_309 = arith.index_cast %get3A : i32 to index
          %get3A_310 = arith.index_cast %mul3A_308 : i32 to index
          %get3A_311 = tpu.vector_load %arg13[%get3A_309, %get3A_310] {strides = array<i32>} : memref<7x512xf32, #tpu.memory_space<vmem>>, vector<16xf32>,
          %get3A_312 = arith.constant 1 : i32
          %get3A_313 = arith.index_cast %get3A_312 : i32 to index
          %get3A_314 = arith.index_cast %mul3A_308 : i32 to index
          %get3A_315 = tpu.vector_load %arg13[%get3A_313, %get3A_314] {strides = array<i32>} : memref<7x512xf32, #tpu.memory_space<vmem>>, vector<16xf32>,
          %get3A_316 = arith.constant 2 : i32
          %get3A_317 = arith.index_cast %get3A_316 : i32 to index
          %get3A_318 = arith.index_cast %mul3A_308 : i32 to index
          %get3A_319 = tpu.vector_load %arg13[%get3A_317, %get3A_318] {strides = array<i32>} : memref<7x512xf32, #tpu.memory_space<vmem>>, vector<16xf32>,
          %get3A_320 = arith.constant 3 : i32
          %get3A_321 = arith.index_cast %get3A_320 : i32 to index
          %get3A_322 = arith.index_cast %mul3A_308 : i32 to index
          %get3A_323 = tpu.vector_load %arg13[%get3A_321, %get3A_322] {strides = array<i32>} : memref<7x512xf32, #tpu.memory_space<vmem>>, vector<16xf32>,
          %get3A_324 = arith.constant 4 : i32
          %get3A_325 = arith.index_cast %get3A_324 : i32 to index
          %get3A_326 = arith.index_cast %mul3A_308 : i32 to index
          %get3A_327 = tpu.vector_load %arg13[%get3A_325, %get3A_326] {strides = array<i32>} : memref<7x512xf32, #tpu.memory_space<vmem>>, vector<16xf32>,
          %get3A_328 = arith.constant 5 : i32
          %get3A_329 = arith.index_cast %get3A_328 : i32 to index
          %get3A_330 = arith.index_cast %mul3A_308 : i32 to index
          %get3A_331 = tpu.vector_load %arg13[%get3A_329, %get3A_330] {strides = array<i32>} : memref<7x512xf32, #tpu.memory_space<vmem>>, vector<16xf32>,
          %get3A_332 = arith.constant 6 : i32
          %get3A_333 = arith.index_cast %get3A_332 : i32 to index
          %get3A_334 = arith.index_cast %mul3A_308 : i32 to index
          %get3A_335 = tpu.vector_load %arg13[%get3A_333, %get3A_334] {strides = array<i32>} : memref<7x512xf32, #tpu.memory_space<vmem>>, vector<16xf32>,
          %eq3A = arith.constant 0.000000e+00 : f32
          %eq3A_336 = vector.broadcast %eq3A : f32 to vector<16xf32>
          %eq3A_337 = arith.cmpf oeq, %get3A_335, %eq3A_336 : vector<16xf32>
          %select_n3A = arith.select %eq3A_337, %get3A_311, %get3A_323 : vector<16xi1>, vector<16xf32>
          %add3A_338 = arith.constant 1.000000e+00 : f32
          %add3A_339 = vector.broadcast %add3A_338 : f32 to vector<16xf32>
          %add3A_340 = arith.addf %select_n3A, %add3A_339 : vector<16xf32>
          %mul3A_341 = arith.constant 1.275000e+02 : f32
          %mul3A_342 = vector.broadcast %mul3A_341 : f32 to vector<16xf32>
          %mul3A_343 = arith.mulf %add3A_340, %mul3A_342 : vector<16xf32>
          %select_n3A_344 = arith.select %eq3A_337, %get3A_315, %get3A_327 : vector<16xi1>, vector<16xf32>
          %add3A_345 = arith.constant 1.000000e+00 : f32
          %add3A_346 = vector.broadcast %add3A_345 : f32 to vector<16xf32>
          %add3A_347 = arith.addf %select_n3A_344, %add3A_346 : vector<16xf32>
          %mul3A_348 = arith.constant 1.275000e+02 : f32
          %mul3A_349 = vector.broadcast %mul3A_348 : f32 to vector<16xf32>
          %mul3A_350 = arith.mulf %add3A_347, %mul3A_349 : vector<16xf32>
          %select_n3A_351 = arith.select %eq3A_337, %get3A_319, %get3A_331 : vector<16xi1>, vector<16xf32>
          %add3A_352 = arith.constant 1.000000e+00 : f32
          %add3A_353 = vector.broadcast %add3A_352 : f32 to vector<16xf32>
          %add3A_354 = arith.addf %select_n3A_351, %add3A_353 : vector<16xf32>
          %mul3A_355 = arith.constant 1.275000e+02 : f32
          %mul3A_356 = vector.broadcast %mul3A_355 : f32 to vector<16xf32>
          %mul3A_357 = arith.mulf %add3A_354, %mul3A_356 : vector<16xf32>
          %convert_element_type3A_358 = arith.fptosi %mul3A_343 : vector<16xf32> to vector<16xi32>
          %convert_element_type3A_359 = arith.fptosi %mul3A_350 : vector<16xf32> to vector<16xi32>
          %convert_element_type3A_360 = arith.fptosi %mul3A_357 : vector<16xf32> to vector<16xi32>
          %convert_element_type3A_361 = arith.sitofp %convert_element_type3A_358 : vector<16xi32> to vector<16xf32>
          %sub3A_362 = arith.subf %mul3A_343, %convert_element_type3A_361 : vector<16xf32>
          %swap3A = arith.index_cast %mul3A_308 : i32 to index
          %swap3A_363 = tpu.vector_load %arg16[%swap3A] {strides = array<i32>} : memref<512xf32, #tpu.memory_space<vmem>>, vector<16xf32>,
          tpu.vector_store %arg16[%swap3A], %sub3A_362 {strides = array<i32>} : memref<512xf32, #tpu.memory_space<vmem>>, vector<16xf32>,
          %convert_element_type3A_364 = arith.sitofp %convert_element_type3A_359 : vector<16xi32> to vector<16xf32>
          %sub3A_365 = arith.subf %mul3A_350, %convert_element_type3A_364 : vector<16xf32>
          %swap3A_366 = arith.index_cast %mul3A_308 : i32 to index
          %swap3A_367 = tpu.vector_load %arg17[%swap3A_366] {strides = array<i32>} : memref<512xf32, #tpu.memory_space<vmem>>, vector<16xf32>,
          tpu.vector_store %arg17[%swap3A_366], %sub3A_365 {strides = array<i32>} : memref<512xf32, #tpu.memory_space<vmem>>, vector<16xf32>,
          %convert_element_type3A_368 = arith.sitofp %convert_element_type3A_360 : vector<16xi32> to vector<16xf32>
          %sub3A_369 = arith.subf %mul3A_357, %convert_element_type3A_368 : vector<16xf32>
          %swap3A_370 = arith.index_cast %mul3A_308 : i32 to index
          %swap3A_371 = tpu.vector_load %arg18[%swap3A_370] {strides = array<i32>} : memref<512xf32, #tpu.memory_space<vmem>>, vector<16xf32>,
          tpu.vector_store %arg18[%swap3A_370], %sub3A_369 {strides = array<i32>} : memref<512xf32, #tpu.memory_space<vmem>>, vector<16xf32>,
          %and3A = arith.constant 128 : i32
          %and3A_372 = vector.broadcast %and3A : i32 to vector<16xi32>
          %and3A_373 = arith.andi %convert_element_type3A_358, %and3A_372 : vector<16xi32>
          %mul3A_374 = arith.constant 7 : i32
          %mul3A_375 = vector.broadcast %mul3A_374 : i32 to vector<16xi32>
          %mul3A_376 = arith.muli %and3A_373, %mul3A_375 : vector<16xi32>
          %add3A_377 = arith.addi %convert_element_type3A_358, %mul3A_376 : vector<16xi32>
          %add3A_378 = arith.constant 1 : i32
          %add3A_379 = vector.broadcast %add3A_378 : i32 to vector<16xi32>
          %add3A_380 = arith.addi %convert_element_type3A_358, %add3A_379 : vector<16xi32>
          %and3A_381 = arith.constant 128 : i32
          %and3A_382 = vector.broadcast %and3A_381 : i32 to vector<16xi32>
          %and3A_383 = arith.andi %add3A_380, %and3A_382 : vector<16xi32>
          %mul3A_384 = arith.constant 7 : i32
          %mul3A_385 = vector.broadcast %mul3A_384 : i32 to vector<16xi32>
          %mul3A_386 = arith.muli %and3A_383, %mul3A_385 : vector<16xi32>
          %add3A_387 = arith.addi %add3A_380, %mul3A_386 : vector<16xi32>
          %shift_left3A = arith.constant 7 : i32
          %shift_left3A_388 = vector.broadcast %shift_left3A : i32 to vector<16xi32>
          %shift_left3A_389 = arith.shli %convert_element_type3A_359, %shift_left3A_388 : vector<16xi32>
          %shift_right_arithmetic3A = arith.constant 3 : i32
          %shift_right_arithmetic3A_390 = vector.broadcast %shift_right_arithmetic3A : i32 to vector<16xi32>
          %shift_right_arithmetic3A_391 = arith.shrsi %convert_element_type3A_359, %shift_right_arithmetic3A_390 : vector<16xi32>
          %shift_left3A_392 = arith.constant 10 : i32
          %shift_left3A_393 = vector.broadcast %shift_left3A_392 : i32 to vector<16xi32>
          %shift_left3A_394 = arith.shli %shift_right_arithmetic3A_391, %shift_left3A_393 : vector<16xi32>
          %add3A_395 = arith.addi %shift_left3A_389, %shift_left3A_394 : vector<16xi32>
          %add3A_396 = arith.constant 1 : i32
          %add3A_397 = vector.broadcast %add3A_396 : i32 to vector<16xi32>
          %add3A_398 = arith.addi %convert_element_type3A_359, %add3A_397 : vector<16xi32>
          %shift_left3A_399 = arith.constant 7 : i32
          %shift_left3A_400 = vector.broadcast %shift_left3A_399 : i32 to vector<16xi32>
          %shift_left3A_401 = arith.shli %add3A_398, %shift_left3A_400 : vector<16xi32>
          %shift_right_arithmetic3A_402 = arith.constant 3 : i32
          %shift_right_arithmetic3A_403 = vector.broadcast %shift_right_arithmetic3A_402 : i32 to vector<16xi32>
          %shift_right_arithmetic3A_404 = arith.shrsi %add3A_398, %shift_right_arithmetic3A_403 : vector<16xi32>
          %shift_left3A_405 = arith.constant 10 : i32
          %shift_left3A_406 = vector.broadcast %shift_left3A_405 : i32 to vector<16xi32>
          %shift_left3A_407 = arith.shli %shift_right_arithmetic3A_404, %shift_left3A_406 : vector<16xi32>
          %add3A_408 = arith.addi %shift_left3A_401, %shift_left3A_407 : vector<16xi32>
          %jit3A = arith.constant 0 : i32
          %jit3A_409 = arith.constant 16777216 : i32
          %broadcast_in_dim3A = vector.broadcast %jit3A : i32 to vector<16xi32>
          %broadcast_in_dim3A_410 = vector.broadcast %jit3A_409 : i32 to vector<16xi32>
          %select_n3A_411 = arith.select %eq3A_337, %broadcast_in_dim3A, %broadcast_in_dim3A_410 : vector<16xi1>, vector<16xi32>
          %shift_left3A_412 = arith.constant 16 : i32
          %shift_left3A_413 = vector.broadcast %shift_left3A_412 : i32 to vector<16xi32>
          %shift_left3A_414 = arith.shli %convert_element_type3A_360, %shift_left3A_413 : vector<16xi32>
          %add3A_415 = arith.addi %select_n3A_411, %shift_left3A_414 : vector<16xi32>
          %add3A_416 = arith.addi %add3A_415, %add3A_395 : vector<16xi32>
          %add3A_417 = arith.addi %add3A_415, %add3A_408 : vector<16xi32>
          %add3A_418 = arith.constant 65536 : i32
          %add3A_419 = vector.broadcast %add3A_418 : i32 to vector<16xi32>
          %add3A_420 = arith.addi %add3A_416, %add3A_419 : vector<16xi32>
          %add3A_421 = arith.constant 65536 : i32
          %add3A_422 = vector.broadcast %add3A_421 : i32 to vector<16xi32>
          %add3A_423 = arith.addi %add3A_417, %add3A_422 : vector<16xi32>
          %add3A_424 = arith.addi %add3A_416, %add3A_377 : vector<16xi32>
          %add3A_425 = arith.constant 0 : i32
          %add3A_426 = arith.addi %add3A_425, %mul3A_308 : i32
          %swap3A_427 = arith.index_cast %add3A_426 : i32 to index
          %swap3A_428 = tpu.vector_load %arg14[%swap3A_427] {strides = array<i32>} : memref<4096xi32, #tpu.memory_space<vmem>>, vector<16xi32>,
          tpu.vector_store %arg14[%swap3A_427], %add3A_424 {strides = array<i32>} : memref<4096xi32, #tpu.memory_space<vmem>>, vector<16xi32>,
          %add3A_429 = arith.addi %add3A_416, %add3A_387 : vector<16xi32>
          %add3A_430 = arith.constant 512 : i32
          %add3A_431 = arith.addi %add3A_430, %mul3A_308 : i32
          %swap3A_432 = arith.index_cast %add3A_431 : i32 to index
          %swap3A_433 = tpu.vector_load %arg14[%swap3A_432] {strides = array<i32>} : memref<4096xi32, #tpu.memory_space<vmem>>, vector<16xi32>,
          tpu.vector_store %arg14[%swap3A_432], %add3A_429 {strides = array<i32>} : memref<4096xi32, #tpu.memory_space<vmem>>, vector<16xi32>,
          %add3A_434 = arith.addi %add3A_417, %add3A_377 : vector<16xi32>
          %add3A_435 = arith.constant 1024 : i32
          %add3A_436 = arith.addi %add3A_435, %mul3A_308 : i32
          %swap3A_437 = arith.index_cast %add3A_436 : i32 to index
          %swap3A_438 = tpu.vector_load %arg14[%swap3A_437] {strides = array<i32>} : memref<4096xi32, #tpu.memory_space<vmem>>, vector<16xi32>,
          tpu.vector_store %arg14[%swap3A_437], %add3A_434 {strides = array<i32>} : memref<4096xi32, #tpu.memory_space<vmem>>, vector<16xi32>,
          %add3A_439 = arith.addi %add3A_417, %add3A_387 : vector<16xi32>
          %add3A_440 = arith.constant 1536 : i32
          %add3A_441 = arith.addi %add3A_440, %mul3A_308 : i32
          %swap3A_442 = arith.index_cast %add3A_441 : i32 to index
          %swap3A_443 = tpu.vector_load %arg14[%swap3A_442] {strides = array<i32>} : memref<4096xi32, #tpu.memory_space<vmem>>, vector<16xi32>,
          tpu.vector_store %arg14[%swap3A_442], %add3A_439 {strides = array<i32>} : memref<4096xi32, #tpu.memory_space<vmem>>, vector<16xi32>,
          %add3A_444 = arith.addi %add3A_420, %add3A_377 : vector<16xi32>
          %add3A_445 = arith.constant 2048 : i32
          %add3A_446 = arith.addi %add3A_445, %mul3A_308 : i32
          %swap3A_447 = arith.index_cast %add3A_446 : i32 to index
          %swap3A_448 = tpu.vector_load %arg14[%swap3A_447] {strides = array<i32>} : memref<4096xi32, #tpu.memory_space<vmem>>, vector<16xi32>,
          tpu.vector_store %arg14[%swap3A_447], %add3A_444 {strides = array<i32>} : memref<4096xi32, #tpu.memory_space<vmem>>, vector<16xi32>,
          %add3A_449 = arith.addi %add3A_420, %add3A_387 : vector<16xi32>
          %add3A_450 = arith.constant 2560 : i32
          %add3A_451 = arith.addi %add3A_450, %mul3A_308 : i32
          %swap3A_452 = arith.index_cast %add3A_451 : i32 to index
          %swap3A_453 = tpu.vector_load %arg14[%swap3A_452] {strides = array<i32>} : memref<4096xi32, #tpu.memory_space<vmem>>, vector<16xi32>,
          tpu.vector_store %arg14[%swap3A_452], %add3A_449 {strides = array<i32>} : memref<4096xi32, #tpu.memory_space<vmem>>, vector<16xi32>,
          %add3A_454 = arith.addi %add3A_423, %add3A_377 : vector<16xi32>
          %add3A_455 = arith.constant 3072 : i32
          %add3A_456 = arith.addi %add3A_455, %mul3A_308 : i32
          %swap3A_457 = arith.index_cast %add3A_456 : i32 to index
          %swap3A_458 = tpu.vector_load %arg14[%swap3A_457] {strides = array<i32>} : memref<4096xi32, #tpu.memory_space<vmem>>, vector<16xi32>,
          tpu.vector_store %arg14[%swap3A_457], %add3A_454 {strides = array<i32>} : memref<4096xi32, #tpu.memory_space<vmem>>, vector<16xi32>,
          %add3A_459 = arith.addi %add3A_423, %add3A_387 : vector<16xi32>
          %add3A_460 = arith.constant 3584 : i32
          %add3A_461 = arith.addi %add3A_460, %mul3A_308 : i32
          %swap3A_462 = arith.index_cast %add3A_461 : i32 to index
          %swap3A_463 = tpu.vector_load %arg14[%swap3A_462] {strides = array<i32>} : memref<4096xi32, #tpu.memory_space<vmem>>, vector<16xi32>,
          tpu.vector_store %arg14[%swap3A_462], %add3A_459 {strides = array<i32>} : memref<4096xi32, #tpu.memory_space<vmem>>, vector<16xi32>,
        }
        %scan3A_303 = arith.constant 32 : i32
        %dma_start3A_304 = arith.constant 0 : i32
        %dma_start3A_305 = tpu.memref_slice %arg3[%dma_start3A_304] : memref<33554432xf32, #tpu.memory_space<hbm>> -> memref<33554432xf32, #tpu.memory_space<hbm>>
        tpu.enqueue_indirect_dma source(%dma_start3A_305 : memref<33554432xf32, #tpu.memory_space<hbm>>) target(%arg15 : memref<4096xf32, #tpu.memory_space<vmem>>) offsets(%arg14 : memref<4096xi32, #tpu.memory_space<vmem>>) semaphore(%arg20 : memref<!tpu.dma_semaphore, #tpu.memory_space<semaphore_mem>>)
      } else {
      }
      %dma_wait3A_150 = arith.constant 0 : i32
      %dma_wait3A_151 = tpu.memref_slice %arg3[%dma_wait3A_150] : memref<33554432xf32, #tpu.memory_space<hbm>> -> memref<33554432xf32, #tpu.memory_space<hbm>>
      tpu.wait_indirect_dma semaphore(%arg28 : memref<!tpu.dma_semaphore, #tpu.memory_space<semaphore_mem>>) src(%dma_wait3A_151 : memref<33554432xf32, #tpu.memory_space<hbm>>) dst(%arg23 : memref<4096xf32, #tpu.memory_space<vmem>>)
      %scan3A_152 = arith.constant 0 : i32
      %scan3A_153 = arith.constant 0 : i32
      %scan3A_154 = arith.constant 32 : i32
      %scan3A_155 = arith.addi %scan3A_153, %scan3A_154 : i32
      %scan3A_156 = arith.constant 1 : i32
      scf.for %scan3A_293 = %scan3A_153 to %scan3A_155 step %scan3A_156  : i32 {
        %mul3A_294 = arith.constant 16 : i32
        %mul3A_295 = arith.muli %scan3A_293, %mul3A_294 : i32
        %get3A = arith.index_cast %mul3A_295 : i32 to index
        %get3A_296 = tpu.vector_load %arg24[%get3A] {strides = array<i32>} : memref<512xf32, #tpu.memory_space<vmem>>, vector<16xf32>,
        %get3A_297 = arith.index_cast %mul3A_295 : i32 to index
        %get3A_298 = tpu.vector_load %arg25[%get3A_297] {strides = array<i32>} : memref<512xf32, #tpu.memory_space<vmem>>, vector<16xf32>,
        %get3A_299 = arith.index_cast %mul3A_295 : i32 to index
        %get3A_300 = tpu.vector_load %arg26[%get3A_299] {strides = array<i32>} : memref<512xf32, #tpu.memory_space<vmem>>, vector<16xf32>,
        %add3A_301 = arith.constant 0 : i32
        %add3A_302 = arith.addi %add3A_301, %mul3A_295 : i32
        %get3A_303 = arith.index_cast %add3A_302 : i32 to index
        %get3A_304 = tpu.vector_load %arg23[%get3A_303] {strides = array<i32>} : memref<4096xf32, #tpu.memory_space<vmem>>, vector<16xf32>,
        %add3A_305 = arith.constant 512 : i32
        %add3A_306 = arith.addi %add3A_305, %mul3A_295 : i32
        %get3A_307 = arith.index_cast %add3A_306 : i32 to index
        %get3A_308 = tpu.vector_load %arg23[%get3A_307] {strides = array<i32>} : memref<4096xf32, #tpu.memory_space<vmem>>, vector<16xf32>,
        %add3A_309 = arith.constant 1024 : i32
        %add3A_310 = arith.addi %add3A_309, %mul3A_295 : i32
        %get3A_311 = arith.index_cast %add3A_310 : i32 to index
        %get3A_312 = tpu.vector_load %arg23[%get3A_311] {strides = array<i32>} : memref<4096xf32, #tpu.memory_space<vmem>>, vector<16xf32>,
        %add3A_313 = arith.constant 1536 : i32
        %add3A_314 = arith.addi %add3A_313, %mul3A_295 : i32
        %get3A_315 = arith.index_cast %add3A_314 : i32 to index
        %get3A_316 = tpu.vector_load %arg23[%get3A_315] {strides = array<i32>} : memref<4096xf32, #tpu.memory_space<vmem>>, vector<16xf32>,
        %add3A_317 = arith.constant 2048 : i32
        %add3A_318 = arith.addi %add3A_317, %mul3A_295 : i32
        %get3A_319 = arith.index_cast %add3A_318 : i32 to index
        %get3A_320 = tpu.vector_load %arg23[%get3A_319] {strides = array<i32>} : memref<4096xf32, #tpu.memory_space<vmem>>, vector<16xf32>,
        %add3A_321 = arith.constant 2560 : i32
        %add3A_322 = arith.addi %add3A_321, %mul3A_295 : i32
        %get3A_323 = arith.index_cast %add3A_322 : i32 to index
        %get3A_324 = tpu.vector_load %arg23[%get3A_323] {strides = array<i32>} : memref<4096xf32, #tpu.memory_space<vmem>>, vector<16xf32>,
        %add3A_325 = arith.constant 3072 : i32
        %add3A_326 = arith.addi %add3A_325, %mul3A_295 : i32
        %get3A_327 = arith.index_cast %add3A_326 : i32 to index
        %get3A_328 = tpu.vector_load %arg23[%get3A_327] {strides = array<i32>} : memref<4096xf32, #tpu.memory_space<vmem>>, vector<16xf32>,
        %add3A_329 = arith.constant 3584 : i32
        %add3A_330 = arith.addi %add3A_329, %mul3A_295 : i32
        %get3A_331 = arith.index_cast %add3A_330 : i32 to index
        %get3A_332 = tpu.vector_load %arg23[%get3A_331] {strides = array<i32>} : memref<4096xf32, #tpu.memory_space<vmem>>, vector<16xf32>,
        %sub3A_333 = arith.subf %get3A_308, %get3A_304 : vector<16xf32>
        %mul3A_334 = arith.mulf %get3A_296, %sub3A_333 : vector<16xf32>
        %add3A_335 = arith.addf %get3A_304, %mul3A_334 : vector<16xf32>
        %sub3A_336 = arith.subf %get3A_316, %get3A_312 : vector<16xf32>
        %mul3A_337 = arith.mulf %get3A_296, %sub3A_336 : vector<16xf32>
        %add3A_338 = arith.addf %get3A_312, %mul3A_337 : vector<16xf32>
        %sub3A_339 = arith.subf %get3A_324, %get3A_320 : vector<16xf32>
        %mul3A_340 = arith.mulf %get3A_296, %sub3A_339 : vector<16xf32>
        %add3A_341 = arith.addf %get3A_320, %mul3A_340 : vector<16xf32>
        %sub3A_342 = arith.subf %get3A_332, %get3A_328 : vector<16xf32>
        %mul3A_343 = arith.mulf %get3A_296, %sub3A_342 : vector<16xf32>
        %add3A_344 = arith.addf %get3A_328, %mul3A_343 : vector<16xf32>
        %sub3A_345 = arith.subf %add3A_338, %add3A_335 : vector<16xf32>
        %mul3A_346 = arith.mulf %get3A_298, %sub3A_345 : vector<16xf32>
        %add3A_347 = arith.addf %add3A_335, %mul3A_346 : vector<16xf32>
        %sub3A_348 = arith.subf %add3A_344, %add3A_341 : vector<16xf32>
        %mul3A_349 = arith.mulf %get3A_298, %sub3A_348 : vector<16xf32>
        %add3A_350 = arith.addf %add3A_341, %mul3A_349 : vector<16xf32>
        %sub3A_351 = arith.subf %add3A_350, %add3A_347 : vector<16xf32>
        %mul3A_352 = arith.mulf %get3A_300, %sub3A_351 : vector<16xf32>
        %add3A_353 = arith.addf %add3A_347, %mul3A_352 : vector<16xf32>
        %swap3A = arith.index_cast %mul3A_295 : i32 to index
        %swap3A_354 = tpu.vector_load %arg27[%swap3A] {strides = array<i32>} : memref<512xf32, #tpu.memory_space<vmem>>, vector<16xf32>,
        tpu.vector_store %arg27[%swap3A], %add3A_353 {strides = array<i32>} : memref<512xf32, #tpu.memory_space<vmem>>, vector<16xf32>,
      }
      %scan3A_157 = arith.constant 32 : i32
      %mul3A_158 = arith.constant 32768 : i32
      %mul3A_159 = arith.muli %add3A, %mul3A_158 : i32
      %mul3A_160 = arith.constant 512 : i32
      %mul3A_161 = arith.muli %add3A_140, %mul3A_160 : i32
      %add3A_162 = arith.addi %mul3A_159, %mul3A_161 : i32
      "tpu.region"() ({
        %run_scoped3A = tpu.sem_alloc : memref<!tpu.dma_semaphore, #tpu.memory_space<semaphore_mem>>
        %dma_start3A_293 = tpu.memref_slice %arg4[%add3A_162] : memref<1048576xf32, #tpu.memory_space<hbm>> -> memref<512xf32, #tpu.memory_space<hbm>>
        %dma_start3A_294 = tpu.memref_slice %arg4[%add3A_162] : memref<1048576xf32, #tpu.memory_space<hbm>> -> memref<512xf32, #tpu.memory_space<hbm>>
        tpu.enqueue_dma source(%arg27 : memref<512xf32, #tpu.memory_space<vmem>>) target(%dma_start3A_294 : memref<512xf32, #tpu.memory_space<hbm>>) target_semaphore(%run_scoped3A : memref<!tpu.dma_semaphore, #tpu.memory_space<semaphore_mem>>)
        %dma_wait3A_295 = tpu.memref_slice %arg4[%add3A_162] : memref<1048576xf32, #tpu.memory_space<hbm>> -> memref<512xf32, #tpu.memory_space<hbm>>
        %dma_wait3A_296 = tpu.memref_slice %arg4[%add3A_162] : memref<1048576xf32, #tpu.memory_space<hbm>> -> memref<512xf32, #tpu.memory_space<hbm>>
        tpu.wait_dma2 semaphore(%run_scoped3A : memref<!tpu.dma_semaphore, #tpu.memory_space<semaphore_mem>>) src(%arg27 : memref<512xf32, #tpu.memory_space<vmem>>) dst(%dma_wait3A_296 : memref<512xf32, #tpu.memory_space<hbm>>)
        tpu.yield
      }) : () -> ()
      %mul3A_163 = arith.constant 8 : i32
      %mul3A_164 = arith.muli %scan3A_89, %mul3A_163 : i32
      %add3A_165 = arith.constant 3 : i32
      %add3A_166 = arith.addi %mul3A_164, %add3A_165 : i32
      %add3A_167 = arith.constant 8 : i32
      %add3A_168 = arith.addi %add3A_166, %add3A_167 : i32
      %sub3A_169 = arith.constant 1 : i32
      %sub3A_170 = arith.subi %add3A_168, %sub3A_169 : i32
      %lt3A_171 = arith.constant 64 : i32
      %lt3A_172 = arith.cmpi slt, %sub3A_170, %lt3A_171 : i32
      %convert_element_type3A_173 = arith.extui %lt3A_172 : i1 to i32
      %cond3A_174 = arith.constant 0 : i32
      %cond3A_175 = arith.cmpi ne, %convert_element_type3A_173, %cond3A_174 : i32
      scf.if %cond3A_175 {
        %mul3A_293 = arith.constant 32768 : i32
        %mul3A_294 = arith.muli %add3A, %mul3A_293 : i32
        %mul3A_295 = arith.constant 512 : i32
        %mul3A_296 = arith.muli %sub3A_170, %mul3A_295 : i32
        %add3A_297 = arith.addi %mul3A_294, %mul3A_296 : i32
        "tpu.region"() ({
          %run_scoped3A = tpu.sem_alloc : memref<!tpu.dma_semaphore, #tpu.memory_space<semaphore_mem>>
          %dma_start3A_306 = arith.constant 0 : i32
          %dma_start3A_307 = tpu.memref_slice %arg2[%dma_start3A_306, %add3A_297] : memref<7x1048576xf32, #tpu.memory_space<hbm>> -> memref<7x512xf32, #tpu.memory_space<hbm>>
          %dma_start3A_308 = arith.constant 0 : i32
          %dma_start3A_309 = tpu.memref_slice %arg2[%dma_start3A_308, %add3A_297] : memref<7x1048576xf32, #tpu.memory_space<hbm>> -> memref<7x512xf32, #tpu.memory_space<hbm>>
          tpu.enqueue_dma source(%dma_start3A_309 : memref<7x512xf32, #tpu.memory_space<hbm>>) target(%arg21 : memref<7x512xf32, #tpu.memory_space<vmem>>) target_semaphore(%run_scoped3A : memref<!tpu.dma_semaphore, #tpu.memory_space<semaphore_mem>>)
          %dma_wait3A_310 = arith.constant 0 : i32
          %dma_wait3A_311 = tpu.memref_slice %arg2[%dma_wait3A_310, %add3A_297] : memref<7x1048576xf32, #tpu.memory_space<hbm>> -> memref<7x512xf32, #tpu.memory_space<hbm>>
          %dma_wait3A_312 = arith.constant 0 : i32
          %dma_wait3A_313 = tpu.memref_slice %arg2[%dma_wait3A_312, %add3A_297] : memref<7x1048576xf32, #tpu.memory_space<hbm>> -> memref<7x512xf32, #tpu.memory_space<hbm>>
          tpu.wait_dma2 semaphore(%run_scoped3A : memref<!tpu.dma_semaphore, #tpu.memory_space<semaphore_mem>>) src(%dma_wait3A_313 : memref<7x512xf32, #tpu.memory_space<hbm>>) dst(%arg21 : memref<7x512xf32, #tpu.memory_space<vmem>>)
          tpu.yield
        }) : () -> ()
        %scan3A_298 = arith.constant 0 : i32
        %scan3A_299 = arith.constant 0 : i32
        %scan3A_300 = arith.constant 32 : i32
        %scan3A_301 = arith.addi %scan3A_299, %scan3A_300 : i32
        %scan3A_302 = arith.constant 1 : i32
        scf.for %scan3A_306 = %scan3A_299 to %scan3A_301 step %scan3A_302  : i32 {
          %mul3A_307 = arith.constant 16 : i32
          %mul3A_308 = arith.muli %scan3A_306, %mul3A_307 : i32
          %get3A = arith.constant 0 : i32
          %get3A_309 = arith.index_cast %get3A : i32 to index
          %get3A_310 = arith.index_cast %mul3A_308 : i32 to index
          %get3A_311 = tpu.vector_load %arg21[%get3A_309, %get3A_310] {strides = array<i32>} : memref<7x512xf32, #tpu.memory_space<vmem>>, vector<16xf32>,
          %get3A_312 = arith.constant 1 : i32
          %get3A_313 = arith.index_cast %get3A_312 : i32 to index
          %get3A_314 = arith.index_cast %mul3A_308 : i32 to index
          %get3A_315 = tpu.vector_load %arg21[%get3A_313, %get3A_314] {strides = array<i32>} : memref<7x512xf32, #tpu.memory_space<vmem>>, vector<16xf32>,
          %get3A_316 = arith.constant 2 : i32
          %get3A_317 = arith.index_cast %get3A_316 : i32 to index
          %get3A_318 = arith.index_cast %mul3A_308 : i32 to index
          %get3A_319 = tpu.vector_load %arg21[%get3A_317, %get3A_318] {strides = array<i32>} : memref<7x512xf32, #tpu.memory_space<vmem>>, vector<16xf32>,
          %get3A_320 = arith.constant 3 : i32
          %get3A_321 = arith.index_cast %get3A_320 : i32 to index
          %get3A_322 = arith.index_cast %mul3A_308 : i32 to index
          %get3A_323 = tpu.vector_load %arg21[%get3A_321, %get3A_322] {strides = array<i32>} : memref<7x512xf32, #tpu.memory_space<vmem>>, vector<16xf32>,
          %get3A_324 = arith.constant 4 : i32
          %get3A_325 = arith.index_cast %get3A_324 : i32 to index
          %get3A_326 = arith.index_cast %mul3A_308 : i32 to index
          %get3A_327 = tpu.vector_load %arg21[%get3A_325, %get3A_326] {strides = array<i32>} : memref<7x512xf32, #tpu.memory_space<vmem>>, vector<16xf32>,
          %get3A_328 = arith.constant 5 : i32
          %get3A_329 = arith.index_cast %get3A_328 : i32 to index
          %get3A_330 = arith.index_cast %mul3A_308 : i32 to index
          %get3A_331 = tpu.vector_load %arg21[%get3A_329, %get3A_330] {strides = array<i32>} : memref<7x512xf32, #tpu.memory_space<vmem>>, vector<16xf32>,
          %get3A_332 = arith.constant 6 : i32
          %get3A_333 = arith.index_cast %get3A_332 : i32 to index
          %get3A_334 = arith.index_cast %mul3A_308 : i32 to index
          %get3A_335 = tpu.vector_load %arg21[%get3A_333, %get3A_334] {strides = array<i32>} : memref<7x512xf32, #tpu.memory_space<vmem>>, vector<16xf32>,
          %eq3A = arith.constant 0.000000e+00 : f32
          %eq3A_336 = vector.broadcast %eq3A : f32 to vector<16xf32>
          %eq3A_337 = arith.cmpf oeq, %get3A_335, %eq3A_336 : vector<16xf32>
          %select_n3A = arith.select %eq3A_337, %get3A_311, %get3A_323 : vector<16xi1>, vector<16xf32>
          %add3A_338 = arith.constant 1.000000e+00 : f32
          %add3A_339 = vector.broadcast %add3A_338 : f32 to vector<16xf32>
          %add3A_340 = arith.addf %select_n3A, %add3A_339 : vector<16xf32>
          %mul3A_341 = arith.constant 1.275000e+02 : f32
          %mul3A_342 = vector.broadcast %mul3A_341 : f32 to vector<16xf32>
          %mul3A_343 = arith.mulf %add3A_340, %mul3A_342 : vector<16xf32>
          %select_n3A_344 = arith.select %eq3A_337, %get3A_315, %get3A_327 : vector<16xi1>, vector<16xf32>
          %add3A_345 = arith.constant 1.000000e+00 : f32
          %add3A_346 = vector.broadcast %add3A_345 : f32 to vector<16xf32>
          %add3A_347 = arith.addf %select_n3A_344, %add3A_346 : vector<16xf32>
          %mul3A_348 = arith.constant 1.275000e+02 : f32
          %mul3A_349 = vector.broadcast %mul3A_348 : f32 to vector<16xf32>
          %mul3A_350 = arith.mulf %add3A_347, %mul3A_349 : vector<16xf32>
          %select_n3A_351 = arith.select %eq3A_337, %get3A_319, %get3A_331 : vector<16xi1>, vector<16xf32>
          %add3A_352 = arith.constant 1.000000e+00 : f32
          %add3A_353 = vector.broadcast %add3A_352 : f32 to vector<16xf32>
          %add3A_354 = arith.addf %select_n3A_351, %add3A_353 : vector<16xf32>
          %mul3A_355 = arith.constant 1.275000e+02 : f32
          %mul3A_356 = vector.broadcast %mul3A_355 : f32 to vector<16xf32>
          %mul3A_357 = arith.mulf %add3A_354, %mul3A_356 : vector<16xf32>
          %convert_element_type3A_358 = arith.fptosi %mul3A_343 : vector<16xf32> to vector<16xi32>
          %convert_element_type3A_359 = arith.fptosi %mul3A_350 : vector<16xf32> to vector<16xi32>
          %convert_element_type3A_360 = arith.fptosi %mul3A_357 : vector<16xf32> to vector<16xi32>
          %convert_element_type3A_361 = arith.sitofp %convert_element_type3A_358 : vector<16xi32> to vector<16xf32>
          %sub3A_362 = arith.subf %mul3A_343, %convert_element_type3A_361 : vector<16xf32>
          %swap3A = arith.index_cast %mul3A_308 : i32 to index
          %swap3A_363 = tpu.vector_load %arg24[%swap3A] {strides = array<i32>} : memref<512xf32, #tpu.memory_space<vmem>>, vector<16xf32>,
          tpu.vector_store %arg24[%swap3A], %sub3A_362 {strides = array<i32>} : memref<512xf32, #tpu.memory_space<vmem>>, vector<16xf32>,
          %convert_element_type3A_364 = arith.sitofp %convert_element_type3A_359 : vector<16xi32> to vector<16xf32>
          %sub3A_365 = arith.subf %mul3A_350, %convert_element_type3A_364 : vector<16xf32>
          %swap3A_366 = arith.index_cast %mul3A_308 : i32 to index
          %swap3A_367 = tpu.vector_load %arg25[%swap3A_366] {strides = array<i32>} : memref<512xf32, #tpu.memory_space<vmem>>, vector<16xf32>,
          tpu.vector_store %arg25[%swap3A_366], %sub3A_365 {strides = array<i32>} : memref<512xf32, #tpu.memory_space<vmem>>, vector<16xf32>,
          %convert_element_type3A_368 = arith.sitofp %convert_element_type3A_360 : vector<16xi32> to vector<16xf32>
          %sub3A_369 = arith.subf %mul3A_357, %convert_element_type3A_368 : vector<16xf32>
          %swap3A_370 = arith.index_cast %mul3A_308 : i32 to index
          %swap3A_371 = tpu.vector_load %arg26[%swap3A_370] {strides = array<i32>} : memref<512xf32, #tpu.memory_space<vmem>>, vector<16xf32>,
          tpu.vector_store %arg26[%swap3A_370], %sub3A_369 {strides = array<i32>} : memref<512xf32, #tpu.memory_space<vmem>>, vector<16xf32>,
          %and3A = arith.constant 128 : i32
          %and3A_372 = vector.broadcast %and3A : i32 to vector<16xi32>
          %and3A_373 = arith.andi %convert_element_type3A_358, %and3A_372 : vector<16xi32>
          %mul3A_374 = arith.constant 7 : i32
          %mul3A_375 = vector.broadcast %mul3A_374 : i32 to vector<16xi32>
          %mul3A_376 = arith.muli %and3A_373, %mul3A_375 : vector<16xi32>
          %add3A_377 = arith.addi %convert_element_type3A_358, %mul3A_376 : vector<16xi32>
          %add3A_378 = arith.constant 1 : i32
          %add3A_379 = vector.broadcast %add3A_378 : i32 to vector<16xi32>
          %add3A_380 = arith.addi %convert_element_type3A_358, %add3A_379 : vector<16xi32>
          %and3A_381 = arith.constant 128 : i32
          %and3A_382 = vector.broadcast %and3A_381 : i32 to vector<16xi32>
          %and3A_383 = arith.andi %add3A_380, %and3A_382 : vector<16xi32>
          %mul3A_384 = arith.constant 7 : i32
          %mul3A_385 = vector.broadcast %mul3A_384 : i32 to vector<16xi32>
          %mul3A_386 = arith.muli %and3A_383, %mul3A_385 : vector<16xi32>
          %add3A_387 = arith.addi %add3A_380, %mul3A_386 : vector<16xi32>
          %shift_left3A = arith.constant 7 : i32
          %shift_left3A_388 = vector.broadcast %shift_left3A : i32 to vector<16xi32>
          %shift_left3A_389 = arith.shli %convert_element_type3A_359, %shift_left3A_388 : vector<16xi32>
          %shift_right_arithmetic3A = arith.constant 3 : i32
          %shift_right_arithmetic3A_390 = vector.broadcast %shift_right_arithmetic3A : i32 to vector<16xi32>
          %shift_right_arithmetic3A_391 = arith.shrsi %convert_element_type3A_359, %shift_right_arithmetic3A_390 : vector<16xi32>
          %shift_left3A_392 = arith.constant 10 : i32
          %shift_left3A_393 = vector.broadcast %shift_left3A_392 : i32 to vector<16xi32>
          %shift_left3A_394 = arith.shli %shift_right_arithmetic3A_391, %shift_left3A_393 : vector<16xi32>
          %add3A_395 = arith.addi %shift_left3A_389, %shift_left3A_394 : vector<16xi32>
          %add3A_396 = arith.constant 1 : i32
          %add3A_397 = vector.broadcast %add3A_396 : i32 to vector<16xi32>
          %add3A_398 = arith.addi %convert_element_type3A_359, %add3A_397 : vector<16xi32>
          %shift_left3A_399 = arith.constant 7 : i32
          %shift_left3A_400 = vector.broadcast %shift_left3A_399 : i32 to vector<16xi32>
          %shift_left3A_401 = arith.shli %add3A_398, %shift_left3A_400 : vector<16xi32>
          %shift_right_arithmetic3A_402 = arith.constant 3 : i32
          %shift_right_arithmetic3A_403 = vector.broadcast %shift_right_arithmetic3A_402 : i32 to vector<16xi32>
          %shift_right_arithmetic3A_404 = arith.shrsi %add3A_398, %shift_right_arithmetic3A_403 : vector<16xi32>
          %shift_left3A_405 = arith.constant 10 : i32
          %shift_left3A_406 = vector.broadcast %shift_left3A_405 : i32 to vector<16xi32>
          %shift_left3A_407 = arith.shli %shift_right_arithmetic3A_404, %shift_left3A_406 : vector<16xi32>
          %add3A_408 = arith.addi %shift_left3A_401, %shift_left3A_407 : vector<16xi32>
          %jit3A = arith.constant 0 : i32
          %jit3A_409 = arith.constant 16777216 : i32
          %broadcast_in_dim3A = vector.broadcast %jit3A : i32 to vector<16xi32>
          %broadcast_in_dim3A_410 = vector.broadcast %jit3A_409 : i32 to vector<16xi32>
          %select_n3A_411 = arith.select %eq3A_337, %broadcast_in_dim3A, %broadcast_in_dim3A_410 : vector<16xi1>, vector<16xi32>
          %shift_left3A_412 = arith.constant 16 : i32
          %shift_left3A_413 = vector.broadcast %shift_left3A_412 : i32 to vector<16xi32>
          %shift_left3A_414 = arith.shli %convert_element_type3A_360, %shift_left3A_413 : vector<16xi32>
          %add3A_415 = arith.addi %select_n3A_411, %shift_left3A_414 : vector<16xi32>
          %add3A_416 = arith.addi %add3A_415, %add3A_395 : vector<16xi32>
          %add3A_417 = arith.addi %add3A_415, %add3A_408 : vector<16xi32>
          %add3A_418 = arith.constant 65536 : i32
          %add3A_419 = vector.broadcast %add3A_418 : i32 to vector<16xi32>
          %add3A_420 = arith.addi %add3A_416, %add3A_419 : vector<16xi32>
          %add3A_421 = arith.constant 65536 : i32
          %add3A_422 = vector.broadcast %add3A_421 : i32 to vector<16xi32>
          %add3A_423 = arith.addi %add3A_417, %add3A_422 : vector<16xi32>
          %add3A_424 = arith.addi %add3A_416, %add3A_377 : vector<16xi32>
          %add3A_425 = arith.constant 0 : i32
          %add3A_426 = arith.addi %add3A_425, %mul3A_308 : i32
          %swap3A_427 = arith.index_cast %add3A_426 : i32 to index
          %swap3A_428 = tpu.vector_load %arg22[%swap3A_427] {strides = array<i32>} : memref<4096xi32, #tpu.memory_space<vmem>>, vector<16xi32>,
          tpu.vector_store %arg22[%swap3A_427], %add3A_424 {strides = array<i32>} : memref<4096xi32, #tpu.memory_space<vmem>>, vector<16xi32>,
          %add3A_429 = arith.addi %add3A_416, %add3A_387 : vector<16xi32>
          %add3A_430 = arith.constant 512 : i32
          %add3A_431 = arith.addi %add3A_430, %mul3A_308 : i32
          %swap3A_432 = arith.index_cast %add3A_431 : i32 to index
          %swap3A_433 = tpu.vector_load %arg22[%swap3A_432] {strides = array<i32>} : memref<4096xi32, #tpu.memory_space<vmem>>, vector<16xi32>,
          tpu.vector_store %arg22[%swap3A_432], %add3A_429 {strides = array<i32>} : memref<4096xi32, #tpu.memory_space<vmem>>, vector<16xi32>,
          %add3A_434 = arith.addi %add3A_417, %add3A_377 : vector<16xi32>
          %add3A_435 = arith.constant 1024 : i32
          %add3A_436 = arith.addi %add3A_435, %mul3A_308 : i32
          %swap3A_437 = arith.index_cast %add3A_436 : i32 to index
          %swap3A_438 = tpu.vector_load %arg22[%swap3A_437] {strides = array<i32>} : memref<4096xi32, #tpu.memory_space<vmem>>, vector<16xi32>,
          tpu.vector_store %arg22[%swap3A_437], %add3A_434 {strides = array<i32>} : memref<4096xi32, #tpu.memory_space<vmem>>, vector<16xi32>,
          %add3A_439 = arith.addi %add3A_417, %add3A_387 : vector<16xi32>
          %add3A_440 = arith.constant 1536 : i32
          %add3A_441 = arith.addi %add3A_440, %mul3A_308 : i32
          %swap3A_442 = arith.index_cast %add3A_441 : i32 to index
          %swap3A_443 = tpu.vector_load %arg22[%swap3A_442] {strides = array<i32>} : memref<4096xi32, #tpu.memory_space<vmem>>, vector<16xi32>,
          tpu.vector_store %arg22[%swap3A_442], %add3A_439 {strides = array<i32>} : memref<4096xi32, #tpu.memory_space<vmem>>, vector<16xi32>,
          %add3A_444 = arith.addi %add3A_420, %add3A_377 : vector<16xi32>
          %add3A_445 = arith.constant 2048 : i32
          %add3A_446 = arith.addi %add3A_445, %mul3A_308 : i32
          %swap3A_447 = arith.index_cast %add3A_446 : i32 to index
          %swap3A_448 = tpu.vector_load %arg22[%swap3A_447] {strides = array<i32>} : memref<4096xi32, #tpu.memory_space<vmem>>, vector<16xi32>,
          tpu.vector_store %arg22[%swap3A_447], %add3A_444 {strides = array<i32>} : memref<4096xi32, #tpu.memory_space<vmem>>, vector<16xi32>,
          %add3A_449 = arith.addi %add3A_420, %add3A_387 : vector<16xi32>
          %add3A_450 = arith.constant 2560 : i32
          %add3A_451 = arith.addi %add3A_450, %mul3A_308 : i32
          %swap3A_452 = arith.index_cast %add3A_451 : i32 to index
          %swap3A_453 = tpu.vector_load %arg22[%swap3A_452] {strides = array<i32>} : memref<4096xi32, #tpu.memory_space<vmem>>, vector<16xi32>,
          tpu.vector_store %arg22[%swap3A_452], %add3A_449 {strides = array<i32>} : memref<4096xi32, #tpu.memory_space<vmem>>, vector<16xi32>,
          %add3A_454 = arith.addi %add3A_423, %add3A_377 : vector<16xi32>
          %add3A_455 = arith.constant 3072 : i32
          %add3A_456 = arith.addi %add3A_455, %mul3A_308 : i32
          %swap3A_457 = arith.index_cast %add3A_456 : i32 to index
          %swap3A_458 = tpu.vector_load %arg22[%swap3A_457] {strides = array<i32>} : memref<4096xi32, #tpu.memory_space<vmem>>, vector<16xi32>,
          tpu.vector_store %arg22[%swap3A_457], %add3A_454 {strides = array<i32>} : memref<4096xi32, #tpu.memory_space<vmem>>, vector<16xi32>,
          %add3A_459 = arith.addi %add3A_423, %add3A_387 : vector<16xi32>
          %add3A_460 = arith.constant 3584 : i32
          %add3A_461 = arith.addi %add3A_460, %mul3A_308 : i32
          %swap3A_462 = arith.index_cast %add3A_461 : i32 to index
          %swap3A_463 = tpu.vector_load %arg22[%swap3A_462] {strides = array<i32>} : memref<4096xi32, #tpu.memory_space<vmem>>, vector<16xi32>,
          tpu.vector_store %arg22[%swap3A_462], %add3A_459 {strides = array<i32>} : memref<4096xi32, #tpu.memory_space<vmem>>, vector<16xi32>,
        }
        %scan3A_303 = arith.constant 32 : i32
        %dma_start3A_304 = arith.constant 0 : i32
        %dma_start3A_305 = tpu.memref_slice %arg3[%dma_start3A_304] : memref<33554432xf32, #tpu.memory_space<hbm>> -> memref<33554432xf32, #tpu.memory_space<hbm>>
        tpu.enqueue_indirect_dma source(%dma_start3A_305 : memref<33554432xf32, #tpu.memory_space<hbm>>) target(%arg23 : memref<4096xf32, #tpu.memory_space<vmem>>) offsets(%arg22 : memref<4096xi32, #tpu.memory_space<vmem>>) semaphore(%arg28 : memref<!tpu.dma_semaphore, #tpu.memory_space<semaphore_mem>>)
      } else {
      }
      %dma_wait3A_176 = arith.constant 0 : i32
      %dma_wait3A_177 = tpu.memref_slice %arg3[%dma_wait3A_176] : memref<33554432xf32, #tpu.memory_space<hbm>> -> memref<33554432xf32, #tpu.memory_space<hbm>>
      tpu.wait_indirect_dma semaphore(%arg36 : memref<!tpu.dma_semaphore, #tpu.memory_space<semaphore_mem>>) src(%dma_wait3A_177 : memref<33554432xf32, #tpu.memory_space<hbm>>) dst(%arg31 : memref<4096xf32, #tpu.memory_space<vmem>>)
      %scan3A_178 = arith.constant 0 : i32
      %scan3A_179 = arith.constant 0 : i32
      %scan3A_180 = arith.constant 32 : i32
      %scan3A_181 = arith.addi %scan3A_179, %scan3A_180 : i32
      %scan3A_182 = arith.constant 1 : i32
      scf.for %scan3A_293 = %scan3A_179 to %scan3A_181 step %scan3A_182  : i32 {
        %mul3A_294 = arith.constant 16 : i32
        %mul3A_295 = arith.muli %scan3A_293, %mul3A_294 : i32
        %get3A = arith.index_cast %mul3A_295 : i32 to index
        %get3A_296 = tpu.vector_load %arg32[%get3A] {strides = array<i32>} : memref<512xf32, #tpu.memory_space<vmem>>, vector<16xf32>,
        %get3A_297 = arith.index_cast %mul3A_295 : i32 to index
        %get3A_298 = tpu.vector_load %arg33[%get3A_297] {strides = array<i32>} : memref<512xf32, #tpu.memory_space<vmem>>, vector<16xf32>,
        %get3A_299 = arith.index_cast %mul3A_295 : i32 to index
        %get3A_300 = tpu.vector_load %arg34[%get3A_299] {strides = array<i32>} : memref<512xf32, #tpu.memory_space<vmem>>, vector<16xf32>,
        %add3A_301 = arith.constant 0 : i32
        %add3A_302 = arith.addi %add3A_301, %mul3A_295 : i32
        %get3A_303 = arith.index_cast %add3A_302 : i32 to index
        %get3A_304 = tpu.vector_load %arg31[%get3A_303] {strides = array<i32>} : memref<4096xf32, #tpu.memory_space<vmem>>, vector<16xf32>,
        %add3A_305 = arith.constant 512 : i32
        %add3A_306 = arith.addi %add3A_305, %mul3A_295 : i32
        %get3A_307 = arith.index_cast %add3A_306 : i32 to index
        %get3A_308 = tpu.vector_load %arg31[%get3A_307] {strides = array<i32>} : memref<4096xf32, #tpu.memory_space<vmem>>, vector<16xf32>,
        %add3A_309 = arith.constant 1024 : i32
        %add3A_310 = arith.addi %add3A_309, %mul3A_295 : i32
        %get3A_311 = arith.index_cast %add3A_310 : i32 to index
        %get3A_312 = tpu.vector_load %arg31[%get3A_311] {strides = array<i32>} : memref<4096xf32, #tpu.memory_space<vmem>>, vector<16xf32>,
        %add3A_313 = arith.constant 1536 : i32
        %add3A_314 = arith.addi %add3A_313, %mul3A_295 : i32
        %get3A_315 = arith.index_cast %add3A_314 : i32 to index
        %get3A_316 = tpu.vector_load %arg31[%get3A_315] {strides = array<i32>} : memref<4096xf32, #tpu.memory_space<vmem>>, vector<16xf32>,
        %add3A_317 = arith.constant 2048 : i32
        %add3A_318 = arith.addi %add3A_317, %mul3A_295 : i32
        %get3A_319 = arith.index_cast %add3A_318 : i32 to index
        %get3A_320 = tpu.vector_load %arg31[%get3A_319] {strides = array<i32>} : memref<4096xf32, #tpu.memory_space<vmem>>, vector<16xf32>,
        %add3A_321 = arith.constant 2560 : i32
        %add3A_322 = arith.addi %add3A_321, %mul3A_295 : i32
        %get3A_323 = arith.index_cast %add3A_322 : i32 to index
        %get3A_324 = tpu.vector_load %arg31[%get3A_323] {strides = array<i32>} : memref<4096xf32, #tpu.memory_space<vmem>>, vector<16xf32>,
        %add3A_325 = arith.constant 3072 : i32
        %add3A_326 = arith.addi %add3A_325, %mul3A_295 : i32
        %get3A_327 = arith.index_cast %add3A_326 : i32 to index
        %get3A_328 = tpu.vector_load %arg31[%get3A_327] {strides = array<i32>} : memref<4096xf32, #tpu.memory_space<vmem>>, vector<16xf32>,
        %add3A_329 = arith.constant 3584 : i32
        %add3A_330 = arith.addi %add3A_329, %mul3A_295 : i32
        %get3A_331 = arith.index_cast %add3A_330 : i32 to index
        %get3A_332 = tpu.vector_load %arg31[%get3A_331] {strides = array<i32>} : memref<4096xf32, #tpu.memory_space<vmem>>, vector<16xf32>,
        %sub3A_333 = arith.subf %get3A_308, %get3A_304 : vector<16xf32>
        %mul3A_334 = arith.mulf %get3A_296, %sub3A_333 : vector<16xf32>
        %add3A_335 = arith.addf %get3A_304, %mul3A_334 : vector<16xf32>
        %sub3A_336 = arith.subf %get3A_316, %get3A_312 : vector<16xf32>
        %mul3A_337 = arith.mulf %get3A_296, %sub3A_336 : vector<16xf32>
        %add3A_338 = arith.addf %get3A_312, %mul3A_337 : vector<16xf32>
        %sub3A_339 = arith.subf %get3A_324, %get3A_320 : vector<16xf32>
        %mul3A_340 = arith.mulf %get3A_296, %sub3A_339 : vector<16xf32>
        %add3A_341 = arith.addf %get3A_320, %mul3A_340 : vector<16xf32>
        %sub3A_342 = arith.subf %get3A_332, %get3A_328 : vector<16xf32>
        %mul3A_343 = arith.mulf %get3A_296, %sub3A_342 : vector<16xf32>
        %add3A_344 = arith.addf %get3A_328, %mul3A_343 : vector<16xf32>
        %sub3A_345 = arith.subf %add3A_338, %add3A_335 : vector<16xf32>
        %mul3A_346 = arith.mulf %get3A_298, %sub3A_345 : vector<16xf32>
        %add3A_347 = arith.addf %add3A_335, %mul3A_346 : vector<16xf32>
        %sub3A_348 = arith.subf %add3A_344, %add3A_341 : vector<16xf32>
        %mul3A_349 = arith.mulf %get3A_298, %sub3A_348 : vector<16xf32>
        %add3A_350 = arith.addf %add3A_341, %mul3A_349 : vector<16xf32>
        %sub3A_351 = arith.subf %add3A_350, %add3A_347 : vector<16xf32>
        %mul3A_352 = arith.mulf %get3A_300, %sub3A_351 : vector<16xf32>
        %add3A_353 = arith.addf %add3A_347, %mul3A_352 : vector<16xf32>
        %swap3A = arith.index_cast %mul3A_295 : i32 to index
        %swap3A_354 = tpu.vector_load %arg35[%swap3A] {strides = array<i32>} : memref<512xf32, #tpu.memory_space<vmem>>, vector<16xf32>,
        tpu.vector_store %arg35[%swap3A], %add3A_353 {strides = array<i32>} : memref<512xf32, #tpu.memory_space<vmem>>, vector<16xf32>,
      }
      %scan3A_183 = arith.constant 32 : i32
      %mul3A_184 = arith.constant 32768 : i32
      %mul3A_185 = arith.muli %add3A, %mul3A_184 : i32
      %mul3A_186 = arith.constant 512 : i32
      %mul3A_187 = arith.muli %add3A_166, %mul3A_186 : i32
      %add3A_188 = arith.addi %mul3A_185, %mul3A_187 : i32
      "tpu.region"() ({
        %run_scoped3A = tpu.sem_alloc : memref<!tpu.dma_semaphore, #tpu.memory_space<semaphore_mem>>
        %dma_start3A_293 = tpu.memref_slice %arg4[%add3A_188] : memref<1048576xf32, #tpu.memory_space<hbm>> -> memref<512xf32, #tpu.memory_space<hbm>>
        %dma_start3A_294 = tpu.memref_slice %arg4[%add3A_188] : memref<1048576xf32, #tpu.memory_space<hbm>> -> memref<512xf32, #tpu.memory_space<hbm>>
        tpu.enqueue_dma source(%arg35 : memref<512xf32, #tpu.memory_space<vmem>>) target(%dma_start3A_294 : memref<512xf32, #tpu.memory_space<hbm>>) target_semaphore(%run_scoped3A : memref<!tpu.dma_semaphore, #tpu.memory_space<semaphore_mem>>)
        %dma_wait3A_295 = tpu.memref_slice %arg4[%add3A_188] : memref<1048576xf32, #tpu.memory_space<hbm>> -> memref<512xf32, #tpu.memory_space<hbm>>
        %dma_wait3A_296 = tpu.memref_slice %arg4[%add3A_188] : memref<1048576xf32, #tpu.memory_space<hbm>> -> memref<512xf32, #tpu.memory_space<hbm>>
        tpu.wait_dma2 semaphore(%run_scoped3A : memref<!tpu.dma_semaphore, #tpu.memory_space<semaphore_mem>>) src(%arg35 : memref<512xf32, #tpu.memory_space<vmem>>) dst(%dma_wait3A_296 : memref<512xf32, #tpu.memory_space<hbm>>)
        tpu.yield
      }) : () -> ()
      %mul3A_189 = arith.constant 8 : i32
      %mul3A_190 = arith.muli %scan3A_89, %mul3A_189 : i32
      %add3A_191 = arith.constant 4 : i32
      %add3A_192 = arith.addi %mul3A_190, %add3A_191 : i32
      %add3A_193 = arith.constant 8 : i32
      %add3A_194 = arith.addi %add3A_192, %add3A_193 : i32
      %sub3A_195 = arith.constant 1 : i32
      %sub3A_196 = arith.subi %add3A_194, %sub3A_195 : i32
      %lt3A_197 = arith.constant 64 : i32
      %lt3A_198 = arith.cmpi slt, %sub3A_196, %lt3A_197 : i32
      %convert_element_type3A_199 = arith.extui %lt3A_198 : i1 to i32
      %cond3A_200 = arith.constant 0 : i32
      %cond3A_201 = arith.cmpi ne, %convert_element_type3A_199, %cond3A_200 : i32
      scf.if %cond3A_201 {
        %mul3A_293 = arith.constant 32768 : i32
        %mul3A_294 = arith.muli %add3A, %mul3A_293 : i32
        %mul3A_295 = arith.constant 512 : i32
        %mul3A_296 = arith.muli %sub3A_196, %mul3A_295 : i32
        %add3A_297 = arith.addi %mul3A_294, %mul3A_296 : i32
        "tpu.region"() ({
          %run_scoped3A = tpu.sem_alloc : memref<!tpu.dma_semaphore, #tpu.memory_space<semaphore_mem>>
          %dma_start3A_306 = arith.constant 0 : i32
          %dma_start3A_307 = tpu.memref_slice %arg2[%dma_start3A_306, %add3A_297] : memref<7x1048576xf32, #tpu.memory_space<hbm>> -> memref<7x512xf32, #tpu.memory_space<hbm>>
          %dma_start3A_308 = arith.constant 0 : i32
          %dma_start3A_309 = tpu.memref_slice %arg2[%dma_start3A_308, %add3A_297] : memref<7x1048576xf32, #tpu.memory_space<hbm>> -> memref<7x512xf32, #tpu.memory_space<hbm>>
          tpu.enqueue_dma source(%dma_start3A_309 : memref<7x512xf32, #tpu.memory_space<hbm>>) target(%arg29 : memref<7x512xf32, #tpu.memory_space<vmem>>) target_semaphore(%run_scoped3A : memref<!tpu.dma_semaphore, #tpu.memory_space<semaphore_mem>>)
          %dma_wait3A_310 = arith.constant 0 : i32
          %dma_wait3A_311 = tpu.memref_slice %arg2[%dma_wait3A_310, %add3A_297] : memref<7x1048576xf32, #tpu.memory_space<hbm>> -> memref<7x512xf32, #tpu.memory_space<hbm>>
          %dma_wait3A_312 = arith.constant 0 : i32
          %dma_wait3A_313 = tpu.memref_slice %arg2[%dma_wait3A_312, %add3A_297] : memref<7x1048576xf32, #tpu.memory_space<hbm>> -> memref<7x512xf32, #tpu.memory_space<hbm>>
          tpu.wait_dma2 semaphore(%run_scoped3A : memref<!tpu.dma_semaphore, #tpu.memory_space<semaphore_mem>>) src(%dma_wait3A_313 : memref<7x512xf32, #tpu.memory_space<hbm>>) dst(%arg29 : memref<7x512xf32, #tpu.memory_space<vmem>>)
          tpu.yield
        }) : () -> ()
        %scan3A_298 = arith.constant 0 : i32
        %scan3A_299 = arith.constant 0 : i32
        %scan3A_300 = arith.constant 32 : i32
        %scan3A_301 = arith.addi %scan3A_299, %scan3A_300 : i32
        %scan3A_302 = arith.constant 1 : i32
        scf.for %scan3A_306 = %scan3A_299 to %scan3A_301 step %scan3A_302  : i32 {
          %mul3A_307 = arith.constant 16 : i32
          %mul3A_308 = arith.muli %scan3A_306, %mul3A_307 : i32
          %get3A = arith.constant 0 : i32
          %get3A_309 = arith.index_cast %get3A : i32 to index
          %get3A_310 = arith.index_cast %mul3A_308 : i32 to index
          %get3A_311 = tpu.vector_load %arg29[%get3A_309, %get3A_310] {strides = array<i32>} : memref<7x512xf32, #tpu.memory_space<vmem>>, vector<16xf32>,
          %get3A_312 = arith.constant 1 : i32
          %get3A_313 = arith.index_cast %get3A_312 : i32 to index
          %get3A_314 = arith.index_cast %mul3A_308 : i32 to index
          %get3A_315 = tpu.vector_load %arg29[%get3A_313, %get3A_314] {strides = array<i32>} : memref<7x512xf32, #tpu.memory_space<vmem>>, vector<16xf32>,
          %get3A_316 = arith.constant 2 : i32
          %get3A_317 = arith.index_cast %get3A_316 : i32 to index
          %get3A_318 = arith.index_cast %mul3A_308 : i32 to index
          %get3A_319 = tpu.vector_load %arg29[%get3A_317, %get3A_318] {strides = array<i32>} : memref<7x512xf32, #tpu.memory_space<vmem>>, vector<16xf32>,
          %get3A_320 = arith.constant 3 : i32
          %get3A_321 = arith.index_cast %get3A_320 : i32 to index
          %get3A_322 = arith.index_cast %mul3A_308 : i32 to index
          %get3A_323 = tpu.vector_load %arg29[%get3A_321, %get3A_322] {strides = array<i32>} : memref<7x512xf32, #tpu.memory_space<vmem>>, vector<16xf32>,
          %get3A_324 = arith.constant 4 : i32
          %get3A_325 = arith.index_cast %get3A_324 : i32 to index
          %get3A_326 = arith.index_cast %mul3A_308 : i32 to index
          %get3A_327 = tpu.vector_load %arg29[%get3A_325, %get3A_326] {strides = array<i32>} : memref<7x512xf32, #tpu.memory_space<vmem>>, vector<16xf32>,
          %get3A_328 = arith.constant 5 : i32
          %get3A_329 = arith.index_cast %get3A_328 : i32 to index
          %get3A_330 = arith.index_cast %mul3A_308 : i32 to index
          %get3A_331 = tpu.vector_load %arg29[%get3A_329, %get3A_330] {strides = array<i32>} : memref<7x512xf32, #tpu.memory_space<vmem>>, vector<16xf32>,
          %get3A_332 = arith.constant 6 : i32
          %get3A_333 = arith.index_cast %get3A_332 : i32 to index
          %get3A_334 = arith.index_cast %mul3A_308 : i32 to index
          %get3A_335 = tpu.vector_load %arg29[%get3A_333, %get3A_334] {strides = array<i32>} : memref<7x512xf32, #tpu.memory_space<vmem>>, vector<16xf32>,
          %eq3A = arith.constant 0.000000e+00 : f32
          %eq3A_336 = vector.broadcast %eq3A : f32 to vector<16xf32>
          %eq3A_337 = arith.cmpf oeq, %get3A_335, %eq3A_336 : vector<16xf32>
          %select_n3A = arith.select %eq3A_337, %get3A_311, %get3A_323 : vector<16xi1>, vector<16xf32>
          %add3A_338 = arith.constant 1.000000e+00 : f32
          %add3A_339 = vector.broadcast %add3A_338 : f32 to vector<16xf32>
          %add3A_340 = arith.addf %select_n3A, %add3A_339 : vector<16xf32>
          %mul3A_341 = arith.constant 1.275000e+02 : f32
          %mul3A_342 = vector.broadcast %mul3A_341 : f32 to vector<16xf32>
          %mul3A_343 = arith.mulf %add3A_340, %mul3A_342 : vector<16xf32>
          %select_n3A_344 = arith.select %eq3A_337, %get3A_315, %get3A_327 : vector<16xi1>, vector<16xf32>
          %add3A_345 = arith.constant 1.000000e+00 : f32
          %add3A_346 = vector.broadcast %add3A_345 : f32 to vector<16xf32>
          %add3A_347 = arith.addf %select_n3A_344, %add3A_346 : vector<16xf32>
          %mul3A_348 = arith.constant 1.275000e+02 : f32
          %mul3A_349 = vector.broadcast %mul3A_348 : f32 to vector<16xf32>
          %mul3A_350 = arith.mulf %add3A_347, %mul3A_349 : vector<16xf32>
          %select_n3A_351 = arith.select %eq3A_337, %get3A_319, %get3A_331 : vector<16xi1>, vector<16xf32>
          %add3A_352 = arith.constant 1.000000e+00 : f32
          %add3A_353 = vector.broadcast %add3A_352 : f32 to vector<16xf32>
          %add3A_354 = arith.addf %select_n3A_351, %add3A_353 : vector<16xf32>
          %mul3A_355 = arith.constant 1.275000e+02 : f32
          %mul3A_356 = vector.broadcast %mul3A_355 : f32 to vector<16xf32>
          %mul3A_357 = arith.mulf %add3A_354, %mul3A_356 : vector<16xf32>
          %convert_element_type3A_358 = arith.fptosi %mul3A_343 : vector<16xf32> to vector<16xi32>
          %convert_element_type3A_359 = arith.fptosi %mul3A_350 : vector<16xf32> to vector<16xi32>
          %convert_element_type3A_360 = arith.fptosi %mul3A_357 : vector<16xf32> to vector<16xi32>
          %convert_element_type3A_361 = arith.sitofp %convert_element_type3A_358 : vector<16xi32> to vector<16xf32>
          %sub3A_362 = arith.subf %mul3A_343, %convert_element_type3A_361 : vector<16xf32>
          %swap3A = arith.index_cast %mul3A_308 : i32 to index
          %swap3A_363 = tpu.vector_load %arg32[%swap3A] {strides = array<i32>} : memref<512xf32, #tpu.memory_space<vmem>>, vector<16xf32>,
          tpu.vector_store %arg32[%swap3A], %sub3A_362 {strides = array<i32>} : memref<512xf32, #tpu.memory_space<vmem>>, vector<16xf32>,
          %convert_element_type3A_364 = arith.sitofp %convert_element_type3A_359 : vector<16xi32> to vector<16xf32>
          %sub3A_365 = arith.subf %mul3A_350, %convert_element_type3A_364 : vector<16xf32>
          %swap3A_366 = arith.index_cast %mul3A_308 : i32 to index
          %swap3A_367 = tpu.vector_load %arg33[%swap3A_366] {strides = array<i32>} : memref<512xf32, #tpu.memory_space<vmem>>, vector<16xf32>,
          tpu.vector_store %arg33[%swap3A_366], %sub3A_365 {strides = array<i32>} : memref<512xf32, #tpu.memory_space<vmem>>, vector<16xf32>,
          %convert_element_type3A_368 = arith.sitofp %convert_element_type3A_360 : vector<16xi32> to vector<16xf32>
          %sub3A_369 = arith.subf %mul3A_357, %convert_element_type3A_368 : vector<16xf32>
          %swap3A_370 = arith.index_cast %mul3A_308 : i32 to index
          %swap3A_371 = tpu.vector_load %arg34[%swap3A_370] {strides = array<i32>} : memref<512xf32, #tpu.memory_space<vmem>>, vector<16xf32>,
          tpu.vector_store %arg34[%swap3A_370], %sub3A_369 {strides = array<i32>} : memref<512xf32, #tpu.memory_space<vmem>>, vector<16xf32>,
          %and3A = arith.constant 128 : i32
          %and3A_372 = vector.broadcast %and3A : i32 to vector<16xi32>
          %and3A_373 = arith.andi %convert_element_type3A_358, %and3A_372 : vector<16xi32>
          %mul3A_374 = arith.constant 7 : i32
          %mul3A_375 = vector.broadcast %mul3A_374 : i32 to vector<16xi32>
          %mul3A_376 = arith.muli %and3A_373, %mul3A_375 : vector<16xi32>
          %add3A_377 = arith.addi %convert_element_type3A_358, %mul3A_376 : vector<16xi32>
          %add3A_378 = arith.constant 1 : i32
          %add3A_379 = vector.broadcast %add3A_378 : i32 to vector<16xi32>
          %add3A_380 = arith.addi %convert_element_type3A_358, %add3A_379 : vector<16xi32>
          %and3A_381 = arith.constant 128 : i32
          %and3A_382 = vector.broadcast %and3A_381 : i32 to vector<16xi32>
          %and3A_383 = arith.andi %add3A_380, %and3A_382 : vector<16xi32>
          %mul3A_384 = arith.constant 7 : i32
          %mul3A_385 = vector.broadcast %mul3A_384 : i32 to vector<16xi32>
          %mul3A_386 = arith.muli %and3A_383, %mul3A_385 : vector<16xi32>
          %add3A_387 = arith.addi %add3A_380, %mul3A_386 : vector<16xi32>
          %shift_left3A = arith.constant 7 : i32
          %shift_left3A_388 = vector.broadcast %shift_left3A : i32 to vector<16xi32>
          %shift_left3A_389 = arith.shli %convert_element_type3A_359, %shift_left3A_388 : vector<16xi32>
          %shift_right_arithmetic3A = arith.constant 3 : i32
          %shift_right_arithmetic3A_390 = vector.broadcast %shift_right_arithmetic3A : i32 to vector<16xi32>
          %shift_right_arithmetic3A_391 = arith.shrsi %convert_element_type3A_359, %shift_right_arithmetic3A_390 : vector<16xi32>
          %shift_left3A_392 = arith.constant 10 : i32
          %shift_left3A_393 = vector.broadcast %shift_left3A_392 : i32 to vector<16xi32>
          %shift_left3A_394 = arith.shli %shift_right_arithmetic3A_391, %shift_left3A_393 : vector<16xi32>
          %add3A_395 = arith.addi %shift_left3A_389, %shift_left3A_394 : vector<16xi32>
          %add3A_396 = arith.constant 1 : i32
          %add3A_397 = vector.broadcast %add3A_396 : i32 to vector<16xi32>
          %add3A_398 = arith.addi %convert_element_type3A_359, %add3A_397 : vector<16xi32>
          %shift_left3A_399 = arith.constant 7 : i32
          %shift_left3A_400 = vector.broadcast %shift_left3A_399 : i32 to vector<16xi32>
          %shift_left3A_401 = arith.shli %add3A_398, %shift_left3A_400 : vector<16xi32>
          %shift_right_arithmetic3A_402 = arith.constant 3 : i32
          %shift_right_arithmetic3A_403 = vector.broadcast %shift_right_arithmetic3A_402 : i32 to vector<16xi32>
          %shift_right_arithmetic3A_404 = arith.shrsi %add3A_398, %shift_right_arithmetic3A_403 : vector<16xi32>
          %shift_left3A_405 = arith.constant 10 : i32
          %shift_left3A_406 = vector.broadcast %shift_left3A_405 : i32 to vector<16xi32>
          %shift_left3A_407 = arith.shli %shift_right_arithmetic3A_404, %shift_left3A_406 : vector<16xi32>
          %add3A_408 = arith.addi %shift_left3A_401, %shift_left3A_407 : vector<16xi32>
          %jit3A = arith.constant 0 : i32
          %jit3A_409 = arith.constant 16777216 : i32
          %broadcast_in_dim3A = vector.broadcast %jit3A : i32 to vector<16xi32>
          %broadcast_in_dim3A_410 = vector.broadcast %jit3A_409 : i32 to vector<16xi32>
          %select_n3A_411 = arith.select %eq3A_337, %broadcast_in_dim3A, %broadcast_in_dim3A_410 : vector<16xi1>, vector<16xi32>
          %shift_left3A_412 = arith.constant 16 : i32
          %shift_left3A_413 = vector.broadcast %shift_left3A_412 : i32 to vector<16xi32>
          %shift_left3A_414 = arith.shli %convert_element_type3A_360, %shift_left3A_413 : vector<16xi32>
          %add3A_415 = arith.addi %select_n3A_411, %shift_left3A_414 : vector<16xi32>
          %add3A_416 = arith.addi %add3A_415, %add3A_395 : vector<16xi32>
          %add3A_417 = arith.addi %add3A_415, %add3A_408 : vector<16xi32>
          %add3A_418 = arith.constant 65536 : i32
          %add3A_419 = vector.broadcast %add3A_418 : i32 to vector<16xi32>
          %add3A_420 = arith.addi %add3A_416, %add3A_419 : vector<16xi32>
          %add3A_421 = arith.constant 65536 : i32
          %add3A_422 = vector.broadcast %add3A_421 : i32 to vector<16xi32>
          %add3A_423 = arith.addi %add3A_417, %add3A_422 : vector<16xi32>
          %add3A_424 = arith.addi %add3A_416, %add3A_377 : vector<16xi32>
          %add3A_425 = arith.constant 0 : i32
          %add3A_426 = arith.addi %add3A_425, %mul3A_308 : i32
          %swap3A_427 = arith.index_cast %add3A_426 : i32 to index
          %swap3A_428 = tpu.vector_load %arg30[%swap3A_427] {strides = array<i32>} : memref<4096xi32, #tpu.memory_space<vmem>>, vector<16xi32>,
          tpu.vector_store %arg30[%swap3A_427], %add3A_424 {strides = array<i32>} : memref<4096xi32, #tpu.memory_space<vmem>>, vector<16xi32>,
          %add3A_429 = arith.addi %add3A_416, %add3A_387 : vector<16xi32>
          %add3A_430 = arith.constant 512 : i32
          %add3A_431 = arith.addi %add3A_430, %mul3A_308 : i32
          %swap3A_432 = arith.index_cast %add3A_431 : i32 to index
          %swap3A_433 = tpu.vector_load %arg30[%swap3A_432] {strides = array<i32>} : memref<4096xi32, #tpu.memory_space<vmem>>, vector<16xi32>,
          tpu.vector_store %arg30[%swap3A_432], %add3A_429 {strides = array<i32>} : memref<4096xi32, #tpu.memory_space<vmem>>, vector<16xi32>,
          %add3A_434 = arith.addi %add3A_417, %add3A_377 : vector<16xi32>
          %add3A_435 = arith.constant 1024 : i32
          %add3A_436 = arith.addi %add3A_435, %mul3A_308 : i32
          %swap3A_437 = arith.index_cast %add3A_436 : i32 to index
          %swap3A_438 = tpu.vector_load %arg30[%swap3A_437] {strides = array<i32>} : memref<4096xi32, #tpu.memory_space<vmem>>, vector<16xi32>,
          tpu.vector_store %arg30[%swap3A_437], %add3A_434 {strides = array<i32>} : memref<4096xi32, #tpu.memory_space<vmem>>, vector<16xi32>,
          %add3A_439 = arith.addi %add3A_417, %add3A_387 : vector<16xi32>
          %add3A_440 = arith.constant 1536 : i32
          %add3A_441 = arith.addi %add3A_440, %mul3A_308 : i32
          %swap3A_442 = arith.index_cast %add3A_441 : i32 to index
          %swap3A_443 = tpu.vector_load %arg30[%swap3A_442] {strides = array<i32>} : memref<4096xi32, #tpu.memory_space<vmem>>, vector<16xi32>,
          tpu.vector_store %arg30[%swap3A_442], %add3A_439 {strides = array<i32>} : memref<4096xi32, #tpu.memory_space<vmem>>, vector<16xi32>,
          %add3A_444 = arith.addi %add3A_420, %add3A_377 : vector<16xi32>
          %add3A_445 = arith.constant 2048 : i32
          %add3A_446 = arith.addi %add3A_445, %mul3A_308 : i32
          %swap3A_447 = arith.index_cast %add3A_446 : i32 to index
          %swap3A_448 = tpu.vector_load %arg30[%swap3A_447] {strides = array<i32>} : memref<4096xi32, #tpu.memory_space<vmem>>, vector<16xi32>,
          tpu.vector_store %arg30[%swap3A_447], %add3A_444 {strides = array<i32>} : memref<4096xi32, #tpu.memory_space<vmem>>, vector<16xi32>,
          %add3A_449 = arith.addi %add3A_420, %add3A_387 : vector<16xi32>
          %add3A_450 = arith.constant 2560 : i32
          %add3A_451 = arith.addi %add3A_450, %mul3A_308 : i32
          %swap3A_452 = arith.index_cast %add3A_451 : i32 to index
          %swap3A_453 = tpu.vector_load %arg30[%swap3A_452] {strides = array<i32>} : memref<4096xi32, #tpu.memory_space<vmem>>, vector<16xi32>,
          tpu.vector_store %arg30[%swap3A_452], %add3A_449 {strides = array<i32>} : memref<4096xi32, #tpu.memory_space<vmem>>, vector<16xi32>,
          %add3A_454 = arith.addi %add3A_423, %add3A_377 : vector<16xi32>
          %add3A_455 = arith.constant 3072 : i32
          %add3A_456 = arith.addi %add3A_455, %mul3A_308 : i32
          %swap3A_457 = arith.index_cast %add3A_456 : i32 to index
          %swap3A_458 = tpu.vector_load %arg30[%swap3A_457] {strides = array<i32>} : memref<4096xi32, #tpu.memory_space<vmem>>, vector<16xi32>,
          tpu.vector_store %arg30[%swap3A_457], %add3A_454 {strides = array<i32>} : memref<4096xi32, #tpu.memory_space<vmem>>, vector<16xi32>,
          %add3A_459 = arith.addi %add3A_423, %add3A_387 : vector<16xi32>
          %add3A_460 = arith.constant 3584 : i32
          %add3A_461 = arith.addi %add3A_460, %mul3A_308 : i32
          %swap3A_462 = arith.index_cast %add3A_461 : i32 to index
          %swap3A_463 = tpu.vector_load %arg30[%swap3A_462] {strides = array<i32>} : memref<4096xi32, #tpu.memory_space<vmem>>, vector<16xi32>,
          tpu.vector_store %arg30[%swap3A_462], %add3A_459 {strides = array<i32>} : memref<4096xi32, #tpu.memory_space<vmem>>, vector<16xi32>,
        }
        %scan3A_303 = arith.constant 32 : i32
        %dma_start3A_304 = arith.constant 0 : i32
        %dma_start3A_305 = tpu.memref_slice %arg3[%dma_start3A_304] : memref<33554432xf32, #tpu.memory_space<hbm>> -> memref<33554432xf32, #tpu.memory_space<hbm>>
        tpu.enqueue_indirect_dma source(%dma_start3A_305 : memref<33554432xf32, #tpu.memory_space<hbm>>) target(%arg31 : memref<4096xf32, #tpu.memory_space<vmem>>) offsets(%arg30 : memref<4096xi32, #tpu.memory_space<vmem>>) semaphore(%arg36 : memref<!tpu.dma_semaphore, #tpu.memory_space<semaphore_mem>>)
      } else {
      }
      %dma_wait3A_202 = arith.constant 0 : i32
      %dma_wait3A_203 = tpu.memref_slice %arg3[%dma_wait3A_202] : memref<33554432xf32, #tpu.memory_space<hbm>> -> memref<33554432xf32, #tpu.memory_space<hbm>>
      tpu.wait_indirect_dma semaphore(%arg44 : memref<!tpu.dma_semaphore, #tpu.memory_space<semaphore_mem>>) src(%dma_wait3A_203 : memref<33554432xf32, #tpu.memory_space<hbm>>) dst(%arg39 : memref<4096xf32, #tpu.memory_space<vmem>>)
      %scan3A_204 = arith.constant 0 : i32
      %scan3A_205 = arith.constant 0 : i32
      %scan3A_206 = arith.constant 32 : i32
      %scan3A_207 = arith.addi %scan3A_205, %scan3A_206 : i32
      %scan3A_208 = arith.constant 1 : i32
      scf.for %scan3A_293 = %scan3A_205 to %scan3A_207 step %scan3A_208  : i32 {
        %mul3A_294 = arith.constant 16 : i32
        %mul3A_295 = arith.muli %scan3A_293, %mul3A_294 : i32
        %get3A = arith.index_cast %mul3A_295 : i32 to index
        %get3A_296 = tpu.vector_load %arg40[%get3A] {strides = array<i32>} : memref<512xf32, #tpu.memory_space<vmem>>, vector<16xf32>,
        %get3A_297 = arith.index_cast %mul3A_295 : i32 to index
        %get3A_298 = tpu.vector_load %arg41[%get3A_297] {strides = array<i32>} : memref<512xf32, #tpu.memory_space<vmem>>, vector<16xf32>,
        %get3A_299 = arith.index_cast %mul3A_295 : i32 to index
        %get3A_300 = tpu.vector_load %arg42[%get3A_299] {strides = array<i32>} : memref<512xf32, #tpu.memory_space<vmem>>, vector<16xf32>,
        %add3A_301 = arith.constant 0 : i32
        %add3A_302 = arith.addi %add3A_301, %mul3A_295 : i32
        %get3A_303 = arith.index_cast %add3A_302 : i32 to index
        %get3A_304 = tpu.vector_load %arg39[%get3A_303] {strides = array<i32>} : memref<4096xf32, #tpu.memory_space<vmem>>, vector<16xf32>,
        %add3A_305 = arith.constant 512 : i32
        %add3A_306 = arith.addi %add3A_305, %mul3A_295 : i32
        %get3A_307 = arith.index_cast %add3A_306 : i32 to index
        %get3A_308 = tpu.vector_load %arg39[%get3A_307] {strides = array<i32>} : memref<4096xf32, #tpu.memory_space<vmem>>, vector<16xf32>,
        %add3A_309 = arith.constant 1024 : i32
        %add3A_310 = arith.addi %add3A_309, %mul3A_295 : i32
        %get3A_311 = arith.index_cast %add3A_310 : i32 to index
        %get3A_312 = tpu.vector_load %arg39[%get3A_311] {strides = array<i32>} : memref<4096xf32, #tpu.memory_space<vmem>>, vector<16xf32>,
        %add3A_313 = arith.constant 1536 : i32
        %add3A_314 = arith.addi %add3A_313, %mul3A_295 : i32
        %get3A_315 = arith.index_cast %add3A_314 : i32 to index
        %get3A_316 = tpu.vector_load %arg39[%get3A_315] {strides = array<i32>} : memref<4096xf32, #tpu.memory_space<vmem>>, vector<16xf32>,
        %add3A_317 = arith.constant 2048 : i32
        %add3A_318 = arith.addi %add3A_317, %mul3A_295 : i32
        %get3A_319 = arith.index_cast %add3A_318 : i32 to index
        %get3A_320 = tpu.vector_load %arg39[%get3A_319] {strides = array<i32>} : memref<4096xf32, #tpu.memory_space<vmem>>, vector<16xf32>,
        %add3A_321 = arith.constant 2560 : i32
        %add3A_322 = arith.addi %add3A_321, %mul3A_295 : i32
        %get3A_323 = arith.index_cast %add3A_322 : i32 to index
        %get3A_324 = tpu.vector_load %arg39[%get3A_323] {strides = array<i32>} : memref<4096xf32, #tpu.memory_space<vmem>>, vector<16xf32>,
        %add3A_325 = arith.constant 3072 : i32
        %add3A_326 = arith.addi %add3A_325, %mul3A_295 : i32
        %get3A_327 = arith.index_cast %add3A_326 : i32 to index
        %get3A_328 = tpu.vector_load %arg39[%get3A_327] {strides = array<i32>} : memref<4096xf32, #tpu.memory_space<vmem>>, vector<16xf32>,
        %add3A_329 = arith.constant 3584 : i32
        %add3A_330 = arith.addi %add3A_329, %mul3A_295 : i32
        %get3A_331 = arith.index_cast %add3A_330 : i32 to index
        %get3A_332 = tpu.vector_load %arg39[%get3A_331] {strides = array<i32>} : memref<4096xf32, #tpu.memory_space<vmem>>, vector<16xf32>,
        %sub3A_333 = arith.subf %get3A_308, %get3A_304 : vector<16xf32>
        %mul3A_334 = arith.mulf %get3A_296, %sub3A_333 : vector<16xf32>
        %add3A_335 = arith.addf %get3A_304, %mul3A_334 : vector<16xf32>
        %sub3A_336 = arith.subf %get3A_316, %get3A_312 : vector<16xf32>
        %mul3A_337 = arith.mulf %get3A_296, %sub3A_336 : vector<16xf32>
        %add3A_338 = arith.addf %get3A_312, %mul3A_337 : vector<16xf32>
        %sub3A_339 = arith.subf %get3A_324, %get3A_320 : vector<16xf32>
        %mul3A_340 = arith.mulf %get3A_296, %sub3A_339 : vector<16xf32>
        %add3A_341 = arith.addf %get3A_320, %mul3A_340 : vector<16xf32>
        %sub3A_342 = arith.subf %get3A_332, %get3A_328 : vector<16xf32>
        %mul3A_343 = arith.mulf %get3A_296, %sub3A_342 : vector<16xf32>
        %add3A_344 = arith.addf %get3A_328, %mul3A_343 : vector<16xf32>
        %sub3A_345 = arith.subf %add3A_338, %add3A_335 : vector<16xf32>
        %mul3A_346 = arith.mulf %get3A_298, %sub3A_345 : vector<16xf32>
        %add3A_347 = arith.addf %add3A_335, %mul3A_346 : vector<16xf32>
        %sub3A_348 = arith.subf %add3A_344, %add3A_341 : vector<16xf32>
        %mul3A_349 = arith.mulf %get3A_298, %sub3A_348 : vector<16xf32>
        %add3A_350 = arith.addf %add3A_341, %mul3A_349 : vector<16xf32>
        %sub3A_351 = arith.subf %add3A_350, %add3A_347 : vector<16xf32>
        %mul3A_352 = arith.mulf %get3A_300, %sub3A_351 : vector<16xf32>
        %add3A_353 = arith.addf %add3A_347, %mul3A_352 : vector<16xf32>
        %swap3A = arith.index_cast %mul3A_295 : i32 to index
        %swap3A_354 = tpu.vector_load %arg43[%swap3A] {strides = array<i32>} : memref<512xf32, #tpu.memory_space<vmem>>, vector<16xf32>,
        tpu.vector_store %arg43[%swap3A], %add3A_353 {strides = array<i32>} : memref<512xf32, #tpu.memory_space<vmem>>, vector<16xf32>,
      }
      %scan3A_209 = arith.constant 32 : i32
      %mul3A_210 = arith.constant 32768 : i32
      %mul3A_211 = arith.muli %add3A, %mul3A_210 : i32
      %mul3A_212 = arith.constant 512 : i32
      %mul3A_213 = arith.muli %add3A_192, %mul3A_212 : i32
      %add3A_214 = arith.addi %mul3A_211, %mul3A_213 : i32
      "tpu.region"() ({
        %run_scoped3A = tpu.sem_alloc : memref<!tpu.dma_semaphore, #tpu.memory_space<semaphore_mem>>
        %dma_start3A_293 = tpu.memref_slice %arg4[%add3A_214] : memref<1048576xf32, #tpu.memory_space<hbm>> -> memref<512xf32, #tpu.memory_space<hbm>>
        %dma_start3A_294 = tpu.memref_slice %arg4[%add3A_214] : memref<1048576xf32, #tpu.memory_space<hbm>> -> memref<512xf32, #tpu.memory_space<hbm>>
        tpu.enqueue_dma source(%arg43 : memref<512xf32, #tpu.memory_space<vmem>>) target(%dma_start3A_294 : memref<512xf32, #tpu.memory_space<hbm>>) target_semaphore(%run_scoped3A : memref<!tpu.dma_semaphore, #tpu.memory_space<semaphore_mem>>)
        %dma_wait3A_295 = tpu.memref_slice %arg4[%add3A_214] : memref<1048576xf32, #tpu.memory_space<hbm>> -> memref<512xf32, #tpu.memory_space<hbm>>
        %dma_wait3A_296 = tpu.memref_slice %arg4[%add3A_214] : memref<1048576xf32, #tpu.memory_space<hbm>> -> memref<512xf32, #tpu.memory_space<hbm>>
        tpu.wait_dma2 semaphore(%run_scoped3A : memref<!tpu.dma_semaphore, #tpu.memory_space<semaphore_mem>>) src(%arg43 : memref<512xf32, #tpu.memory_space<vmem>>) dst(%dma_wait3A_296 : memref<512xf32, #tpu.memory_space<hbm>>)
        tpu.yield
      }) : () -> ()
      %mul3A_215 = arith.constant 8 : i32
      %mul3A_216 = arith.muli %scan3A_89, %mul3A_215 : i32
      %add3A_217 = arith.constant 5 : i32
      %add3A_218 = arith.addi %mul3A_216, %add3A_217 : i32
      %add3A_219 = arith.constant 8 : i32
      %add3A_220 = arith.addi %add3A_218, %add3A_219 : i32
      %sub3A_221 = arith.constant 1 : i32
      %sub3A_222 = arith.subi %add3A_220, %sub3A_221 : i32
      %lt3A_223 = arith.constant 64 : i32
      %lt3A_224 = arith.cmpi slt, %sub3A_222, %lt3A_223 : i32
      %convert_element_type3A_225 = arith.extui %lt3A_224 : i1 to i32
      %cond3A_226 = arith.constant 0 : i32
      %cond3A_227 = arith.cmpi ne, %convert_element_type3A_225, %cond3A_226 : i32
      scf.if %cond3A_227 {
        %mul3A_293 = arith.constant 32768 : i32
        %mul3A_294 = arith.muli %add3A, %mul3A_293 : i32
        %mul3A_295 = arith.constant 512 : i32
        %mul3A_296 = arith.muli %sub3A_222, %mul3A_295 : i32
        %add3A_297 = arith.addi %mul3A_294, %mul3A_296 : i32
        "tpu.region"() ({
          %run_scoped3A = tpu.sem_alloc : memref<!tpu.dma_semaphore, #tpu.memory_space<semaphore_mem>>
          %dma_start3A_306 = arith.constant 0 : i32
          %dma_start3A_307 = tpu.memref_slice %arg2[%dma_start3A_306, %add3A_297] : memref<7x1048576xf32, #tpu.memory_space<hbm>> -> memref<7x512xf32, #tpu.memory_space<hbm>>
          %dma_start3A_308 = arith.constant 0 : i32
          %dma_start3A_309 = tpu.memref_slice %arg2[%dma_start3A_308, %add3A_297] : memref<7x1048576xf32, #tpu.memory_space<hbm>> -> memref<7x512xf32, #tpu.memory_space<hbm>>
          tpu.enqueue_dma source(%dma_start3A_309 : memref<7x512xf32, #tpu.memory_space<hbm>>) target(%arg37 : memref<7x512xf32, #tpu.memory_space<vmem>>) target_semaphore(%run_scoped3A : memref<!tpu.dma_semaphore, #tpu.memory_space<semaphore_mem>>)
          %dma_wait3A_310 = arith.constant 0 : i32
          %dma_wait3A_311 = tpu.memref_slice %arg2[%dma_wait3A_310, %add3A_297] : memref<7x1048576xf32, #tpu.memory_space<hbm>> -> memref<7x512xf32, #tpu.memory_space<hbm>>
          %dma_wait3A_312 = arith.constant 0 : i32
          %dma_wait3A_313 = tpu.memref_slice %arg2[%dma_wait3A_312, %add3A_297] : memref<7x1048576xf32, #tpu.memory_space<hbm>> -> memref<7x512xf32, #tpu.memory_space<hbm>>
          tpu.wait_dma2 semaphore(%run_scoped3A : memref<!tpu.dma_semaphore, #tpu.memory_space<semaphore_mem>>) src(%dma_wait3A_313 : memref<7x512xf32, #tpu.memory_space<hbm>>) dst(%arg37 : memref<7x512xf32, #tpu.memory_space<vmem>>)
          tpu.yield
        }) : () -> ()
        %scan3A_298 = arith.constant 0 : i32
        %scan3A_299 = arith.constant 0 : i32
        %scan3A_300 = arith.constant 32 : i32
        %scan3A_301 = arith.addi %scan3A_299, %scan3A_300 : i32
        %scan3A_302 = arith.constant 1 : i32
        scf.for %scan3A_306 = %scan3A_299 to %scan3A_301 step %scan3A_302  : i32 {
          %mul3A_307 = arith.constant 16 : i32
          %mul3A_308 = arith.muli %scan3A_306, %mul3A_307 : i32
          %get3A = arith.constant 0 : i32
          %get3A_309 = arith.index_cast %get3A : i32 to index
          %get3A_310 = arith.index_cast %mul3A_308 : i32 to index
          %get3A_311 = tpu.vector_load %arg37[%get3A_309, %get3A_310] {strides = array<i32>} : memref<7x512xf32, #tpu.memory_space<vmem>>, vector<16xf32>,
          %get3A_312 = arith.constant 1 : i32
          %get3A_313 = arith.index_cast %get3A_312 : i32 to index
          %get3A_314 = arith.index_cast %mul3A_308 : i32 to index
          %get3A_315 = tpu.vector_load %arg37[%get3A_313, %get3A_314] {strides = array<i32>} : memref<7x512xf32, #tpu.memory_space<vmem>>, vector<16xf32>,
          %get3A_316 = arith.constant 2 : i32
          %get3A_317 = arith.index_cast %get3A_316 : i32 to index
          %get3A_318 = arith.index_cast %mul3A_308 : i32 to index
          %get3A_319 = tpu.vector_load %arg37[%get3A_317, %get3A_318] {strides = array<i32>} : memref<7x512xf32, #tpu.memory_space<vmem>>, vector<16xf32>,
          %get3A_320 = arith.constant 3 : i32
          %get3A_321 = arith.index_cast %get3A_320 : i32 to index
          %get3A_322 = arith.index_cast %mul3A_308 : i32 to index
          %get3A_323 = tpu.vector_load %arg37[%get3A_321, %get3A_322] {strides = array<i32>} : memref<7x512xf32, #tpu.memory_space<vmem>>, vector<16xf32>,
          %get3A_324 = arith.constant 4 : i32
          %get3A_325 = arith.index_cast %get3A_324 : i32 to index
          %get3A_326 = arith.index_cast %mul3A_308 : i32 to index
          %get3A_327 = tpu.vector_load %arg37[%get3A_325, %get3A_326] {strides = array<i32>} : memref<7x512xf32, #tpu.memory_space<vmem>>, vector<16xf32>,
          %get3A_328 = arith.constant 5 : i32
          %get3A_329 = arith.index_cast %get3A_328 : i32 to index
          %get3A_330 = arith.index_cast %mul3A_308 : i32 to index
          %get3A_331 = tpu.vector_load %arg37[%get3A_329, %get3A_330] {strides = array<i32>} : memref<7x512xf32, #tpu.memory_space<vmem>>, vector<16xf32>,
          %get3A_332 = arith.constant 6 : i32
          %get3A_333 = arith.index_cast %get3A_332 : i32 to index
          %get3A_334 = arith.index_cast %mul3A_308 : i32 to index
          %get3A_335 = tpu.vector_load %arg37[%get3A_333, %get3A_334] {strides = array<i32>} : memref<7x512xf32, #tpu.memory_space<vmem>>, vector<16xf32>,
          %eq3A = arith.constant 0.000000e+00 : f32
          %eq3A_336 = vector.broadcast %eq3A : f32 to vector<16xf32>
          %eq3A_337 = arith.cmpf oeq, %get3A_335, %eq3A_336 : vector<16xf32>
          %select_n3A = arith.select %eq3A_337, %get3A_311, %get3A_323 : vector<16xi1>, vector<16xf32>
          %add3A_338 = arith.constant 1.000000e+00 : f32
          %add3A_339 = vector.broadcast %add3A_338 : f32 to vector<16xf32>
          %add3A_340 = arith.addf %select_n3A, %add3A_339 : vector<16xf32>
          %mul3A_341 = arith.constant 1.275000e+02 : f32
          %mul3A_342 = vector.broadcast %mul3A_341 : f32 to vector<16xf32>
          %mul3A_343 = arith.mulf %add3A_340, %mul3A_342 : vector<16xf32>
          %select_n3A_344 = arith.select %eq3A_337, %get3A_315, %get3A_327 : vector<16xi1>, vector<16xf32>
          %add3A_345 = arith.constant 1.000000e+00 : f32
          %add3A_346 = vector.broadcast %add3A_345 : f32 to vector<16xf32>
          %add3A_347 = arith.addf %select_n3A_344, %add3A_346 : vector<16xf32>
          %mul3A_348 = arith.constant 1.275000e+02 : f32
          %mul3A_349 = vector.broadcast %mul3A_348 : f32 to vector<16xf32>
          %mul3A_350 = arith.mulf %add3A_347, %mul3A_349 : vector<16xf32>
          %select_n3A_351 = arith.select %eq3A_337, %get3A_319, %get3A_331 : vector<16xi1>, vector<16xf32>
          %add3A_352 = arith.constant 1.000000e+00 : f32
          %add3A_353 = vector.broadcast %add3A_352 : f32 to vector<16xf32>
          %add3A_354 = arith.addf %select_n3A_351, %add3A_353 : vector<16xf32>
          %mul3A_355 = arith.constant 1.275000e+02 : f32
          %mul3A_356 = vector.broadcast %mul3A_355 : f32 to vector<16xf32>
          %mul3A_357 = arith.mulf %add3A_354, %mul3A_356 : vector<16xf32>
          %convert_element_type3A_358 = arith.fptosi %mul3A_343 : vector<16xf32> to vector<16xi32>
          %convert_element_type3A_359 = arith.fptosi %mul3A_350 : vector<16xf32> to vector<16xi32>
          %convert_element_type3A_360 = arith.fptosi %mul3A_357 : vector<16xf32> to vector<16xi32>
          %convert_element_type3A_361 = arith.sitofp %convert_element_type3A_358 : vector<16xi32> to vector<16xf32>
          %sub3A_362 = arith.subf %mul3A_343, %convert_element_type3A_361 : vector<16xf32>
          %swap3A = arith.index_cast %mul3A_308 : i32 to index
          %swap3A_363 = tpu.vector_load %arg40[%swap3A] {strides = array<i32>} : memref<512xf32, #tpu.memory_space<vmem>>, vector<16xf32>,
          tpu.vector_store %arg40[%swap3A], %sub3A_362 {strides = array<i32>} : memref<512xf32, #tpu.memory_space<vmem>>, vector<16xf32>,
          %convert_element_type3A_364 = arith.sitofp %convert_element_type3A_359 : vector<16xi32> to vector<16xf32>
          %sub3A_365 = arith.subf %mul3A_350, %convert_element_type3A_364 : vector<16xf32>
          %swap3A_366 = arith.index_cast %mul3A_308 : i32 to index
          %swap3A_367 = tpu.vector_load %arg41[%swap3A_366] {strides = array<i32>} : memref<512xf32, #tpu.memory_space<vmem>>, vector<16xf32>,
          tpu.vector_store %arg41[%swap3A_366], %sub3A_365 {strides = array<i32>} : memref<512xf32, #tpu.memory_space<vmem>>, vector<16xf32>,
          %convert_element_type3A_368 = arith.sitofp %convert_element_type3A_360 : vector<16xi32> to vector<16xf32>
          %sub3A_369 = arith.subf %mul3A_357, %convert_element_type3A_368 : vector<16xf32>
          %swap3A_370 = arith.index_cast %mul3A_308 : i32 to index
          %swap3A_371 = tpu.vector_load %arg42[%swap3A_370] {strides = array<i32>} : memref<512xf32, #tpu.memory_space<vmem>>, vector<16xf32>,
          tpu.vector_store %arg42[%swap3A_370], %sub3A_369 {strides = array<i32>} : memref<512xf32, #tpu.memory_space<vmem>>, vector<16xf32>,
          %and3A = arith.constant 128 : i32
          %and3A_372 = vector.broadcast %and3A : i32 to vector<16xi32>
          %and3A_373 = arith.andi %convert_element_type3A_358, %and3A_372 : vector<16xi32>
          %mul3A_374 = arith.constant 7 : i32
          %mul3A_375 = vector.broadcast %mul3A_374 : i32 to vector<16xi32>
          %mul3A_376 = arith.muli %and3A_373, %mul3A_375 : vector<16xi32>
          %add3A_377 = arith.addi %convert_element_type3A_358, %mul3A_376 : vector<16xi32>
          %add3A_378 = arith.constant 1 : i32
          %add3A_379 = vector.broadcast %add3A_378 : i32 to vector<16xi32>
          %add3A_380 = arith.addi %convert_element_type3A_358, %add3A_379 : vector<16xi32>
          %and3A_381 = arith.constant 128 : i32
          %and3A_382 = vector.broadcast %and3A_381 : i32 to vector<16xi32>
          %and3A_383 = arith.andi %add3A_380, %and3A_382 : vector<16xi32>
          %mul3A_384 = arith.constant 7 : i32
          %mul3A_385 = vector.broadcast %mul3A_384 : i32 to vector<16xi32>
          %mul3A_386 = arith.muli %and3A_383, %mul3A_385 : vector<16xi32>
          %add3A_387 = arith.addi %add3A_380, %mul3A_386 : vector<16xi32>
          %shift_left3A = arith.constant 7 : i32
          %shift_left3A_388 = vector.broadcast %shift_left3A : i32 to vector<16xi32>
          %shift_left3A_389 = arith.shli %convert_element_type3A_359, %shift_left3A_388 : vector<16xi32>
          %shift_right_arithmetic3A = arith.constant 3 : i32
          %shift_right_arithmetic3A_390 = vector.broadcast %shift_right_arithmetic3A : i32 to vector<16xi32>
          %shift_right_arithmetic3A_391 = arith.shrsi %convert_element_type3A_359, %shift_right_arithmetic3A_390 : vector<16xi32>
          %shift_left3A_392 = arith.constant 10 : i32
          %shift_left3A_393 = vector.broadcast %shift_left3A_392 : i32 to vector<16xi32>
          %shift_left3A_394 = arith.shli %shift_right_arithmetic3A_391, %shift_left3A_393 : vector<16xi32>
          %add3A_395 = arith.addi %shift_left3A_389, %shift_left3A_394 : vector<16xi32>
          %add3A_396 = arith.constant 1 : i32
          %add3A_397 = vector.broadcast %add3A_396 : i32 to vector<16xi32>
          %add3A_398 = arith.addi %convert_element_type3A_359, %add3A_397 : vector<16xi32>
          %shift_left3A_399 = arith.constant 7 : i32
          %shift_left3A_400 = vector.broadcast %shift_left3A_399 : i32 to vector<16xi32>
          %shift_left3A_401 = arith.shli %add3A_398, %shift_left3A_400 : vector<16xi32>
          %shift_right_arithmetic3A_402 = arith.constant 3 : i32
          %shift_right_arithmetic3A_403 = vector.broadcast %shift_right_arithmetic3A_402 : i32 to vector<16xi32>
          %shift_right_arithmetic3A_404 = arith.shrsi %add3A_398, %shift_right_arithmetic3A_403 : vector<16xi32>
          %shift_left3A_405 = arith.constant 10 : i32
          %shift_left3A_406 = vector.broadcast %shift_left3A_405 : i32 to vector<16xi32>
          %shift_left3A_407 = arith.shli %shift_right_arithmetic3A_404, %shift_left3A_406 : vector<16xi32>
          %add3A_408 = arith.addi %shift_left3A_401, %shift_left3A_407 : vector<16xi32>
          %jit3A = arith.constant 0 : i32
          %jit3A_409 = arith.constant 16777216 : i32
          %broadcast_in_dim3A = vector.broadcast %jit3A : i32 to vector<16xi32>
          %broadcast_in_dim3A_410 = vector.broadcast %jit3A_409 : i32 to vector<16xi32>
          %select_n3A_411 = arith.select %eq3A_337, %broadcast_in_dim3A, %broadcast_in_dim3A_410 : vector<16xi1>, vector<16xi32>
          %shift_left3A_412 = arith.constant 16 : i32
          %shift_left3A_413 = vector.broadcast %shift_left3A_412 : i32 to vector<16xi32>
          %shift_left3A_414 = arith.shli %convert_element_type3A_360, %shift_left3A_413 : vector<16xi32>
          %add3A_415 = arith.addi %select_n3A_411, %shift_left3A_414 : vector<16xi32>
          %add3A_416 = arith.addi %add3A_415, %add3A_395 : vector<16xi32>
          %add3A_417 = arith.addi %add3A_415, %add3A_408 : vector<16xi32>
          %add3A_418 = arith.constant 65536 : i32
          %add3A_419 = vector.broadcast %add3A_418 : i32 to vector<16xi32>
          %add3A_420 = arith.addi %add3A_416, %add3A_419 : vector<16xi32>
          %add3A_421 = arith.constant 65536 : i32
          %add3A_422 = vector.broadcast %add3A_421 : i32 to vector<16xi32>
          %add3A_423 = arith.addi %add3A_417, %add3A_422 : vector<16xi32>
          %add3A_424 = arith.addi %add3A_416, %add3A_377 : vector<16xi32>
          %add3A_425 = arith.constant 0 : i32
          %add3A_426 = arith.addi %add3A_425, %mul3A_308 : i32
          %swap3A_427 = arith.index_cast %add3A_426 : i32 to index
          %swap3A_428 = tpu.vector_load %arg38[%swap3A_427] {strides = array<i32>} : memref<4096xi32, #tpu.memory_space<vmem>>, vector<16xi32>,
          tpu.vector_store %arg38[%swap3A_427], %add3A_424 {strides = array<i32>} : memref<4096xi32, #tpu.memory_space<vmem>>, vector<16xi32>,
          %add3A_429 = arith.addi %add3A_416, %add3A_387 : vector<16xi32>
          %add3A_430 = arith.constant 512 : i32
          %add3A_431 = arith.addi %add3A_430, %mul3A_308 : i32
          %swap3A_432 = arith.index_cast %add3A_431 : i32 to index
          %swap3A_433 = tpu.vector_load %arg38[%swap3A_432] {strides = array<i32>} : memref<4096xi32, #tpu.memory_space<vmem>>, vector<16xi32>,
          tpu.vector_store %arg38[%swap3A_432], %add3A_429 {strides = array<i32>} : memref<4096xi32, #tpu.memory_space<vmem>>, vector<16xi32>,
          %add3A_434 = arith.addi %add3A_417, %add3A_377 : vector<16xi32>
          %add3A_435 = arith.constant 1024 : i32
          %add3A_436 = arith.addi %add3A_435, %mul3A_308 : i32
          %swap3A_437 = arith.index_cast %add3A_436 : i32 to index
          %swap3A_438 = tpu.vector_load %arg38[%swap3A_437] {strides = array<i32>} : memref<4096xi32, #tpu.memory_space<vmem>>, vector<16xi32>,
          tpu.vector_store %arg38[%swap3A_437], %add3A_434 {strides = array<i32>} : memref<4096xi32, #tpu.memory_space<vmem>>, vector<16xi32>,
          %add3A_439 = arith.addi %add3A_417, %add3A_387 : vector<16xi32>
          %add3A_440 = arith.constant 1536 : i32
          %add3A_441 = arith.addi %add3A_440, %mul3A_308 : i32
          %swap3A_442 = arith.index_cast %add3A_441 : i32 to index
          %swap3A_443 = tpu.vector_load %arg38[%swap3A_442] {strides = array<i32>} : memref<4096xi32, #tpu.memory_space<vmem>>, vector<16xi32>,
          tpu.vector_store %arg38[%swap3A_442], %add3A_439 {strides = array<i32>} : memref<4096xi32, #tpu.memory_space<vmem>>, vector<16xi32>,
          %add3A_444 = arith.addi %add3A_420, %add3A_377 : vector<16xi32>
          %add3A_445 = arith.constant 2048 : i32
          %add3A_446 = arith.addi %add3A_445, %mul3A_308 : i32
          %swap3A_447 = arith.index_cast %add3A_446 : i32 to index
          %swap3A_448 = tpu.vector_load %arg38[%swap3A_447] {strides = array<i32>} : memref<4096xi32, #tpu.memory_space<vmem>>, vector<16xi32>,
          tpu.vector_store %arg38[%swap3A_447], %add3A_444 {strides = array<i32>} : memref<4096xi32, #tpu.memory_space<vmem>>, vector<16xi32>,
          %add3A_449 = arith.addi %add3A_420, %add3A_387 : vector<16xi32>
          %add3A_450 = arith.constant 2560 : i32
          %add3A_451 = arith.addi %add3A_450, %mul3A_308 : i32
          %swap3A_452 = arith.index_cast %add3A_451 : i32 to index
          %swap3A_453 = tpu.vector_load %arg38[%swap3A_452] {strides = array<i32>} : memref<4096xi32, #tpu.memory_space<vmem>>, vector<16xi32>,
          tpu.vector_store %arg38[%swap3A_452], %add3A_449 {strides = array<i32>} : memref<4096xi32, #tpu.memory_space<vmem>>, vector<16xi32>,
          %add3A_454 = arith.addi %add3A_423, %add3A_377 : vector<16xi32>
          %add3A_455 = arith.constant 3072 : i32
          %add3A_456 = arith.addi %add3A_455, %mul3A_308 : i32
          %swap3A_457 = arith.index_cast %add3A_456 : i32 to index
          %swap3A_458 = tpu.vector_load %arg38[%swap3A_457] {strides = array<i32>} : memref<4096xi32, #tpu.memory_space<vmem>>, vector<16xi32>,
          tpu.vector_store %arg38[%swap3A_457], %add3A_454 {strides = array<i32>} : memref<4096xi32, #tpu.memory_space<vmem>>, vector<16xi32>,
          %add3A_459 = arith.addi %add3A_423, %add3A_387 : vector<16xi32>
          %add3A_460 = arith.constant 3584 : i32
          %add3A_461 = arith.addi %add3A_460, %mul3A_308 : i32
          %swap3A_462 = arith.index_cast %add3A_461 : i32 to index
          %swap3A_463 = tpu.vector_load %arg38[%swap3A_462] {strides = array<i32>} : memref<4096xi32, #tpu.memory_space<vmem>>, vector<16xi32>,
          tpu.vector_store %arg38[%swap3A_462], %add3A_459 {strides = array<i32>} : memref<4096xi32, #tpu.memory_space<vmem>>, vector<16xi32>,
        }
        %scan3A_303 = arith.constant 32 : i32
        %dma_start3A_304 = arith.constant 0 : i32
        %dma_start3A_305 = tpu.memref_slice %arg3[%dma_start3A_304] : memref<33554432xf32, #tpu.memory_space<hbm>> -> memref<33554432xf32, #tpu.memory_space<hbm>>
        tpu.enqueue_indirect_dma source(%dma_start3A_305 : memref<33554432xf32, #tpu.memory_space<hbm>>) target(%arg39 : memref<4096xf32, #tpu.memory_space<vmem>>) offsets(%arg38 : memref<4096xi32, #tpu.memory_space<vmem>>) semaphore(%arg44 : memref<!tpu.dma_semaphore, #tpu.memory_space<semaphore_mem>>)
      } else {
      }
      %dma_wait3A_228 = arith.constant 0 : i32
      %dma_wait3A_229 = tpu.memref_slice %arg3[%dma_wait3A_228] : memref<33554432xf32, #tpu.memory_space<hbm>> -> memref<33554432xf32, #tpu.memory_space<hbm>>
      tpu.wait_indirect_dma semaphore(%arg52 : memref<!tpu.dma_semaphore, #tpu.memory_space<semaphore_mem>>) src(%dma_wait3A_229 : memref<33554432xf32, #tpu.memory_space<hbm>>) dst(%arg47 : memref<4096xf32, #tpu.memory_space<vmem>>)
      %scan3A_230 = arith.constant 0 : i32
      %scan3A_231 = arith.constant 0 : i32
      %scan3A_232 = arith.constant 32 : i32
      %scan3A_233 = arith.addi %scan3A_231, %scan3A_232 : i32
      %scan3A_234 = arith.constant 1 : i32
      scf.for %scan3A_293 = %scan3A_231 to %scan3A_233 step %scan3A_234  : i32 {
        %mul3A_294 = arith.constant 16 : i32
        %mul3A_295 = arith.muli %scan3A_293, %mul3A_294 : i32
        %get3A = arith.index_cast %mul3A_295 : i32 to index
        %get3A_296 = tpu.vector_load %arg48[%get3A] {strides = array<i32>} : memref<512xf32, #tpu.memory_space<vmem>>, vector<16xf32>,
        %get3A_297 = arith.index_cast %mul3A_295 : i32 to index
        %get3A_298 = tpu.vector_load %arg49[%get3A_297] {strides = array<i32>} : memref<512xf32, #tpu.memory_space<vmem>>, vector<16xf32>,
        %get3A_299 = arith.index_cast %mul3A_295 : i32 to index
        %get3A_300 = tpu.vector_load %arg50[%get3A_299] {strides = array<i32>} : memref<512xf32, #tpu.memory_space<vmem>>, vector<16xf32>,
        %add3A_301 = arith.constant 0 : i32
        %add3A_302 = arith.addi %add3A_301, %mul3A_295 : i32
        %get3A_303 = arith.index_cast %add3A_302 : i32 to index
        %get3A_304 = tpu.vector_load %arg47[%get3A_303] {strides = array<i32>} : memref<4096xf32, #tpu.memory_space<vmem>>, vector<16xf32>,
        %add3A_305 = arith.constant 512 : i32
        %add3A_306 = arith.addi %add3A_305, %mul3A_295 : i32
        %get3A_307 = arith.index_cast %add3A_306 : i32 to index
        %get3A_308 = tpu.vector_load %arg47[%get3A_307] {strides = array<i32>} : memref<4096xf32, #tpu.memory_space<vmem>>, vector<16xf32>,
        %add3A_309 = arith.constant 1024 : i32
        %add3A_310 = arith.addi %add3A_309, %mul3A_295 : i32
        %get3A_311 = arith.index_cast %add3A_310 : i32 to index
        %get3A_312 = tpu.vector_load %arg47[%get3A_311] {strides = array<i32>} : memref<4096xf32, #tpu.memory_space<vmem>>, vector<16xf32>,
        %add3A_313 = arith.constant 1536 : i32
        %add3A_314 = arith.addi %add3A_313, %mul3A_295 : i32
        %get3A_315 = arith.index_cast %add3A_314 : i32 to index
        %get3A_316 = tpu.vector_load %arg47[%get3A_315] {strides = array<i32>} : memref<4096xf32, #tpu.memory_space<vmem>>, vector<16xf32>,
        %add3A_317 = arith.constant 2048 : i32
        %add3A_318 = arith.addi %add3A_317, %mul3A_295 : i32
        %get3A_319 = arith.index_cast %add3A_318 : i32 to index
        %get3A_320 = tpu.vector_load %arg47[%get3A_319] {strides = array<i32>} : memref<4096xf32, #tpu.memory_space<vmem>>, vector<16xf32>,
        %add3A_321 = arith.constant 2560 : i32
        %add3A_322 = arith.addi %add3A_321, %mul3A_295 : i32
        %get3A_323 = arith.index_cast %add3A_322 : i32 to index
        %get3A_324 = tpu.vector_load %arg47[%get3A_323] {strides = array<i32>} : memref<4096xf32, #tpu.memory_space<vmem>>, vector<16xf32>,
        %add3A_325 = arith.constant 3072 : i32
        %add3A_326 = arith.addi %add3A_325, %mul3A_295 : i32
        %get3A_327 = arith.index_cast %add3A_326 : i32 to index
        %get3A_328 = tpu.vector_load %arg47[%get3A_327] {strides = array<i32>} : memref<4096xf32, #tpu.memory_space<vmem>>, vector<16xf32>,
        %add3A_329 = arith.constant 3584 : i32
        %add3A_330 = arith.addi %add3A_329, %mul3A_295 : i32
        %get3A_331 = arith.index_cast %add3A_330 : i32 to index
        %get3A_332 = tpu.vector_load %arg47[%get3A_331] {strides = array<i32>} : memref<4096xf32, #tpu.memory_space<vmem>>, vector<16xf32>,
        %sub3A_333 = arith.subf %get3A_308, %get3A_304 : vector<16xf32>
        %mul3A_334 = arith.mulf %get3A_296, %sub3A_333 : vector<16xf32>
        %add3A_335 = arith.addf %get3A_304, %mul3A_334 : vector<16xf32>
        %sub3A_336 = arith.subf %get3A_316, %get3A_312 : vector<16xf32>
        %mul3A_337 = arith.mulf %get3A_296, %sub3A_336 : vector<16xf32>
        %add3A_338 = arith.addf %get3A_312, %mul3A_337 : vector<16xf32>
        %sub3A_339 = arith.subf %get3A_324, %get3A_320 : vector<16xf32>
        %mul3A_340 = arith.mulf %get3A_296, %sub3A_339 : vector<16xf32>
        %add3A_341 = arith.addf %get3A_320, %mul3A_340 : vector<16xf32>
        %sub3A_342 = arith.subf %get3A_332, %get3A_328 : vector<16xf32>
        %mul3A_343 = arith.mulf %get3A_296, %sub3A_342 : vector<16xf32>
        %add3A_344 = arith.addf %get3A_328, %mul3A_343 : vector<16xf32>
        %sub3A_345 = arith.subf %add3A_338, %add3A_335 : vector<16xf32>
        %mul3A_346 = arith.mulf %get3A_298, %sub3A_345 : vector<16xf32>
        %add3A_347 = arith.addf %add3A_335, %mul3A_346 : vector<16xf32>
        %sub3A_348 = arith.subf %add3A_344, %add3A_341 : vector<16xf32>
        %mul3A_349 = arith.mulf %get3A_298, %sub3A_348 : vector<16xf32>
        %add3A_350 = arith.addf %add3A_341, %mul3A_349 : vector<16xf32>
        %sub3A_351 = arith.subf %add3A_350, %add3A_347 : vector<16xf32>
        %mul3A_352 = arith.mulf %get3A_300, %sub3A_351 : vector<16xf32>
        %add3A_353 = arith.addf %add3A_347, %mul3A_352 : vector<16xf32>
        %swap3A = arith.index_cast %mul3A_295 : i32 to index
        %swap3A_354 = tpu.vector_load %arg51[%swap3A] {strides = array<i32>} : memref<512xf32, #tpu.memory_space<vmem>>, vector<16xf32>,
        tpu.vector_store %arg51[%swap3A], %add3A_353 {strides = array<i32>} : memref<512xf32, #tpu.memory_space<vmem>>, vector<16xf32>,
      }
      %scan3A_235 = arith.constant 32 : i32
      %mul3A_236 = arith.constant 32768 : i32
      %mul3A_237 = arith.muli %add3A, %mul3A_236 : i32
      %mul3A_238 = arith.constant 512 : i32
      %mul3A_239 = arith.muli %add3A_218, %mul3A_238 : i32
      %add3A_240 = arith.addi %mul3A_237, %mul3A_239 : i32
      "tpu.region"() ({
        %run_scoped3A = tpu.sem_alloc : memref<!tpu.dma_semaphore, #tpu.memory_space<semaphore_mem>>
        %dma_start3A_293 = tpu.memref_slice %arg4[%add3A_240] : memref<1048576xf32, #tpu.memory_space<hbm>> -> memref<512xf32, #tpu.memory_space<hbm>>
        %dma_start3A_294 = tpu.memref_slice %arg4[%add3A_240] : memref<1048576xf32, #tpu.memory_space<hbm>> -> memref<512xf32, #tpu.memory_space<hbm>>
        tpu.enqueue_dma source(%arg51 : memref<512xf32, #tpu.memory_space<vmem>>) target(%dma_start3A_294 : memref<512xf32, #tpu.memory_space<hbm>>) target_semaphore(%run_scoped3A : memref<!tpu.dma_semaphore, #tpu.memory_space<semaphore_mem>>)
        %dma_wait3A_295 = tpu.memref_slice %arg4[%add3A_240] : memref<1048576xf32, #tpu.memory_space<hbm>> -> memref<512xf32, #tpu.memory_space<hbm>>
        %dma_wait3A_296 = tpu.memref_slice %arg4[%add3A_240] : memref<1048576xf32, #tpu.memory_space<hbm>> -> memref<512xf32, #tpu.memory_space<hbm>>
        tpu.wait_dma2 semaphore(%run_scoped3A : memref<!tpu.dma_semaphore, #tpu.memory_space<semaphore_mem>>) src(%arg51 : memref<512xf32, #tpu.memory_space<vmem>>) dst(%dma_wait3A_296 : memref<512xf32, #tpu.memory_space<hbm>>)
        tpu.yield
      }) : () -> ()
      %mul3A_241 = arith.constant 8 : i32
      %mul3A_242 = arith.muli %scan3A_89, %mul3A_241 : i32
      %add3A_243 = arith.constant 6 : i32
      %add3A_244 = arith.addi %mul3A_242, %add3A_243 : i32
      %add3A_245 = arith.constant 8 : i32
      %add3A_246 = arith.addi %add3A_244, %add3A_245 : i32
      %sub3A_247 = arith.constant 1 : i32
      %sub3A_248 = arith.subi %add3A_246, %sub3A_247 : i32
      %lt3A_249 = arith.constant 64 : i32
      %lt3A_250 = arith.cmpi slt, %sub3A_248, %lt3A_249 : i32
      %convert_element_type3A_251 = arith.extui %lt3A_250 : i1 to i32
      %cond3A_252 = arith.constant 0 : i32
      %cond3A_253 = arith.cmpi ne, %convert_element_type3A_251, %cond3A_252 : i32
      scf.if %cond3A_253 {
        %mul3A_293 = arith.constant 32768 : i32
        %mul3A_294 = arith.muli %add3A, %mul3A_293 : i32
        %mul3A_295 = arith.constant 512 : i32
        %mul3A_296 = arith.muli %sub3A_248, %mul3A_295 : i32
        %add3A_297 = arith.addi %mul3A_294, %mul3A_296 : i32
        "tpu.region"() ({
          %run_scoped3A = tpu.sem_alloc : memref<!tpu.dma_semaphore, #tpu.memory_space<semaphore_mem>>
          %dma_start3A_306 = arith.constant 0 : i32
          %dma_start3A_307 = tpu.memref_slice %arg2[%dma_start3A_306, %add3A_297] : memref<7x1048576xf32, #tpu.memory_space<hbm>> -> memref<7x512xf32, #tpu.memory_space<hbm>>
          %dma_start3A_308 = arith.constant 0 : i32
          %dma_start3A_309 = tpu.memref_slice %arg2[%dma_start3A_308, %add3A_297] : memref<7x1048576xf32, #tpu.memory_space<hbm>> -> memref<7x512xf32, #tpu.memory_space<hbm>>
          tpu.enqueue_dma source(%dma_start3A_309 : memref<7x512xf32, #tpu.memory_space<hbm>>) target(%arg45 : memref<7x512xf32, #tpu.memory_space<vmem>>) target_semaphore(%run_scoped3A : memref<!tpu.dma_semaphore, #tpu.memory_space<semaphore_mem>>)
          %dma_wait3A_310 = arith.constant 0 : i32
          %dma_wait3A_311 = tpu.memref_slice %arg2[%dma_wait3A_310, %add3A_297] : memref<7x1048576xf32, #tpu.memory_space<hbm>> -> memref<7x512xf32, #tpu.memory_space<hbm>>
          %dma_wait3A_312 = arith.constant 0 : i32
          %dma_wait3A_313 = tpu.memref_slice %arg2[%dma_wait3A_312, %add3A_297] : memref<7x1048576xf32, #tpu.memory_space<hbm>> -> memref<7x512xf32, #tpu.memory_space<hbm>>
          tpu.wait_dma2 semaphore(%run_scoped3A : memref<!tpu.dma_semaphore, #tpu.memory_space<semaphore_mem>>) src(%dma_wait3A_313 : memref<7x512xf32, #tpu.memory_space<hbm>>) dst(%arg45 : memref<7x512xf32, #tpu.memory_space<vmem>>)
          tpu.yield
        }) : () -> ()
        %scan3A_298 = arith.constant 0 : i32
        %scan3A_299 = arith.constant 0 : i32
        %scan3A_300 = arith.constant 32 : i32
        %scan3A_301 = arith.addi %scan3A_299, %scan3A_300 : i32
        %scan3A_302 = arith.constant 1 : i32
        scf.for %scan3A_306 = %scan3A_299 to %scan3A_301 step %scan3A_302  : i32 {
          %mul3A_307 = arith.constant 16 : i32
          %mul3A_308 = arith.muli %scan3A_306, %mul3A_307 : i32
          %get3A = arith.constant 0 : i32
          %get3A_309 = arith.index_cast %get3A : i32 to index
          %get3A_310 = arith.index_cast %mul3A_308 : i32 to index
          %get3A_311 = tpu.vector_load %arg45[%get3A_309, %get3A_310] {strides = array<i32>} : memref<7x512xf32, #tpu.memory_space<vmem>>, vector<16xf32>,
          %get3A_312 = arith.constant 1 : i32
          %get3A_313 = arith.index_cast %get3A_312 : i32 to index
          %get3A_314 = arith.index_cast %mul3A_308 : i32 to index
          %get3A_315 = tpu.vector_load %arg45[%get3A_313, %get3A_314] {strides = array<i32>} : memref<7x512xf32, #tpu.memory_space<vmem>>, vector<16xf32>,
          %get3A_316 = arith.constant 2 : i32
          %get3A_317 = arith.index_cast %get3A_316 : i32 to index
          %get3A_318 = arith.index_cast %mul3A_308 : i32 to index
          %get3A_319 = tpu.vector_load %arg45[%get3A_317, %get3A_318] {strides = array<i32>} : memref<7x512xf32, #tpu.memory_space<vmem>>, vector<16xf32>,
          %get3A_320 = arith.constant 3 : i32
          %get3A_321 = arith.index_cast %get3A_320 : i32 to index
          %get3A_322 = arith.index_cast %mul3A_308 : i32 to index
          %get3A_323 = tpu.vector_load %arg45[%get3A_321, %get3A_322] {strides = array<i32>} : memref<7x512xf32, #tpu.memory_space<vmem>>, vector<16xf32>,
          %get3A_324 = arith.constant 4 : i32
          %get3A_325 = arith.index_cast %get3A_324 : i32 to index
          %get3A_326 = arith.index_cast %mul3A_308 : i32 to index
          %get3A_327 = tpu.vector_load %arg45[%get3A_325, %get3A_326] {strides = array<i32>} : memref<7x512xf32, #tpu.memory_space<vmem>>, vector<16xf32>,
          %get3A_328 = arith.constant 5 : i32
          %get3A_329 = arith.index_cast %get3A_328 : i32 to index
          %get3A_330 = arith.index_cast %mul3A_308 : i32 to index
          %get3A_331 = tpu.vector_load %arg45[%get3A_329, %get3A_330] {strides = array<i32>} : memref<7x512xf32, #tpu.memory_space<vmem>>, vector<16xf32>,
          %get3A_332 = arith.constant 6 : i32
          %get3A_333 = arith.index_cast %get3A_332 : i32 to index
          %get3A_334 = arith.index_cast %mul3A_308 : i32 to index
          %get3A_335 = tpu.vector_load %arg45[%get3A_333, %get3A_334] {strides = array<i32>} : memref<7x512xf32, #tpu.memory_space<vmem>>, vector<16xf32>,
          %eq3A = arith.constant 0.000000e+00 : f32
          %eq3A_336 = vector.broadcast %eq3A : f32 to vector<16xf32>
          %eq3A_337 = arith.cmpf oeq, %get3A_335, %eq3A_336 : vector<16xf32>
          %select_n3A = arith.select %eq3A_337, %get3A_311, %get3A_323 : vector<16xi1>, vector<16xf32>
          %add3A_338 = arith.constant 1.000000e+00 : f32
          %add3A_339 = vector.broadcast %add3A_338 : f32 to vector<16xf32>
          %add3A_340 = arith.addf %select_n3A, %add3A_339 : vector<16xf32>
          %mul3A_341 = arith.constant 1.275000e+02 : f32
          %mul3A_342 = vector.broadcast %mul3A_341 : f32 to vector<16xf32>
          %mul3A_343 = arith.mulf %add3A_340, %mul3A_342 : vector<16xf32>
          %select_n3A_344 = arith.select %eq3A_337, %get3A_315, %get3A_327 : vector<16xi1>, vector<16xf32>
          %add3A_345 = arith.constant 1.000000e+00 : f32
          %add3A_346 = vector.broadcast %add3A_345 : f32 to vector<16xf32>
          %add3A_347 = arith.addf %select_n3A_344, %add3A_346 : vector<16xf32>
          %mul3A_348 = arith.constant 1.275000e+02 : f32
          %mul3A_349 = vector.broadcast %mul3A_348 : f32 to vector<16xf32>
          %mul3A_350 = arith.mulf %add3A_347, %mul3A_349 : vector<16xf32>
          %select_n3A_351 = arith.select %eq3A_337, %get3A_319, %get3A_331 : vector<16xi1>, vector<16xf32>
          %add3A_352 = arith.constant 1.000000e+00 : f32
          %add3A_353 = vector.broadcast %add3A_352 : f32 to vector<16xf32>
          %add3A_354 = arith.addf %select_n3A_351, %add3A_353 : vector<16xf32>
          %mul3A_355 = arith.constant 1.275000e+02 : f32
          %mul3A_356 = vector.broadcast %mul3A_355 : f32 to vector<16xf32>
          %mul3A_357 = arith.mulf %add3A_354, %mul3A_356 : vector<16xf32>
          %convert_element_type3A_358 = arith.fptosi %mul3A_343 : vector<16xf32> to vector<16xi32>
          %convert_element_type3A_359 = arith.fptosi %mul3A_350 : vector<16xf32> to vector<16xi32>
          %convert_element_type3A_360 = arith.fptosi %mul3A_357 : vector<16xf32> to vector<16xi32>
          %convert_element_type3A_361 = arith.sitofp %convert_element_type3A_358 : vector<16xi32> to vector<16xf32>
          %sub3A_362 = arith.subf %mul3A_343, %convert_element_type3A_361 : vector<16xf32>
          %swap3A = arith.index_cast %mul3A_308 : i32 to index
          %swap3A_363 = tpu.vector_load %arg48[%swap3A] {strides = array<i32>} : memref<512xf32, #tpu.memory_space<vmem>>, vector<16xf32>,
          tpu.vector_store %arg48[%swap3A], %sub3A_362 {strides = array<i32>} : memref<512xf32, #tpu.memory_space<vmem>>, vector<16xf32>,
          %convert_element_type3A_364 = arith.sitofp %convert_element_type3A_359 : vector<16xi32> to vector<16xf32>
          %sub3A_365 = arith.subf %mul3A_350, %convert_element_type3A_364 : vector<16xf32>
          %swap3A_366 = arith.index_cast %mul3A_308 : i32 to index
          %swap3A_367 = tpu.vector_load %arg49[%swap3A_366] {strides = array<i32>} : memref<512xf32, #tpu.memory_space<vmem>>, vector<16xf32>,
          tpu.vector_store %arg49[%swap3A_366], %sub3A_365 {strides = array<i32>} : memref<512xf32, #tpu.memory_space<vmem>>, vector<16xf32>,
          %convert_element_type3A_368 = arith.sitofp %convert_element_type3A_360 : vector<16xi32> to vector<16xf32>
          %sub3A_369 = arith.subf %mul3A_357, %convert_element_type3A_368 : vector<16xf32>
          %swap3A_370 = arith.index_cast %mul3A_308 : i32 to index
          %swap3A_371 = tpu.vector_load %arg50[%swap3A_370] {strides = array<i32>} : memref<512xf32, #tpu.memory_space<vmem>>, vector<16xf32>,
          tpu.vector_store %arg50[%swap3A_370], %sub3A_369 {strides = array<i32>} : memref<512xf32, #tpu.memory_space<vmem>>, vector<16xf32>,
          %and3A = arith.constant 128 : i32
          %and3A_372 = vector.broadcast %and3A : i32 to vector<16xi32>
          %and3A_373 = arith.andi %convert_element_type3A_358, %and3A_372 : vector<16xi32>
          %mul3A_374 = arith.constant 7 : i32
          %mul3A_375 = vector.broadcast %mul3A_374 : i32 to vector<16xi32>
          %mul3A_376 = arith.muli %and3A_373, %mul3A_375 : vector<16xi32>
          %add3A_377 = arith.addi %convert_element_type3A_358, %mul3A_376 : vector<16xi32>
          %add3A_378 = arith.constant 1 : i32
          %add3A_379 = vector.broadcast %add3A_378 : i32 to vector<16xi32>
          %add3A_380 = arith.addi %convert_element_type3A_358, %add3A_379 : vector<16xi32>
          %and3A_381 = arith.constant 128 : i32
          %and3A_382 = vector.broadcast %and3A_381 : i32 to vector<16xi32>
          %and3A_383 = arith.andi %add3A_380, %and3A_382 : vector<16xi32>
          %mul3A_384 = arith.constant 7 : i32
          %mul3A_385 = vector.broadcast %mul3A_384 : i32 to vector<16xi32>
          %mul3A_386 = arith.muli %and3A_383, %mul3A_385 : vector<16xi32>
          %add3A_387 = arith.addi %add3A_380, %mul3A_386 : vector<16xi32>
          %shift_left3A = arith.constant 7 : i32
          %shift_left3A_388 = vector.broadcast %shift_left3A : i32 to vector<16xi32>
          %shift_left3A_389 = arith.shli %convert_element_type3A_359, %shift_left3A_388 : vector<16xi32>
          %shift_right_arithmetic3A = arith.constant 3 : i32
          %shift_right_arithmetic3A_390 = vector.broadcast %shift_right_arithmetic3A : i32 to vector<16xi32>
          %shift_right_arithmetic3A_391 = arith.shrsi %convert_element_type3A_359, %shift_right_arithmetic3A_390 : vector<16xi32>
          %shift_left3A_392 = arith.constant 10 : i32
          %shift_left3A_393 = vector.broadcast %shift_left3A_392 : i32 to vector<16xi32>
          %shift_left3A_394 = arith.shli %shift_right_arithmetic3A_391, %shift_left3A_393 : vector<16xi32>
          %add3A_395 = arith.addi %shift_left3A_389, %shift_left3A_394 : vector<16xi32>
          %add3A_396 = arith.constant 1 : i32
          %add3A_397 = vector.broadcast %add3A_396 : i32 to vector<16xi32>
          %add3A_398 = arith.addi %convert_element_type3A_359, %add3A_397 : vector<16xi32>
          %shift_left3A_399 = arith.constant 7 : i32
          %shift_left3A_400 = vector.broadcast %shift_left3A_399 : i32 to vector<16xi32>
          %shift_left3A_401 = arith.shli %add3A_398, %shift_left3A_400 : vector<16xi32>
          %shift_right_arithmetic3A_402 = arith.constant 3 : i32
          %shift_right_arithmetic3A_403 = vector.broadcast %shift_right_arithmetic3A_402 : i32 to vector<16xi32>
          %shift_right_arithmetic3A_404 = arith.shrsi %add3A_398, %shift_right_arithmetic3A_403 : vector<16xi32>
          %shift_left3A_405 = arith.constant 10 : i32
          %shift_left3A_406 = vector.broadcast %shift_left3A_405 : i32 to vector<16xi32>
          %shift_left3A_407 = arith.shli %shift_right_arithmetic3A_404, %shift_left3A_406 : vector<16xi32>
          %add3A_408 = arith.addi %shift_left3A_401, %shift_left3A_407 : vector<16xi32>
          %jit3A = arith.constant 0 : i32
          %jit3A_409 = arith.constant 16777216 : i32
          %broadcast_in_dim3A = vector.broadcast %jit3A : i32 to vector<16xi32>
          %broadcast_in_dim3A_410 = vector.broadcast %jit3A_409 : i32 to vector<16xi32>
          %select_n3A_411 = arith.select %eq3A_337, %broadcast_in_dim3A, %broadcast_in_dim3A_410 : vector<16xi1>, vector<16xi32>
          %shift_left3A_412 = arith.constant 16 : i32
          %shift_left3A_413 = vector.broadcast %shift_left3A_412 : i32 to vector<16xi32>
          %shift_left3A_414 = arith.shli %convert_element_type3A_360, %shift_left3A_413 : vector<16xi32>
          %add3A_415 = arith.addi %select_n3A_411, %shift_left3A_414 : vector<16xi32>
          %add3A_416 = arith.addi %add3A_415, %add3A_395 : vector<16xi32>
          %add3A_417 = arith.addi %add3A_415, %add3A_408 : vector<16xi32>
          %add3A_418 = arith.constant 65536 : i32
          %add3A_419 = vector.broadcast %add3A_418 : i32 to vector<16xi32>
          %add3A_420 = arith.addi %add3A_416, %add3A_419 : vector<16xi32>
          %add3A_421 = arith.constant 65536 : i32
          %add3A_422 = vector.broadcast %add3A_421 : i32 to vector<16xi32>
          %add3A_423 = arith.addi %add3A_417, %add3A_422 : vector<16xi32>
          %add3A_424 = arith.addi %add3A_416, %add3A_377 : vector<16xi32>
          %add3A_425 = arith.constant 0 : i32
          %add3A_426 = arith.addi %add3A_425, %mul3A_308 : i32
          %swap3A_427 = arith.index_cast %add3A_426 : i32 to index
          %swap3A_428 = tpu.vector_load %arg46[%swap3A_427] {strides = array<i32>} : memref<4096xi32, #tpu.memory_space<vmem>>, vector<16xi32>,
          tpu.vector_store %arg46[%swap3A_427], %add3A_424 {strides = array<i32>} : memref<4096xi32, #tpu.memory_space<vmem>>, vector<16xi32>,
          %add3A_429 = arith.addi %add3A_416, %add3A_387 : vector<16xi32>
          %add3A_430 = arith.constant 512 : i32
          %add3A_431 = arith.addi %add3A_430, %mul3A_308 : i32
          %swap3A_432 = arith.index_cast %add3A_431 : i32 to index
          %swap3A_433 = tpu.vector_load %arg46[%swap3A_432] {strides = array<i32>} : memref<4096xi32, #tpu.memory_space<vmem>>, vector<16xi32>,
          tpu.vector_store %arg46[%swap3A_432], %add3A_429 {strides = array<i32>} : memref<4096xi32, #tpu.memory_space<vmem>>, vector<16xi32>,
          %add3A_434 = arith.addi %add3A_417, %add3A_377 : vector<16xi32>
          %add3A_435 = arith.constant 1024 : i32
          %add3A_436 = arith.addi %add3A_435, %mul3A_308 : i32
          %swap3A_437 = arith.index_cast %add3A_436 : i32 to index
          %swap3A_438 = tpu.vector_load %arg46[%swap3A_437] {strides = array<i32>} : memref<4096xi32, #tpu.memory_space<vmem>>, vector<16xi32>,
          tpu.vector_store %arg46[%swap3A_437], %add3A_434 {strides = array<i32>} : memref<4096xi32, #tpu.memory_space<vmem>>, vector<16xi32>,
          %add3A_439 = arith.addi %add3A_417, %add3A_387 : vector<16xi32>
          %add3A_440 = arith.constant 1536 : i32
          %add3A_441 = arith.addi %add3A_440, %mul3A_308 : i32
          %swap3A_442 = arith.index_cast %add3A_441 : i32 to index
          %swap3A_443 = tpu.vector_load %arg46[%swap3A_442] {strides = array<i32>} : memref<4096xi32, #tpu.memory_space<vmem>>, vector<16xi32>,
          tpu.vector_store %arg46[%swap3A_442], %add3A_439 {strides = array<i32>} : memref<4096xi32, #tpu.memory_space<vmem>>, vector<16xi32>,
          %add3A_444 = arith.addi %add3A_420, %add3A_377 : vector<16xi32>
          %add3A_445 = arith.constant 2048 : i32
          %add3A_446 = arith.addi %add3A_445, %mul3A_308 : i32
          %swap3A_447 = arith.index_cast %add3A_446 : i32 to index
          %swap3A_448 = tpu.vector_load %arg46[%swap3A_447] {strides = array<i32>} : memref<4096xi32, #tpu.memory_space<vmem>>, vector<16xi32>,
          tpu.vector_store %arg46[%swap3A_447], %add3A_444 {strides = array<i32>} : memref<4096xi32, #tpu.memory_space<vmem>>, vector<16xi32>,
          %add3A_449 = arith.addi %add3A_420, %add3A_387 : vector<16xi32>
          %add3A_450 = arith.constant 2560 : i32
          %add3A_451 = arith.addi %add3A_450, %mul3A_308 : i32
          %swap3A_452 = arith.index_cast %add3A_451 : i32 to index
          %swap3A_453 = tpu.vector_load %arg46[%swap3A_452] {strides = array<i32>} : memref<4096xi32, #tpu.memory_space<vmem>>, vector<16xi32>,
          tpu.vector_store %arg46[%swap3A_452], %add3A_449 {strides = array<i32>} : memref<4096xi32, #tpu.memory_space<vmem>>, vector<16xi32>,
          %add3A_454 = arith.addi %add3A_423, %add3A_377 : vector<16xi32>
          %add3A_455 = arith.constant 3072 : i32
          %add3A_456 = arith.addi %add3A_455, %mul3A_308 : i32
          %swap3A_457 = arith.index_cast %add3A_456 : i32 to index
          %swap3A_458 = tpu.vector_load %arg46[%swap3A_457] {strides = array<i32>} : memref<4096xi32, #tpu.memory_space<vmem>>, vector<16xi32>,
          tpu.vector_store %arg46[%swap3A_457], %add3A_454 {strides = array<i32>} : memref<4096xi32, #tpu.memory_space<vmem>>, vector<16xi32>,
          %add3A_459 = arith.addi %add3A_423, %add3A_387 : vector<16xi32>
          %add3A_460 = arith.constant 3584 : i32
          %add3A_461 = arith.addi %add3A_460, %mul3A_308 : i32
          %swap3A_462 = arith.index_cast %add3A_461 : i32 to index
          %swap3A_463 = tpu.vector_load %arg46[%swap3A_462] {strides = array<i32>} : memref<4096xi32, #tpu.memory_space<vmem>>, vector<16xi32>,
          tpu.vector_store %arg46[%swap3A_462], %add3A_459 {strides = array<i32>} : memref<4096xi32, #tpu.memory_space<vmem>>, vector<16xi32>,
        }
        %scan3A_303 = arith.constant 32 : i32
        %dma_start3A_304 = arith.constant 0 : i32
        %dma_start3A_305 = tpu.memref_slice %arg3[%dma_start3A_304] : memref<33554432xf32, #tpu.memory_space<hbm>> -> memref<33554432xf32, #tpu.memory_space<hbm>>
        tpu.enqueue_indirect_dma source(%dma_start3A_305 : memref<33554432xf32, #tpu.memory_space<hbm>>) target(%arg47 : memref<4096xf32, #tpu.memory_space<vmem>>) offsets(%arg46 : memref<4096xi32, #tpu.memory_space<vmem>>) semaphore(%arg52 : memref<!tpu.dma_semaphore, #tpu.memory_space<semaphore_mem>>)
      } else {
      }
      %dma_wait3A_254 = arith.constant 0 : i32
      %dma_wait3A_255 = tpu.memref_slice %arg3[%dma_wait3A_254] : memref<33554432xf32, #tpu.memory_space<hbm>> -> memref<33554432xf32, #tpu.memory_space<hbm>>
      tpu.wait_indirect_dma semaphore(%arg60 : memref<!tpu.dma_semaphore, #tpu.memory_space<semaphore_mem>>) src(%dma_wait3A_255 : memref<33554432xf32, #tpu.memory_space<hbm>>) dst(%arg55 : memref<4096xf32, #tpu.memory_space<vmem>>)
      %scan3A_256 = arith.constant 0 : i32
      %scan3A_257 = arith.constant 0 : i32
      %scan3A_258 = arith.constant 32 : i32
      %scan3A_259 = arith.addi %scan3A_257, %scan3A_258 : i32
      %scan3A_260 = arith.constant 1 : i32
      scf.for %scan3A_293 = %scan3A_257 to %scan3A_259 step %scan3A_260  : i32 {
        %mul3A_294 = arith.constant 16 : i32
        %mul3A_295 = arith.muli %scan3A_293, %mul3A_294 : i32
        %get3A = arith.index_cast %mul3A_295 : i32 to index
        %get3A_296 = tpu.vector_load %arg56[%get3A] {strides = array<i32>} : memref<512xf32, #tpu.memory_space<vmem>>, vector<16xf32>,
        %get3A_297 = arith.index_cast %mul3A_295 : i32 to index
        %get3A_298 = tpu.vector_load %arg57[%get3A_297] {strides = array<i32>} : memref<512xf32, #tpu.memory_space<vmem>>, vector<16xf32>,
        %get3A_299 = arith.index_cast %mul3A_295 : i32 to index
        %get3A_300 = tpu.vector_load %arg58[%get3A_299] {strides = array<i32>} : memref<512xf32, #tpu.memory_space<vmem>>, vector<16xf32>,
        %add3A_301 = arith.constant 0 : i32
        %add3A_302 = arith.addi %add3A_301, %mul3A_295 : i32
        %get3A_303 = arith.index_cast %add3A_302 : i32 to index
        %get3A_304 = tpu.vector_load %arg55[%get3A_303] {strides = array<i32>} : memref<4096xf32, #tpu.memory_space<vmem>>, vector<16xf32>,
        %add3A_305 = arith.constant 512 : i32
        %add3A_306 = arith.addi %add3A_305, %mul3A_295 : i32
        %get3A_307 = arith.index_cast %add3A_306 : i32 to index
        %get3A_308 = tpu.vector_load %arg55[%get3A_307] {strides = array<i32>} : memref<4096xf32, #tpu.memory_space<vmem>>, vector<16xf32>,
        %add3A_309 = arith.constant 1024 : i32
        %add3A_310 = arith.addi %add3A_309, %mul3A_295 : i32
        %get3A_311 = arith.index_cast %add3A_310 : i32 to index
        %get3A_312 = tpu.vector_load %arg55[%get3A_311] {strides = array<i32>} : memref<4096xf32, #tpu.memory_space<vmem>>, vector<16xf32>,
        %add3A_313 = arith.constant 1536 : i32
        %add3A_314 = arith.addi %add3A_313, %mul3A_295 : i32
        %get3A_315 = arith.index_cast %add3A_314 : i32 to index
        %get3A_316 = tpu.vector_load %arg55[%get3A_315] {strides = array<i32>} : memref<4096xf32, #tpu.memory_space<vmem>>, vector<16xf32>,
        %add3A_317 = arith.constant 2048 : i32
        %add3A_318 = arith.addi %add3A_317, %mul3A_295 : i32
        %get3A_319 = arith.index_cast %add3A_318 : i32 to index
        %get3A_320 = tpu.vector_load %arg55[%get3A_319] {strides = array<i32>} : memref<4096xf32, #tpu.memory_space<vmem>>, vector<16xf32>,
        %add3A_321 = arith.constant 2560 : i32
        %add3A_322 = arith.addi %add3A_321, %mul3A_295 : i32
        %get3A_323 = arith.index_cast %add3A_322 : i32 to index
        %get3A_324 = tpu.vector_load %arg55[%get3A_323] {strides = array<i32>} : memref<4096xf32, #tpu.memory_space<vmem>>, vector<16xf32>,
        %add3A_325 = arith.constant 3072 : i32
        %add3A_326 = arith.addi %add3A_325, %mul3A_295 : i32
        %get3A_327 = arith.index_cast %add3A_326 : i32 to index
        %get3A_328 = tpu.vector_load %arg55[%get3A_327] {strides = array<i32>} : memref<4096xf32, #tpu.memory_space<vmem>>, vector<16xf32>,
        %add3A_329 = arith.constant 3584 : i32
        %add3A_330 = arith.addi %add3A_329, %mul3A_295 : i32
        %get3A_331 = arith.index_cast %add3A_330 : i32 to index
        %get3A_332 = tpu.vector_load %arg55[%get3A_331] {strides = array<i32>} : memref<4096xf32, #tpu.memory_space<vmem>>, vector<16xf32>,
        %sub3A_333 = arith.subf %get3A_308, %get3A_304 : vector<16xf32>
        %mul3A_334 = arith.mulf %get3A_296, %sub3A_333 : vector<16xf32>
        %add3A_335 = arith.addf %get3A_304, %mul3A_334 : vector<16xf32>
        %sub3A_336 = arith.subf %get3A_316, %get3A_312 : vector<16xf32>
        %mul3A_337 = arith.mulf %get3A_296, %sub3A_336 : vector<16xf32>
        %add3A_338 = arith.addf %get3A_312, %mul3A_337 : vector<16xf32>
        %sub3A_339 = arith.subf %get3A_324, %get3A_320 : vector<16xf32>
        %mul3A_340 = arith.mulf %get3A_296, %sub3A_339 : vector<16xf32>
        %add3A_341 = arith.addf %get3A_320, %mul3A_340 : vector<16xf32>
        %sub3A_342 = arith.subf %get3A_332, %get3A_328 : vector<16xf32>
        %mul3A_343 = arith.mulf %get3A_296, %sub3A_342 : vector<16xf32>
        %add3A_344 = arith.addf %get3A_328, %mul3A_343 : vector<16xf32>
        %sub3A_345 = arith.subf %add3A_338, %add3A_335 : vector<16xf32>
        %mul3A_346 = arith.mulf %get3A_298, %sub3A_345 : vector<16xf32>
        %add3A_347 = arith.addf %add3A_335, %mul3A_346 : vector<16xf32>
        %sub3A_348 = arith.subf %add3A_344, %add3A_341 : vector<16xf32>
        %mul3A_349 = arith.mulf %get3A_298, %sub3A_348 : vector<16xf32>
        %add3A_350 = arith.addf %add3A_341, %mul3A_349 : vector<16xf32>
        %sub3A_351 = arith.subf %add3A_350, %add3A_347 : vector<16xf32>
        %mul3A_352 = arith.mulf %get3A_300, %sub3A_351 : vector<16xf32>
        %add3A_353 = arith.addf %add3A_347, %mul3A_352 : vector<16xf32>
        %swap3A = arith.index_cast %mul3A_295 : i32 to index
        %swap3A_354 = tpu.vector_load %arg59[%swap3A] {strides = array<i32>} : memref<512xf32, #tpu.memory_space<vmem>>, vector<16xf32>,
        tpu.vector_store %arg59[%swap3A], %add3A_353 {strides = array<i32>} : memref<512xf32, #tpu.memory_space<vmem>>, vector<16xf32>,
      }
      %scan3A_261 = arith.constant 32 : i32
      %mul3A_262 = arith.constant 32768 : i32
      %mul3A_263 = arith.muli %add3A, %mul3A_262 : i32
      %mul3A_264 = arith.constant 512 : i32
      %mul3A_265 = arith.muli %add3A_244, %mul3A_264 : i32
      %add3A_266 = arith.addi %mul3A_263, %mul3A_265 : i32
      "tpu.region"() ({
        %run_scoped3A = tpu.sem_alloc : memref<!tpu.dma_semaphore, #tpu.memory_space<semaphore_mem>>
        %dma_start3A_293 = tpu.memref_slice %arg4[%add3A_266] : memref<1048576xf32, #tpu.memory_space<hbm>> -> memref<512xf32, #tpu.memory_space<hbm>>
        %dma_start3A_294 = tpu.memref_slice %arg4[%add3A_266] : memref<1048576xf32, #tpu.memory_space<hbm>> -> memref<512xf32, #tpu.memory_space<hbm>>
        tpu.enqueue_dma source(%arg59 : memref<512xf32, #tpu.memory_space<vmem>>) target(%dma_start3A_294 : memref<512xf32, #tpu.memory_space<hbm>>) target_semaphore(%run_scoped3A : memref<!tpu.dma_semaphore, #tpu.memory_space<semaphore_mem>>)
        %dma_wait3A_295 = tpu.memref_slice %arg4[%add3A_266] : memref<1048576xf32, #tpu.memory_space<hbm>> -> memref<512xf32, #tpu.memory_space<hbm>>
        %dma_wait3A_296 = tpu.memref_slice %arg4[%add3A_266] : memref<1048576xf32, #tpu.memory_space<hbm>> -> memref<512xf32, #tpu.memory_space<hbm>>
        tpu.wait_dma2 semaphore(%run_scoped3A : memref<!tpu.dma_semaphore, #tpu.memory_space<semaphore_mem>>) src(%arg59 : memref<512xf32, #tpu.memory_space<vmem>>) dst(%dma_wait3A_296 : memref<512xf32, #tpu.memory_space<hbm>>)
        tpu.yield
      }) : () -> ()
      %mul3A_267 = arith.constant 8 : i32
      %mul3A_268 = arith.muli %scan3A_89, %mul3A_267 : i32
      %add3A_269 = arith.constant 7 : i32
      %add3A_270 = arith.addi %mul3A_268, %add3A_269 : i32
      %add3A_271 = arith.constant 8 : i32
      %add3A_272 = arith.addi %add3A_270, %add3A_271 : i32
      %sub3A_273 = arith.constant 1 : i32
      %sub3A_274 = arith.subi %add3A_272, %sub3A_273 : i32
      %lt3A_275 = arith.constant 64 : i32
      %lt3A_276 = arith.cmpi slt, %sub3A_274, %lt3A_275 : i32
      %convert_element_type3A_277 = arith.extui %lt3A_276 : i1 to i32
      %cond3A_278 = arith.constant 0 : i32
      %cond3A_279 = arith.cmpi ne, %convert_element_type3A_277, %cond3A_278 : i32
      scf.if %cond3A_279 {
        %mul3A_293 = arith.constant 32768 : i32
        %mul3A_294 = arith.muli %add3A, %mul3A_293 : i32
        %mul3A_295 = arith.constant 512 : i32
        %mul3A_296 = arith.muli %sub3A_274, %mul3A_295 : i32
        %add3A_297 = arith.addi %mul3A_294, %mul3A_296 : i32
        "tpu.region"() ({
          %run_scoped3A = tpu.sem_alloc : memref<!tpu.dma_semaphore, #tpu.memory_space<semaphore_mem>>
          %dma_start3A_306 = arith.constant 0 : i32
          %dma_start3A_307 = tpu.memref_slice %arg2[%dma_start3A_306, %add3A_297] : memref<7x1048576xf32, #tpu.memory_space<hbm>> -> memref<7x512xf32, #tpu.memory_space<hbm>>
          %dma_start3A_308 = arith.constant 0 : i32
          %dma_start3A_309 = tpu.memref_slice %arg2[%dma_start3A_308, %add3A_297] : memref<7x1048576xf32, #tpu.memory_space<hbm>> -> memref<7x512xf32, #tpu.memory_space<hbm>>
          tpu.enqueue_dma source(%dma_start3A_309 : memref<7x512xf32, #tpu.memory_space<hbm>>) target(%arg53 : memref<7x512xf32, #tpu.memory_space<vmem>>) target_semaphore(%run_scoped3A : memref<!tpu.dma_semaphore, #tpu.memory_space<semaphore_mem>>)
          %dma_wait3A_310 = arith.constant 0 : i32
          %dma_wait3A_311 = tpu.memref_slice %arg2[%dma_wait3A_310, %add3A_297] : memref<7x1048576xf32, #tpu.memory_space<hbm>> -> memref<7x512xf32, #tpu.memory_space<hbm>>
          %dma_wait3A_312 = arith.constant 0 : i32
          %dma_wait3A_313 = tpu.memref_slice %arg2[%dma_wait3A_312, %add3A_297] : memref<7x1048576xf32, #tpu.memory_space<hbm>> -> memref<7x512xf32, #tpu.memory_space<hbm>>
          tpu.wait_dma2 semaphore(%run_scoped3A : memref<!tpu.dma_semaphore, #tpu.memory_space<semaphore_mem>>) src(%dma_wait3A_313 : memref<7x512xf32, #tpu.memory_space<hbm>>) dst(%arg53 : memref<7x512xf32, #tpu.memory_space<vmem>>)
          tpu.yield
        }) : () -> ()
        %scan3A_298 = arith.constant 0 : i32
        %scan3A_299 = arith.constant 0 : i32
        %scan3A_300 = arith.constant 32 : i32
        %scan3A_301 = arith.addi %scan3A_299, %scan3A_300 : i32
        %scan3A_302 = arith.constant 1 : i32
        scf.for %scan3A_306 = %scan3A_299 to %scan3A_301 step %scan3A_302  : i32 {
          %mul3A_307 = arith.constant 16 : i32
          %mul3A_308 = arith.muli %scan3A_306, %mul3A_307 : i32
          %get3A = arith.constant 0 : i32
          %get3A_309 = arith.index_cast %get3A : i32 to index
          %get3A_310 = arith.index_cast %mul3A_308 : i32 to index
          %get3A_311 = tpu.vector_load %arg53[%get3A_309, %get3A_310] {strides = array<i32>} : memref<7x512xf32, #tpu.memory_space<vmem>>, vector<16xf32>,
          %get3A_312 = arith.constant 1 : i32
          %get3A_313 = arith.index_cast %get3A_312 : i32 to index
          %get3A_314 = arith.index_cast %mul3A_308 : i32 to index
          %get3A_315 = tpu.vector_load %arg53[%get3A_313, %get3A_314] {strides = array<i32>} : memref<7x512xf32, #tpu.memory_space<vmem>>, vector<16xf32>,
          %get3A_316 = arith.constant 2 : i32
          %get3A_317 = arith.index_cast %get3A_316 : i32 to index
          %get3A_318 = arith.index_cast %mul3A_308 : i32 to index
          %get3A_319 = tpu.vector_load %arg53[%get3A_317, %get3A_318] {strides = array<i32>} : memref<7x512xf32, #tpu.memory_space<vmem>>, vector<16xf32>,
          %get3A_320 = arith.constant 3 : i32
          %get3A_321 = arith.index_cast %get3A_320 : i32 to index
          %get3A_322 = arith.index_cast %mul3A_308 : i32 to index
          %get3A_323 = tpu.vector_load %arg53[%get3A_321, %get3A_322] {strides = array<i32>} : memref<7x512xf32, #tpu.memory_space<vmem>>, vector<16xf32>,
          %get3A_324 = arith.constant 4 : i32
          %get3A_325 = arith.index_cast %get3A_324 : i32 to index
          %get3A_326 = arith.index_cast %mul3A_308 : i32 to index
          %get3A_327 = tpu.vector_load %arg53[%get3A_325, %get3A_326] {strides = array<i32>} : memref<7x512xf32, #tpu.memory_space<vmem>>, vector<16xf32>,
          %get3A_328 = arith.constant 5 : i32
          %get3A_329 = arith.index_cast %get3A_328 : i32 to index
          %get3A_330 = arith.index_cast %mul3A_308 : i32 to index
          %get3A_331 = tpu.vector_load %arg53[%get3A_329, %get3A_330] {strides = array<i32>} : memref<7x512xf32, #tpu.memory_space<vmem>>, vector<16xf32>,
          %get3A_332 = arith.constant 6 : i32
          %get3A_333 = arith.index_cast %get3A_332 : i32 to index
          %get3A_334 = arith.index_cast %mul3A_308 : i32 to index
          %get3A_335 = tpu.vector_load %arg53[%get3A_333, %get3A_334] {strides = array<i32>} : memref<7x512xf32, #tpu.memory_space<vmem>>, vector<16xf32>,
          %eq3A = arith.constant 0.000000e+00 : f32
          %eq3A_336 = vector.broadcast %eq3A : f32 to vector<16xf32>
          %eq3A_337 = arith.cmpf oeq, %get3A_335, %eq3A_336 : vector<16xf32>
          %select_n3A = arith.select %eq3A_337, %get3A_311, %get3A_323 : vector<16xi1>, vector<16xf32>
          %add3A_338 = arith.constant 1.000000e+00 : f32
          %add3A_339 = vector.broadcast %add3A_338 : f32 to vector<16xf32>
          %add3A_340 = arith.addf %select_n3A, %add3A_339 : vector<16xf32>
          %mul3A_341 = arith.constant 1.275000e+02 : f32
          %mul3A_342 = vector.broadcast %mul3A_341 : f32 to vector<16xf32>
          %mul3A_343 = arith.mulf %add3A_340, %mul3A_342 : vector<16xf32>
          %select_n3A_344 = arith.select %eq3A_337, %get3A_315, %get3A_327 : vector<16xi1>, vector<16xf32>
          %add3A_345 = arith.constant 1.000000e+00 : f32
          %add3A_346 = vector.broadcast %add3A_345 : f32 to vector<16xf32>
          %add3A_347 = arith.addf %select_n3A_344, %add3A_346 : vector<16xf32>
          %mul3A_348 = arith.constant 1.275000e+02 : f32
          %mul3A_349 = vector.broadcast %mul3A_348 : f32 to vector<16xf32>
          %mul3A_350 = arith.mulf %add3A_347, %mul3A_349 : vector<16xf32>
          %select_n3A_351 = arith.select %eq3A_337, %get3A_319, %get3A_331 : vector<16xi1>, vector<16xf32>
          %add3A_352 = arith.constant 1.000000e+00 : f32
          %add3A_353 = vector.broadcast %add3A_352 : f32 to vector<16xf32>
          %add3A_354 = arith.addf %select_n3A_351, %add3A_353 : vector<16xf32>
          %mul3A_355 = arith.constant 1.275000e+02 : f32
          %mul3A_356 = vector.broadcast %mul3A_355 : f32 to vector<16xf32>
          %mul3A_357 = arith.mulf %add3A_354, %mul3A_356 : vector<16xf32>
          %convert_element_type3A_358 = arith.fptosi %mul3A_343 : vector<16xf32> to vector<16xi32>
          %convert_element_type3A_359 = arith.fptosi %mul3A_350 : vector<16xf32> to vector<16xi32>
          %convert_element_type3A_360 = arith.fptosi %mul3A_357 : vector<16xf32> to vector<16xi32>
          %convert_element_type3A_361 = arith.sitofp %convert_element_type3A_358 : vector<16xi32> to vector<16xf32>
          %sub3A_362 = arith.subf %mul3A_343, %convert_element_type3A_361 : vector<16xf32>
          %swap3A = arith.index_cast %mul3A_308 : i32 to index
          %swap3A_363 = tpu.vector_load %arg56[%swap3A] {strides = array<i32>} : memref<512xf32, #tpu.memory_space<vmem>>, vector<16xf32>,
          tpu.vector_store %arg56[%swap3A], %sub3A_362 {strides = array<i32>} : memref<512xf32, #tpu.memory_space<vmem>>, vector<16xf32>,
          %convert_element_type3A_364 = arith.sitofp %convert_element_type3A_359 : vector<16xi32> to vector<16xf32>
          %sub3A_365 = arith.subf %mul3A_350, %convert_element_type3A_364 : vector<16xf32>
          %swap3A_366 = arith.index_cast %mul3A_308 : i32 to index
          %swap3A_367 = tpu.vector_load %arg57[%swap3A_366] {strides = array<i32>} : memref<512xf32, #tpu.memory_space<vmem>>, vector<16xf32>,
          tpu.vector_store %arg57[%swap3A_366], %sub3A_365 {strides = array<i32>} : memref<512xf32, #tpu.memory_space<vmem>>, vector<16xf32>,
          %convert_element_type3A_368 = arith.sitofp %convert_element_type3A_360 : vector<16xi32> to vector<16xf32>
          %sub3A_369 = arith.subf %mul3A_357, %convert_element_type3A_368 : vector<16xf32>
          %swap3A_370 = arith.index_cast %mul3A_308 : i32 to index
          %swap3A_371 = tpu.vector_load %arg58[%swap3A_370] {strides = array<i32>} : memref<512xf32, #tpu.memory_space<vmem>>, vector<16xf32>,
          tpu.vector_store %arg58[%swap3A_370], %sub3A_369 {strides = array<i32>} : memref<512xf32, #tpu.memory_space<vmem>>, vector<16xf32>,
          %and3A = arith.constant 128 : i32
          %and3A_372 = vector.broadcast %and3A : i32 to vector<16xi32>
          %and3A_373 = arith.andi %convert_element_type3A_358, %and3A_372 : vector<16xi32>
          %mul3A_374 = arith.constant 7 : i32
          %mul3A_375 = vector.broadcast %mul3A_374 : i32 to vector<16xi32>
          %mul3A_376 = arith.muli %and3A_373, %mul3A_375 : vector<16xi32>
          %add3A_377 = arith.addi %convert_element_type3A_358, %mul3A_376 : vector<16xi32>
          %add3A_378 = arith.constant 1 : i32
          %add3A_379 = vector.broadcast %add3A_378 : i32 to vector<16xi32>
          %add3A_380 = arith.addi %convert_element_type3A_358, %add3A_379 : vector<16xi32>
          %and3A_381 = arith.constant 128 : i32
          %and3A_382 = vector.broadcast %and3A_381 : i32 to vector<16xi32>
          %and3A_383 = arith.andi %add3A_380, %and3A_382 : vector<16xi32>
          %mul3A_384 = arith.constant 7 : i32
          %mul3A_385 = vector.broadcast %mul3A_384 : i32 to vector<16xi32>
          %mul3A_386 = arith.muli %and3A_383, %mul3A_385 : vector<16xi32>
          %add3A_387 = arith.addi %add3A_380, %mul3A_386 : vector<16xi32>
          %shift_left3A = arith.constant 7 : i32
          %shift_left3A_388 = vector.broadcast %shift_left3A : i32 to vector<16xi32>
          %shift_left3A_389 = arith.shli %convert_element_type3A_359, %shift_left3A_388 : vector<16xi32>
          %shift_right_arithmetic3A = arith.constant 3 : i32
          %shift_right_arithmetic3A_390 = vector.broadcast %shift_right_arithmetic3A : i32 to vector<16xi32>
          %shift_right_arithmetic3A_391 = arith.shrsi %convert_element_type3A_359, %shift_right_arithmetic3A_390 : vector<16xi32>
          %shift_left3A_392 = arith.constant 10 : i32
          %shift_left3A_393 = vector.broadcast %shift_left3A_392 : i32 to vector<16xi32>
          %shift_left3A_394 = arith.shli %shift_right_arithmetic3A_391, %shift_left3A_393 : vector<16xi32>
          %add3A_395 = arith.addi %shift_left3A_389, %shift_left3A_394 : vector<16xi32>
          %add3A_396 = arith.constant 1 : i32
          %add3A_397 = vector.broadcast %add3A_396 : i32 to vector<16xi32>
          %add3A_398 = arith.addi %convert_element_type3A_359, %add3A_397 : vector<16xi32>
          %shift_left3A_399 = arith.constant 7 : i32
          %shift_left3A_400 = vector.broadcast %shift_left3A_399 : i32 to vector<16xi32>
          %shift_left3A_401 = arith.shli %add3A_398, %shift_left3A_400 : vector<16xi32>
          %shift_right_arithmetic3A_402 = arith.constant 3 : i32
          %shift_right_arithmetic3A_403 = vector.broadcast %shift_right_arithmetic3A_402 : i32 to vector<16xi32>
          %shift_right_arithmetic3A_404 = arith.shrsi %add3A_398, %shift_right_arithmetic3A_403 : vector<16xi32>
          %shift_left3A_405 = arith.constant 10 : i32
          %shift_left3A_406 = vector.broadcast %shift_left3A_405 : i32 to vector<16xi32>
          %shift_left3A_407 = arith.shli %shift_right_arithmetic3A_404, %shift_left3A_406 : vector<16xi32>
          %add3A_408 = arith.addi %shift_left3A_401, %shift_left3A_407 : vector<16xi32>
          %jit3A = arith.constant 0 : i32
          %jit3A_409 = arith.constant 16777216 : i32
          %broadcast_in_dim3A = vector.broadcast %jit3A : i32 to vector<16xi32>
          %broadcast_in_dim3A_410 = vector.broadcast %jit3A_409 : i32 to vector<16xi32>
          %select_n3A_411 = arith.select %eq3A_337, %broadcast_in_dim3A, %broadcast_in_dim3A_410 : vector<16xi1>, vector<16xi32>
          %shift_left3A_412 = arith.constant 16 : i32
          %shift_left3A_413 = vector.broadcast %shift_left3A_412 : i32 to vector<16xi32>
          %shift_left3A_414 = arith.shli %convert_element_type3A_360, %shift_left3A_413 : vector<16xi32>
          %add3A_415 = arith.addi %select_n3A_411, %shift_left3A_414 : vector<16xi32>
          %add3A_416 = arith.addi %add3A_415, %add3A_395 : vector<16xi32>
          %add3A_417 = arith.addi %add3A_415, %add3A_408 : vector<16xi32>
          %add3A_418 = arith.constant 65536 : i32
          %add3A_419 = vector.broadcast %add3A_418 : i32 to vector<16xi32>
          %add3A_420 = arith.addi %add3A_416, %add3A_419 : vector<16xi32>
          %add3A_421 = arith.constant 65536 : i32
          %add3A_422 = vector.broadcast %add3A_421 : i32 to vector<16xi32>
          %add3A_423 = arith.addi %add3A_417, %add3A_422 : vector<16xi32>
          %add3A_424 = arith.addi %add3A_416, %add3A_377 : vector<16xi32>
          %add3A_425 = arith.constant 0 : i32
          %add3A_426 = arith.addi %add3A_425, %mul3A_308 : i32
          %swap3A_427 = arith.index_cast %add3A_426 : i32 to index
          %swap3A_428 = tpu.vector_load %arg54[%swap3A_427] {strides = array<i32>} : memref<4096xi32, #tpu.memory_space<vmem>>, vector<16xi32>,
          tpu.vector_store %arg54[%swap3A_427], %add3A_424 {strides = array<i32>} : memref<4096xi32, #tpu.memory_space<vmem>>, vector<16xi32>,
          %add3A_429 = arith.addi %add3A_416, %add3A_387 : vector<16xi32>
          %add3A_430 = arith.constant 512 : i32
          %add3A_431 = arith.addi %add3A_430, %mul3A_308 : i32
          %swap3A_432 = arith.index_cast %add3A_431 : i32 to index
          %swap3A_433 = tpu.vector_load %arg54[%swap3A_432] {strides = array<i32>} : memref<4096xi32, #tpu.memory_space<vmem>>, vector<16xi32>,
          tpu.vector_store %arg54[%swap3A_432], %add3A_429 {strides = array<i32>} : memref<4096xi32, #tpu.memory_space<vmem>>, vector<16xi32>,
          %add3A_434 = arith.addi %add3A_417, %add3A_377 : vector<16xi32>
          %add3A_435 = arith.constant 1024 : i32
          %add3A_436 = arith.addi %add3A_435, %mul3A_308 : i32
          %swap3A_437 = arith.index_cast %add3A_436 : i32 to index
          %swap3A_438 = tpu.vector_load %arg54[%swap3A_437] {strides = array<i32>} : memref<4096xi32, #tpu.memory_space<vmem>>, vector<16xi32>,
          tpu.vector_store %arg54[%swap3A_437], %add3A_434 {strides = array<i32>} : memref<4096xi32, #tpu.memory_space<vmem>>, vector<16xi32>,
          %add3A_439 = arith.addi %add3A_417, %add3A_387 : vector<16xi32>
          %add3A_440 = arith.constant 1536 : i32
          %add3A_441 = arith.addi %add3A_440, %mul3A_308 : i32
          %swap3A_442 = arith.index_cast %add3A_441 : i32 to index
          %swap3A_443 = tpu.vector_load %arg54[%swap3A_442] {strides = array<i32>} : memref<4096xi32, #tpu.memory_space<vmem>>, vector<16xi32>,
          tpu.vector_store %arg54[%swap3A_442], %add3A_439 {strides = array<i32>} : memref<4096xi32, #tpu.memory_space<vmem>>, vector<16xi32>,
          %add3A_444 = arith.addi %add3A_420, %add3A_377 : vector<16xi32>
          %add3A_445 = arith.constant 2048 : i32
          %add3A_446 = arith.addi %add3A_445, %mul3A_308 : i32
          %swap3A_447 = arith.index_cast %add3A_446 : i32 to index
          %swap3A_448 = tpu.vector_load %arg54[%swap3A_447] {strides = array<i32>} : memref<4096xi32, #tpu.memory_space<vmem>>, vector<16xi32>,
          tpu.vector_store %arg54[%swap3A_447], %add3A_444 {strides = array<i32>} : memref<4096xi32, #tpu.memory_space<vmem>>, vector<16xi32>,
          %add3A_449 = arith.addi %add3A_420, %add3A_387 : vector<16xi32>
          %add3A_450 = arith.constant 2560 : i32
          %add3A_451 = arith.addi %add3A_450, %mul3A_308 : i32
          %swap3A_452 = arith.index_cast %add3A_451 : i32 to index
          %swap3A_453 = tpu.vector_load %arg54[%swap3A_452] {strides = array<i32>} : memref<4096xi32, #tpu.memory_space<vmem>>, vector<16xi32>,
          tpu.vector_store %arg54[%swap3A_452], %add3A_449 {strides = array<i32>} : memref<4096xi32, #tpu.memory_space<vmem>>, vector<16xi32>,
          %add3A_454 = arith.addi %add3A_423, %add3A_377 : vector<16xi32>
          %add3A_455 = arith.constant 3072 : i32
          %add3A_456 = arith.addi %add3A_455, %mul3A_308 : i32
          %swap3A_457 = arith.index_cast %add3A_456 : i32 to index
          %swap3A_458 = tpu.vector_load %arg54[%swap3A_457] {strides = array<i32>} : memref<4096xi32, #tpu.memory_space<vmem>>, vector<16xi32>,
          tpu.vector_store %arg54[%swap3A_457], %add3A_454 {strides = array<i32>} : memref<4096xi32, #tpu.memory_space<vmem>>, vector<16xi32>,
          %add3A_459 = arith.addi %add3A_423, %add3A_387 : vector<16xi32>
          %add3A_460 = arith.constant 3584 : i32
          %add3A_461 = arith.addi %add3A_460, %mul3A_308 : i32
          %swap3A_462 = arith.index_cast %add3A_461 : i32 to index
          %swap3A_463 = tpu.vector_load %arg54[%swap3A_462] {strides = array<i32>} : memref<4096xi32, #tpu.memory_space<vmem>>, vector<16xi32>,
          tpu.vector_store %arg54[%swap3A_462], %add3A_459 {strides = array<i32>} : memref<4096xi32, #tpu.memory_space<vmem>>, vector<16xi32>,
        }
        %scan3A_303 = arith.constant 32 : i32
        %dma_start3A_304 = arith.constant 0 : i32
        %dma_start3A_305 = tpu.memref_slice %arg3[%dma_start3A_304] : memref<33554432xf32, #tpu.memory_space<hbm>> -> memref<33554432xf32, #tpu.memory_space<hbm>>
        tpu.enqueue_indirect_dma source(%dma_start3A_305 : memref<33554432xf32, #tpu.memory_space<hbm>>) target(%arg55 : memref<4096xf32, #tpu.memory_space<vmem>>) offsets(%arg54 : memref<4096xi32, #tpu.memory_space<vmem>>) semaphore(%arg60 : memref<!tpu.dma_semaphore, #tpu.memory_space<semaphore_mem>>)
      } else {
      }
      %dma_wait3A_280 = arith.constant 0 : i32
      %dma_wait3A_281 = tpu.memref_slice %arg3[%dma_wait3A_280] : memref<33554432xf32, #tpu.memory_space<hbm>> -> memref<33554432xf32, #tpu.memory_space<hbm>>
      tpu.wait_indirect_dma semaphore(%arg68 : memref<!tpu.dma_semaphore, #tpu.memory_space<semaphore_mem>>) src(%dma_wait3A_281 : memref<33554432xf32, #tpu.memory_space<hbm>>) dst(%arg63 : memref<4096xf32, #tpu.memory_space<vmem>>)
      %scan3A_282 = arith.constant 0 : i32
      %scan3A_283 = arith.constant 0 : i32
      %scan3A_284 = arith.constant 32 : i32
      %scan3A_285 = arith.addi %scan3A_283, %scan3A_284 : i32
      %scan3A_286 = arith.constant 1 : i32
      scf.for %scan3A_293 = %scan3A_283 to %scan3A_285 step %scan3A_286  : i32 {
        %mul3A_294 = arith.constant 16 : i32
        %mul3A_295 = arith.muli %scan3A_293, %mul3A_294 : i32
        %get3A = arith.index_cast %mul3A_295 : i32 to index
        %get3A_296 = tpu.vector_load %arg64[%get3A] {strides = array<i32>} : memref<512xf32, #tpu.memory_space<vmem>>, vector<16xf32>,
        %get3A_297 = arith.index_cast %mul3A_295 : i32 to index
        %get3A_298 = tpu.vector_load %arg65[%get3A_297] {strides = array<i32>} : memref<512xf32, #tpu.memory_space<vmem>>, vector<16xf32>,
        %get3A_299 = arith.index_cast %mul3A_295 : i32 to index
        %get3A_300 = tpu.vector_load %arg66[%get3A_299] {strides = array<i32>} : memref<512xf32, #tpu.memory_space<vmem>>, vector<16xf32>,
        %add3A_301 = arith.constant 0 : i32
        %add3A_302 = arith.addi %add3A_301, %mul3A_295 : i32
        %get3A_303 = arith.index_cast %add3A_302 : i32 to index
        %get3A_304 = tpu.vector_load %arg63[%get3A_303] {strides = array<i32>} : memref<4096xf32, #tpu.memory_space<vmem>>, vector<16xf32>,
        %add3A_305 = arith.constant 512 : i32
        %add3A_306 = arith.addi %add3A_305, %mul3A_295 : i32
        %get3A_307 = arith.index_cast %add3A_306 : i32 to index
        %get3A_308 = tpu.vector_load %arg63[%get3A_307] {strides = array<i32>} : memref<4096xf32, #tpu.memory_space<vmem>>, vector<16xf32>,
        %add3A_309 = arith.constant 1024 : i32
        %add3A_310 = arith.addi %add3A_309, %mul3A_295 : i32
        %get3A_311 = arith.index_cast %add3A_310 : i32 to index
        %get3A_312 = tpu.vector_load %arg63[%get3A_311] {strides = array<i32>} : memref<4096xf32, #tpu.memory_space<vmem>>, vector<16xf32>,
        %add3A_313 = arith.constant 1536 : i32
        %add3A_314 = arith.addi %add3A_313, %mul3A_295 : i32
        %get3A_315 = arith.index_cast %add3A_314 : i32 to index
        %get3A_316 = tpu.vector_load %arg63[%get3A_315] {strides = array<i32>} : memref<4096xf32, #tpu.memory_space<vmem>>, vector<16xf32>,
        %add3A_317 = arith.constant 2048 : i32
        %add3A_318 = arith.addi %add3A_317, %mul3A_295 : i32
        %get3A_319 = arith.index_cast %add3A_318 : i32 to index
        %get3A_320 = tpu.vector_load %arg63[%get3A_319] {strides = array<i32>} : memref<4096xf32, #tpu.memory_space<vmem>>, vector<16xf32>,
        %add3A_321 = arith.constant 2560 : i32
        %add3A_322 = arith.addi %add3A_321, %mul3A_295 : i32
        %get3A_323 = arith.index_cast %add3A_322 : i32 to index
        %get3A_324 = tpu.vector_load %arg63[%get3A_323] {strides = array<i32>} : memref<4096xf32, #tpu.memory_space<vmem>>, vector<16xf32>,
        %add3A_325 = arith.constant 3072 : i32
        %add3A_326 = arith.addi %add3A_325, %mul3A_295 : i32
        %get3A_327 = arith.index_cast %add3A_326 : i32 to index
        %get3A_328 = tpu.vector_load %arg63[%get3A_327] {strides = array<i32>} : memref<4096xf32, #tpu.memory_space<vmem>>, vector<16xf32>,
        %add3A_329 = arith.constant 3584 : i32
        %add3A_330 = arith.addi %add3A_329, %mul3A_295 : i32
        %get3A_331 = arith.index_cast %add3A_330 : i32 to index
        %get3A_332 = tpu.vector_load %arg63[%get3A_331] {strides = array<i32>} : memref<4096xf32, #tpu.memory_space<vmem>>, vector<16xf32>,
        %sub3A_333 = arith.subf %get3A_308, %get3A_304 : vector<16xf32>
        %mul3A_334 = arith.mulf %get3A_296, %sub3A_333 : vector<16xf32>
        %add3A_335 = arith.addf %get3A_304, %mul3A_334 : vector<16xf32>
        %sub3A_336 = arith.subf %get3A_316, %get3A_312 : vector<16xf32>
        %mul3A_337 = arith.mulf %get3A_296, %sub3A_336 : vector<16xf32>
        %add3A_338 = arith.addf %get3A_312, %mul3A_337 : vector<16xf32>
        %sub3A_339 = arith.subf %get3A_324, %get3A_320 : vector<16xf32>
        %mul3A_340 = arith.mulf %get3A_296, %sub3A_339 : vector<16xf32>
        %add3A_341 = arith.addf %get3A_320, %mul3A_340 : vector<16xf32>
        %sub3A_342 = arith.subf %get3A_332, %get3A_328 : vector<16xf32>
        %mul3A_343 = arith.mulf %get3A_296, %sub3A_342 : vector<16xf32>
        %add3A_344 = arith.addf %get3A_328, %mul3A_343 : vector<16xf32>
        %sub3A_345 = arith.subf %add3A_338, %add3A_335 : vector<16xf32>
        %mul3A_346 = arith.mulf %get3A_298, %sub3A_345 : vector<16xf32>
        %add3A_347 = arith.addf %add3A_335, %mul3A_346 : vector<16xf32>
        %sub3A_348 = arith.subf %add3A_344, %add3A_341 : vector<16xf32>
        %mul3A_349 = arith.mulf %get3A_298, %sub3A_348 : vector<16xf32>
        %add3A_350 = arith.addf %add3A_341, %mul3A_349 : vector<16xf32>
        %sub3A_351 = arith.subf %add3A_350, %add3A_347 : vector<16xf32>
        %mul3A_352 = arith.mulf %get3A_300, %sub3A_351 : vector<16xf32>
        %add3A_353 = arith.addf %add3A_347, %mul3A_352 : vector<16xf32>
        %swap3A = arith.index_cast %mul3A_295 : i32 to index
        %swap3A_354 = tpu.vector_load %arg67[%swap3A] {strides = array<i32>} : memref<512xf32, #tpu.memory_space<vmem>>, vector<16xf32>,
        tpu.vector_store %arg67[%swap3A], %add3A_353 {strides = array<i32>} : memref<512xf32, #tpu.memory_space<vmem>>, vector<16xf32>,
      }
      %scan3A_287 = arith.constant 32 : i32
      %mul3A_288 = arith.constant 32768 : i32
      %mul3A_289 = arith.muli %add3A, %mul3A_288 : i32
      %mul3A_290 = arith.constant 512 : i32
      %mul3A_291 = arith.muli %add3A_270, %mul3A_290 : i32
      %add3A_292 = arith.addi %mul3A_289, %mul3A_291 : i32
      "tpu.region"() ({
        %run_scoped3A = tpu.sem_alloc : memref<!tpu.dma_semaphore, #tpu.memory_space<semaphore_mem>>
        %dma_start3A_293 = tpu.memref_slice %arg4[%add3A_292] : memref<1048576xf32, #tpu.memory_space<hbm>> -> memref<512xf32, #tpu.memory_space<hbm>>
        %dma_start3A_294 = tpu.memref_slice %arg4[%add3A_292] : memref<1048576xf32, #tpu.memory_space<hbm>> -> memref<512xf32, #tpu.memory_space<hbm>>
        tpu.enqueue_dma source(%arg67 : memref<512xf32, #tpu.memory_space<vmem>>) target(%dma_start3A_294 : memref<512xf32, #tpu.memory_space<hbm>>) target_semaphore(%run_scoped3A : memref<!tpu.dma_semaphore, #tpu.memory_space<semaphore_mem>>)
        %dma_wait3A_295 = tpu.memref_slice %arg4[%add3A_292] : memref<1048576xf32, #tpu.memory_space<hbm>> -> memref<512xf32, #tpu.memory_space<hbm>>
        %dma_wait3A_296 = tpu.memref_slice %arg4[%add3A_292] : memref<1048576xf32, #tpu.memory_space<hbm>> -> memref<512xf32, #tpu.memory_space<hbm>>
        tpu.wait_dma2 semaphore(%run_scoped3A : memref<!tpu.dma_semaphore, #tpu.memory_space<semaphore_mem>>) src(%arg67 : memref<512xf32, #tpu.memory_space<vmem>>) dst(%dma_wait3A_296 : memref<512xf32, #tpu.memory_space<hbm>>)
        tpu.yield
      }) : () -> ()
    }
    %scan3A_88 = arith.constant 8 : i32
    return
  }
}

</mosaic_0001>

<sc_bundles>
// kernel: _run.3.cloned.1.call-start
scs
__scs_entry_jumppad:
0x0: {  	(pc) =	sbr.rel $0x88, $3  }
0x1: {  	(tag) =	ssettag $0x0;
	lr =	simm.s32 $0x1  }
0x2: {  	[smem:$0x3F9F] =	sst lr;
	_ =	strace $0xD0000000  }
0x3: {  	_ = 	snop  }
0x4: {  	_ = 	snop  }
0x5: {  	_ = 	snop  }
0x6: {  	_ = 	snop  }
0x7: {  	_ = 	snop  }
__scs_overlays_trampoline_lowered:
0x8: {  	[smem:$0x3FAE] =	sst s0  }
0x9: {  	[smem:$0x3FAF] =	sst s1  }
0xa: {  	[smem:$0x3FB0] =	sst s2  }
0xb: {  	[smem:$0x3FB1] =	sst s3  }
0xc: {  	[smem:$0x3FB2] =	sst s4  }
0xd: {  	[smem:$0x3FB3] =	sst s5  }
0xe: {  	[smem:$0x3FB4] =	sst s6  }
0xf: {  	[smem:$0x3FB5] =	sst s7  }
0x10: {  	[smem:$0x3FB6] =	sst s8  }
0x11: {  	[smem:$0x3FB7] =	sst s9;
	s0 =	simm.s32 @!p0 $0x0  }
0x12: {  	s1 =	sld [smem:$0x3F9D];
	s0 =	simm.s32 @p0 $0x1  }
0x13: {  	[smem:$0x3FB8] =	sst s0;
	s0 =	simm.s32 @!p1 $0x0  }
0x14: {  	s2 =	sld [smem:$0x3F9C];
	s0 =	simm.s32 @p1 $0x1  }
0x15: {  	[smem:$0x3FB9] =	sst s0;
	s0 =	simm.s32 @!p2 $0x0  }
0x16: {  	s3 =	sld [smem:$0x3FDB];
	s0 =	simm.s32 @p2 $0x1  }
0x17: {  	s4 =	simm.s32 $0x1BF5;
	[smem:$0x3FBB] =	sst s0  }
0x18: {  	s0 =	sld [smem:$0x3F9E];
	_ =	swait.ge [sflag:s4], $0x0  }
0x19: {  	s7 =	sld [smem:$0x3F9F]  }
0x1a: {  	s8 =	sadd.s32 $0xFFFFE003, lr  }
0x1b: {  	s9 =	sadd.s32 $0xFFFFFEF7, lr;
	s5 =	simm.s32 $0xFFFFFFFF;
	p2 =	slt.u32 s8, $0xFFFFF086  }
0x1c: {  	p1 =	slt.u32 s9, $0xF7A;
	s5 =	simm.s32 @!p2 $0x0  }
0x1d: {  	s5 =	simm.s32 @p1 $0x1;
	p0 =	seq.s32 s7, s2  }
0x1e: {  	s7 =	smul.u32 @!p0 $0xF7A, s2;
	p2 =	seq.s32 @!p0 s5, $0x0  }
0x1f: {  	s9 =	smul.u32 $0xF7A, s1;
	s8 =	simm.s32 @!p0 $0x1BF5;
	p2 =	por !p2, p0  }
0x20: {  	[sflag:s8] =	ssyncset.s32 @!p0 $0xFFFFF086;
	s6 =	sadd.s32 @!p0 s3, s7;
	s7 =	simm.s32 @!p0 $0x108  }
0x21: {  	s3 =	sadd.s32 s3, s9;
	s6 =	sadd.s32 @!p0 $0x88, s6;
	s7 =	simm.s32 @p2 $0x1082  }
0x22: {  	[simem:s7], [sflag:s8] =	dma.local @!p0 [hbm:s6], $0xF7A  }
0x23: {  	s9 =	sor.u32 $0xD0000000, s2;
	s6 =	simm.s32 $0x108;
	_ =	swait.ge @!p0 [sflag:s8], $0x0  }
0x24: {  	s3 =	sadd.s32 $0x88, s3;
	s6 =	simm.s32 @!p1 $0x1082;
	[sflag:s4] =	ssyncset.s32 $0xFFFFF086  }
0x25: {  	[simem:s6], [sflag:s4] =	dma.local [hbm:s3], $0xF7A  }
0x26: {  	[smem:$0x3F9F] =	sst s1;
	(tag) =	ssettag s2;
	_ =	strace s9  }
0x27: {  	s1 =	sld [smem:$0x3FAF]  }
0x28: {  	s2 =	sld [smem:$0x3FB0]  }
0x29: {  	s4 =	sld [smem:$0x3FB2]  }
0x2a: {  	p0 =	seq.s32 s5, $0x0;
	s5 =	sld [smem:$0x3FB3]  }
0x2b: {  	s6 =	sld [smem:$0x3FB4]  }
0x2c: {  	s7 =	sld [smem:$0x3FB5]  }
0x2d: {  	s3 =	simm.s32 $0x108;
	s8 =	sld [smem:$0x3FB6]  }
0x2e: {  	s3 =	simm.s32 @!p0 $0x1082;
	s9 =	sld [smem:$0x3FB7]  }
0x2f: {  	lr =	sadd.s32 s0, s3;
	s0 =	sld [smem:$0x3FAE]  }
0x30: {  	s3 =	sld [smem:$0x3FB1]  }
0x31: {  	[smem:$0x3FBA] =	sst s10  }
0x32: {  	s10 =	sld [smem:$0x3FB8];
	_ =	sdelay $0x3  }
0x33: {  	p0 =	seq.s32 s10, $0x1;
	s10 =	sld [smem:$0x3FBA];
	_ =	sdelay $0x3  }
0x34: {  	[smem:$0x3FBA] =	sst s10  }
0x35: {  	s10 =	sld [smem:$0x3FB9];
	_ =	sdelay $0x3  }
0x36: {  	p1 =	seq.s32 s10, $0x1;
	s10 =	sld [smem:$0x3FBA];
	_ =	sdelay $0x3  }
0x37: {  	[smem:$0x3FBA] =	sst s10  }
0x38: {  	s10 =	sld [smem:$0x3FBB]  }
0x39: {  	_ = 	snop;
	(pc) =	sbr.ind lr, $3  }
0x3a: {  	_ = 	snop  }
0x3b: {  	_ = 	snop  }
0x3c: {  	p2 =	seq.s32 s10, $0x1;
	s10 =	sld [smem:$0x3FBA]  }
0x3d: {  	_ =	shalt  }
0x3e: {  	_ =	shalt  }
0x3f: {  	_ =	shalt  }
0x40: {  	_ =	shalt  }
0x41: {  	_ =	shalt  }
0x42: {  	_ =	shalt  }
0x43: {  	_ =	shalt  }
0x44: {  	_ =	shalt  }
0x45: {  	_ =	shalt  }
0x46: {  	_ =	shalt  }
0x47: {  	_ =	shalt  }
0x48: {  	_ =	shalt  }
0x49: {  	_ =	shalt  }
0x4a: {  	_ =	shalt  }
0x4b: {  	_ =	shalt  }
0x4c: {  	_ =	shalt  }
0x4d: {  	_ =	shalt  }
0x4e: {  	_ =	shalt  }
0x4f: {  	_ =	shalt  }
0x50: {  	_ =	shalt  }
0x51: {  	_ =	shalt  }
0x52: {  	_ =	shalt  }
0x53: {  	_ =	shalt  }
0x54: {  	_ =	shalt  }
0x55: {  	_ =	shalt  }
0x56: {  	_ =	shalt  }
0x57: {  	_ =	shalt  }
0x58: {  	_ =	shalt  }
0x59: {  	_ =	shalt  }
0x5a: {  	_ =	shalt  }
0x5b: {  	_ =	shalt  }
0x5c: {  	_ =	shalt  }
0x5d: {  	_ =	shalt  }
0x5e: {  	_ =	shalt  }
0x5f: {  	_ =	shalt  }
0x60: {  	_ =	shalt  }
0x61: {  	_ =	shalt  }
0x62: {  	_ =	shalt  }
0x63: {  	_ =	shalt  }
0x64: {  	_ =	shalt  }
0x65: {  	_ =	shalt  }
0x66: {  	_ =	shalt  }
0x67: {  	_ =	shalt  }
0x68: {  	_ =	shalt  }
0x69: {  	_ =	shalt  }
0x6a: {  	_ =	shalt  }
0x6b: {  	_ =	shalt  }
0x6c: {  	_ =	shalt  }
0x6d: {  	_ =	shalt  }
0x6e: {  	_ =	shalt  }
0x6f: {  	_ =	shalt  }
0x70: {  	_ =	shalt  }
0x71: {  	_ =	shalt  }
0x72: {  	_ =	shalt  }
0x73: {  	_ =	shalt  }
0x74: {  	_ =	shalt  }
0x75: {  	_ =	shalt  }
0x76: {  	_ =	shalt  }
0x77: {  	_ =	shalt  }
0x78: {  	_ =	shalt  }
0x79: {  	_ =	shalt  }
0x7a: {  	_ =	shalt  }
0x7b: {  	_ =	shalt  }
0x7c: {  	_ =	shalt  }
0x7d: {  	_ =	shalt  }
0x7e: {  	_ =	shalt  }
0x7f: {  	_ =	shalt  }
0x80: {  	_ =	shalt  }
0x81: {  	_ =	shalt  }
0x82: {  	_ =	shalt  }
0x83: {  	_ =	shalt  }
0x84: {  	_ =	shalt  }
0x85: {  	_ =	shalt  }
0x86: {  	_ =	shalt  }
0x87: {  	_ =	shalt  }
.Lfunc_end0:
.L_simem_size_0:
called_computation_lowered:
.L_overlay_start_0:
0x88: {  	s2 =	sld [smem:$0x3FD9]  }
0x89: {  	s3 =	sld [smem:$0x3FFE];
	_ =	sdelay $0x1  }
0x8a: {  	s1 =	srdreg.scid  }
0x8b: {  	s0 =	sand.u32 $0x1, s1  }
0x8c: {  	s18 =	sshll.u32 s0, $0xA;
	s2 =	sadd.s32 s3, s2  }
0x8d: {  	s2 =	sadd.s32 s2, s18  }
0x8e: {  	[smem:$0x3FC6] =	sst s2  }
0x8f: {  	_ = 	snop  }
0x90: {  	s2 =	sld [smem:$0x3FC9]  }
0x91: {  	s19 =	sld [smem:$0x3FC8]  }
0x92: {  	s4 =	sld [smem:$0x3FD0];
	(tm) =	ssettm $0x1  }
0x93: {  	s5 =	sld [smem:$0x3FFB];
	_ =	sdelay $0x3  }
0x94: {  	_ =	strace s5  }
0x95: {  	s5 =	sld [smem:$0x3FFC];
	_ =	sdelay $0x3  }
0x96: {  	_ =	strace s5  }
0x97: {  	s5 =	sld [smem:$0x3FFD];
	_ =	sdelay $0x3  }
0x98: {  	_ =	strace s5  }
0x99: {  	_ =	strace $0x8FFFFFFF  }
0x9a: {  	s20 =	sld [smem:$0x3FDB];
	_ =	sdelay $0x1  }
0x9b: {  	s6 =	simm.s32 $_scs_section_size  }
0x9c: {  	s7 =	simm.s32 $_size__tile_overlayer_lowered;
	s8 =	simm.s32 $_tile_overlayer_lowered  }
0x9d: {  	s23 =	simm.s32 $0x1BFF;
	s22 =	sshll.u32 s8, $0x1;
	s5 =	sadd.s32 s6, s20  }
0x9e: {  	s9 =	simm.s32 $0x0;
	s21 =	sshll.u32 s7, $0x1;
	s7 =	sadd.s32 s22, s5  }
0x9f: {  	[timem:s9], [sflag:s23] =	dma.local [hbm:s7], s21  }
0xa0: {  	_ =	swait.ge [sflag:s23], s21  }
0xa1: {  	s6 =	ssub.s32 $0x0, s21;
	[sflag:s23] =	ssyncset.done $0x0  }
0xa2: {  	[sflag:s23] =	ssyncadd.s32 s6;
	_ =	sdelay $0x1  }
0xa3: {  	s24 =	simm.s32 $0x1B8B  }
0xa4: {  	_ =	swait.ge [sflag:s24], $0x1  }
0xa5: {  	[sflag:s24] =	ssyncset.done $0x0  }
0xa6: {  	s25 =	simm.s32 $0x1B8E;
	[sflag:s24] =	ssyncadd.s32 $0xFFFFFFFF  }
0xa7: {  	s26 =	simm.s32 $execute0_lowered;
	[smem:$0x3FD2] =	sst s25  }
0xa8: {  	s6 =	sshll.u32 s26, $0x1;
	_ =	strace $0x80000046;
	[dreg:$0x1] =	wrdreg $0xFFFFFFFF  }
0xa9: {  	s28 =	simm.s32 $_size_execute0_lowered;
	s5 =	sadd.s32 s5, s6;
	[dreg:$0x0] =	wrdreg $0x0  }
0xaa: {  	s6 =	sshll.u32 s28, $0x1;
	[dreg:$0x2] =	wrdreg s5  }
0xab: {  	[dreg:$0x3] =	wrdreg s6  }
0xac: {  	[dreg:$0x4] =	wrdreg $0xC0  }
0xad: {  	_ =	task [dreg:s9], $0x5FFFF  }
0xae: {  	[dreg:$0x1] =	wrdreg $0xFFFFFFFF  }
0xaf: {  	[dreg:$0x0] =	wrdreg $0x60  }
0xb0: {  	[dreg:$0x2] =	wrdreg s2  }
0xb1: {  	[dreg:$0x3] =	wrdreg s19  }
0xb2: {  	[dreg:$0x4] =	wrdreg s4  }
0xb3: {  	[dreg:$0x5] =	wrdreg $0x9  }
0xb4: {  	_ =	task.clear_ibuf [dreg:s9], $0x6FFFF;
	_ =	strace $0x90000046  }
0xb5: {  	s29 =	simm.s32 $0x9;
	_ =	strace $0x80000048  }
0xb6: {  	_ =	swait.ge [sflag:s29], $0x1  }
0xb7: {  	[sflag:s29] =	ssyncadd.s32 $0xFFFFFFFF  }
0xb8: {  	_ =	strace $0x90000048  }
0xb9: {  	_ =	sfence  }
0xba: {  	s30 =	sld [smem:$0x0];
	_ =	sdelay $0x2  }
0xbb: {  	s31 =	sshll.u32 s1, $0xD;
	s1 =	sshrl.u32 s1, $0x2  }
0xbc: {  	s3 =	sand.u32 $0x4000, s31;
	s1 =	sadd.s32 s1, s30  }
0xbd: {  	s0 =	sor.u32 s3, s0;
	s1 =	sshll.u32 s1, $0x11  }
0xbe: {  	s0 =	sor.u32 s1, s0  }
0xbf: {  	s0 =	sadd.s32 $0x8F2B, s0  }
0xc0: {  	[sflag:s0] =	ssyncadd.remote.s32 $0x1  }
0xc1: {  	_ =	sfence.sel $0xFFFF  }
0xc2: {  	[dreg:$0x0] =	wrdreg $0xFFFFFFFF;
	(pc) =	sbr.abs _section_cstart, $3  }
0xc3: {  	[dreg:$0x1] =	wrdreg $0xFFFFFFFF  }
0xc4: {  	_ =	task.clear_ibuf [dreg:s9], $0x2FFFF;
	_ =	strace $0x9FFFFFFF  }
0xc5: {  	(tm) =	ssettm $0x7FFFFFFF  }
tec
execute0_lowered:
.L_overlay_start_1:
0x0: {  	(tag) =	ssettag $0x1  }
0x1: {  	s4 =	rddreg [dreg:$0x0];
	s0 =	srdreg.scid  }
0x2: {  	s3 =	rddreg [dreg:$0x1];
	s1 =	stileid.u32;
	s0 =	sand.u32 $0x1, s0  }
0x3: {  	s5 =	simm.s32 $0x0;
	s1 =	sshll.u32 s1, $0x10;
	s2 =	sshll.u32 s0, $0xF  }
0x4: {  	[smem:$0x7FF] =	sst s5;
	s2 =	sor.u32 s2, s1  }
0x5: {  	_ =	strace $0x80000047;
	[dreg:$0x4] =	wrdreg s2;
	s22 =	sor.u32 $0xE00, s2  }
0x6: {  	s4 =	sadd.s32 s4, s2;
	[dreg:$0xc] =	wrdreg s22  }
0x7: {  	s16 =	sadd.s32 $0x200, s4;
	[dreg:$0x5] =	wrdreg s4  }
0x8: {  	s17 =	sadd.s32 $0x400, s4;
	[dreg:$0x6] =	wrdreg s16  }
0x9: {  	s18 =	sadd.s32 $0x600, s4;
	[dreg:$0x7] =	wrdreg s17  }
0xa: {  	s19 =	sadd.s32 $0x800, s4;
	[dreg:$0x8] =	wrdreg s18  }
0xb: {  	s20 =	sadd.s32 $0xA00, s4;
	[dreg:$0x9] =	wrdreg s19  }
0xc: {  	s21 =	sadd.s32 $0xC00, s4;
	[dreg:$0xa] =	wrdreg s20  }
0xd: {  	s8 =	simm.s32 $0x2;
	s23 =	sadd.s32 $0x1000, s4;
	[dreg:$0xb] =	wrdreg s21  }
0xe: {  	s10 =	simm.s32 $0x3;
	s24 =	sadd.s32 $0x1200, s4;
	[dreg:$0xd] =	wrdreg s23  }
0xf: {  	s12 =	simm.s32 $0x4;
	s25 =	sadd.s32 $0x1400, s4;
	[dreg:$0xe] =	wrdreg s24  }
0x10: {  	s28 =	simm.s32 $0x7;
	s26 =	sadd.s32 $0x1600, s4;
	[dreg:$0xf] =	wrdreg s25  }
0x11: {  	s0 =	ssub.s32 $0x2, s0;
	s29 =	sadd.s32 $0x1800, s4;
	[dreg:$0x10] =	wrdreg s26  }
0x12: {  	s15 =	sshrl.u32 s0, $0x1;
	s30 =	sadd.s32 $0x1A00, s4;
	[dreg:$0x11] =	wrdreg s29  }
0x13: {  	s0 =	ssub.s32 s0, s15;
	s31 =	sadd.s32 $0x1C00, s4;
	[dreg:$0x12] =	wrdreg s30  }
0x14: {  	s1 =	simm.s32 $0x0;
	s0 =	smax.u32 s0, $0x1;
	[dreg:$0x13] =	wrdreg s31  }
0x15: {  	s15 =	simm.s32 $0x8;
	s22 =	simm.s32 $0x5;
	[dreg:$0x14] =	wrdreg s0  }
0x16: {  	v0 =	vimm.s32 $0x1000000;
	s23 =	simm.s32 $0x9;
	s24 =	simm.s32 $0x1000;
	s25 =	simm.s32 $0x6  }
.LBB2_1:
0x17: {  	[dreg:$0x15] =	wrdreg s1  }
0x18: {  	s0 =	rddreg [dreg:$0x5]  }
0x19: {  	[tilespmem:s5], [sflag:$0x9] =	stream.linear.gather [hbm4b:s0+s5], $0x1000, $0x38;
	[tilespmem:$0x1C000] =	vst v63  }
0x1a: {  	_ =	swait.ge [sflag:s23], $0x1000  }
0x1b: {  	s31 =	sand.u32 $0x70, s5;
	s2 =	sand.u32 $0xC00, s5;
	[sflag:s23] =	ssyncset.done $0x0  }
0x1c: {  	s1 =	sor.u32 s31, s2;
	[sflag:s23] =	ssyncadd.s32 $0xFFFFF000  }
0x1d: {  	v2 =	vld [tilespmem:s1+$0x180]  }
0x1e: {  	v7 =	vld [tilespmem:s1+$0x300]  }
0x1f: {  	v3 =	vld [tilespmem:s1+$0x0]  }
0x20: {  	v1 =	vld [tilespmem:s1+$0x280]  }
0x21: {  	v4 =	vld [tilespmem:s1+$0x200]  }
0x22: {  	s11 =	simm.s32 $0x3000;
	s20 =	simm.s32 $0x3200;
	v6 =	vld [tilespmem:s1+$0x80]  }
0x23: {  	s17 =	simm.s32 $0x3400;
	s7 =	simm.s32 $0x10;
	s13 =	simm.s32 $0x3410;
	v5 =	vld [tilespmem:s1+$0x100]  }
0x24: {  	s21 =	simm.s32 $0x1010;
	s26 =	simm.s32 $0x0;
	s9 =	simm.s32 $0x3000  }
0x25: {  	s19 =	simm.s32 $0x1000;
	s18 =	simm.s32 $0x0;
	s2 =	simm.s32 $0x3200;
	vm0 =	veq.f32 v7, $0.0e+00  }
.LBB2_2:
0x26: {  	v2 =	vsel vm0, v3, v2;
	s26 =	sadd.s32 $0x80, s26;
	s11 =	sadd.s32 $0x10, s11;
	s20 =	sadd.s32 $0x10, s20  }
0x27: {  	p0 =	sne.s32 s7, $0x1F0;
	s1 =	smov.u32 s7;
	s7 =	sadd.s32 $0x10, s7;
	v2 =	vadd.f32 $1.000000000e+00, v2;
	v3 =	vsel vm0, v6, v4  }
0x28: {  	v3 =	vadd.f32 $1.000000000e+00, v3;
	v1 =	vsel vm0, v5, v1  }
0x29: {  	v2 =	vmul.f32 $1.275000000e+02, v2;
	v1 =	vadd.f32 $1.000000000e+00, v1  }
0x2a: {  	v3 =	vmul.f32 $1.275000000e+02, v3  }
0x2b: {  	v1 =	vmul.f32 $1.275000000e+02, v1;
	v4 =	vtrunc.f32 v2  }
0x2c: {  	v4 =	vcvt.f32.s32 v4;
	v5 =	vtrunc.f32 v3  }
0x2d: {  	v7 =	vsel vm0, $0x0, v0;
	v5 =	vcvt.f32.s32 v5;
	v6 =	vtrunc.f32 v1  }
0x2e: {  	v6 =	vcvt.f32.s32 v6;
	v8 =	vcvt.s32.f32 v4;
	v9 =	vand.u32 $0x80, v4  }
0x2f: {  	v11 =	vadd.s32 $0x1, v4;
	v10 =	vcvt.s32.f32 v5;
	v12 =	vadd.s32 $0x1, v5  }
0x30: {  	v2 =	vsub.f32 v2, v8;
	v8 =	vand.u32 $0x1FFFFF8, v5;
	v13 =	vand.u32 $0x1FFFFF8, v12  }
0x31: {  	s4 =	sand.u32 $0x70, s1;
	s6 =	sand.u32 $0xC00, s26;
	v3 =	vsub.f32 v3, v10;
	v10 =	vand.u32 $0x80, v11;
	v12 =	vadd.s32 v12, v13  }
0x32: {  	s4 =	sor.u32 s4, s6;
	[tilespmem:s9+$0x0] =	vst v2;
	v2 =	vmul.u32 $0x7, v10;
	v10 =	vshll.u32 v12, $0x7;
	v12 =	vshll.u32 v6, $0x10;
	s9 =	smov.u32 s11  }
0x33: {  	v5 =	vadd.s32 v5, v8;
	[tilespmem:s2+$0x0] =	vst v3;
	v3 =	vcvt.s32.f32 v6;
	v6 =	vadd.s32 v7, v12;
	s2 =	smov.u32 s20  }
0x34: {  	v5 =	vshll.u32 v5, $0x7;
	v7 =	vmul.u32 $0x7, v9;
	v2 =	vadd.s32 v11, v2  }
0x35: {  	v1 =	vsub.f32 v1, v3;
	v3 =	vadd.s32 v6, v5;
	v5 =	vadd.s32 v6, v10  }
0x36: {  	v4 =	vadd.s32 v4, v7;
	v6 =	vadd.s32 $0x10000, v3;
	v7 =	vadd.s32 v2, v3  }
0x37: {  	[tilespmem:s17+$0x0] =	vst v1;
	v1 =	vadd.s32 v4, v3;
	v3 =	vadd.s32 v4, v5;
	v8 =	vadd.s32 v2, v6;
	s17 =	smov.u32 s13  }
0x38: {  	s6 =	sand.u32 $0x1F0, s18;
	s18 =	smov.u32 s1;
	v9 =	vadd.s32 $0x10000, v5;
	[tilespmem:s19+$0x0] =	vst v1;
	s19 =	smov.u32 s21  }
0x39: {  	v1 =	vadd.s32 v4, v9;
	[tilespmem:s6+$0x1200] =	vst v7;
	v7 =	vadd.s32 v2, v9  }
0x3a: {  	v2 =	vadd.s32 v2, v5;
	[tilespmem:s6+$0x1400] =	vst v3  }
0x3b: {  	[tilespmem:s6+$0x1600] =	vst v2;
	v2 =	vadd.s32 v4, v6  }
0x3c: {  	[tilespmem:s6+$0x1800] =	vst v2  }
0x3d: {  	[tilespmem:s6+$0x1A00] =	vst v8  }
0x3e: {  	[tilespmem:s6+$0x1C00] =	vst v1  }
0x3f: {  	[tilespmem:s6+$0x1E00] =	vst v7  }
0x40: {  	v2 =	vld [tilespmem:s4+$0x180]  }
0x41: {  	v3 =	vld [tilespmem:s4+$0x0]  }
0x42: {  	v1 =	vld [tilespmem:s4+$0x280]  }
0x43: {  	v7 =	vld [tilespmem:s4+$0x300]  }
.Ltmp0:
0x44: {  	v4 =	vld [tilespmem:s4+$0x200];
	(pc) =	sbr.rel @p0 .LBB2_2-.Ltmp0, $3  }
0x45: {  	v6 =	vld [tilespmem:s4+$0x80]  }
0x46: {  	v5 =	vld [tilespmem:s4+$0x100];
	_ =	sdelay $0x1  }
0x47: {  	s13 =	sadd.s32 $0x10, s13;
	s21 =	sadd.s32 $0x10, s21;
	vm0 =	veq.f32 v7, $0.0e+00  }
0x48: {  	v2 =	vsel vm0, v3, v2  }
0x49: {  	v2 =	vadd.f32 $1.000000000e+00, v2;
	v3 =	vsel vm0, v6, v4  }
0x4a: {  	v3 =	vadd.f32 $1.000000000e+00, v3;
	v1 =	vsel vm0, v5, v1  }
0x4b: {  	v2 =	vmul.f32 $1.275000000e+02, v2;
	v1 =	vadd.f32 $1.000000000e+00, v1  }
0x4c: {  	v3 =	vmul.f32 $1.275000000e+02, v3  }
0x4d: {  	v1 =	vmul.f32 $1.275000000e+02, v1;
	v4 =	vtrunc.f32 v2  }
0x4e: {  	v4 =	vcvt.f32.s32 v4;
	v5 =	vtrunc.f32 v3  }
0x4f: {  	v5 =	vcvt.f32.s32 v5  }
0x50: {  	v7 =	vsel vm0, $0x0, v0;
	v6 =	vtrunc.f32 v1;
	v8 =	vcvt.s32.f32 v4  }
0x51: {  	v6 =	vcvt.f32.s32 v6;
	v9 =	vand.u32 $0x80, v4;
	v11 =	vadd.s32 $0x1, v4  }
0x52: {  	v10 =	vcvt.s32.f32 v5;
	v12 =	vadd.s32 $0x1, v5;
	v63 =	vand.u32 $0x80, v11  }
0x53: {  	v9 =	vmul.u32 $0x7, v9;
	v2 =	vsub.f32 v2, v8;
	v8 =	vand.u32 $0x1FFFFF8, v5  }
0x54: {  	v13 =	vand.u32 $0x1FFFFF8, v12;
	v5 =	vadd.s32 v5, v8;
	v8 =	vcvt.s32.f32 v6  }
0x55: {  	v3 =	vsub.f32 v3, v10;
	v10 =	vmul.u32 $0x7, v63;
	v6 =	vshll.u32 v6, $0x10  }
0x56: {  	[tilespmem:s9+$0x0] =	vst v2;
	v2 =	vadd.s32 v7, v6;
	v5 =	vshll.u32 v5, $0x7;
	v1 =	vsub.f32 v1, v8  }
0x57: {  	v4 =	vadd.s32 v4, v9;
	v6 =	vadd.s32 v12, v13;
	[tilespmem:s2+$0x0] =	vst v3;
	v3 =	vadd.s32 v2, v5  }
0x58: {  	v5 =	vshll.u32 v6, $0x7;
	v6 =	vadd.s32 v11, v10;
	[tilespmem:s17+$0x0] =	vst v1;
	v1 =	vadd.s32 v4, v3  }
0x59: {  	s1 =	sand.u32 $0x1F0, s18;
	v2 =	vadd.s32 v2, v5;
	v5 =	vadd.s32 v6, v3;
	[tilespmem:s19+$0x0] =	vst v1  }
0x5a: {  	v1 =	vadd.s32 v4, v2;
	[tilespmem:s1+$0x1200] =	vst v5  }
0x5b: {  	v3 =	vadd.s32 $0x10000, v3;
	[tilespmem:s1+$0x1400] =	vst v1;
	v1 =	vadd.s32 v6, v2  }
0x5c: {  	[tilespmem:s1+$0x1600] =	vst v1;
	v1 =	vadd.s32 v4, v3  }
0x5d: {  	v2 =	vadd.s32 $0x10000, v2;
	v3 =	vadd.s32 v6, v3;
	[tilespmem:s1+$0x1800] =	vst v1  }
0x5e: {  	v1 =	vadd.s32 v4, v2;
	[tilespmem:s1+$0x1A00] =	vst v3  }
0x5f: {  	v2 =	vadd.s32 v6, v2;
	[tilespmem:s1+$0x1C00] =	vst v1  }
0x60: {  	s0 =	simm.s32 $0x2000;
	[tilespmem:s1+$0x1E00] =	vst v2  }
0x61: {  	[tilespmem:s0], [sflag:$0x1] =	stream.indirect.gather [hbm4b:s3+s24], $0x1, s24, s24, $0xb8;
	[tilespmem:$0x1C000] =	vst v63  }
0x62: {  	s20 =	simm.s32 $0x0;
	s26 =	rddreg [dreg:$0x6];
	s29 =	simm.s32 $0x3800  }
0x63: {  	[tilespmem:s29], [sflag:$0x9] =	stream.linear.gather [hbm4b:s26+s20], $0x1000, $0x38;
	[tilespmem:$0x1C000] =	vst v63  }
0x64: {  	_ =	swait.ge [sflag:s23], $0x1000  }
0x65: {  	s30 =	sand.u32 $0x70, s20;
	s31 =	sand.u32 $0xC00, s20;
	[sflag:s23] =	ssyncset.done $0x0  }
0x66: {  	s2 =	sor.u32 s30, s31;
	[sflag:s23] =	ssyncadd.s32 $0xFFFFF000  }
0x67: {  	v2 =	vld [tilespmem:s2+$0x3980]  }
0x68: {  	v7 =	vld [tilespmem:s2+$0x3B00]  }
0x69: {  	v3 =	vld [tilespmem:s2+$0x3800]  }
0x6a: {  	v1 =	vld [tilespmem:s2+$0x3A80]  }
0x6b: {  	v4 =	vld [tilespmem:s2+$0x3A00]  }
0x6c: {  	s11 =	simm.s32 $0x6800;
	v6 =	vld [tilespmem:s2+$0x3880]  }
0x6d: {  	s7 =	simm.s32 $0x6A00;
	s18 =	simm.s32 $0x6C00;
	s13 =	simm.s32 $0x10;
	v5 =	vld [tilespmem:s2+$0x3900]  }
0x6e: {  	s21 =	simm.s32 $0x6C10;
	s9 =	simm.s32 $0x6800;
	s17 =	simm.s32 $0x4800  }
0x6f: {  	s19 =	simm.s32 $0x0;
	s1 =	simm.s32 $0x4810;
	s2 =	simm.s32 $0x6A00;
	vm0 =	veq.f32 v7, $0.0e+00  }
.LBB2_4:
0x70: {  	v2 =	vsel vm0, v3, v2;
	s20 =	sadd.s32 $0x80, s20;
	s11 =	sadd.s32 $0x10, s11;
	s7 =	sadd.s32 $0x10, s7  }
0x71: {  	p0 =	sne.s32 s13, $0x1F0;
	s4 =	smov.u32 s13;
	s13 =	sadd.s32 $0x10, s13;
	v2 =	vadd.f32 $1.000000000e+00, v2;
	v3 =	vsel vm0, v6, v4  }
0x72: {  	v3 =	vadd.f32 $1.000000000e+00, v3;
	v1 =	vsel vm0, v5, v1  }
0x73: {  	v2 =	vmul.f32 $1.275000000e+02, v2;
	v1 =	vadd.f32 $1.000000000e+00, v1  }
0x74: {  	v3 =	vmul.f32 $1.275000000e+02, v3  }
0x75: {  	v1 =	vmul.f32 $1.275000000e+02, v1;
	v4 =	vtrunc.f32 v2  }
0x76: {  	v4 =	vcvt.f32.s32 v4;
	v5 =	vtrunc.f32 v3  }
0x77: {  	v7 =	vsel vm0, $0x0, v0;
	v5 =	vcvt.f32.s32 v5;
	v6 =	vtrunc.f32 v1  }
0x78: {  	v6 =	vcvt.f32.s32 v6;
	v8 =	vcvt.s32.f32 v4;
	v9 =	vand.u32 $0x80, v4  }
0x79: {  	v11 =	vadd.s32 $0x1, v4;
	v10 =	vcvt.s32.f32 v5;
	v12 =	vadd.s32 $0x1, v5  }
0x7a: {  	v2 =	vsub.f32 v2, v8;
	v8 =	vand.u32 $0x1FFFFF8, v5;
	v13 =	vand.u32 $0x1FFFFF8, v12  }
0x7b: {  	s6 =	sand.u32 $0x70, s4;
	s14 =	sand.u32 $0xC00, s20;
	v3 =	vsub.f32 v3, v10;
	v10 =	vand.u32 $0x80, v11;
	v12 =	vadd.s32 v12, v13  }
0x7c: {  	s6 =	sor.u32 s6, s14;
	[tilespmem:s9+$0x0] =	vst v2;
	v2 =	vmul.u32 $0x7, v10;
	v10 =	vshll.u32 v12, $0x7;
	v12 =	vshll.u32 v6, $0x10;
	s9 =	smov.u32 s11  }
0x7d: {  	v5 =	vadd.s32 v5, v8;
	[tilespmem:s2+$0x0] =	vst v3;
	v3 =	vcvt.s32.f32 v6;
	v6 =	vadd.s32 v7, v12;
	s2 =	smov.u32 s7  }
0x7e: {  	v5 =	vshll.u32 v5, $0x7;
	v7 =	vmul.u32 $0x7, v9;
	v2 =	vadd.s32 v11, v2  }
0x7f: {  	v1 =	vsub.f32 v1, v3;
	v3 =	vadd.s32 v6, v5;
	v5 =	vadd.s32 v6, v10  }
0x80: {  	v4 =	vadd.s32 v4, v7;
	v6 =	vadd.s32 $0x10000, v3;
	v7 =	vadd.s32 v2, v3  }
0x81: {  	[tilespmem:s18+$0x0] =	vst v1;
	v1 =	vadd.s32 v4, v3;
	v3 =	vadd.s32 v4, v5;
	v8 =	vadd.s32 v2, v6;
	s18 =	smov.u32 s21  }
0x82: {  	s14 =	sand.u32 $0x1F0, s19;
	s19 =	smov.u32 s4;
	v9 =	vadd.s32 $0x10000, v5;
	[tilespmem:s17+$0x0] =	vst v1;
	s17 =	smov.u32 s1  }
0x83: {  	v1 =	vadd.s32 v4, v9;
	[tilespmem:s14+$0x4A00] =	vst v7;
	v7 =	vadd.s32 v2, v9  }
0x84: {  	v2 =	vadd.s32 v2, v5;
	[tilespmem:s14+$0x4C00] =	vst v3  }
0x85: {  	[tilespmem:s14+$0x4E00] =	vst v2;
	v2 =	vadd.s32 v4, v6  }
0x86: {  	[tilespmem:s14+$0x5000] =	vst v2  }
0x87: {  	[tilespmem:s14+$0x5200] =	vst v8  }
0x88: {  	[tilespmem:s14+$0x5400] =	vst v1  }
0x89: {  	[tilespmem:s14+$0x5600] =	vst v7  }
0x8a: {  	v2 =	vld [tilespmem:s6+$0x3980]  }
0x8b: {  	v3 =	vld [tilespmem:s6+$0x3800]  }
0x8c: {  	v1 =	vld [tilespmem:s6+$0x3A80]  }
0x8d: {  	v7 =	vld [tilespmem:s6+$0x3B00]  }
.Ltmp1:
0x8e: {  	v4 =	vld [tilespmem:s6+$0x3A00];
	(pc) =	sbr.rel @p0 .LBB2_4-.Ltmp1, $3  }
0x8f: {  	v6 =	vld [tilespmem:s6+$0x3880]  }
0x90: {  	v5 =	vld [tilespmem:s6+$0x3900];
	_ =	sdelay $0x1  }
0x91: {  	s21 =	sadd.s32 $0x10, s21;
	s1 =	sadd.s32 $0x10, s1;
	vm0 =	veq.f32 v7, $0.0e+00  }
0x92: {  	v2 =	vsel vm0, v3, v2  }
0x93: {  	v2 =	vadd.f32 $1.000000000e+00, v2;
	v3 =	vsel vm0, v6, v4  }
0x94: {  	v3 =	vadd.f32 $1.000000000e+00, v3;
	v1 =	vsel vm0, v5, v1  }
0x95: {  	v2 =	vmul.f32 $1.275000000e+02, v2;
	v1 =	vadd.f32 $1.000000000e+00, v1  }
0x96: {  	v3 =	vmul.f32 $1.275000000e+02, v3  }
0x97: {  	v1 =	vmul.f32 $1.275000000e+02, v1;
	v4 =	vtrunc.f32 v2  }
0x98: {  	v4 =	vcvt.f32.s32 v4;
	v5 =	vtrunc.f32 v3  }
0x99: {  	v5 =	vcvt.f32.s32 v5  }
0x9a: {  	v7 =	vsel vm0, $0x0, v0;
	v6 =	vtrunc.f32 v1;
	v8 =	vcvt.s32.f32 v4  }
0x9b: {  	v6 =	vcvt.f32.s32 v6;
	v9 =	vand.u32 $0x80, v4;
	v11 =	vadd.s32 $0x1, v4  }
0x9c: {  	v10 =	vcvt.s32.f32 v5;
	v12 =	vadd.s32 $0x1, v5;
	v63 =	vand.u32 $0x80, v11  }
0x9d: {  	v9 =	vmul.u32 $0x7, v9;
	v2 =	vsub.f32 v2, v8;
	v8 =	vand.u32 $0x1FFFFF8, v5  }
0x9e: {  	v13 =	vand.u32 $0x1FFFFF8, v12;
	v5 =	vadd.s32 v5, v8;
	v8 =	vcvt.s32.f32 v6  }
0x9f: {  	v3 =	vsub.f32 v3, v10;
	v10 =	vmul.u32 $0x7, v63;
	v6 =	vshll.u32 v6, $0x10  }
0xa0: {  	[tilespmem:s9+$0x0] =	vst v2;
	v2 =	vadd.s32 v7, v6;
	v5 =	vshll.u32 v5, $0x7;
	v1 =	vsub.f32 v1, v8  }
0xa1: {  	v4 =	vadd.s32 v4, v9;
	v6 =	vadd.s32 v12, v13;
	[tilespmem:s2+$0x0] =	vst v3;
	v3 =	vadd.s32 v2, v5  }
0xa2: {  	v5 =	vshll.u32 v6, $0x7;
	v6 =	vadd.s32 v11, v10;
	[tilespmem:s18+$0x0] =	vst v1;
	v1 =	vadd.s32 v4, v3  }
0xa3: {  	s1 =	sand.u32 $0x1F0, s19;
	v2 =	vadd.s32 v2, v5;
	v5 =	vadd.s32 v6, v3;
	[tilespmem:s17+$0x0] =	vst v1  }
0xa4: {  	v1 =	vadd.s32 v4, v2;
	[tilespmem:s1+$0x4A00] =	vst v5  }
0xa5: {  	v3 =	vadd.s32 $0x10000, v3;
	[tilespmem:s1+$0x4C00] =	vst v1;
	v1 =	vadd.s32 v6, v2  }
0xa6: {  	[tilespmem:s1+$0x4E00] =	vst v1;
	v1 =	vadd.s32 v4, v3  }
0xa7: {  	v2 =	vadd.s32 $0x10000, v2;
	v3 =	vadd.s32 v6, v3;
	[tilespmem:s1+$0x5000] =	vst v1  }
0xa8: {  	v1 =	vadd.s32 v4, v2;
	[tilespmem:s1+$0x5200] =	vst v3  }
0xa9: {  	v2 =	vadd.s32 v6, v2;
	[tilespmem:s1+$0x5400] =	vst v1  }
0xaa: {  	s0 =	simm.s32 $0x4800;
	s21 =	simm.s32 $0x5800;
	[tilespmem:s1+$0x5600] =	vst v2  }
0xab: {  	[tilespmem:s21], [sflag:$0x2] =	stream.indirect.gather [hbm4b:s3+s24], $0x1, s0, s24, $0xb8;
	[tilespmem:$0x1C000] =	vst v63  }
0xac: {  	s20 =	simm.s32 $0x0;
	s26 =	rddreg [dreg:$0x7];
	s29 =	simm.s32 $0x7000  }
0xad: {  	[tilespmem:s29], [sflag:$0x9] =	stream.linear.gather [hbm4b:s26+s20], $0x1000, $0x38;
	[tilespmem:$0x1C000] =	vst v63  }
0xae: {  	_ =	swait.ge [sflag:s23], $0x1000  }
0xaf: {  	s30 =	sand.u32 $0x70, s20;
	s31 =	sand.u32 $0xC00, s20;
	[sflag:s23] =	ssyncset.done $0x0  }
0xb0: {  	s2 =	sor.u32 s30, s31;
	[sflag:s23] =	ssyncadd.s32 $0xFFFFF000  }
0xb1: {  	v2 =	vld [tilespmem:s2+$0x7180]  }
0xb2: {  	v7 =	vld [tilespmem:s2+$0x7300]  }
0xb3: {  	v3 =	vld [tilespmem:s2+$0x7000]  }
0xb4: {  	v1 =	vld [tilespmem:s2+$0x7280]  }
0xb5: {  	v4 =	vld [tilespmem:s2+$0x7200]  }
0xb6: {  	s11 =	simm.s32 $0xA000;
	v6 =	vld [tilespmem:s2+$0x7080]  }
0xb7: {  	s7 =	simm.s32 $0xA200;
	s13 =	simm.s32 $0x10;
	s19 =	simm.s32 $0x0;
	v5 =	vld [tilespmem:s2+$0x7100]  }
0xb8: {  	s9 =	simm.s32 $0xA000;
	s18 =	simm.s32 $0xA400;
	s17 =	simm.s32 $0x8000  }
0xb9: {  	s1 =	simm.s32 $0x8010;
	s21 =	simm.s32 $0xA410;
	s2 =	simm.s32 $0xA200;
	vm0 =	veq.f32 v7, $0.0e+00  }
.LBB2_6:
0xba: {  	v2 =	vsel vm0, v3, v2;
	s20 =	sadd.s32 $0x80, s20;
	s11 =	sadd.s32 $0x10, s11;
	s7 =	sadd.s32 $0x10, s7  }
0xbb: {  	p0 =	sne.s32 s13, $0x1F0;
	s4 =	smov.u32 s13;
	s13 =	sadd.s32 $0x10, s13;
	v2 =	vadd.f32 $1.000000000e+00, v2;
	v3 =	vsel vm0, v6, v4  }
0xbc: {  	v3 =	vadd.f32 $1.000000000e+00, v3;
	v1 =	vsel vm0, v5, v1  }
0xbd: {  	v2 =	vmul.f32 $1.275000000e+02, v2;
	v1 =	vadd.f32 $1.000000000e+00, v1  }
0xbe: {  	v3 =	vmul.f32 $1.275000000e+02, v3  }
0xbf: {  	v1 =	vmul.f32 $1.275000000e+02, v1;
	v4 =	vtrunc.f32 v2  }
0xc0: {  	v4 =	vcvt.f32.s32 v4;
	v5 =	vtrunc.f32 v3  }
0xc1: {  	v7 =	vsel vm0, $0x0, v0;
	v5 =	vcvt.f32.s32 v5;
	v6 =	vtrunc.f32 v1  }
0xc2: {  	v6 =	vcvt.f32.s32 v6;
	v8 =	vcvt.s32.f32 v4;
	v9 =	vand.u32 $0x80, v4  }
0xc3: {  	v11 =	vadd.s32 $0x1, v4;
	v10 =	vcvt.s32.f32 v5;
	v12 =	vadd.s32 $0x1, v5  }
0xc4: {  	v2 =	vsub.f32 v2, v8;
	v8 =	vand.u32 $0x1FFFFF8, v5;
	v13 =	vand.u32 $0x1FFFFF8, v12  }
0xc5: {  	s6 =	sand.u32 $0x70, s4;
	s14 =	sand.u32 $0xC00, s20;
	v3 =	vsub.f32 v3, v10;
	v10 =	vand.u32 $0x80, v11;
	v12 =	vadd.s32 v12, v13  }
0xc6: {  	s6 =	sor.u32 s6, s14;
	[tilespmem:s9+$0x0] =	vst v2;
	v2 =	vmul.u32 $0x7, v10;
	v10 =	vshll.u32 v12, $0x7;
	v12 =	vshll.u32 v6, $0x10;
	s9 =	smov.u32 s11  }
0xc7: {  	v5 =	vadd.s32 v5, v8;
	[tilespmem:s2+$0x0] =	vst v3;
	v3 =	vcvt.s32.f32 v6;
	v6 =	vadd.s32 v7, v12;
	s2 =	smov.u32 s7  }
0xc8: {  	v5 =	vshll.u32 v5, $0x7;
	v7 =	vmul.u32 $0x7, v9;
	v2 =	vadd.s32 v11, v2  }
0xc9: {  	v1 =	vsub.f32 v1, v3;
	v3 =	vadd.s32 v6, v5;
	v5 =	vadd.s32 v6, v10  }
0xca: {  	v4 =	vadd.s32 v4, v7;
	v6 =	vadd.s32 $0x10000, v3;
	v7 =	vadd.s32 v2, v3  }
0xcb: {  	[tilespmem:s18+$0x0] =	vst v1;
	v1 =	vadd.s32 v4, v3;
	v3 =	vadd.s32 v4, v5;
	v8 =	vadd.s32 v2, v6;
	s18 =	smov.u32 s21  }
0xcc: {  	s14 =	sand.u32 $0x1F0, s19;
	s19 =	smov.u32 s4;
	v9 =	vadd.s32 $0x10000, v5;
	[tilespmem:s17+$0x0] =	vst v1;
	s17 =	smov.u32 s1  }
0xcd: {  	v1 =	vadd.s32 v4, v9;
	[tilespmem:s14+$0x8200] =	vst v7;
	v7 =	vadd.s32 v2, v9  }
0xce: {  	v2 =	vadd.s32 v2, v5;
	[tilespmem:s14+$0x8400] =	vst v3  }
0xcf: {  	[tilespmem:s14+$0x8600] =	vst v2;
	v2 =	vadd.s32 v4, v6  }
0xd0: {  	[tilespmem:s14+$0x8800] =	vst v2  }
0xd1: {  	[tilespmem:s14+$0x8A00] =	vst v8  }
0xd2: {  	[tilespmem:s14+$0x8C00] =	vst v1  }
0xd3: {  	[tilespmem:s14+$0x8E00] =	vst v7  }
0xd4: {  	v2 =	vld [tilespmem:s6+$0x7180]  }
0xd5: {  	v3 =	vld [tilespmem:s6+$0x7000]  }
0xd6: {  	v1 =	vld [tilespmem:s6+$0x7280]  }
0xd7: {  	v7 =	vld [tilespmem:s6+$0x7300]  }
.Ltmp2:
0xd8: {  	v4 =	vld [tilespmem:s6+$0x7200];
	(pc) =	sbr.rel @p0 .LBB2_6-.Ltmp2, $3  }
0xd9: {  	v6 =	vld [tilespmem:s6+$0x7080]  }
0xda: {  	v5 =	vld [tilespmem:s6+$0x7100];
	_ =	sdelay $0x1  }
0xdb: {  	s21 =	sadd.s32 $0x10, s21;
	s1 =	sadd.s32 $0x10, s1;
	vm0 =	veq.f32 v7, $0.0e+00  }
0xdc: {  	v2 =	vsel vm0, v3, v2  }
0xdd: {  	v2 =	vadd.f32 $1.000000000e+00, v2;
	v3 =	vsel vm0, v6, v4  }
0xde: {  	v3 =	vadd.f32 $1.000000000e+00, v3;
	v1 =	vsel vm0, v5, v1  }
0xdf: {  	v2 =	vmul.f32 $1.275000000e+02, v2;
	v1 =	vadd.f32 $1.000000000e+00, v1  }
0xe0: {  	v3 =	vmul.f32 $1.275000000e+02, v3  }
0xe1: {  	v1 =	vmul.f32 $1.275000000e+02, v1;
	v4 =	vtrunc.f32 v2  }
0xe2: {  	v4 =	vcvt.f32.s32 v4;
	v5 =	vtrunc.f32 v3  }
0xe3: {  	v5 =	vcvt.f32.s32 v5  }
0xe4: {  	v7 =	vsel vm0, $0x0, v0;
	v6 =	vtrunc.f32 v1;
	v8 =	vcvt.s32.f32 v4  }
0xe5: {  	v6 =	vcvt.f32.s32 v6;
	v9 =	vand.u32 $0x80, v4;
	v11 =	vadd.s32 $0x1, v4  }
0xe6: {  	v10 =	vcvt.s32.f32 v5;
	v12 =	vadd.s32 $0x1, v5;
	v63 =	vand.u32 $0x80, v11  }
0xe7: {  	v9 =	vmul.u32 $0x7, v9;
	v2 =	vsub.f32 v2, v8;
	v8 =	vand.u32 $0x1FFFFF8, v5  }
0xe8: {  	v13 =	vand.u32 $0x1FFFFF8, v12;
	v5 =	vadd.s32 v5, v8;
	v8 =	vcvt.s32.f32 v6  }
0xe9: {  	v3 =	vsub.f32 v3, v10;
	v10 =	vmul.u32 $0x7, v63;
	v6 =	vshll.u32 v6, $0x10  }
0xea: {  	[tilespmem:s9+$0x0] =	vst v2;
	v2 =	vadd.s32 v7, v6;
	v5 =	vshll.u32 v5, $0x7;
	v1 =	vsub.f32 v1, v8  }
0xeb: {  	v4 =	vadd.s32 v4, v9;
	v6 =	vadd.s32 v12, v13;
	[tilespmem:s2+$0x0] =	vst v3;
	v3 =	vadd.s32 v2, v5  }
0xec: {  	v5 =	vshll.u32 v6, $0x7;
	v6 =	vadd.s32 v11, v10;
	[tilespmem:s18+$0x0] =	vst v1;
	v1 =	vadd.s32 v4, v3  }
0xed: {  	s1 =	sand.u32 $0x1F0, s19;
	v2 =	vadd.s32 v2, v5;
	v5 =	vadd.s32 v6, v3;
	[tilespmem:s17+$0x0] =	vst v1  }
0xee: {  	v1 =	vadd.s32 v4, v2;
	[tilespmem:s1+$0x8200] =	vst v5  }
0xef: {  	v3 =	vadd.s32 $0x10000, v3;
	[tilespmem:s1+$0x8400] =	vst v1;
	v1 =	vadd.s32 v6, v2  }
0xf0: {  	[tilespmem:s1+$0x8600] =	vst v1;
	v1 =	vadd.s32 v4, v3  }
0xf1: {  	v2 =	vadd.s32 $0x10000, v2;
	v3 =	vadd.s32 v6, v3;
	[tilespmem:s1+$0x8800] =	vst v1  }
0xf2: {  	v1 =	vadd.s32 v4, v2;
	[tilespmem:s1+$0x8A00] =	vst v3  }
0xf3: {  	v2 =	vadd.s32 v6, v2;
	[tilespmem:s1+$0x8C00] =	vst v1  }
0xf4: {  	s0 =	simm.s32 $0x8000;
	s21 =	simm.s32 $0x9000;
	[tilespmem:s1+$0x8E00] =	vst v2  }
0xf5: {  	[tilespmem:s21], [sflag:$0x3] =	stream.indirect.gather [hbm4b:s3+s24], $0x1, s0, s24, $0xb8;
	[tilespmem:$0x1C000] =	vst v63  }
0xf6: {  	s20 =	simm.s32 $0x0;
	s26 =	rddreg [dreg:$0x8];
	s29 =	simm.s32 $0xA800  }
0xf7: {  	[tilespmem:s29], [sflag:$0x9] =	stream.linear.gather [hbm4b:s26+s20], $0x1000, $0x38;
	[tilespmem:$0x1C000] =	vst v63  }
0xf8: {  	_ =	swait.ge [sflag:s23], $0x1000  }
0xf9: {  	s30 =	sand.u32 $0x70, s20;
	s31 =	sand.u32 $0xC00, s20;
	[sflag:s23] =	ssyncset.done $0x0  }
0xfa: {  	s2 =	sor.u32 s30, s31;
	[sflag:s23] =	ssyncadd.s32 $0xFFFFF000  }
0xfb: {  	v2 =	vld [tilespmem:s2+$0xA980]  }
0xfc: {  	v7 =	vld [tilespmem:s2+$0xAB00]  }
0xfd: {  	v3 =	vld [tilespmem:s2+$0xA800]  }
0xfe: {  	v1 =	vld [tilespmem:s2+$0xAA80]  }
0xff: {  	v4 =	vld [tilespmem:s2+$0xAA00]  }
0x100: {  	s11 =	simm.s32 $0xD800;
	v6 =	vld [tilespmem:s2+$0xA880]  }
0x101: {  	s7 =	simm.s32 $0xDA00;
	s13 =	simm.s32 $0x10;
	s19 =	simm.s32 $0x0;
	v5 =	vld [tilespmem:s2+$0xA900]  }
0x102: {  	s9 =	simm.s32 $0xD800;
	s18 =	simm.s32 $0xDC00;
	s17 =	simm.s32 $0xB800  }
0x103: {  	s1 =	simm.s32 $0xB810;
	s21 =	simm.s32 $0xDC10;
	s2 =	simm.s32 $0xDA00;
	vm0 =	veq.f32 v7, $0.0e+00  }
.LBB2_8:
0x104: {  	v2 =	vsel vm0, v3, v2;
	s20 =	sadd.s32 $0x80, s20;
	s11 =	sadd.s32 $0x10, s11;
	s7 =	sadd.s32 $0x10, s7  }
0x105: {  	p0 =	sne.s32 s13, $0x1F0;
	s4 =	smov.u32 s13;
	s13 =	sadd.s32 $0x10, s13;
	v2 =	vadd.f32 $1.000000000e+00, v2;
	v3 =	vsel vm0, v6, v4  }
0x106: {  	v3 =	vadd.f32 $1.000000000e+00, v3;
	v1 =	vsel vm0, v5, v1  }
0x107: {  	v2 =	vmul.f32 $1.275000000e+02, v2;
	v1 =	vadd.f32 $1.000000000e+00, v1  }
0x108: {  	v3 =	vmul.f32 $1.275000000e+02, v3  }
0x109: {  	v1 =	vmul.f32 $1.275000000e+02, v1;
	v4 =	vtrunc.f32 v2  }
0x10a: {  	v4 =	vcvt.f32.s32 v4;
	v5 =	vtrunc.f32 v3  }
0x10b: {  	v7 =	vsel vm0, $0x0, v0;
	v5 =	vcvt.f32.s32 v5;
	v6 =	vtrunc.f32 v1  }
0x10c: {  	v6 =	vcvt.f32.s32 v6;
	v8 =	vcvt.s32.f32 v4;
	v9 =	vand.u32 $0x80, v4  }
0x10d: {  	v11 =	vadd.s32 $0x1, v4;
	v10 =	vcvt.s32.f32 v5;
	v12 =	vadd.s32 $0x1, v5  }
0x10e: {  	v2 =	vsub.f32 v2, v8;
	v8 =	vand.u32 $0x1FFFFF8, v5;
	v13 =	vand.u32 $0x1FFFFF8, v12  }
0x10f: {  	s6 =	sand.u32 $0x70, s4;
	s14 =	sand.u32 $0xC00, s20;
	v3 =	vsub.f32 v3, v10;
	v10 =	vand.u32 $0x80, v11;
	v12 =	vadd.s32 v12, v13  }
0x110: {  	s6 =	sor.u32 s6, s14;
	[tilespmem:s9+$0x0] =	vst v2;
	v2 =	vmul.u32 $0x7, v10;
	v10 =	vshll.u32 v12, $0x7;
	v12 =	vshll.u32 v6, $0x10;
	s9 =	smov.u32 s11  }
0x111: {  	v5 =	vadd.s32 v5, v8;
	[tilespmem:s2+$0x0] =	vst v3;
	v3 =	vcvt.s32.f32 v6;
	v6 =	vadd.s32 v7, v12;
	s2 =	smov.u32 s7  }
0x112: {  	v5 =	vshll.u32 v5, $0x7;
	v7 =	vmul.u32 $0x7, v9;
	v2 =	vadd.s32 v11, v2  }
0x113: {  	v1 =	vsub.f32 v1, v3;
	v3 =	vadd.s32 v6, v5;
	v5 =	vadd.s32 v6, v10  }
0x114: {  	v4 =	vadd.s32 v4, v7;
	v6 =	vadd.s32 $0x10000, v3;
	v7 =	vadd.s32 v2, v3  }
0x115: {  	[tilespmem:s18+$0x0] =	vst v1;
	v1 =	vadd.s32 v4, v3;
	v3 =	vadd.s32 v4, v5;
	v8 =	vadd.s32 v2, v6;
	s18 =	smov.u32 s21  }
0x116: {  	s14 =	sand.u32 $0x1F0, s19;
	s19 =	smov.u32 s4;
	v9 =	vadd.s32 $0x10000, v5;
	[tilespmem:s17+$0x0] =	vst v1;
	s17 =	smov.u32 s1  }
0x117: {  	v1 =	vadd.s32 v4, v9;
	[tilespmem:s14+$0xBA00] =	vst v7;
	v7 =	vadd.s32 v2, v9  }
0x118: {  	v2 =	vadd.s32 v2, v5;
	[tilespmem:s14+$0xBC00] =	vst v3  }
0x119: {  	[tilespmem:s14+$0xBE00] =	vst v2;
	v2 =	vadd.s32 v4, v6  }
0x11a: {  	[tilespmem:s14+$0xC000] =	vst v2  }
0x11b: {  	[tilespmem:s14+$0xC200] =	vst v8  }
0x11c: {  	[tilespmem:s14+$0xC400] =	vst v1  }
0x11d: {  	[tilespmem:s14+$0xC600] =	vst v7  }
0x11e: {  	v2 =	vld [tilespmem:s6+$0xA980]  }
0x11f: {  	v3 =	vld [tilespmem:s6+$0xA800]  }
0x120: {  	v1 =	vld [tilespmem:s6+$0xAA80]  }
0x121: {  	v7 =	vld [tilespmem:s6+$0xAB00]  }
.Ltmp3:
0x122: {  	v4 =	vld [tilespmem:s6+$0xAA00];
	(pc) =	sbr.rel @p0 .LBB2_8-.Ltmp3, $3  }
0x123: {  	v6 =	vld [tilespmem:s6+$0xA880]  }
0x124: {  	v5 =	vld [tilespmem:s6+$0xA900];
	_ =	sdelay $0x1  }
0x125: {  	s21 =	sadd.s32 $0x10, s21;
	s1 =	sadd.s32 $0x10, s1;
	vm0 =	veq.f32 v7, $0.0e+00  }
0x126: {  	v2 =	vsel vm0, v3, v2  }
0x127: {  	v2 =	vadd.f32 $1.000000000e+00, v2;
	v3 =	vsel vm0, v6, v4  }
0x128: {  	v3 =	vadd.f32 $1.000000000e+00, v3;
	v1 =	vsel vm0, v5, v1  }
0x129: {  	v2 =	vmul.f32 $1.275000000e+02, v2;
	v1 =	vadd.f32 $1.000000000e+00, v1  }
0x12a: {  	v3 =	vmul.f32 $1.275000000e+02, v3  }
0x12b: {  	v1 =	vmul.f32 $1.275000000e+02, v1;
	v4 =	vtrunc.f32 v2  }
0x12c: {  	v4 =	vcvt.f32.s32 v4;
	v5 =	vtrunc.f32 v3  }
0x12d: {  	v5 =	vcvt.f32.s32 v5  }
0x12e: {  	v7 =	vsel vm0, $0x0, v0;
	v6 =	vtrunc.f32 v1;
	v8 =	vcvt.s32.f32 v4  }
0x12f: {  	v6 =	vcvt.f32.s32 v6;
	v9 =	vand.u32 $0x80, v4;
	v11 =	vadd.s32 $0x1, v4  }
0x130: {  	v10 =	vcvt.s32.f32 v5;
	v12 =	vadd.s32 $0x1, v5;
	v63 =	vand.u32 $0x80, v11  }
0x131: {  	v9 =	vmul.u32 $0x7, v9;
	v2 =	vsub.f32 v2, v8;
	v8 =	vand.u32 $0x1FFFFF8, v5  }
0x132: {  	v13 =	vand.u32 $0x1FFFFF8, v12;
	v5 =	vadd.s32 v5, v8;
	v8 =	vcvt.s32.f32 v6  }
0x133: {  	v3 =	vsub.f32 v3, v10;
	v10 =	vmul.u32 $0x7, v63;
	v6 =	vshll.u32 v6, $0x10  }
0x134: {  	[tilespmem:s9+$0x0] =	vst v2;
	v2 =	vadd.s32 v7, v6;
	v5 =	vshll.u32 v5, $0x7;
	v1 =	vsub.f32 v1, v8  }
0x135: {  	v4 =	vadd.s32 v4, v9;
	v6 =	vadd.s32 v12, v13;
	[tilespmem:s2+$0x0] =	vst v3;
	v3 =	vadd.s32 v2, v5  }
0x136: {  	v5 =	vshll.u32 v6, $0x7;
	v6 =	vadd.s32 v11, v10;
	[tilespmem:s18+$0x0] =	vst v1;
	v1 =	vadd.s32 v4, v3  }
0x137: {  	s1 =	sand.u32 $0x1F0, s19;
	v2 =	vadd.s32 v2, v5;
	v5 =	vadd.s32 v6, v3;
	[tilespmem:s17+$0x0] =	vst v1  }
0x138: {  	v1 =	vadd.s32 v4, v2;
	[tilespmem:s1+$0xBA00] =	vst v5  }
0x139: {  	v3 =	vadd.s32 $0x10000, v3;
	[tilespmem:s1+$0xBC00] =	vst v1;
	v1 =	vadd.s32 v6, v2  }
0x13a: {  	[tilespmem:s1+$0xBE00] =	vst v1;
	v1 =	vadd.s32 v4, v3  }
0x13b: {  	v2 =	vadd.s32 $0x10000, v2;
	v3 =	vadd.s32 v6, v3;
	[tilespmem:s1+$0xC000] =	vst v1  }
0x13c: {  	v1 =	vadd.s32 v4, v2;
	[tilespmem:s1+$0xC200] =	vst v3  }
0x13d: {  	v2 =	vadd.s32 v6, v2;
	[tilespmem:s1+$0xC400] =	vst v1  }
0x13e: {  	s0 =	simm.s32 $0xB800;
	s21 =	simm.s32 $0xC800;
	[tilespmem:s1+$0xC600] =	vst v2  }
0x13f: {  	[tilespmem:s21], [sflag:$0x4] =	stream.indirect.gather [hbm4b:s3+s24], $0x1, s0, s24, $0xb8;
	[tilespmem:$0x1C000] =	vst v63  }
0x140: {  	s20 =	simm.s32 $0x0;
	s26 =	rddreg [dreg:$0x9];
	s29 =	simm.s32 $0xE000  }
0x141: {  	[tilespmem:s29], [sflag:$0x9] =	stream.linear.gather [hbm4b:s26+s20], $0x1000, $0x38;
	[tilespmem:$0x1C000] =	vst v63  }
0x142: {  	_ =	swait.ge [sflag:s23], $0x1000  }
0x143: {  	s30 =	sand.u32 $0x70, s20;
	s31 =	sand.u32 $0xC00, s20;
	[sflag:s23] =	ssyncset.done $0x0  }
0x144: {  	s2 =	sor.u32 s30, s31;
	[sflag:s23] =	ssyncadd.s32 $0xFFFFF000  }
0x145: {  	v2 =	vld [tilespmem:s2+$0xE180]  }
0x146: {  	v7 =	vld [tilespmem:s2+$0xE300]  }
0x147: {  	v3 =	vld [tilespmem:s2+$0xE000]  }
0x148: {  	v1 =	vld [tilespmem:s2+$0xE280]  }
0x149: {  	v4 =	vld [tilespmem:s2+$0xE200]  }
0x14a: {  	s11 =	simm.s32 $0x11000;
	v6 =	vld [tilespmem:s2+$0xE080]  }
0x14b: {  	s7 =	simm.s32 $0x11200;
	s13 =	simm.s32 $0x10;
	s19 =	simm.s32 $0x0;
	v5 =	vld [tilespmem:s2+$0xE100]  }
0x14c: {  	s9 =	simm.s32 $0x11000;
	s18 =	simm.s32 $0x11400;
	s17 =	simm.s32 $0xF000  }
0x14d: {  	s1 =	simm.s32 $0xF010;
	s21 =	simm.s32 $0x11410;
	s2 =	simm.s32 $0x11200;
	vm0 =	veq.f32 v7, $0.0e+00  }
.LBB2_10:
0x14e: {  	v2 =	vsel vm0, v3, v2;
	s20 =	sadd.s32 $0x80, s20;
	s11 =	sadd.s32 $0x10, s11;
	s7 =	sadd.s32 $0x10, s7  }
0x14f: {  	p0 =	sne.s32 s13, $0x1F0;
	s4 =	smov.u32 s13;
	s13 =	sadd.s32 $0x10, s13;
	v2 =	vadd.f32 $1.000000000e+00, v2;
	v3 =	vsel vm0, v6, v4  }
0x150: {  	v3 =	vadd.f32 $1.000000000e+00, v3;
	v1 =	vsel vm0, v5, v1  }
0x151: {  	v2 =	vmul.f32 $1.275000000e+02, v2;
	v1 =	vadd.f32 $1.000000000e+00, v1  }
0x152: {  	v3 =	vmul.f32 $1.275000000e+02, v3  }
0x153: {  	v1 =	vmul.f32 $1.275000000e+02, v1;
	v4 =	vtrunc.f32 v2  }
0x154: {  	v4 =	vcvt.f32.s32 v4;
	v5 =	vtrunc.f32 v3  }
0x155: {  	v7 =	vsel vm0, $0x0, v0;
	v5 =	vcvt.f32.s32 v5;
	v6 =	vtrunc.f32 v1  }
0x156: {  	v6 =	vcvt.f32.s32 v6;
	v8 =	vcvt.s32.f32 v4;
	v9 =	vand.u32 $0x80, v4  }
0x157: {  	v11 =	vadd.s32 $0x1, v4;
	v10 =	vcvt.s32.f32 v5;
	v12 =	vadd.s32 $0x1, v5  }
0x158: {  	v2 =	vsub.f32 v2, v8;
	v8 =	vand.u32 $0x1FFFFF8, v5;
	v13 =	vand.u32 $0x1FFFFF8, v12  }
0x159: {  	s6 =	sand.u32 $0x70, s4;
	s14 =	sand.u32 $0xC00, s20;
	v3 =	vsub.f32 v3, v10;
	v10 =	vand.u32 $0x80, v11;
	v12 =	vadd.s32 v12, v13  }
0x15a: {  	s6 =	sor.u32 s6, s14;
	[tilespmem:s9+$0x0] =	vst v2;
	v2 =	vmul.u32 $0x7, v10;
	v10 =	vshll.u32 v12, $0x7;
	v12 =	vshll.u32 v6, $0x10;
	s9 =	smov.u32 s11  }
0x15b: {  	v5 =	vadd.s32 v5, v8;
	[tilespmem:s2+$0x0] =	vst v3;
	v3 =	vcvt.s32.f32 v6;
	v6 =	vadd.s32 v7, v12;
	s2 =	smov.u32 s7  }
0x15c: {  	v5 =	vshll.u32 v5, $0x7;
	v7 =	vmul.u32 $0x7, v9;
	v2 =	vadd.s32 v11, v2  }
0x15d: {  	v1 =	vsub.f32 v1, v3;
	v3 =	vadd.s32 v6, v5;
	v5 =	vadd.s32 v6, v10  }
0x15e: {  	v4 =	vadd.s32 v4, v7;
	v6 =	vadd.s32 $0x10000, v3;
	v7 =	vadd.s32 v2, v3  }
0x15f: {  	[tilespmem:s18+$0x0] =	vst v1;
	v1 =	vadd.s32 v4, v3;
	v3 =	vadd.s32 v4, v5;
	v8 =	vadd.s32 v2, v6;
	s18 =	smov.u32 s21  }
0x160: {  	s14 =	sand.u32 $0x1F0, s19;
	s19 =	smov.u32 s4;
	v9 =	vadd.s32 $0x10000, v5;
	[tilespmem:s17+$0x0] =	vst v1;
	s17 =	smov.u32 s1  }
0x161: {  	v1 =	vadd.s32 v4, v9;
	[tilespmem:s14+$0xF200] =	vst v7;
	v7 =	vadd.s32 v2, v9  }
0x162: {  	v2 =	vadd.s32 v2, v5;
	[tilespmem:s14+$0xF400] =	vst v3  }
0x163: {  	[tilespmem:s14+$0xF600] =	vst v2;
	v2 =	vadd.s32 v4, v6  }
0x164: {  	[tilespmem:s14+$0xF800] =	vst v2  }
0x165: {  	[tilespmem:s14+$0xFA00] =	vst v8  }
0x166: {  	[tilespmem:s14+$0xFC00] =	vst v1  }
0x167: {  	[tilespmem:s14+$0xFE00] =	vst v7  }
0x168: {  	v2 =	vld [tilespmem:s6+$0xE180]  }
0x169: {  	v3 =	vld [tilespmem:s6+$0xE000]  }
0x16a: {  	v1 =	vld [tilespmem:s6+$0xE280]  }
0x16b: {  	v7 =	vld [tilespmem:s6+$0xE300]  }
.Ltmp4:
0x16c: {  	v4 =	vld [tilespmem:s6+$0xE200];
	(pc) =	sbr.rel @p0 .LBB2_10-.Ltmp4, $3  }
0x16d: {  	v6 =	vld [tilespmem:s6+$0xE080]  }
0x16e: {  	v5 =	vld [tilespmem:s6+$0xE100];
	_ =	sdelay $0x1  }
0x16f: {  	s21 =	sadd.s32 $0x10, s21;
	s1 =	sadd.s32 $0x10, s1;
	vm0 =	veq.f32 v7, $0.0e+00  }
0x170: {  	v2 =	vsel vm0, v3, v2  }
0x171: {  	v2 =	vadd.f32 $1.000000000e+00, v2;
	v3 =	vsel vm0, v6, v4  }
0x172: {  	v3 =	vadd.f32 $1.000000000e+00, v3;
	v1 =	vsel vm0, v5, v1  }
0x173: {  	v2 =	vmul.f32 $1.275000000e+02, v2;
	v1 =	vadd.f32 $1.000000000e+00, v1  }
0x174: {  	v3 =	vmul.f32 $1.275000000e+02, v3  }
0x175: {  	v1 =	vmul.f32 $1.275000000e+02, v1;
	v54 =	vtrunc.f32 v2  }
0x176: {  	v4 =	vcvt.f32.s32 v54;
	v55 =	vtrunc.f32 v3  }
0x177: {  	v5 =	vcvt.f32.s32 v55  }
0x178: {  	v7 =	vsel vm0, $0x0, v0;
	v56 =	vtrunc.f32 v1;
	v8 =	vcvt.s32.f32 v4  }
0x179: {  	v6 =	vcvt.f32.s32 v56;
	v9 =	vand.u32 $0x80, v4;
	v11 =	vadd.s32 $0x1, v4  }
0x17a: {  	v10 =	vcvt.s32.f32 v5;
	v12 =	vadd.s32 $0x1, v5;
	v57 =	vand.u32 $0x1FFFFF8, v5  }
0x17b: {  	v58 =	vand.u32 $0x80, v11;
	v9 =	vmul.u32 $0x7, v9;
	v2 =	vsub.f32 v2, v8  }
0x17c: {  	v13 =	vand.u32 $0x1FFFFF8, v12;
	v5 =	vadd.s32 v5, v57;
	v59 =	vcvt.s32.f32 v6  }
0x17d: {  	v6 =	vshll.u32 v6, $0x10;
	v3 =	vsub.f32 v3, v10;
	v10 =	vmul.u32 $0x7, v58  }
0x17e: {  	v5 =	vshll.u32 v5, $0x7;
	[tilespmem:s9+$0x0] =	vst v2;
	v2 =	vadd.s32 v7, v6;
	v1 =	vsub.f32 v1, v59  }
0x17f: {  	v60 =	vadd.s32 v12, v13;
	v4 =	vadd.s32 v4, v9;
	[tilespmem:s2+$0x0] =	vst v3;
	v3 =	vadd.s32 v2, v5  }
0x180: {  	v61 =	vshll.u32 v60, $0x7;
	v62 =	vadd.s32 v11, v10;
	[tilespmem:s18+$0x0] =	vst v1;
	v1 =	vadd.s32 v4, v3  }
0x181: {  	s1 =	sand.u32 $0x1F0, s19;
	v2 =	vadd.s32 v2, v61;
	v63 =	vadd.s32 v62, v3;
	[tilespmem:s17+$0x0] =	vst v1  }
0x182: {  	v1 =	vadd.s32 v4, v2;
	[tilespmem:s1+$0xF200] =	vst v63  }
0x183: {  	v3 =	vadd.s32 $0x10000, v3;
	[tilespmem:s1+$0xF400] =	vst v1;
	v1 =	vadd.s32 v62, v2  }
0x184: {  	[tilespmem:s1+$0xF600] =	vst v1;
	v1 =	vadd.s32 v4, v3  }
0x185: {  	v2 =	vadd.s32 $0x10000, v2;
	v3 =	vadd.s32 v62, v3;
	[tilespmem:s1+$0xF800] =	vst v1  }
0x186: {  	v1 =	vadd.s32 v4, v2;
	[tilespmem:s1+$0xFA00] =	vst v3  }
0x187: {  	s0 =	simm.s32 $0xF000;
	v2 =	vadd.s32 v62, v2;
	[tilespmem:s1+$0xFC00] =	vst v1  }
0x188: {  	s21 =	simm.s32 $0x10000;
	s26 =	rddreg [dreg:$0xa];
	s29 =	simm.s32 $0x11800;
	[tilespmem:s1+$0xFE00] =	vst v2  }
0x189: {  	[tilespmem:s21], [sflag:$0x5] =	stream.indirect.gather [hbm4b:s3+s24], $0x1, s0, s24, $0xb8;
	[tilespmem:$0x1C000] =	vst v63  }
0x18a: {  	s11 =	simm.s32 $0x14800;
	s13 =	simm.s32 $0x14A00;
	s9 =	simm.s32 $0x0  }
0x18b: {  	[tilespmem:s29], [sflag:$0x9] =	stream.linear.gather [hbm4b:s26+s9], $0x1000, $0x38;
	[tilespmem:$0x1C000] =	vst v63  }
0x18c: {  	s30 =	sand.u32 $0x70, s9;
	s31 =	sand.u32 $0xC00, s9;
	_ =	swait.ge [sflag:s23], $0x1000  }
0x18d: {  	s7 =	simm.s32 $0x10;
	s2 =	sor.u32 s30, s31;
	[sflag:s23] =	ssyncset.done $0x0  }
0x18e: {  	s20 =	simm.s32 $0x14A00;
	s16 =	sadd.s32 $0x11800, s2;
	[sflag:s23] =	ssyncadd.s32 $0xFFFFF000  }
0x18f: {  	s19 =	simm.s32 $0x0;
	s18 =	simm.s32 $0x12800;
	s17 =	simm.s32 $0x14C00;
	v1 =	vld [tilespmem:s16+$0x80]  }
0x190: {  	s1 =	simm.s32 $0x12810;
	s21 =	simm.s32 $0x14C10;
	v2 =	vld [tilespmem:s2+$0x11800];
	s2 =	simm.s32 $0x14800  }
.LBB2_12:
0x191: {  	v3 =	vld [tilespmem:s16+$0x300];
	s9 =	sadd.s32 $0x80, s9;
	s11 =	sadd.s32 $0x10, s11;
	s13 =	sadd.s32 $0x10, s13  }
0x192: {  	p0 =	sne.s32 s7, $0x1F0;
	s6 =	smov.u32 s7;
	s7 =	sadd.s32 $0x10, s7;
	v4 =	vld [tilespmem:s16+$0x100]  }
0x193: {  	v5 =	vld [tilespmem:s16+$0x180]  }
0x194: {  	v6 =	vld [tilespmem:s16+$0x200]  }
0x195: {  	v7 =	vld [tilespmem:s16+$0x280];
	_ =	sdelay $0x1  }
0x196: {  	vm0 =	veq.f32 v3, $0.0e+00  }
0x197: {  	v2 =	vsel vm0, v2, v5  }
0x198: {  	v2 =	vadd.f32 $1.000000000e+00, v2;
	v1 =	vsel vm0, v1, v6  }
0x199: {  	v1 =	vadd.f32 $1.000000000e+00, v1;
	v3 =	vsel vm0, v4, v7  }
0x19a: {  	s4 =	sand.u32 $0x70, s6;
	s14 =	sand.u32 $0xC00, s9;
	v2 =	vmul.f32 $1.275000000e+02, v2;
	v3 =	vadd.f32 $1.000000000e+00, v3  }
0x19b: {  	s14 =	sor.u32 s4, s14;
	v1 =	vmul.f32 $1.275000000e+02, v1  }
0x19c: {  	s16 =	sadd.s32 $0x11800, s14;
	v3 =	vmul.f32 $1.275000000e+02, v3;
	v4 =	vtrunc.f32 v2  }
0x19d: {  	v4 =	vcvt.f32.s32 v4;
	v5 =	vtrunc.f32 v1  }
0x19e: {  	v7 =	vsel vm0, $0x0, v0;
	v5 =	vcvt.f32.s32 v5;
	v6 =	vtrunc.f32 v3  }
0x19f: {  	v6 =	vcvt.f32.s32 v6;
	v8 =	vcvt.s32.f32 v4;
	v9 =	vand.u32 $0x80, v4  }
0x1a0: {  	v10 =	vcvt.s32.f32 v5;
	v9 =	vmul.u32 $0x7, v9;
	v11 =	vand.u32 $0x1FFFFF8, v5  }
0x1a1: {  	v12 =	vadd.s32 $0x1, v5;
	v2 =	vsub.f32 v2, v8;
	v8 =	vadd.s32 $0x1, v4  }
0x1a2: {  	v13 =	vand.u32 $0x1FFFFF8, v12;
	v1 =	vsub.f32 v1, v10;
	v10 =	vand.u32 $0x80, v8  }
0x1a3: {  	[tilespmem:s2+$0x0] =	vst v2;
	v2 =	vmul.u32 $0x7, v10;
	v10 =	vadd.s32 v12, v13;
	v12 =	vshll.u32 v6, $0x10;
	s2 =	smov.u32 s11  }
0x1a4: {  	v4 =	vadd.s32 v4, v9;
	[tilespmem:s20+$0x0] =	vst v1;
	v1 =	vcvt.s32.f32 v6;
	v6 =	vshll.u32 v10, $0x7;
	s20 =	smov.u32 s13  }
0x1a5: {  	v5 =	vadd.s32 v5, v11;
	v7 =	vadd.s32 v7, v12;
	v2 =	vadd.s32 v8, v2  }
0x1a6: {  	v1 =	vsub.f32 v3, v1;
	v3 =	vshll.u32 v5, $0x7;
	v5 =	vadd.s32 v7, v6  }
0x1a7: {  	v3 =	vadd.s32 v7, v3;
	v6 =	vadd.s32 $0x10000, v5;
	v7 =	vadd.s32 v4, v5  }
0x1a8: {  	[tilespmem:s17+$0x0] =	vst v1;
	v1 =	vadd.s32 $0x10000, v3;
	v8 =	vadd.s32 v4, v3;
	v9 =	vadd.s32 v4, v6;
	s17 =	smov.u32 s21  }
0x1a9: {  	s4 =	sand.u32 $0x1F0, s19;
	s19 =	smov.u32 s6;
	v3 =	vadd.s32 v2, v3;
	v6 =	vadd.s32 v2, v6;
	[tilespmem:s18+$0x0] =	vst v8;
	v4 =	vadd.s32 v4, v1;
	s18 =	smov.u32 s1  }
0x1aa: {  	v1 =	vadd.s32 v2, v1;
	[tilespmem:s4+$0x12A00] =	vst v3;
	v3 =	vadd.s32 v2, v5  }
0x1ab: {  	[tilespmem:s4+$0x12C00] =	vst v7  }
0x1ac: {  	[tilespmem:s4+$0x12E00] =	vst v3  }
0x1ad: {  	[tilespmem:s4+$0x13000] =	vst v4  }
.Ltmp5:
0x1ae: {  	[tilespmem:s4+$0x13200] =	vst v1;
	(pc) =	sbr.rel @p0 .LBB2_12-.Ltmp5, $4  }
0x1af: {  	[tilespmem:s4+$0x13400] =	vst v9  }
0x1b0: {  	[tilespmem:s4+$0x13600] =	vst v6  }
0x1b1: {  	v1 =	vld [tilespmem:s16+$0x80]  }
0x1b2: {  	s21 =	sadd.s32 $0x10, s21;
	s1 =	sadd.s32 $0x10, s1;
	v2 =	vld [tilespmem:s14+$0x11800]  }
0x1b3: {  	v3 =	vld [tilespmem:s16+$0x300]  }
0x1b4: {  	v4 =	vld [tilespmem:s16+$0x100]  }
0x1b5: {  	v5 =	vld [tilespmem:s16+$0x180]  }
0x1b6: {  	v6 =	vld [tilespmem:s16+$0x200]  }
0x1b7: {  	v7 =	vld [tilespmem:s16+$0x280];
	_ =	sdelay $0x2  }
0x1b8: {  	vm0 =	veq.f32 v3, $0.0e+00  }
0x1b9: {  	v2 =	vsel vm0, v2, v5  }
0x1ba: {  	v1 =	vsel vm0, v1, v6;
	v3 =	vsel vm0, v4, v7;
	v2 =	vadd.f32 $1.000000000e+00, v2  }
0x1bb: {  	v1 =	vadd.f32 $1.000000000e+00, v1;
	v3 =	vadd.f32 $1.000000000e+00, v3  }
0x1bc: {  	v2 =	vmul.f32 $1.275000000e+02, v2  }
0x1bd: {  	v1 =	vmul.f32 $1.275000000e+02, v1;
	v3 =	vmul.f32 $1.275000000e+02, v3  }
0x1be: {  	v4 =	vtrunc.f32 v2  }
0x1bf: {  	v5 =	vtrunc.f32 v1;
	v6 =	vtrunc.f32 v3  }
0x1c0: {  	v4 =	vcvt.f32.s32 v4;
	v5 =	vcvt.f32.s32 v5  }
0x1c1: {  	v7 =	vsel vm0, $0x0, v0;
	v6 =	vcvt.f32.s32 v6  }
0x1c2: {  	v8 =	vcvt.s32.f32 v4;
	v9 =	vand.u32 $0x80, v4;
	v10 =	vcvt.s32.f32 v5  }
0x1c3: {  	v11 =	vand.u32 $0x1FFFFF8, v5;
	v12 =	vadd.s32 $0x1, v5;
	v13 =	vcvt.s32.f32 v6  }
0x1c4: {  	v6 =	vshll.u32 v6, $0x10;
	v9 =	vmul.u32 $0x7, v9;
	v5 =	vadd.s32 v5, v11  }
0x1c5: {  	v63 =	vand.u32 $0x1FFFFF8, v12;
	v2 =	vsub.f32 v2, v8;
	v8 =	vadd.s32 $0x1, v4  }
0x1c6: {  	v1 =	vsub.f32 v1, v10;
	v3 =	vsub.f32 v3, v13;
	v62 =	vand.u32 $0x80, v8  }
0x1c7: {  	v5 =	vshll.u32 v5, $0x7;
	v10 =	vmul.u32 $0x7, v62;
	[tilespmem:s2+$0x0] =	vst v2;
	v2 =	vadd.s32 v7, v6  }
0x1c8: {  	v6 =	vadd.s32 v12, v63;
	[tilespmem:s20+$0x0] =	vst v1;
	v1 =	vadd.s32 v4, v9;
	v4 =	vadd.s32 v2, v5  }
0x1c9: {  	v5 =	vshll.u32 v6, $0x7;
	v6 =	vadd.s32 v8, v10;
	[tilespmem:s17+$0x0] =	vst v3;
	v3 =	vadd.s32 v1, v4  }
0x1ca: {  	s1 =	sand.u32 $0x1F0, s19;
	v2 =	vadd.s32 v2, v5;
	[tilespmem:s18+$0x0] =	vst v3;
	v3 =	vadd.s32 v6, v4  }
0x1cb: {  	v5 =	vadd.s32 v1, v2;
	[tilespmem:s1+$0x12A00] =	vst v3  }
0x1cc: {  	v3 =	vadd.s32 $0x10000, v4;
	v4 =	vadd.s32 v6, v2;
	[tilespmem:s1+$0x12C00] =	vst v5  }
0x1cd: {  	v5 =	vadd.s32 v1, v3;
	[tilespmem:s1+$0x12E00] =	vst v4  }
0x1ce: {  	v2 =	vadd.s32 $0x10000, v2;
	v3 =	vadd.s32 v6, v3;
	[tilespmem:s1+$0x13000] =	vst v5  }
0x1cf: {  	v1 =	vadd.s32 v1, v2;
	[tilespmem:s1+$0x13200] =	vst v3  }
0x1d0: {  	v2 =	vadd.s32 v6, v2;
	[tilespmem:s1+$0x13400] =	vst v1  }
0x1d1: {  	s0 =	simm.s32 $0x12800;
	s21 =	simm.s32 $0x13800;
	[tilespmem:s1+$0x13600] =	vst v2  }
0x1d2: {  	[tilespmem:s21], [sflag:$0x6] =	stream.indirect.gather [hbm4b:s3+s24], $0x1, s0, s24, $0xb8;
	[tilespmem:$0x1C000] =	vst v63  }
0x1d3: {  	s26 =	rddreg [dreg:$0xb];
	s29 =	simm.s32 $0x15000;
	s20 =	simm.s32 $0x0  }
0x1d4: {  	[tilespmem:s29], [sflag:$0x9] =	stream.linear.gather [hbm4b:s26+s20], $0x1000, $0x38;
	[tilespmem:$0x1C000] =	vst v63  }
0x1d5: {  	_ =	swait.ge [sflag:s23], $0x1000  }
0x1d6: {  	s30 =	sand.u32 $0x70, s20;
	s31 =	sand.u32 $0xC00, s20;
	[sflag:s23] =	ssyncset.done $0x0  }
0x1d7: {  	s2 =	sor.u32 s30, s31;
	[sflag:s23] =	ssyncadd.s32 $0xFFFFF000  }
0x1d8: {  	v2 =	vld [tilespmem:s2+$0x15180]  }
0x1d9: {  	v7 =	vld [tilespmem:s2+$0x15300]  }
0x1da: {  	v3 =	vld [tilespmem:s2+$0x15000]  }
0x1db: {  	v1 =	vld [tilespmem:s2+$0x15280]  }
0x1dc: {  	v4 =	vld [tilespmem:s2+$0x15200]  }
0x1dd: {  	s11 =	simm.s32 $0x18000;
	v6 =	vld [tilespmem:s2+$0x15080]  }
0x1de: {  	s7 =	simm.s32 $0x18200;
	s13 =	simm.s32 $0x10;
	s9 =	simm.s32 $0x18000;
	v5 =	vld [tilespmem:s2+$0x15100]  }
0x1df: {  	s19 =	simm.s32 $0x0;
	s17 =	simm.s32 $0x16000;
	s18 =	simm.s32 $0x18400  }
0x1e0: {  	s1 =	simm.s32 $0x16010;
	s21 =	simm.s32 $0x18410;
	s2 =	simm.s32 $0x18200;
	vm0 =	veq.f32 v7, $0.0e+00  }
.LBB2_14:
0x1e1: {  	v2 =	vsel vm0, v3, v2;
	s20 =	sadd.s32 $0x80, s20;
	s11 =	sadd.s32 $0x10, s11;
	s7 =	sadd.s32 $0x10, s7  }
0x1e2: {  	p0 =	sne.s32 s13, $0x1F0;
	s4 =	smov.u32 s13;
	s13 =	sadd.s32 $0x10, s13;
	v2 =	vadd.f32 $1.000000000e+00, v2;
	v3 =	vsel vm0, v6, v4  }
0x1e3: {  	v3 =	vadd.f32 $1.000000000e+00, v3;
	v1 =	vsel vm0, v5, v1  }
0x1e4: {  	v2 =	vmul.f32 $1.275000000e+02, v2;
	v1 =	vadd.f32 $1.000000000e+00, v1  }
0x1e5: {  	v3 =	vmul.f32 $1.275000000e+02, v3  }
0x1e6: {  	v1 =	vmul.f32 $1.275000000e+02, v1;
	v4 =	vtrunc.f32 v2  }
0x1e7: {  	v4 =	vcvt.f32.s32 v4;
	v5 =	vtrunc.f32 v3  }
0x1e8: {  	v7 =	vsel vm0, $0x0, v0;
	v5 =	vcvt.f32.s32 v5;
	v6 =	vtrunc.f32 v1  }
0x1e9: {  	v6 =	vcvt.f32.s32 v6;
	v8 =	vcvt.s32.f32 v4;
	v9 =	vand.u32 $0x80, v4  }
0x1ea: {  	v11 =	vadd.s32 $0x1, v4;
	v10 =	vcvt.s32.f32 v5;
	v12 =	vadd.s32 $0x1, v5  }
0x1eb: {  	v2 =	vsub.f32 v2, v8;
	v8 =	vand.u32 $0x1FFFFF8, v5;
	v13 =	vand.u32 $0x1FFFFF8, v12  }
0x1ec: {  	s6 =	sand.u32 $0x70, s4;
	s14 =	sand.u32 $0xC00, s20;
	v3 =	vsub.f32 v3, v10;
	v10 =	vand.u32 $0x80, v11;
	v12 =	vadd.s32 v12, v13  }
0x1ed: {  	s6 =	sor.u32 s6, s14;
	[tilespmem:s9+$0x0] =	vst v2;
	v2 =	vmul.u32 $0x7, v10;
	v10 =	vshll.u32 v12, $0x7;
	v12 =	vshll.u32 v6, $0x10;
	s9 =	smov.u32 s11  }
0x1ee: {  	v5 =	vadd.s32 v5, v8;
	[tilespmem:s2+$0x0] =	vst v3;
	v3 =	vcvt.s32.f32 v6;
	v6 =	vadd.s32 v7, v12;
	s2 =	smov.u32 s7  }
0x1ef: {  	v5 =	vshll.u32 v5, $0x7;
	v7 =	vmul.u32 $0x7, v9;
	v2 =	vadd.s32 v11, v2  }
0x1f0: {  	v1 =	vsub.f32 v1, v3;
	v3 =	vadd.s32 v6, v5;
	v5 =	vadd.s32 v6, v10  }
0x1f1: {  	v4 =	vadd.s32 v4, v7;
	v6 =	vadd.s32 $0x10000, v3;
	v7 =	vadd.s32 v2, v3  }
0x1f2: {  	[tilespmem:s18+$0x0] =	vst v1;
	v1 =	vadd.s32 v4, v3;
	v3 =	vadd.s32 v4, v5;
	v8 =	vadd.s32 v2, v6;
	s18 =	smov.u32 s21  }
0x1f3: {  	s14 =	sand.u32 $0x1F0, s19;
	s19 =	smov.u32 s4;
	v9 =	vadd.s32 $0x10000, v5;
	[tilespmem:s17+$0x0] =	vst v1;
	s17 =	smov.u32 s1  }
0x1f4: {  	v1 =	vadd.s32 v4, v9;
	[tilespmem:s14+$0x16200] =	vst v7;
	v7 =	vadd.s32 v2, v9  }
0x1f5: {  	v2 =	vadd.s32 v2, v5;
	[tilespmem:s14+$0x16400] =	vst v3  }
0x1f6: {  	[tilespmem:s14+$0x16600] =	vst v2;
	v2 =	vadd.s32 v4, v6  }
0x1f7: {  	[tilespmem:s14+$0x16800] =	vst v2  }
0x1f8: {  	[tilespmem:s14+$0x16A00] =	vst v8  }
0x1f9: {  	[tilespmem:s14+$0x16C00] =	vst v1  }
0x1fa: {  	[tilespmem:s14+$0x16E00] =	vst v7  }
0x1fb: {  	v2 =	vld [tilespmem:s6+$0x15180]  }
0x1fc: {  	v3 =	vld [tilespmem:s6+$0x15000]  }
0x1fd: {  	v1 =	vld [tilespmem:s6+$0x15280]  }
0x1fe: {  	v7 =	vld [tilespmem:s6+$0x15300]  }
.Ltmp6:
0x1ff: {  	v4 =	vld [tilespmem:s6+$0x15200];
	(pc) =	sbr.rel @p0 .LBB2_14-.Ltmp6, $3  }
0x200: {  	v6 =	vld [tilespmem:s6+$0x15080]  }
0x201: {  	v5 =	vld [tilespmem:s6+$0x15100];
	_ =	sdelay $0x1  }
0x202: {  	s21 =	sadd.s32 $0x10, s21;
	s1 =	sadd.s32 $0x10, s1;
	vm0 =	veq.f32 v7, $0.0e+00  }
0x203: {  	v2 =	vsel vm0, v3, v2  }
0x204: {  	v2 =	vadd.f32 $1.000000000e+00, v2;
	v3 =	vsel vm0, v6, v4  }
0x205: {  	v3 =	vadd.f32 $1.000000000e+00, v3;
	v1 =	vsel vm0, v5, v1  }
0x206: {  	v2 =	vmul.f32 $1.275000000e+02, v2;
	v1 =	vadd.f32 $1.000000000e+00, v1  }
0x207: {  	v3 =	vmul.f32 $1.275000000e+02, v3  }
0x208: {  	v1 =	vmul.f32 $1.275000000e+02, v1;
	v54 =	vtrunc.f32 v2  }
0x209: {  	v4 =	vcvt.f32.s32 v54;
	v55 =	vtrunc.f32 v3  }
0x20a: {  	v5 =	vcvt.f32.s32 v55  }
0x20b: {  	v7 =	vsel vm0, $0x0, v0;
	v56 =	vtrunc.f32 v1;
	v8 =	vcvt.s32.f32 v4  }
0x20c: {  	v6 =	vcvt.f32.s32 v56;
	v9 =	vand.u32 $0x80, v4;
	v11 =	vadd.s32 $0x1, v4  }
0x20d: {  	v10 =	vcvt.s32.f32 v5;
	v12 =	vadd.s32 $0x1, v5;
	v57 =	vand.u32 $0x1FFFFF8, v5  }
0x20e: {  	v58 =	vand.u32 $0x80, v11;
	v9 =	vmul.u32 $0x7, v9;
	v2 =	vsub.f32 v2, v8  }
0x20f: {  	v13 =	vand.u32 $0x1FFFFF8, v12;
	v5 =	vadd.s32 v5, v57;
	v59 =	vcvt.s32.f32 v6  }
0x210: {  	v6 =	vshll.u32 v6, $0x10;
	v3 =	vsub.f32 v3, v10;
	v10 =	vmul.u32 $0x7, v58  }
0x211: {  	v5 =	vshll.u32 v5, $0x7;
	[tilespmem:s9+$0x0] =	vst v2;
	v2 =	vadd.s32 v7, v6;
	v1 =	vsub.f32 v1, v59  }
0x212: {  	v60 =	vadd.s32 v12, v13;
	v4 =	vadd.s32 v4, v9;
	[tilespmem:s2+$0x0] =	vst v3;
	v3 =	vadd.s32 v2, v5  }
0x213: {  	v61 =	vshll.u32 v60, $0x7;
	v62 =	vadd.s32 v11, v10;
	[tilespmem:s18+$0x0] =	vst v1;
	v1 =	vadd.s32 v4, v3  }
0x214: {  	s1 =	sand.u32 $0x1F0, s19;
	v2 =	vadd.s32 v2, v61;
	v63 =	vadd.s32 v62, v3;
	[tilespmem:s17+$0x0] =	vst v1  }
0x215: {  	v1 =	vadd.s32 v4, v2;
	[tilespmem:s1+$0x16200] =	vst v63  }
0x216: {  	v3 =	vadd.s32 $0x10000, v3;
	[tilespmem:s1+$0x16400] =	vst v1;
	v1 =	vadd.s32 v62, v2  }
0x217: {  	[tilespmem:s1+$0x16600] =	vst v1;
	v1 =	vadd.s32 v4, v3  }
0x218: {  	v2 =	vadd.s32 $0x10000, v2;
	v3 =	vadd.s32 v62, v3;
	[tilespmem:s1+$0x16800] =	vst v1  }
0x219: {  	v1 =	vadd.s32 v4, v2;
	[tilespmem:s1+$0x16A00] =	vst v3  }
0x21a: {  	s0 =	simm.s32 $0x16000;
	v2 =	vadd.s32 v62, v2;
	[tilespmem:s1+$0x16C00] =	vst v1  }
0x21b: {  	s31 =	simm.s32 $0x17000;
	s18 =	simm.s32 $0x0;
	s17 =	simm.s32 $0x0;
	[tilespmem:s1+$0x16E00] =	vst v2  }
0x21c: {  	[tilespmem:s31], [sflag:$0x7] =	stream.indirect.gather [hbm4b:s3+s24], $0x1, s0, s24, $0xb8;
	[tilespmem:$0x1C000] =	vst v63  }
.LBB2_16:
0x21d: {  	s0 =	rddreg [dreg:$0xc]  }
0x21e: {  	s20 =	sshll.u32 s18, $0xC;
	s16 =	rddreg [dreg:$0x0]  }
0x21f: {  	s21 =	simm.s32 $0x18800;
	s9 =	simm.s32 $0x1B800;
	s19 =	sadd.s32 s0, s20  }
0x220: {  	s26 =	sand.u32 $0x70, s17;
	s2 =	sand.u32 $0xC00, s17;
	s1 =	sadd.s32 s16, s19  }
0x221: {  	[tilespmem:s21], [sflag:$0x9] =	stream.linear.gather [hbm4b:s1+s17], $0x1000, $0x38;
	[tilespmem:$0x1C000] =	vst v63  }
0x222: {  	s11 =	simm.s32 $0x1BA00;
	s29 =	simm.s32 $0x19800;
	_ =	swait.ge [sflag:s23], $0x1000  }
0x223: {  	s7 =	simm.s32 $0x10;
	s2 =	sor.u32 s26, s2;
	[sflag:s23] =	ssyncset.done $0x0  }
0x224: {  	s13 =	simm.s32 $0x1BC10;
	s16 =	sadd.s32 $0x18800, s2;
	[sflag:s23] =	ssyncadd.s32 $0xFFFFF000  }
0x225: {  	s31 =	simm.s32 $0x1BA00;
	s30 =	simm.s32 $0x0;
	s26 =	simm.s32 $0x19810;
	v1 =	vld [tilespmem:s16+$0x80]  }
0x226: {  	s21 =	simm.s32 $0x1BC00;
	s1 =	simm.s32 $0x0;
	v2 =	vld [tilespmem:s2+$0x18800];
	s2 =	simm.s32 $0x1B800  }
.LBB2_17:
0x227: {  	v3 =	vld [tilespmem:s16+$0x300];
	s1 =	sadd.s32 $0x80, s1;
	s9 =	sadd.s32 $0x10, s9;
	s11 =	sadd.s32 $0x10, s11  }
0x228: {  	p0 =	sne.s32 s7, $0x1F0;
	s6 =	smov.u32 s7;
	s7 =	sadd.s32 $0x10, s7;
	v4 =	vld [tilespmem:s16+$0x100]  }
0x229: {  	v5 =	vld [tilespmem:s16+$0x180]  }
0x22a: {  	v6 =	vld [tilespmem:s16+$0x200]  }
0x22b: {  	v7 =	vld [tilespmem:s16+$0x280];
	_ =	sdelay $0x1  }
0x22c: {  	vm0 =	veq.f32 v3, $0.0e+00  }
0x22d: {  	v2 =	vsel vm0, v2, v5  }
0x22e: {  	v2 =	vadd.f32 $1.000000000e+00, v2;
	v1 =	vsel vm0, v1, v6  }
0x22f: {  	v1 =	vadd.f32 $1.000000000e+00, v1;
	v3 =	vsel vm0, v4, v7  }
0x230: {  	s4 =	sand.u32 $0x70, s6;
	s14 =	sand.u32 $0xC00, s1;
	v2 =	vmul.f32 $1.275000000e+02, v2;
	v3 =	vadd.f32 $1.000000000e+00, v3  }
0x231: {  	s14 =	sor.u32 s4, s14;
	v1 =	vmul.f32 $1.275000000e+02, v1  }
0x232: {  	s16 =	sadd.s32 $0x18800, s14;
	v3 =	vmul.f32 $1.275000000e+02, v3;
	v4 =	vtrunc.f32 v2  }
0x233: {  	v4 =	vcvt.f32.s32 v4;
	v5 =	vtrunc.f32 v1  }
0x234: {  	v7 =	vsel vm0, $0x0, v0;
	v5 =	vcvt.f32.s32 v5;
	v6 =	vtrunc.f32 v3  }
0x235: {  	v6 =	vcvt.f32.s32 v6;
	v8 =	vcvt.s32.f32 v4;
	v9 =	vand.u32 $0x80, v4  }
0x236: {  	v10 =	vcvt.s32.f32 v5;
	v9 =	vmul.u32 $0x7, v9;
	v11 =	vand.u32 $0x1FFFFF8, v5  }
0x237: {  	v12 =	vadd.s32 $0x1, v5;
	v2 =	vsub.f32 v2, v8;
	v8 =	vadd.s32 $0x1, v4  }
0x238: {  	v13 =	vand.u32 $0x1FFFFF8, v12;
	v1 =	vsub.f32 v1, v10;
	v10 =	vand.u32 $0x80, v8  }
0x239: {  	[tilespmem:s2+$0x0] =	vst v2;
	v2 =	vmul.u32 $0x7, v10;
	v10 =	vadd.s32 v12, v13;
	v12 =	vshll.u32 v6, $0x10;
	s2 =	smov.u32 s9  }
0x23a: {  	v4 =	vadd.s32 v4, v9;
	[tilespmem:s31+$0x0] =	vst v1;
	v1 =	vcvt.s32.f32 v6;
	v6 =	vshll.u32 v10, $0x7;
	s31 =	smov.u32 s11  }
0x23b: {  	v5 =	vadd.s32 v5, v11;
	v7 =	vadd.s32 v7, v12;
	v2 =	vadd.s32 v8, v2  }
0x23c: {  	v1 =	vsub.f32 v3, v1;
	v3 =	vshll.u32 v5, $0x7;
	v5 =	vadd.s32 v7, v6  }
0x23d: {  	v3 =	vadd.s32 v7, v3;
	v6 =	vadd.s32 $0x10000, v5;
	v7 =	vadd.s32 v4, v5  }
0x23e: {  	[tilespmem:s21+$0x0] =	vst v1;
	v1 =	vadd.s32 $0x10000, v3;
	v8 =	vadd.s32 v4, v3;
	v9 =	vadd.s32 v4, v6;
	s21 =	smov.u32 s13  }
0x23f: {  	s4 =	sand.u32 $0x1F0, s30;
	s30 =	smov.u32 s6;
	v3 =	vadd.s32 v2, v3;
	v6 =	vadd.s32 v2, v6;
	[tilespmem:s29+$0x0] =	vst v8;
	v4 =	vadd.s32 v4, v1;
	s29 =	smov.u32 s26  }
0x240: {  	v1 =	vadd.s32 v2, v1;
	[tilespmem:s4+$0x19A00] =	vst v3;
	v3 =	vadd.s32 v2, v5  }
0x241: {  	[tilespmem:s4+$0x19C00] =	vst v7  }
0x242: {  	[tilespmem:s4+$0x19E00] =	vst v3  }
0x243: {  	[tilespmem:s4+$0x1A000] =	vst v4  }
.Ltmp7:
0x244: {  	[tilespmem:s4+$0x1A200] =	vst v1;
	(pc) =	sbr.rel @p0 .LBB2_17-.Ltmp7, $4  }
0x245: {  	[tilespmem:s4+$0x1A400] =	vst v9  }
0x246: {  	[tilespmem:s4+$0x1A600] =	vst v6  }
0x247: {  	v1 =	vld [tilespmem:s16+$0x80]  }
0x248: {  	s13 =	sadd.s32 $0x10, s13;
	s26 =	sadd.s32 $0x10, s26;
	v2 =	vld [tilespmem:s14+$0x18800]  }
0x249: {  	v3 =	vld [tilespmem:s16+$0x300]  }
0x24a: {  	v4 =	vld [tilespmem:s16+$0x100]  }
0x24b: {  	v5 =	vld [tilespmem:s16+$0x180]  }
0x24c: {  	v6 =	vld [tilespmem:s16+$0x200]  }
0x24d: {  	v7 =	vld [tilespmem:s16+$0x280];
	_ =	sdelay $0x2  }
0x24e: {  	vm0 =	veq.f32 v3, $0.0e+00  }
0x24f: {  	v2 =	vsel vm0, v2, v5  }
0x250: {  	v1 =	vsel vm0, v1, v6;
	v3 =	vsel vm0, v4, v7;
	v2 =	vadd.f32 $1.000000000e+00, v2  }
0x251: {  	v1 =	vadd.f32 $1.000000000e+00, v1;
	v3 =	vadd.f32 $1.000000000e+00, v3  }
0x252: {  	v2 =	vmul.f32 $1.275000000e+02, v2  }
0x253: {  	v1 =	vmul.f32 $1.275000000e+02, v1;
	v3 =	vmul.f32 $1.275000000e+02, v3  }
0x254: {  	v4 =	vtrunc.f32 v2  }
0x255: {  	v5 =	vtrunc.f32 v1;
	v6 =	vtrunc.f32 v3  }
0x256: {  	v4 =	vcvt.f32.s32 v4;
	v5 =	vcvt.f32.s32 v5  }
0x257: {  	v7 =	vsel vm0, $0x0, v0;
	v6 =	vcvt.f32.s32 v6  }
0x258: {  	v8 =	vcvt.s32.f32 v4;
	v9 =	vand.u32 $0x80, v4;
	v10 =	vcvt.s32.f32 v5  }
0x259: {  	v11 =	vand.u32 $0x1FFFFF8, v5;
	v12 =	vadd.s32 $0x1, v5;
	v13 =	vcvt.s32.f32 v6  }
0x25a: {  	v6 =	vshll.u32 v6, $0x10;
	v9 =	vmul.u32 $0x7, v9;
	v5 =	vadd.s32 v5, v11  }
0x25b: {  	v61 =	vand.u32 $0x1FFFFF8, v12;
	v2 =	vsub.f32 v2, v8;
	v8 =	vadd.s32 $0x1, v4  }
0x25c: {  	v1 =	vsub.f32 v1, v10;
	v3 =	vsub.f32 v3, v13;
	v60 =	vand.u32 $0x80, v8  }
0x25d: {  	v5 =	vshll.u32 v5, $0x7;
	v10 =	vmul.u32 $0x7, v60;
	[tilespmem:s2+$0x0] =	vst v2;
	v2 =	vadd.s32 v7, v6  }
0x25e: {  	v6 =	vadd.s32 v12, v61;
	[tilespmem:s31+$0x0] =	vst v1;
	v1 =	vadd.s32 v4, v9;
	v4 =	vadd.s32 v2, v5  }
0x25f: {  	v5 =	vshll.u32 v6, $0x7;
	v6 =	vadd.s32 v8, v10;
	[tilespmem:s21+$0x0] =	vst v3;
	v3 =	vadd.s32 v1, v4  }
0x260: {  	s1 =	sand.u32 $0x1F0, s30;
	v2 =	vadd.s32 v2, v5;
	[tilespmem:s29+$0x0] =	vst v3;
	v3 =	vadd.s32 v6, v4  }
0x261: {  	v5 =	vadd.s32 v1, v2;
	[tilespmem:s1+$0x19A00] =	vst v3  }
0x262: {  	v3 =	vadd.s32 $0x10000, v4;
	v4 =	vadd.s32 v6, v2;
	[tilespmem:s1+$0x19C00] =	vst v5  }
0x263: {  	v5 =	vadd.s32 v1, v3;
	[tilespmem:s1+$0x19E00] =	vst v4  }
0x264: {  	v2 =	vadd.s32 $0x10000, v2;
	v3 =	vadd.s32 v6, v3;
	[tilespmem:s1+$0x1A000] =	vst v5  }
0x265: {  	v1 =	vadd.s32 v1, v2;
	[tilespmem:s1+$0x1A200] =	vst v3  }
0x266: {  	v2 =	vadd.s32 v6, v2;
	[tilespmem:s1+$0x1A400] =	vst v1  }
0x267: {  	s0 =	simm.s32 $0x19800;
	s26 =	simm.s32 $0x1A800;
	s29 =	simm.s32 $0x1;
	[tilespmem:s1+$0x1A600] =	vst v2  }
0x268: {  	[tilespmem:s26], [sflag:$0x8] =	stream.indirect.gather [hbm4b:s3+s24], $0x1, s0, s24, $0xb8;
	[tilespmem:$0x1C000] =	vst v63  }
0x269: {  	_ =	swait.ge [sflag:s29], $0x1000  }
0x26a: {  	[sflag:s29] =	ssyncset.done $0x0  }
0x26b: {  	s30 =	simm.s32 $0x0;
	s31 =	simm.s32 $0x2000;
	[sflag:s29] =	ssyncadd.s32 $0xFFFFF000  }
0x26c: {  	s1 =	sand.u32 $0x1F0, s30;
	v1 =	vld [tilespmem:s31+$0x0]  }
0x26d: {  	v2 =	vld [tilespmem:s1+$0x2200]  }
0x26e: {  	v3 =	vld [tilespmem:s1+$0x2400]  }
0x26f: {  	v4 =	vld [tilespmem:s1+$0x2600]  }
0x270: {  	v5 =	vld [tilespmem:s1+$0x2800]  }
0x271: {  	v6 =	vld [tilespmem:s1+$0x2A00]  }
0x272: {  	v7 =	vld [tilespmem:s1+$0x2C00]  }
0x273: {  	s7 =	simm.s32 $0x3000;
	v8 =	vld [tilespmem:s1+$0x2E00]  }
0x274: {  	v62 =	vld [tilespmem:s7+$0x0];
	_ =	sdelay $0x2  }
0x275: {  	v2 =	vsub.f32 v2, v1;
	v4 =	vsub.f32 v4, v3  }
0x276: {  	v6 =	vsub.f32 v6, v5;
	v8 =	vsub.f32 v8, v7  }
0x277: {  	v2 =	vmul.f32 v2, v62;
	v4 =	vmul.f32 v4, v62  }
0x278: {  	s1 =	simm.s32 $0x3200;
	v6 =	vmul.f32 v6, v62;
	v8 =	vmul.f32 v8, v62  }
0x279: {  	v63 =	vld [tilespmem:s1+$0x0];
	v1 =	vadd.f32 v2, v1;
	v2 =	vadd.f32 v4, v3  }
0x27a: {  	v3 =	vadd.f32 v6, v5;
	v4 =	vadd.f32 v8, v7;
	_ =	sdelay $0x1  }
0x27b: {  	v2 =	vsub.f32 v2, v1;
	v4 =	vsub.f32 v4, v3;
	_ =	sdelay $0x1  }
0x27c: {  	s2 =	simm.s32 $0x3400;
	v2 =	vmul.f32 v2, v63;
	v4 =	vmul.f32 v4, v63  }
0x27d: {  	v5 =	vld [tilespmem:s2+$0x0]  }
0x27e: {  	v1 =	vadd.f32 v2, v1;
	v2 =	vadd.f32 v4, v3;
	_ =	sdelay $0x1  }
0x27f: {  	v2 =	vsub.f32 v2, v1;
	_ =	sdelay $0x1  }
0x280: {  	v2 =	vmul.f32 v2, v5;
	_ =	sdelay $0x1  }
0x281: {  	v1 =	vadd.f32 v2, v1  }
0x282: {  	s9 =	simm.s32 $0x3600  }
0x283: {  	s6 =	simm.s32 $0x10;
	s4 =	simm.s32 $0x2010;
	[tilespmem:s9+$0x0] =	vst v1  }
0x284: {  	s11 =	sand.u32 $0x1F0, s6;
	v1 =	vld [tilespmem:s4+$0x0]  }
0x285: {  	v5 =	vld [tilespmem:s11+$0x2200]  }
0x286: {  	v2 =	vld [tilespmem:s11+$0x2400]  }
0x287: {  	v6 =	vld [tilespmem:s11+$0x2600]  }
0x288: {  	v3 =	vld [tilespmem:s11+$0x2800]  }
0x289: {  	v7 =	vld [tilespmem:s11+$0x2A00]  }
0x28a: {  	s6 =	simm.s32 $0x20;
	v4 =	vld [tilespmem:s11+$0x2C00]  }
.LBB2_19:
0x28b: {  	p0 =	sne.s32 s6, $0x1F0;
	v8 =	vld [tilespmem:s11+$0x2E00];
	s7 =	sadd.s32 $0x10, s7  }
0x28c: {  	v9 =	vld [tilespmem:s7+$0x0];
	_ =	sdelay $0x2  }
0x28d: {  	v5 =	vsub.f32 v5, v1;
	v6 =	vsub.f32 v6, v2  }
0x28e: {  	v7 =	vsub.f32 v7, v3;
	v8 =	vsub.f32 v8, v4  }
0x28f: {  	v5 =	vmul.f32 v5, v9;
	v6 =	vmul.f32 v6, v9  }
0x290: {  	s1 =	sadd.s32 $0x10, s1;
	v7 =	vmul.f32 v7, v9;
	v8 =	vmul.f32 v8, v9  }
0x291: {  	v9 =	vld [tilespmem:s1+$0x0];
	v1 =	vadd.f32 v5, v1;
	v2 =	vadd.f32 v6, v2  }
0x292: {  	v3 =	vadd.f32 v7, v3;
	v4 =	vadd.f32 v8, v4;
	_ =	sdelay $0x1  }
0x293: {  	v2 =	vsub.f32 v2, v1;
	v4 =	vsub.f32 v4, v3;
	_ =	sdelay $0x1  }
0x294: {  	s2 =	sadd.s32 $0x10, s2;
	v2 =	vmul.f32 v2, v9;
	v4 =	vmul.f32 v4, v9  }
0x295: {  	v5 =	vld [tilespmem:s2+$0x0]  }
0x296: {  	v1 =	vadd.f32 v2, v1;
	v2 =	vadd.f32 v4, v3;
	_ =	sdelay $0x1  }
0x297: {  	v2 =	vsub.f32 v2, v1;
	_ =	sdelay $0x1  }
0x298: {  	v2 =	vmul.f32 v2, v5;
	_ =	sdelay $0x1  }
0x299: {  	v1 =	vadd.f32 v2, v1  }
0x29a: {  	s9 =	sadd.s32 $0x10, s9  }
0x29b: {  	s4 =	sadd.s32 $0x10, s4;
	[tilespmem:s9+$0x0] =	vst v1  }
0x29c: {  	s11 =	sand.u32 $0x1F0, s6;
	v1 =	vld [tilespmem:s4+$0x0]  }
0x29d: {  	v5 =	vld [tilespmem:s11+$0x2200]  }
.Ltmp8:
0x29e: {  	v2 =	vld [tilespmem:s11+$0x2400];
	(pc) =	sbr.rel @p0 .LBB2_19-.Ltmp8, $4  }
0x29f: {  	v6 =	vld [tilespmem:s11+$0x2600]  }
0x2a0: {  	v3 =	vld [tilespmem:s11+$0x2800]  }
0x2a1: {  	v7 =	vld [tilespmem:s11+$0x2A00]  }
0x2a2: {  	s6 =	sadd.s32 $0x10, s6;
	v4 =	vld [tilespmem:s11+$0x2C00]  }
0x2a3: {  	v8 =	vld [tilespmem:s11+$0x2E00];
	s4 =	sadd.s32 $0x10, s7  }
0x2a4: {  	v9 =	vld [tilespmem:s4+$0x0];
	_ =	sdelay $0x2  }
0x2a5: {  	v5 =	vsub.f32 v5, v1;
	v6 =	vsub.f32 v6, v2  }
0x2a6: {  	v7 =	vsub.f32 v7, v3;
	v8 =	vsub.f32 v8, v4  }
0x2a7: {  	v5 =	vmul.f32 v5, v9;
	v6 =	vmul.f32 v6, v9  }
0x2a8: {  	s1 =	sadd.s32 $0x10, s1;
	v7 =	vmul.f32 v7, v9;
	v8 =	vmul.f32 v8, v9  }
0x2a9: {  	v61 =	vld [tilespmem:s1+$0x0];
	v1 =	vadd.f32 v5, v1;
	v2 =	vadd.f32 v6, v2  }
0x2aa: {  	v3 =	vadd.f32 v7, v3;
	v62 =	vadd.f32 v8, v4;
	_ =	sdelay $0x1  }
0x2ab: {  	v2 =	vsub.f32 v2, v1;
	v4 =	vsub.f32 v62, v3;
	_ =	sdelay $0x1  }
0x2ac: {  	s21 =	sadd.s32 $0x10, s2;
	v2 =	vmul.f32 v2, v61;
	v4 =	vmul.f32 v4, v61  }
0x2ad: {  	v63 =	vld [tilespmem:s21+$0x0]  }
0x2ae: {  	v1 =	vadd.f32 v2, v1;
	v2 =	vadd.f32 v4, v3;
	_ =	sdelay $0x1  }
0x2af: {  	v2 =	vsub.f32 v2, v1;
	_ =	sdelay $0x1  }
0x2b0: {  	v2 =	vmul.f32 v2, v63  }
0x2b1: {  	s0 =	rddreg [dreg:$0x4]  }
0x2b2: {  	s29 =	sadd.s32 $0x10, s9;
	s26 =	sor.u32 s0, s20;
	v1 =	vadd.f32 v2, v1  }
0x2b3: {  	s30 =	rddreg [dreg:$0x2];
	p0 =	seq.s32 s18, $0x7;
	s21 =	sshrl.u32 s26, $0x3  }
.Ltmp9:
0x2b4: {  	s31 =	simm.s32 $0x3600;
	s1 =	sadd.s32 s30, s21;
	[tilespmem:s29+$0x0] =	vst v1;
	(pc) =	sbr.rel @p0 .LBB2_24-.Ltmp9, $4  }
0x2b5: {  	[hbm4b:s1+s5] =	stream.linear.scatter [tilespmem:s31], [sflag:$0x9], $0x200, $0x38;
	[tilespmem:$0x1C000] =	vst v63  }
0x2b6: {  	_ =	swait.ge [sflag:s23], $0x200  }
0x2b7: {  	[sflag:s23] =	ssyncset.done $0x0  }
0x2b8: {  	[sflag:s23] =	ssyncadd.s32 $0xFFFFFE00  }
0x2b9: {  	s0 =	rddreg [dreg:$0xd]  }
0x2ba: {  	s11 =	simm.s32 $0x0;
	s1 =	sadd.s32 s20, s0  }
0x2bb: {  	[tilespmem:s11], [sflag:$0x9] =	stream.linear.gather [hbm4b:s1+s11], $0x1000, $0x38;
	[tilespmem:$0x1C000] =	vst v63  }
0x2bc: {  	_ =	swait.ge [sflag:s23], $0x1000  }
0x2bd: {  	s26 =	sand.u32 $0x70, s11;
	s2 =	sand.u32 $0xC00, s11;
	[sflag:s23] =	ssyncset.done $0x0  }
0x2be: {  	s2 =	sor.u32 s26, s2;
	[sflag:s23] =	ssyncadd.s32 $0xFFFFF000  }
0x2bf: {  	v2 =	vld [tilespmem:s2+$0x180]  }
0x2c0: {  	v7 =	vld [tilespmem:s2+$0x300]  }
0x2c1: {  	v3 =	vld [tilespmem:s2+$0x0]  }
0x2c2: {  	v1 =	vld [tilespmem:s2+$0x280]  }
0x2c3: {  	v4 =	vld [tilespmem:s2+$0x200]  }
0x2c4: {  	s13 =	simm.s32 $0x3000;
	v6 =	vld [tilespmem:s2+$0x80]  }
0x2c5: {  	s7 =	simm.s32 $0x3200;
	s30 =	simm.s32 $0x3400;
	s29 =	simm.s32 $0x1000;
	v5 =	vld [tilespmem:s2+$0x100]  }
0x2c6: {  	s16 =	simm.s32 $0x1010;
	s9 =	simm.s32 $0x3000;
	s31 =	simm.s32 $0x0  }
0x2c7: {  	s26 =	simm.s32 $0x10;
	s1 =	simm.s32 $0x3410;
	s2 =	simm.s32 $0x3200;
	vm0 =	veq.f32 v7, $0.0e+00  }
.LBB2_22:
0x2c8: {  	v2 =	vsel vm0, v3, v2;
	s11 =	sadd.s32 $0x80, s11;
	s13 =	sadd.s32 $0x10, s13;
	s7 =	sadd.s32 $0x10, s7  }
0x2c9: {  	p1 =	sne.s32 s26, $0x1F0;
	s4 =	smov.u32 s26;
	s26 =	sadd.s32 $0x10, s26;
	v2 =	vadd.f32 $1.000000000e+00, v2;
	v3 =	vsel vm0, v6, v4  }
0x2ca: {  	v3 =	vadd.f32 $1.000000000e+00, v3;
	v1 =	vsel vm0, v5, v1  }
0x2cb: {  	v2 =	vmul.f32 $1.275000000e+02, v2;
	v1 =	vadd.f32 $1.000000000e+00, v1  }
0x2cc: {  	v3 =	vmul.f32 $1.275000000e+02, v3  }
0x2cd: {  	v1 =	vmul.f32 $1.275000000e+02, v1;
	v4 =	vtrunc.f32 v2  }
0x2ce: {  	v4 =	vcvt.f32.s32 v4;
	v5 =	vtrunc.f32 v3  }
0x2cf: {  	v7 =	vsel vm0, $0x0, v0;
	v5 =	vcvt.f32.s32 v5;
	v6 =	vtrunc.f32 v1  }
0x2d0: {  	v6 =	vcvt.f32.s32 v6;
	v8 =	vcvt.s32.f32 v4;
	v9 =	vand.u32 $0x80, v4  }
0x2d1: {  	v11 =	vadd.s32 $0x1, v4;
	v10 =	vcvt.s32.f32 v5;
	v12 =	vadd.s32 $0x1, v5  }
0x2d2: {  	v2 =	vsub.f32 v2, v8;
	v8 =	vand.u32 $0x1FFFFF8, v5;
	v13 =	vand.u32 $0x1FFFFF8, v12  }
0x2d3: {  	s6 =	sand.u32 $0x70, s4;
	s14 =	sand.u32 $0xC00, s11;
	v3 =	vsub.f32 v3, v10;
	v10 =	vand.u32 $0x80, v11;
	v12 =	vadd.s32 v12, v13  }
0x2d4: {  	s6 =	sor.u32 s6, s14;
	[tilespmem:s9+$0x0] =	vst v2;
	v2 =	vmul.u32 $0x7, v10;
	v10 =	vshll.u32 v12, $0x7;
	v12 =	vshll.u32 v6, $0x10;
	s9 =	smov.u32 s13  }
0x2d5: {  	v5 =	vadd.s32 v5, v8;
	[tilespmem:s2+$0x0] =	vst v3;
	v3 =	vcvt.s32.f32 v6;
	v6 =	vadd.s32 v7, v12;
	s2 =	smov.u32 s7  }
0x2d6: {  	v5 =	vshll.u32 v5, $0x7;
	v7 =	vmul.u32 $0x7, v9;
	v2 =	vadd.s32 v11, v2  }
0x2d7: {  	v1 =	vsub.f32 v1, v3;
	v3 =	vadd.s32 v6, v5;
	v5 =	vadd.s32 v6, v10  }
0x2d8: {  	v4 =	vadd.s32 v4, v7;
	v6 =	vadd.s32 $0x10000, v3;
	v7 =	vadd.s32 v2, v3  }
0x2d9: {  	[tilespmem:s30+$0x0] =	vst v1;
	v1 =	vadd.s32 v4, v3;
	v3 =	vadd.s32 v4, v5;
	v8 =	vadd.s32 v2, v6;
	s30 =	smov.u32 s1  }
0x2da: {  	s14 =	sand.u32 $0x1F0, s31;
	s31 =	smov.u32 s4;
	v9 =	vadd.s32 $0x10000, v5;
	[tilespmem:s29+$0x0] =	vst v1;
	s29 =	smov.u32 s16  }
0x2db: {  	v1 =	vadd.s32 v4, v9;
	[tilespmem:s14+$0x1200] =	vst v7;
	v7 =	vadd.s32 v2, v9  }
0x2dc: {  	v2 =	vadd.s32 v2, v5;
	[tilespmem:s14+$0x1400] =	vst v3  }
0x2dd: {  	[tilespmem:s14+$0x1600] =	vst v2;
	v2 =	vadd.s32 v4, v6  }
0x2de: {  	[tilespmem:s14+$0x1800] =	vst v2  }
0x2df: {  	[tilespmem:s14+$0x1A00] =	vst v8  }
0x2e0: {  	[tilespmem:s14+$0x1C00] =	vst v1  }
0x2e1: {  	[tilespmem:s14+$0x1E00] =	vst v7  }
0x2e2: {  	v2 =	vld [tilespmem:s6+$0x180]  }
0x2e3: {  	v3 =	vld [tilespmem:s6+$0x0]  }
0x2e4: {  	v1 =	vld [tilespmem:s6+$0x280]  }
0x2e5: {  	v7 =	vld [tilespmem:s6+$0x300]  }
.Ltmp10:
0x2e6: {  	v4 =	vld [tilespmem:s6+$0x200];
	(pc) =	sbr.rel @p1 .LBB2_22-.Ltmp10, $3  }
0x2e7: {  	v6 =	vld [tilespmem:s6+$0x80]  }
0x2e8: {  	v5 =	vld [tilespmem:s6+$0x100];
	_ =	sdelay $0x1  }
0x2e9: {  	s1 =	sadd.s32 $0x10, s1;
	s16 =	sadd.s32 $0x10, s16;
	vm0 =	veq.f32 v7, $0.0e+00  }
0x2ea: {  	v2 =	vsel vm0, v3, v2  }
0x2eb: {  	v2 =	vadd.f32 $1.000000000e+00, v2;
	v3 =	vsel vm0, v6, v4  }
0x2ec: {  	v3 =	vadd.f32 $1.000000000e+00, v3;
	v1 =	vsel vm0, v5, v1  }
0x2ed: {  	v2 =	vmul.f32 $1.275000000e+02, v2;
	v1 =	vadd.f32 $1.000000000e+00, v1  }
0x2ee: {  	v3 =	vmul.f32 $1.275000000e+02, v3  }
0x2ef: {  	v1 =	vmul.f32 $1.275000000e+02, v1;
	v54 =	vtrunc.f32 v2  }
0x2f0: {  	v4 =	vcvt.f32.s32 v54;
	v55 =	vtrunc.f32 v3  }
0x2f1: {  	v5 =	vcvt.f32.s32 v55  }
0x2f2: {  	v7 =	vsel vm0, $0x0, v0;
	v56 =	vtrunc.f32 v1;
	v8 =	vcvt.s32.f32 v4  }
0x2f3: {  	v6 =	vcvt.f32.s32 v56;
	v9 =	vand.u32 $0x80, v4;
	v11 =	vadd.s32 $0x1, v4  }
0x2f4: {  	v10 =	vcvt.s32.f32 v5;
	v12 =	vadd.s32 $0x1, v5;
	v57 =	vand.u32 $0x1FFFFF8, v5  }
0x2f5: {  	v58 =	vand.u32 $0x80, v11;
	v9 =	vmul.u32 $0x7, v9;
	v2 =	vsub.f32 v2, v8  }
0x2f6: {  	v13 =	vand.u32 $0x1FFFFF8, v12;
	v5 =	vadd.s32 v5, v57;
	v59 =	vcvt.s32.f32 v6  }
0x2f7: {  	v6 =	vshll.u32 v6, $0x10;
	v3 =	vsub.f32 v3, v10;
	v10 =	vmul.u32 $0x7, v58  }
0x2f8: {  	v5 =	vshll.u32 v5, $0x7;
	[tilespmem:s9+$0x0] =	vst v2;
	v2 =	vadd.s32 v7, v6;
	v1 =	vsub.f32 v1, v59  }
0x2f9: {  	v60 =	vadd.s32 v12, v13;
	v4 =	vadd.s32 v4, v9;
	[tilespmem:s2+$0x0] =	vst v3;
	v3 =	vadd.s32 v2, v5  }
0x2fa: {  	v61 =	vshll.u32 v60, $0x7;
	v62 =	vadd.s32 v11, v10;
	[tilespmem:s30+$0x0] =	vst v1;
	v1 =	vadd.s32 v4, v3  }
0x2fb: {  	s1 =	sand.u32 $0x1F0, s31;
	v2 =	vadd.s32 v2, v61;
	v63 =	vadd.s32 v62, v3;
	[tilespmem:s29+$0x0] =	vst v1  }
0x2fc: {  	v1 =	vadd.s32 v4, v2;
	[tilespmem:s1+$0x1200] =	vst v63  }
0x2fd: {  	v3 =	vadd.s32 $0x10000, v3;
	[tilespmem:s1+$0x1400] =	vst v1;
	v1 =	vadd.s32 v62, v2  }
0x2fe: {  	[tilespmem:s1+$0x1600] =	vst v1;
	v1 =	vadd.s32 v4, v3  }
0x2ff: {  	v2 =	vadd.s32 $0x10000, v2;
	v3 =	vadd.s32 v62, v3;
	[tilespmem:s1+$0x1800] =	vst v1  }
0x300: {  	v1 =	vadd.s32 v4, v2;
	[tilespmem:s1+$0x1A00] =	vst v3  }
0x301: {  	v2 =	vadd.s32 v62, v2;
	[tilespmem:s1+$0x1C00] =	vst v1  }
0x302: {  	s0 =	simm.s32 $0x2000;
	[tilespmem:s1+$0x1E00] =	vst v2  }
0x303: {  	[tilespmem:s0], [sflag:$0x1] =	stream.indirect.gather [hbm4b:s3+s24], $0x1, s24, s24, $0xb8;
	[tilespmem:$0x1C000] =	vst v63  }
.LBB2_24:
0x304: {  	_ =	swait.ge [sflag:s8], $0x1000  }
0x305: {  	[sflag:s8] =	ssyncset.done $0x0  }
0x306: {  	s1 =	simm.s32 $0x0;
	s2 =	simm.s32 $0x5800;
	[sflag:s8] =	ssyncadd.s32 $0xFFFFF000  }
0x307: {  	s1 =	sand.u32 $0x1F0, s1;
	v1 =	vld [tilespmem:s2+$0x0]  }
0x308: {  	v2 =	vld [tilespmem:s1+$0x5A00]  }
0x309: {  	v3 =	vld [tilespmem:s1+$0x5C00]  }
0x30a: {  	v4 =	vld [tilespmem:s1+$0x5E00]  }
0x30b: {  	v5 =	vld [tilespmem:s1+$0x6000]  }
0x30c: {  	v6 =	vld [tilespmem:s1+$0x6200]  }
0x30d: {  	v7 =	vld [tilespmem:s1+$0x6400]  }
0x30e: {  	s7 =	simm.s32 $0x6800;
	v8 =	vld [tilespmem:s1+$0x6600]  }
0x30f: {  	v9 =	vld [tilespmem:s7+$0x0];
	_ =	sdelay $0x2  }
0x310: {  	v2 =	vsub.f32 v2, v1;
	v4 =	vsub.f32 v4, v3  }
0x311: {  	v6 =	vsub.f32 v6, v5;
	v8 =	vsub.f32 v8, v7  }
0x312: {  	v2 =	vmul.f32 v2, v9;
	v4 =	vmul.f32 v4, v9  }
0x313: {  	s1 =	simm.s32 $0x6A00;
	v6 =	vmul.f32 v6, v9;
	v8 =	vmul.f32 v8, v9  }
0x314: {  	v63 =	vld [tilespmem:s1+$0x0];
	v1 =	vadd.f32 v2, v1;
	v2 =	vadd.f32 v4, v3  }
0x315: {  	v3 =	vadd.f32 v6, v5;
	v4 =	vadd.f32 v8, v7;
	_ =	sdelay $0x1  }
0x316: {  	v2 =	vsub.f32 v2, v1;
	v4 =	vsub.f32 v4, v3;
	_ =	sdelay $0x1  }
0x317: {  	s2 =	simm.s32 $0x6C00;
	v2 =	vmul.f32 v2, v63;
	v4 =	vmul.f32 v4, v63  }
0x318: {  	v5 =	vld [tilespmem:s2+$0x0]  }
0x319: {  	v1 =	vadd.f32 v2, v1;
	v2 =	vadd.f32 v4, v3;
	_ =	sdelay $0x1  }
0x31a: {  	v2 =	vsub.f32 v2, v1;
	_ =	sdelay $0x1  }
0x31b: {  	v2 =	vmul.f32 v2, v5;
	_ =	sdelay $0x1  }
0x31c: {  	v1 =	vadd.f32 v2, v1  }
0x31d: {  	s6 =	simm.s32 $0x6E00  }
0x31e: {  	s9 =	simm.s32 $0x10;
	s4 =	simm.s32 $0x5810;
	[tilespmem:s6+$0x0] =	vst v1  }
0x31f: {  	s11 =	sand.u32 $0x1F0, s9;
	v1 =	vld [tilespmem:s4+$0x0]  }
0x320: {  	v5 =	vld [tilespmem:s11+$0x5A00]  }
0x321: {  	v2 =	vld [tilespmem:s11+$0x5C00]  }
0x322: {  	v6 =	vld [tilespmem:s11+$0x5E00]  }
0x323: {  	v3 =	vld [tilespmem:s11+$0x6000]  }
0x324: {  	v7 =	vld [tilespmem:s11+$0x6200]  }
0x325: {  	s9 =	simm.s32 $0x20;
	v4 =	vld [tilespmem:s11+$0x6400]  }
.LBB2_25:
0x326: {  	p1 =	sne.s32 s9, $0x1F0;
	v8 =	vld [tilespmem:s11+$0x6600];
	s7 =	sadd.s32 $0x10, s7  }
0x327: {  	v9 =	vld [tilespmem:s7+$0x0];
	_ =	sdelay $0x2  }
0x328: {  	v5 =	vsub.f32 v5, v1;
	v6 =	vsub.f32 v6, v2  }
0x329: {  	v7 =	vsub.f32 v7, v3;
	v8 =	vsub.f32 v8, v4  }
0x32a: {  	v5 =	vmul.f32 v5, v9;
	v6 =	vmul.f32 v6, v9  }
0x32b: {  	s1 =	sadd.s32 $0x10, s1;
	v7 =	vmul.f32 v7, v9;
	v8 =	vmul.f32 v8, v9  }
0x32c: {  	v9 =	vld [tilespmem:s1+$0x0];
	v1 =	vadd.f32 v5, v1;
	v2 =	vadd.f32 v6, v2  }
0x32d: {  	v3 =	vadd.f32 v7, v3;
	v4 =	vadd.f32 v8, v4;
	_ =	sdelay $0x1  }
0x32e: {  	v2 =	vsub.f32 v2, v1;
	v4 =	vsub.f32 v4, v3;
	_ =	sdelay $0x1  }
0x32f: {  	s2 =	sadd.s32 $0x10, s2;
	v2 =	vmul.f32 v2, v9;
	v4 =	vmul.f32 v4, v9  }
0x330: {  	v5 =	vld [tilespmem:s2+$0x0]  }
0x331: {  	v1 =	vadd.f32 v2, v1;
	v2 =	vadd.f32 v4, v3;
	_ =	sdelay $0x1  }
0x332: {  	v2 =	vsub.f32 v2, v1;
	_ =	sdelay $0x1  }
0x333: {  	v2 =	vmul.f32 v2, v5;
	_ =	sdelay $0x1  }
0x334: {  	v1 =	vadd.f32 v2, v1  }
0x335: {  	s6 =	sadd.s32 $0x10, s6  }
0x336: {  	s4 =	sadd.s32 $0x10, s4;
	[tilespmem:s6+$0x0] =	vst v1  }
0x337: {  	s11 =	sand.u32 $0x1F0, s9;
	v1 =	vld [tilespmem:s4+$0x0]  }
0x338: {  	v5 =	vld [tilespmem:s11+$0x5A00]  }
.Ltmp11:
0x339: {  	v2 =	vld [tilespmem:s11+$0x5C00];
	(pc) =	sbr.rel @p1 .LBB2_25-.Ltmp11, $4  }
0x33a: {  	v6 =	vld [tilespmem:s11+$0x5E00]  }
0x33b: {  	v3 =	vld [tilespmem:s11+$0x6000]  }
0x33c: {  	v7 =	vld [tilespmem:s11+$0x6200]  }
0x33d: {  	s9 =	sadd.s32 $0x10, s9;
	v4 =	vld [tilespmem:s11+$0x6400]  }
0x33e: {  	v8 =	vld [tilespmem:s11+$0x6600];
	s4 =	sadd.s32 $0x10, s7  }
0x33f: {  	v9 =	vld [tilespmem:s4+$0x0];
	_ =	sdelay $0x2  }
0x340: {  	v5 =	vsub.f32 v5, v1;
	v6 =	vsub.f32 v6, v2  }
0x341: {  	v7 =	vsub.f32 v7, v3;
	v8 =	vsub.f32 v8, v4  }
0x342: {  	v5 =	vmul.f32 v5, v9;
	v6 =	vmul.f32 v6, v9  }
0x343: {  	s1 =	sadd.s32 $0x10, s1;
	v7 =	vmul.f32 v7, v9;
	v8 =	vmul.f32 v8, v9  }
0x344: {  	v61 =	vld [tilespmem:s1+$0x0];
	v1 =	vadd.f32 v5, v1;
	v2 =	vadd.f32 v6, v2  }
0x345: {  	v3 =	vadd.f32 v7, v3;
	v62 =	vadd.f32 v8, v4;
	_ =	sdelay $0x1  }
0x346: {  	v2 =	vsub.f32 v2, v1;
	v4 =	vsub.f32 v62, v3;
	_ =	sdelay $0x1  }
0x347: {  	s26 =	sadd.s32 $0x10, s2;
	v2 =	vmul.f32 v2, v61;
	v4 =	vmul.f32 v4, v61  }
0x348: {  	v63 =	vld [tilespmem:s26+$0x0]  }
0x349: {  	v1 =	vadd.f32 v2, v1;
	v2 =	vadd.f32 v4, v3;
	_ =	sdelay $0x1  }
0x34a: {  	v2 =	vsub.f32 v2, v1;
	_ =	sdelay $0x1  }
0x34b: {  	v2 =	vmul.f32 v2, v63;
	_ =	sdelay $0x1  }
0x34c: {  	s0 =	rddreg [dreg:$0x2];
	v1 =	vadd.f32 v2, v1  }
0x34d: {  	s29 =	sadd.s32 $0x10, s6;
	s21 =	sadd.s32 s21, s0  }
.Ltmp12:
0x34e: {  	s31 =	simm.s32 $0x6E00;
	s30 =	sadd.s32 $0x40, s21;
	[tilespmem:s29+$0x0] =	vst v1;
	(pc) =	sbr.rel @p0 .LBB2_30-.Ltmp12, $4  }
0x34f: {  	[hbm4b:s30+s5] =	stream.linear.scatter [tilespmem:s31], [sflag:$0x9], $0x200, $0x38;
	[tilespmem:$0x1C000] =	vst v63  }
0x350: {  	_ =	swait.ge [sflag:s23], $0x200  }
0x351: {  	[sflag:s23] =	ssyncset.done $0x0  }
0x352: {  	[sflag:s23] =	ssyncadd.s32 $0xFFFFFE00  }
0x353: {  	s0 =	rddreg [dreg:$0xe]  }
0x354: {  	s11 =	simm.s32 $0x0;
	s16 =	simm.s32 $0x3800;
	s1 =	sadd.s32 s20, s0  }
0x355: {  	[tilespmem:s16], [sflag:$0x9] =	stream.linear.gather [hbm4b:s1+s11], $0x1000, $0x38;
	[tilespmem:$0x1C000] =	vst v63  }
0x356: {  	_ =	swait.ge [sflag:s23], $0x1000  }
0x357: {  	s26 =	sand.u32 $0x70, s11;
	s2 =	sand.u32 $0xC00, s11;
	[sflag:s23] =	ssyncset.done $0x0  }
0x358: {  	s2 =	sor.u32 s26, s2;
	[sflag:s23] =	ssyncadd.s32 $0xFFFFF000  }
0x359: {  	v2 =	vld [tilespmem:s2+$0x3980]  }
0x35a: {  	v7 =	vld [tilespmem:s2+$0x3B00]  }
0x35b: {  	v3 =	vld [tilespmem:s2+$0x3800]  }
0x35c: {  	v1 =	vld [tilespmem:s2+$0x3A80]  }
0x35d: {  	v4 =	vld [tilespmem:s2+$0x3A00]  }
0x35e: {  	s13 =	simm.s32 $0x6800;
	v6 =	vld [tilespmem:s2+$0x3880]  }
0x35f: {  	s7 =	simm.s32 $0x6A00;
	s30 =	simm.s32 $0x6C00;
	s29 =	simm.s32 $0x4800;
	v5 =	vld [tilespmem:s2+$0x3900]  }
0x360: {  	s9 =	simm.s32 $0x6800;
	s31 =	simm.s32 $0x0;
	s26 =	simm.s32 $0x10  }
0x361: {  	s1 =	simm.s32 $0x6C10;
	s16 =	simm.s32 $0x4810;
	s2 =	simm.s32 $0x6A00;
	vm0 =	veq.f32 v7, $0.0e+00  }
.LBB2_28:
0x362: {  	v2 =	vsel vm0, v3, v2;
	s11 =	sadd.s32 $0x80, s11;
	s13 =	sadd.s32 $0x10, s13;
	s7 =	sadd.s32 $0x10, s7  }
0x363: {  	p1 =	sne.s32 s26, $0x1F0;
	s4 =	smov.u32 s26;
	s26 =	sadd.s32 $0x10, s26;
	v2 =	vadd.f32 $1.000000000e+00, v2;
	v3 =	vsel vm0, v6, v4  }
0x364: {  	v3 =	vadd.f32 $1.000000000e+00, v3;
	v1 =	vsel vm0, v5, v1  }
0x365: {  	v2 =	vmul.f32 $1.275000000e+02, v2;
	v1 =	vadd.f32 $1.000000000e+00, v1  }
0x366: {  	v3 =	vmul.f32 $1.275000000e+02, v3  }
0x367: {  	v1 =	vmul.f32 $1.275000000e+02, v1;
	v4 =	vtrunc.f32 v2  }
0x368: {  	v4 =	vcvt.f32.s32 v4;
	v5 =	vtrunc.f32 v3  }
0x369: {  	v7 =	vsel vm0, $0x0, v0;
	v5 =	vcvt.f32.s32 v5;
	v6 =	vtrunc.f32 v1  }
0x36a: {  	v6 =	vcvt.f32.s32 v6;
	v8 =	vcvt.s32.f32 v4;
	v9 =	vand.u32 $0x80, v4  }
0x36b: {  	v11 =	vadd.s32 $0x1, v4;
	v10 =	vcvt.s32.f32 v5;
	v12 =	vadd.s32 $0x1, v5  }
0x36c: {  	v2 =	vsub.f32 v2, v8;
	v8 =	vand.u32 $0x1FFFFF8, v5;
	v13 =	vand.u32 $0x1FFFFF8, v12  }
0x36d: {  	s6 =	sand.u32 $0x70, s4;
	s14 =	sand.u32 $0xC00, s11;
	v3 =	vsub.f32 v3, v10;
	v10 =	vand.u32 $0x80, v11;
	v12 =	vadd.s32 v12, v13  }
0x36e: {  	s6 =	sor.u32 s6, s14;
	[tilespmem:s9+$0x0] =	vst v2;
	v2 =	vmul.u32 $0x7, v10;
	v10 =	vshll.u32 v12, $0x7;
	v12 =	vshll.u32 v6, $0x10;
	s9 =	smov.u32 s13  }
0x36f: {  	v5 =	vadd.s32 v5, v8;
	[tilespmem:s2+$0x0] =	vst v3;
	v3 =	vcvt.s32.f32 v6;
	v6 =	vadd.s32 v7, v12;
	s2 =	smov.u32 s7  }
0x370: {  	v5 =	vshll.u32 v5, $0x7;
	v7 =	vmul.u32 $0x7, v9;
	v2 =	vadd.s32 v11, v2  }
0x371: {  	v1 =	vsub.f32 v1, v3;
	v3 =	vadd.s32 v6, v5;
	v5 =	vadd.s32 v6, v10  }
0x372: {  	v4 =	vadd.s32 v4, v7;
	v6 =	vadd.s32 $0x10000, v3;
	v7 =	vadd.s32 v2, v3  }
0x373: {  	[tilespmem:s30+$0x0] =	vst v1;
	v1 =	vadd.s32 v4, v3;
	v3 =	vadd.s32 v4, v5;
	v8 =	vadd.s32 v2, v6;
	s30 =	smov.u32 s1  }
0x374: {  	s14 =	sand.u32 $0x1F0, s31;
	s31 =	smov.u32 s4;
	v9 =	vadd.s32 $0x10000, v5;
	[tilespmem:s29+$0x0] =	vst v1;
	s29 =	smov.u32 s16  }
0x375: {  	v1 =	vadd.s32 v4, v9;
	[tilespmem:s14+$0x4A00] =	vst v7;
	v7 =	vadd.s32 v2, v9  }
0x376: {  	v2 =	vadd.s32 v2, v5;
	[tilespmem:s14+$0x4C00] =	vst v3  }
0x377: {  	[tilespmem:s14+$0x4E00] =	vst v2;
	v2 =	vadd.s32 v4, v6  }
0x378: {  	[tilespmem:s14+$0x5000] =	vst v2  }
0x379: {  	[tilespmem:s14+$0x5200] =	vst v8  }
0x37a: {  	[tilespmem:s14+$0x5400] =	vst v1  }
0x37b: {  	[tilespmem:s14+$0x5600] =	vst v7  }
0x37c: {  	v2 =	vld [tilespmem:s6+$0x3980]  }
0x37d: {  	v3 =	vld [tilespmem:s6+$0x3800]  }
0x37e: {  	v1 =	vld [tilespmem:s6+$0x3A80]  }
0x37f: {  	v7 =	vld [tilespmem:s6+$0x3B00]  }
.Ltmp13:
0x380: {  	v4 =	vld [tilespmem:s6+$0x3A00];
	(pc) =	sbr.rel @p1 .LBB2_28-.Ltmp13, $3  }
0x381: {  	v6 =	vld [tilespmem:s6+$0x3880]  }
0x382: {  	v5 =	vld [tilespmem:s6+$0x3900];
	_ =	sdelay $0x1  }
0x383: {  	s1 =	sadd.s32 $0x10, s1;
	s16 =	sadd.s32 $0x10, s16;
	vm0 =	veq.f32 v7, $0.0e+00  }
0x384: {  	v2 =	vsel vm0, v3, v2  }
0x385: {  	v2 =	vadd.f32 $1.000000000e+00, v2;
	v3 =	vsel vm0, v6, v4  }
0x386: {  	v3 =	vadd.f32 $1.000000000e+00, v3;
	v1 =	vsel vm0, v5, v1  }
0x387: {  	v2 =	vmul.f32 $1.275000000e+02, v2;
	v1 =	vadd.f32 $1.000000000e+00, v1  }
0x388: {  	v3 =	vmul.f32 $1.275000000e+02, v3  }
0x389: {  	v1 =	vmul.f32 $1.275000000e+02, v1;
	v54 =	vtrunc.f32 v2  }
0x38a: {  	v4 =	vcvt.f32.s32 v54;
	v55 =	vtrunc.f32 v3  }
0x38b: {  	v5 =	vcvt.f32.s32 v55  }
0x38c: {  	v7 =	vsel vm0, $0x0, v0;
	v56 =	vtrunc.f32 v1;
	v8 =	vcvt.s32.f32 v4  }
0x38d: {  	v6 =	vcvt.f32.s32 v56;
	v9 =	vand.u32 $0x80, v4;
	v11 =	vadd.s32 $0x1, v4  }
0x38e: {  	v10 =	vcvt.s32.f32 v5;
	v12 =	vadd.s32 $0x1, v5;
	v57 =	vand.u32 $0x1FFFFF8, v5  }
0x38f: {  	v58 =	vand.u32 $0x80, v11;
	v9 =	vmul.u32 $0x7, v9;
	v2 =	vsub.f32 v2, v8  }
0x390: {  	v13 =	vand.u32 $0x1FFFFF8, v12;
	v5 =	vadd.s32 v5, v57;
	v59 =	vcvt.s32.f32 v6  }
0x391: {  	v6 =	vshll.u32 v6, $0x10;
	v3 =	vsub.f32 v3, v10;
	v10 =	vmul.u32 $0x7, v58  }
0x392: {  	v5 =	vshll.u32 v5, $0x7;
	[tilespmem:s9+$0x0] =	vst v2;
	v2 =	vadd.s32 v7, v6;
	v1 =	vsub.f32 v1, v59  }
0x393: {  	v60 =	vadd.s32 v12, v13;
	v4 =	vadd.s32 v4, v9;
	[tilespmem:s2+$0x0] =	vst v3;
	v3 =	vadd.s32 v2, v5  }
0x394: {  	v61 =	vshll.u32 v60, $0x7;
	v62 =	vadd.s32 v11, v10;
	[tilespmem:s30+$0x0] =	vst v1;
	v1 =	vadd.s32 v4, v3  }
0x395: {  	s1 =	sand.u32 $0x1F0, s31;
	v2 =	vadd.s32 v2, v61;
	v63 =	vadd.s32 v62, v3;
	[tilespmem:s29+$0x0] =	vst v1  }
0x396: {  	v1 =	vadd.s32 v4, v2;
	[tilespmem:s1+$0x4A00] =	vst v63  }
0x397: {  	v3 =	vadd.s32 $0x10000, v3;
	[tilespmem:s1+$0x4C00] =	vst v1;
	v1 =	vadd.s32 v62, v2  }
0x398: {  	[tilespmem:s1+$0x4E00] =	vst v1;
	v1 =	vadd.s32 v4, v3  }
0x399: {  	v2 =	vadd.s32 $0x10000, v2;
	v3 =	vadd.s32 v62, v3;
	[tilespmem:s1+$0x5000] =	vst v1  }
0x39a: {  	v1 =	vadd.s32 v4, v2;
	[tilespmem:s1+$0x5200] =	vst v3  }
0x39b: {  	v2 =	vadd.s32 v62, v2;
	[tilespmem:s1+$0x5400] =	vst v1  }
0x39c: {  	s0 =	simm.s32 $0x4800;
	s31 =	simm.s32 $0x5800;
	[tilespmem:s1+$0x5600] =	vst v2  }
0x39d: {  	[tilespmem:s31], [sflag:$0x2] =	stream.indirect.gather [hbm4b:s3+s24], $0x1, s0, s24, $0xb8;
	[tilespmem:$0x1C000] =	vst v63  }
.LBB2_30:
0x39e: {  	_ =	swait.ge [sflag:s10], $0x1000  }
0x39f: {  	[sflag:s10] =	ssyncset.done $0x0  }
0x3a0: {  	s1 =	simm.s32 $0x0;
	s2 =	simm.s32 $0x9000;
	[sflag:s10] =	ssyncadd.s32 $0xFFFFF000  }
0x3a1: {  	s1 =	sand.u32 $0x1F0, s1;
	v1 =	vld [tilespmem:s2+$0x0]  }
0x3a2: {  	v2 =	vld [tilespmem:s1+$0x9200]  }
0x3a3: {  	v3 =	vld [tilespmem:s1+$0x9400]  }
0x3a4: {  	v4 =	vld [tilespmem:s1+$0x9600]  }
0x3a5: {  	v5 =	vld [tilespmem:s1+$0x9800]  }
0x3a6: {  	v6 =	vld [tilespmem:s1+$0x9A00]  }
0x3a7: {  	v7 =	vld [tilespmem:s1+$0x9C00]  }
0x3a8: {  	s7 =	simm.s32 $0xA000;
	v8 =	vld [tilespmem:s1+$0x9E00]  }
0x3a9: {  	v9 =	vld [tilespmem:s7+$0x0];
	_ =	sdelay $0x2  }
0x3aa: {  	v2 =	vsub.f32 v2, v1;
	v4 =	vsub.f32 v4, v3  }
0x3ab: {  	v6 =	vsub.f32 v6, v5;
	v8 =	vsub.f32 v8, v7  }
0x3ac: {  	v2 =	vmul.f32 v2, v9;
	v4 =	vmul.f32 v4, v9  }
0x3ad: {  	s1 =	simm.s32 $0xA200;
	v6 =	vmul.f32 v6, v9;
	v8 =	vmul.f32 v8, v9  }
0x3ae: {  	v63 =	vld [tilespmem:s1+$0x0];
	v1 =	vadd.f32 v2, v1;
	v2 =	vadd.f32 v4, v3  }
0x3af: {  	v3 =	vadd.f32 v6, v5;
	v4 =	vadd.f32 v8, v7;
	_ =	sdelay $0x1  }
0x3b0: {  	v2 =	vsub.f32 v2, v1;
	v4 =	vsub.f32 v4, v3;
	_ =	sdelay $0x1  }
0x3b1: {  	s2 =	simm.s32 $0xA400;
	v2 =	vmul.f32 v2, v63;
	v4 =	vmul.f32 v4, v63  }
0x3b2: {  	v5 =	vld [tilespmem:s2+$0x0]  }
0x3b3: {  	v1 =	vadd.f32 v2, v1;
	v2 =	vadd.f32 v4, v3;
	_ =	sdelay $0x1  }
0x3b4: {  	v2 =	vsub.f32 v2, v1;
	_ =	sdelay $0x1  }
0x3b5: {  	v2 =	vmul.f32 v2, v5;
	_ =	sdelay $0x1  }
0x3b6: {  	v1 =	vadd.f32 v2, v1  }
0x3b7: {  	s6 =	simm.s32 $0xA600  }
0x3b8: {  	s9 =	simm.s32 $0x10;
	s4 =	simm.s32 $0x9010;
	[tilespmem:s6+$0x0] =	vst v1  }
0x3b9: {  	s11 =	sand.u32 $0x1F0, s9;
	v1 =	vld [tilespmem:s4+$0x0]  }
0x3ba: {  	v5 =	vld [tilespmem:s11+$0x9200]  }
0x3bb: {  	v2 =	vld [tilespmem:s11+$0x9400]  }
0x3bc: {  	v6 =	vld [tilespmem:s11+$0x9600]  }
0x3bd: {  	v3 =	vld [tilespmem:s11+$0x9800]  }
0x3be: {  	v7 =	vld [tilespmem:s11+$0x9A00]  }
0x3bf: {  	s9 =	simm.s32 $0x20;
	v4 =	vld [tilespmem:s11+$0x9C00]  }
.LBB2_31:
0x3c0: {  	p1 =	sne.s32 s9, $0x1F0;
	v8 =	vld [tilespmem:s11+$0x9E00];
	s7 =	sadd.s32 $0x10, s7  }
0x3c1: {  	v9 =	vld [tilespmem:s7+$0x0];
	_ =	sdelay $0x2  }
0x3c2: {  	v5 =	vsub.f32 v5, v1;
	v6 =	vsub.f32 v6, v2  }
0x3c3: {  	v7 =	vsub.f32 v7, v3;
	v8 =	vsub.f32 v8, v4  }
0x3c4: {  	v5 =	vmul.f32 v5, v9;
	v6 =	vmul.f32 v6, v9  }
0x3c5: {  	s1 =	sadd.s32 $0x10, s1;
	v7 =	vmul.f32 v7, v9;
	v8 =	vmul.f32 v8, v9  }
0x3c6: {  	v9 =	vld [tilespmem:s1+$0x0];
	v1 =	vadd.f32 v5, v1;
	v2 =	vadd.f32 v6, v2  }
0x3c7: {  	v3 =	vadd.f32 v7, v3;
	v4 =	vadd.f32 v8, v4;
	_ =	sdelay $0x1  }
0x3c8: {  	v2 =	vsub.f32 v2, v1;
	v4 =	vsub.f32 v4, v3;
	_ =	sdelay $0x1  }
0x3c9: {  	s2 =	sadd.s32 $0x10, s2;
	v2 =	vmul.f32 v2, v9;
	v4 =	vmul.f32 v4, v9  }
0x3ca: {  	v5 =	vld [tilespmem:s2+$0x0]  }
0x3cb: {  	v1 =	vadd.f32 v2, v1;
	v2 =	vadd.f32 v4, v3;
	_ =	sdelay $0x1  }
0x3cc: {  	v2 =	vsub.f32 v2, v1;
	_ =	sdelay $0x1  }
0x3cd: {  	v2 =	vmul.f32 v2, v5;
	_ =	sdelay $0x1  }
0x3ce: {  	v1 =	vadd.f32 v2, v1  }
0x3cf: {  	s6 =	sadd.s32 $0x10, s6  }
0x3d0: {  	s4 =	sadd.s32 $0x10, s4;
	[tilespmem:s6+$0x0] =	vst v1  }
0x3d1: {  	s11 =	sand.u32 $0x1F0, s9;
	v1 =	vld [tilespmem:s4+$0x0]  }
0x3d2: {  	v5 =	vld [tilespmem:s11+$0x9200]  }
.Ltmp14:
0x3d3: {  	v2 =	vld [tilespmem:s11+$0x9400];
	(pc) =	sbr.rel @p1 .LBB2_31-.Ltmp14, $4  }
0x3d4: {  	v6 =	vld [tilespmem:s11+$0x9600]  }
0x3d5: {  	v3 =	vld [tilespmem:s11+$0x9800]  }
0x3d6: {  	v7 =	vld [tilespmem:s11+$0x9A00]  }
0x3d7: {  	s9 =	sadd.s32 $0x10, s9;
	v4 =	vld [tilespmem:s11+$0x9C00]  }
0x3d8: {  	v8 =	vld [tilespmem:s11+$0x9E00];
	s4 =	sadd.s32 $0x10, s7  }
0x3d9: {  	v9 =	vld [tilespmem:s4+$0x0];
	_ =	sdelay $0x2  }
0x3da: {  	v5 =	vsub.f32 v5, v1;
	v6 =	vsub.f32 v6, v2  }
0x3db: {  	v7 =	vsub.f32 v7, v3;
	v8 =	vsub.f32 v8, v4  }
0x3dc: {  	v5 =	vmul.f32 v5, v9;
	v6 =	vmul.f32 v6, v9  }
0x3dd: {  	s1 =	sadd.s32 $0x10, s1;
	v7 =	vmul.f32 v7, v9;
	v8 =	vmul.f32 v8, v9  }
0x3de: {  	v61 =	vld [tilespmem:s1+$0x0];
	v1 =	vadd.f32 v5, v1;
	v2 =	vadd.f32 v6, v2  }
0x3df: {  	v3 =	vadd.f32 v7, v3;
	v62 =	vadd.f32 v8, v4;
	_ =	sdelay $0x1  }
0x3e0: {  	v2 =	vsub.f32 v2, v1;
	v4 =	vsub.f32 v62, v3;
	_ =	sdelay $0x1  }
0x3e1: {  	s29 =	sadd.s32 $0x10, s2;
	v2 =	vmul.f32 v2, v61;
	v4 =	vmul.f32 v4, v61  }
0x3e2: {  	v63 =	vld [tilespmem:s29+$0x0]  }
0x3e3: {  	v1 =	vadd.f32 v2, v1;
	v2 =	vadd.f32 v4, v3;
	_ =	sdelay $0x1  }
0x3e4: {  	v2 =	vsub.f32 v2, v1;
	_ =	sdelay $0x1  }
0x3e5: {  	v2 =	vmul.f32 v2, v63;
	_ =	sdelay $0x1  }
0x3e6: {  	v1 =	vadd.f32 v2, v1  }
0x3e7: {  	s30 =	sadd.s32 $0x10, s6  }
.Ltmp15:
0x3e8: {  	s31 =	sadd.s32 $0x80, s21;
	s0 =	simm.s32 $0xA600;
	[tilespmem:s30+$0x0] =	vst v1;
	(pc) =	sbr.rel @p0 .LBB2_36-.Ltmp15, $4  }
0x3e9: {  	[hbm4b:s31+s5] =	stream.linear.scatter [tilespmem:s0], [sflag:$0x9], $0x200, $0x38;
	[tilespmem:$0x1C000] =	vst v63  }
0x3ea: {  	_ =	swait.ge [sflag:s23], $0x200  }
0x3eb: {  	[sflag:s23] =	ssyncset.done $0x0  }
0x3ec: {  	[sflag:s23] =	ssyncadd.s32 $0xFFFFFE00  }
0x3ed: {  	s0 =	rddreg [dreg:$0xf]  }
0x3ee: {  	s11 =	simm.s32 $0x0;
	s16 =	simm.s32 $0x7000;
	s1 =	sadd.s32 s20, s0  }
0x3ef: {  	[tilespmem:s16], [sflag:$0x9] =	stream.linear.gather [hbm4b:s1+s11], $0x1000, $0x38;
	[tilespmem:$0x1C000] =	vst v63  }
0x3f0: {  	_ =	swait.ge [sflag:s23], $0x1000  }
0x3f1: {  	s26 =	sand.u32 $0x70, s11;
	s2 =	sand.u32 $0xC00, s11;
	[sflag:s23] =	ssyncset.done $0x0  }
0x3f2: {  	s2 =	sor.u32 s26, s2;
	[sflag:s23] =	ssyncadd.s32 $0xFFFFF000  }
0x3f3: {  	v2 =	vld [tilespmem:s2+$0x7180]  }
0x3f4: {  	v7 =	vld [tilespmem:s2+$0x7300]  }
0x3f5: {  	v3 =	vld [tilespmem:s2+$0x7000]  }
0x3f6: {  	v1 =	vld [tilespmem:s2+$0x7280]  }
0x3f7: {  	v4 =	vld [tilespmem:s2+$0x7200]  }
0x3f8: {  	s13 =	simm.s32 $0xA000;
	v6 =	vld [tilespmem:s2+$0x7080]  }
0x3f9: {  	s7 =	simm.s32 $0xA200;
	s30 =	simm.s32 $0xA400;
	s29 =	simm.s32 $0x8000;
	v5 =	vld [tilespmem:s2+$0x7100]  }
0x3fa: {  	s9 =	simm.s32 $0xA000;
	s31 =	simm.s32 $0x0;
	s26 =	simm.s32 $0x10  }
0x3fb: {  	s1 =	simm.s32 $0xA410;
	s16 =	simm.s32 $0x8010;
	s2 =	simm.s32 $0xA200;
	vm0 =	veq.f32 v7, $0.0e+00  }
.LBB2_34:
0x3fc: {  	v2 =	vsel vm0, v3, v2;
	s11 =	sadd.s32 $0x80, s11;
	s13 =	sadd.s32 $0x10, s13;
	s7 =	sadd.s32 $0x10, s7  }
0x3fd: {  	p1 =	sne.s32 s26, $0x1F0;
	s4 =	smov.u32 s26;
	s26 =	sadd.s32 $0x10, s26;
	v2 =	vadd.f32 $1.000000000e+00, v2;
	v3 =	vsel vm0, v6, v4  }
0x3fe: {  	v3 =	vadd.f32 $1.000000000e+00, v3;
	v1 =	vsel vm0, v5, v1  }
0x3ff: {  	v2 =	vmul.f32 $1.275000000e+02, v2;
	v1 =	vadd.f32 $1.000000000e+00, v1  }
0x400: {  	v3 =	vmul.f32 $1.275000000e+02, v3  }
0x401: {  	v1 =	vmul.f32 $1.275000000e+02, v1;
	v4 =	vtrunc.f32 v2  }
0x402: {  	v4 =	vcvt.f32.s32 v4;
	v5 =	vtrunc.f32 v3  }
0x403: {  	v7 =	vsel vm0, $0x0, v0;
	v5 =	vcvt.f32.s32 v5;
	v6 =	vtrunc.f32 v1  }
0x404: {  	v6 =	vcvt.f32.s32 v6;
	v8 =	vcvt.s32.f32 v4;
	v9 =	vand.u32 $0x80, v4  }
0x405: {  	v11 =	vadd.s32 $0x1, v4;
	v10 =	vcvt.s32.f32 v5;
	v12 =	vadd.s32 $0x1, v5  }
0x406: {  	v2 =	vsub.f32 v2, v8;
	v8 =	vand.u32 $0x1FFFFF8, v5;
	v13 =	vand.u32 $0x1FFFFF8, v12  }
0x407: {  	s6 =	sand.u32 $0x70, s4;
	s14 =	sand.u32 $0xC00, s11;
	v3 =	vsub.f32 v3, v10;
	v10 =	vand.u32 $0x80, v11;
	v12 =	vadd.s32 v12, v13  }
0x408: {  	s6 =	sor.u32 s6, s14;
	[tilespmem:s9+$0x0] =	vst v2;
	v2 =	vmul.u32 $0x7, v10;
	v10 =	vshll.u32 v12, $0x7;
	v12 =	vshll.u32 v6, $0x10;
	s9 =	smov.u32 s13  }
0x409: {  	v5 =	vadd.s32 v5, v8;
	[tilespmem:s2+$0x0] =	vst v3;
	v3 =	vcvt.s32.f32 v6;
	v6 =	vadd.s32 v7, v12;
	s2 =	smov.u32 s7  }
0x40a: {  	v5 =	vshll.u32 v5, $0x7;
	v7 =	vmul.u32 $0x7, v9;
	v2 =	vadd.s32 v11, v2  }
0x40b: {  	v1 =	vsub.f32 v1, v3;
	v3 =	vadd.s32 v6, v5;
	v5 =	vadd.s32 v6, v10  }
0x40c: {  	v4 =	vadd.s32 v4, v7;
	v6 =	vadd.s32 $0x10000, v3;
	v7 =	vadd.s32 v2, v3  }
0x40d: {  	[tilespmem:s30+$0x0] =	vst v1;
	v1 =	vadd.s32 v4, v3;
	v3 =	vadd.s32 v4, v5;
	v8 =	vadd.s32 v2, v6;
	s30 =	smov.u32 s1  }
0x40e: {  	s14 =	sand.u32 $0x1F0, s31;
	s31 =	smov.u32 s4;
	v9 =	vadd.s32 $0x10000, v5;
	[tilespmem:s29+$0x0] =	vst v1;
	s29 =	smov.u32 s16  }
0x40f: {  	v1 =	vadd.s32 v4, v9;
	[tilespmem:s14+$0x8200] =	vst v7;
	v7 =	vadd.s32 v2, v9  }
0x410: {  	v2 =	vadd.s32 v2, v5;
	[tilespmem:s14+$0x8400] =	vst v3  }
0x411: {  	[tilespmem:s14+$0x8600] =	vst v2;
	v2 =	vadd.s32 v4, v6  }
0x412: {  	[tilespmem:s14+$0x8800] =	vst v2  }
0x413: {  	[tilespmem:s14+$0x8A00] =	vst v8  }
0x414: {  	[tilespmem:s14+$0x8C00] =	vst v1  }
0x415: {  	[tilespmem:s14+$0x8E00] =	vst v7  }
0x416: {  	v2 =	vld [tilespmem:s6+$0x7180]  }
0x417: {  	v3 =	vld [tilespmem:s6+$0x7000]  }
0x418: {  	v1 =	vld [tilespmem:s6+$0x7280]  }
0x419: {  	v7 =	vld [tilespmem:s6+$0x7300]  }
.Ltmp16:
0x41a: {  	v4 =	vld [tilespmem:s6+$0x7200];
	(pc) =	sbr.rel @p1 .LBB2_34-.Ltmp16, $3  }
0x41b: {  	v6 =	vld [tilespmem:s6+$0x7080]  }
0x41c: {  	v5 =	vld [tilespmem:s6+$0x7100];
	_ =	sdelay $0x1  }
0x41d: {  	s1 =	sadd.s32 $0x10, s1;
	s16 =	sadd.s32 $0x10, s16;
	vm0 =	veq.f32 v7, $0.0e+00  }
0x41e: {  	v2 =	vsel vm0, v3, v2  }
0x41f: {  	v2 =	vadd.f32 $1.000000000e+00, v2;
	v3 =	vsel vm0, v6, v4  }
0x420: {  	v3 =	vadd.f32 $1.000000000e+00, v3;
	v1 =	vsel vm0, v5, v1  }
0x421: {  	v2 =	vmul.f32 $1.275000000e+02, v2;
	v1 =	vadd.f32 $1.000000000e+00, v1  }
0x422: {  	v3 =	vmul.f32 $1.275000000e+02, v3  }
0x423: {  	v1 =	vmul.f32 $1.275000000e+02, v1;
	v54 =	vtrunc.f32 v2  }
0x424: {  	v4 =	vcvt.f32.s32 v54;
	v55 =	vtrunc.f32 v3  }
0x425: {  	v5 =	vcvt.f32.s32 v55  }
0x426: {  	v7 =	vsel vm0, $0x0, v0;
	v56 =	vtrunc.f32 v1;
	v8 =	vcvt.s32.f32 v4  }
0x427: {  	v6 =	vcvt.f32.s32 v56;
	v9 =	vand.u32 $0x80, v4;
	v11 =	vadd.s32 $0x1, v4  }
0x428: {  	v10 =	vcvt.s32.f32 v5;
	v12 =	vadd.s32 $0x1, v5;
	v57 =	vand.u32 $0x1FFFFF8, v5  }
0x429: {  	v58 =	vand.u32 $0x80, v11;
	v9 =	vmul.u32 $0x7, v9;
	v2 =	vsub.f32 v2, v8  }
0x42a: {  	v13 =	vand.u32 $0x1FFFFF8, v12;
	v5 =	vadd.s32 v5, v57;
	v59 =	vcvt.s32.f32 v6  }
0x42b: {  	v6 =	vshll.u32 v6, $0x10;
	v3 =	vsub.f32 v3, v10;
	v10 =	vmul.u32 $0x7, v58  }
0x42c: {  	v5 =	vshll.u32 v5, $0x7;
	[tilespmem:s9+$0x0] =	vst v2;
	v2 =	vadd.s32 v7, v6;
	v1 =	vsub.f32 v1, v59  }
0x42d: {  	v60 =	vadd.s32 v12, v13;
	v4 =	vadd.s32 v4, v9;
	[tilespmem:s2+$0x0] =	vst v3;
	v3 =	vadd.s32 v2, v5  }
0x42e: {  	v61 =	vshll.u32 v60, $0x7;
	v62 =	vadd.s32 v11, v10;
	[tilespmem:s30+$0x0] =	vst v1;
	v1 =	vadd.s32 v4, v3  }
0x42f: {  	s1 =	sand.u32 $0x1F0, s31;
	v2 =	vadd.s32 v2, v61;
	v63 =	vadd.s32 v62, v3;
	[tilespmem:s29+$0x0] =	vst v1  }
0x430: {  	v1 =	vadd.s32 v4, v2;
	[tilespmem:s1+$0x8200] =	vst v63  }
0x431: {  	v3 =	vadd.s32 $0x10000, v3;
	[tilespmem:s1+$0x8400] =	vst v1;
	v1 =	vadd.s32 v62, v2  }
0x432: {  	[tilespmem:s1+$0x8600] =	vst v1;
	v1 =	vadd.s32 v4, v3  }
0x433: {  	v2 =	vadd.s32 $0x10000, v2;
	v3 =	vadd.s32 v62, v3;
	[tilespmem:s1+$0x8800] =	vst v1  }
0x434: {  	v1 =	vadd.s32 v4, v2;
	[tilespmem:s1+$0x8A00] =	vst v3  }
0x435: {  	v2 =	vadd.s32 v62, v2;
	[tilespmem:s1+$0x8C00] =	vst v1  }
0x436: {  	s0 =	simm.s32 $0x8000;
	s31 =	simm.s32 $0x9000;
	[tilespmem:s1+$0x8E00] =	vst v2  }
0x437: {  	[tilespmem:s31], [sflag:$0x3] =	stream.indirect.gather [hbm4b:s3+s24], $0x1, s0, s24, $0xb8;
	[tilespmem:$0x1C000] =	vst v63  }
.LBB2_36:
0x438: {  	_ =	swait.ge [sflag:s12], $0x1000  }
0x439: {  	[sflag:s12] =	ssyncset.done $0x0  }
0x43a: {  	s1 =	simm.s32 $0x0;
	s2 =	simm.s32 $0xC800;
	[sflag:s12] =	ssyncadd.s32 $0xFFFFF000  }
0x43b: {  	s1 =	sand.u32 $0x1F0, s1;
	v1 =	vld [tilespmem:s2+$0x0]  }
0x43c: {  	v2 =	vld [tilespmem:s1+$0xCA00]  }
0x43d: {  	v3 =	vld [tilespmem:s1+$0xCC00]  }
0x43e: {  	v4 =	vld [tilespmem:s1+$0xCE00]  }
0x43f: {  	v5 =	vld [tilespmem:s1+$0xD000]  }
0x440: {  	v6 =	vld [tilespmem:s1+$0xD200]  }
0x441: {  	v7 =	vld [tilespmem:s1+$0xD400]  }
0x442: {  	s7 =	simm.s32 $0xD800;
	v8 =	vld [tilespmem:s1+$0xD600]  }
0x443: {  	v9 =	vld [tilespmem:s7+$0x0];
	_ =	sdelay $0x2  }
0x444: {  	v2 =	vsub.f32 v2, v1;
	v4 =	vsub.f32 v4, v3  }
0x445: {  	v6 =	vsub.f32 v6, v5;
	v8 =	vsub.f32 v8, v7  }
0x446: {  	v2 =	vmul.f32 v2, v9;
	v4 =	vmul.f32 v4, v9  }
0x447: {  	s1 =	simm.s32 $0xDA00;
	v6 =	vmul.f32 v6, v9;
	v8 =	vmul.f32 v8, v9  }
0x448: {  	v63 =	vld [tilespmem:s1+$0x0];
	v1 =	vadd.f32 v2, v1;
	v2 =	vadd.f32 v4, v3  }
0x449: {  	v3 =	vadd.f32 v6, v5;
	v4 =	vadd.f32 v8, v7;
	_ =	sdelay $0x1  }
0x44a: {  	v2 =	vsub.f32 v2, v1;
	v4 =	vsub.f32 v4, v3;
	_ =	sdelay $0x1  }
0x44b: {  	s2 =	simm.s32 $0xDC00;
	v2 =	vmul.f32 v2, v63;
	v4 =	vmul.f32 v4, v63  }
0x44c: {  	v5 =	vld [tilespmem:s2+$0x0]  }
0x44d: {  	v1 =	vadd.f32 v2, v1;
	v2 =	vadd.f32 v4, v3;
	_ =	sdelay $0x1  }
0x44e: {  	v2 =	vsub.f32 v2, v1;
	_ =	sdelay $0x1  }
0x44f: {  	v2 =	vmul.f32 v2, v5;
	_ =	sdelay $0x1  }
0x450: {  	v1 =	vadd.f32 v2, v1  }
0x451: {  	s6 =	simm.s32 $0xDE00  }
0x452: {  	s9 =	simm.s32 $0x10;
	s4 =	simm.s32 $0xC810;
	[tilespmem:s6+$0x0] =	vst v1  }
0x453: {  	s11 =	sand.u32 $0x1F0, s9;
	v1 =	vld [tilespmem:s4+$0x0]  }
0x454: {  	v5 =	vld [tilespmem:s11+$0xCA00]  }
0x455: {  	v2 =	vld [tilespmem:s11+$0xCC00]  }
0x456: {  	v6 =	vld [tilespmem:s11+$0xCE00]  }
0x457: {  	v3 =	vld [tilespmem:s11+$0xD000]  }
0x458: {  	v7 =	vld [tilespmem:s11+$0xD200]  }
0x459: {  	s9 =	simm.s32 $0x20;
	v4 =	vld [tilespmem:s11+$0xD400]  }
.LBB2_37:
0x45a: {  	p1 =	sne.s32 s9, $0x1F0;
	v8 =	vld [tilespmem:s11+$0xD600];
	s7 =	sadd.s32 $0x10, s7  }
0x45b: {  	v9 =	vld [tilespmem:s7+$0x0];
	_ =	sdelay $0x2  }
0x45c: {  	v5 =	vsub.f32 v5, v1;
	v6 =	vsub.f32 v6, v2  }
0x45d: {  	v7 =	vsub.f32 v7, v3;
	v8 =	vsub.f32 v8, v4  }
0x45e: {  	v5 =	vmul.f32 v5, v9;
	v6 =	vmul.f32 v6, v9  }
0x45f: {  	s1 =	sadd.s32 $0x10, s1;
	v7 =	vmul.f32 v7, v9;
	v8 =	vmul.f32 v8, v9  }
0x460: {  	v9 =	vld [tilespmem:s1+$0x0];
	v1 =	vadd.f32 v5, v1;
	v2 =	vadd.f32 v6, v2  }
0x461: {  	v3 =	vadd.f32 v7, v3;
	v4 =	vadd.f32 v8, v4;
	_ =	sdelay $0x1  }
0x462: {  	v2 =	vsub.f32 v2, v1;
	v4 =	vsub.f32 v4, v3;
	_ =	sdelay $0x1  }
0x463: {  	s2 =	sadd.s32 $0x10, s2;
	v2 =	vmul.f32 v2, v9;
	v4 =	vmul.f32 v4, v9  }
0x464: {  	v5 =	vld [tilespmem:s2+$0x0]  }
0x465: {  	v1 =	vadd.f32 v2, v1;
	v2 =	vadd.f32 v4, v3;
	_ =	sdelay $0x1  }
0x466: {  	v2 =	vsub.f32 v2, v1;
	_ =	sdelay $0x1  }
0x467: {  	v2 =	vmul.f32 v2, v5;
	_ =	sdelay $0x1  }
0x468: {  	v1 =	vadd.f32 v2, v1  }
0x469: {  	s6 =	sadd.s32 $0x10, s6  }
0x46a: {  	s4 =	sadd.s32 $0x10, s4;
	[tilespmem:s6+$0x0] =	vst v1  }
0x46b: {  	s11 =	sand.u32 $0x1F0, s9;
	v1 =	vld [tilespmem:s4+$0x0]  }
0x46c: {  	v5 =	vld [tilespmem:s11+$0xCA00]  }
.Ltmp17:
0x46d: {  	v2 =	vld [tilespmem:s11+$0xCC00];
	(pc) =	sbr.rel @p1 .LBB2_37-.Ltmp17, $4  }
0x46e: {  	v6 =	vld [tilespmem:s11+$0xCE00]  }
0x46f: {  	v3 =	vld [tilespmem:s11+$0xD000]  }
0x470: {  	v7 =	vld [tilespmem:s11+$0xD200]  }
0x471: {  	s9 =	sadd.s32 $0x10, s9;
	v4 =	vld [tilespmem:s11+$0xD400]  }
0x472: {  	v8 =	vld [tilespmem:s11+$0xD600];
	s4 =	sadd.s32 $0x10, s7  }
0x473: {  	v9 =	vld [tilespmem:s4+$0x0];
	_ =	sdelay $0x2  }
0x474: {  	v5 =	vsub.f32 v5, v1;
	v6 =	vsub.f32 v6, v2  }
0x475: {  	v7 =	vsub.f32 v7, v3;
	v8 =	vsub.f32 v8, v4  }
0x476: {  	v5 =	vmul.f32 v5, v9;
	v6 =	vmul.f32 v6, v9  }
0x477: {  	s1 =	sadd.s32 $0x10, s1;
	v7 =	vmul.f32 v7, v9;
	v8 =	vmul.f32 v8, v9  }
0x478: {  	v61 =	vld [tilespmem:s1+$0x0];
	v1 =	vadd.f32 v5, v1;
	v2 =	vadd.f32 v6, v2  }
0x479: {  	v3 =	vadd.f32 v7, v3;
	v62 =	vadd.f32 v8, v4;
	_ =	sdelay $0x1  }
0x47a: {  	v2 =	vsub.f32 v2, v1;
	v4 =	vsub.f32 v62, v3;
	_ =	sdelay $0x1  }
0x47b: {  	s29 =	sadd.s32 $0x10, s2;
	v2 =	vmul.f32 v2, v61;
	v4 =	vmul.f32 v4, v61  }
0x47c: {  	v63 =	vld [tilespmem:s29+$0x0]  }
0x47d: {  	v1 =	vadd.f32 v2, v1;
	v2 =	vadd.f32 v4, v3;
	_ =	sdelay $0x1  }
0x47e: {  	v2 =	vsub.f32 v2, v1;
	_ =	sdelay $0x1  }
0x47f: {  	v2 =	vmul.f32 v2, v63;
	_ =	sdelay $0x1  }
0x480: {  	v1 =	vadd.f32 v2, v1  }
0x481: {  	s30 =	sadd.s32 $0x10, s6  }
.Ltmp18:
0x482: {  	s31 =	sadd.s32 $0xC0, s21;
	s0 =	simm.s32 $0xDE00;
	[tilespmem:s30+$0x0] =	vst v1;
	(pc) =	sbr.rel @p0 .LBB2_42-.Ltmp18, $4  }
0x483: {  	[hbm4b:s31+s5] =	stream.linear.scatter [tilespmem:s0], [sflag:$0x9], $0x200, $0x38;
	[tilespmem:$0x1C000] =	vst v63  }
0x484: {  	_ =	swait.ge [sflag:s23], $0x200  }
0x485: {  	[sflag:s23] =	ssyncset.done $0x0  }
0x486: {  	[sflag:s23] =	ssyncadd.s32 $0xFFFFFE00  }
0x487: {  	s0 =	rddreg [dreg:$0x10]  }
0x488: {  	s11 =	simm.s32 $0x0;
	s16 =	simm.s32 $0xA800;
	s1 =	sadd.s32 s20, s0  }
0x489: {  	[tilespmem:s16], [sflag:$0x9] =	stream.linear.gather [hbm4b:s1+s11], $0x1000, $0x38;
	[tilespmem:$0x1C000] =	vst v63  }
0x48a: {  	_ =	swait.ge [sflag:s23], $0x1000  }
0x48b: {  	s26 =	sand.u32 $0x70, s11;
	s2 =	sand.u32 $0xC00, s11;
	[sflag:s23] =	ssyncset.done $0x0  }
0x48c: {  	s2 =	sor.u32 s26, s2;
	[sflag:s23] =	ssyncadd.s32 $0xFFFFF000  }
0x48d: {  	v2 =	vld [tilespmem:s2+$0xA980]  }
0x48e: {  	v7 =	vld [tilespmem:s2+$0xAB00]  }
0x48f: {  	v3 =	vld [tilespmem:s2+$0xA800]  }
0x490: {  	v1 =	vld [tilespmem:s2+$0xAA80]  }
0x491: {  	v4 =	vld [tilespmem:s2+$0xAA00]  }
0x492: {  	s13 =	simm.s32 $0xD800;
	v6 =	vld [tilespmem:s2+$0xA880]  }
0x493: {  	s7 =	simm.s32 $0xDA00;
	s30 =	simm.s32 $0xDC00;
	s29 =	simm.s32 $0xB800;
	v5 =	vld [tilespmem:s2+$0xA900]  }
0x494: {  	s9 =	simm.s32 $0xD800;
	s31 =	simm.s32 $0x0;
	s26 =	simm.s32 $0x10  }
0x495: {  	s1 =	simm.s32 $0xDC10;
	s16 =	simm.s32 $0xB810;
	s2 =	simm.s32 $0xDA00;
	vm0 =	veq.f32 v7, $0.0e+00  }
.LBB2_40:
0x496: {  	v2 =	vsel vm0, v3, v2;
	s11 =	sadd.s32 $0x80, s11;
	s13 =	sadd.s32 $0x10, s13;
	s7 =	sadd.s32 $0x10, s7  }
0x497: {  	p1 =	sne.s32 s26, $0x1F0;
	s4 =	smov.u32 s26;
	s26 =	sadd.s32 $0x10, s26;
	v2 =	vadd.f32 $1.000000000e+00, v2;
	v3 =	vsel vm0, v6, v4  }
0x498: {  	v3 =	vadd.f32 $1.000000000e+00, v3;
	v1 =	vsel vm0, v5, v1  }
0x499: {  	v2 =	vmul.f32 $1.275000000e+02, v2;
	v1 =	vadd.f32 $1.000000000e+00, v1  }
0x49a: {  	v3 =	vmul.f32 $1.275000000e+02, v3  }
0x49b: {  	v1 =	vmul.f32 $1.275000000e+02, v1;
	v4 =	vtrunc.f32 v2  }
0x49c: {  	v4 =	vcvt.f32.s32 v4;
	v5 =	vtrunc.f32 v3  }
0x49d: {  	v7 =	vsel vm0, $0x0, v0;
	v5 =	vcvt.f32.s32 v5;
	v6 =	vtrunc.f32 v1  }
0x49e: {  	v6 =	vcvt.f32.s32 v6;
	v8 =	vcvt.s32.f32 v4;
	v9 =	vand.u32 $0x80, v4  }
0x49f: {  	v11 =	vadd.s32 $0x1, v4;
	v10 =	vcvt.s32.f32 v5;
	v12 =	vadd.s32 $0x1, v5  }
0x4a0: {  	v2 =	vsub.f32 v2, v8;
	v8 =	vand.u32 $0x1FFFFF8, v5;
	v13 =	vand.u32 $0x1FFFFF8, v12  }
0x4a1: {  	s6 =	sand.u32 $0x70, s4;
	s14 =	sand.u32 $0xC00, s11;
	v3 =	vsub.f32 v3, v10;
	v10 =	vand.u32 $0x80, v11;
	v12 =	vadd.s32 v12, v13  }
0x4a2: {  	s6 =	sor.u32 s6, s14;
	[tilespmem:s9+$0x0] =	vst v2;
	v2 =	vmul.u32 $0x7, v10;
	v10 =	vshll.u32 v12, $0x7;
	v12 =	vshll.u32 v6, $0x10;
	s9 =	smov.u32 s13  }
0x4a3: {  	v5 =	vadd.s32 v5, v8;
	[tilespmem:s2+$0x0] =	vst v3;
	v3 =	vcvt.s32.f32 v6;
	v6 =	vadd.s32 v7, v12;
	s2 =	smov.u32 s7  }
0x4a4: {  	v5 =	vshll.u32 v5, $0x7;
	v7 =	vmul.u32 $0x7, v9;
	v2 =	vadd.s32 v11, v2  }
0x4a5: {  	v1 =	vsub.f32 v1, v3;
	v3 =	vadd.s32 v6, v5;
	v5 =	vadd.s32 v6, v10  }
0x4a6: {  	v4 =	vadd.s32 v4, v7;
	v6 =	vadd.s32 $0x10000, v3;
	v7 =	vadd.s32 v2, v3  }
0x4a7: {  	[tilespmem:s30+$0x0] =	vst v1;
	v1 =	vadd.s32 v4, v3;
	v3 =	vadd.s32 v4, v5;
	v8 =	vadd.s32 v2, v6;
	s30 =	smov.u32 s1  }
0x4a8: {  	s14 =	sand.u32 $0x1F0, s31;
	s31 =	smov.u32 s4;
	v9 =	vadd.s32 $0x10000, v5;
	[tilespmem:s29+$0x0] =	vst v1;
	s29 =	smov.u32 s16  }
0x4a9: {  	v1 =	vadd.s32 v4, v9;
	[tilespmem:s14+$0xBA00] =	vst v7;
	v7 =	vadd.s32 v2, v9  }
0x4aa: {  	v2 =	vadd.s32 v2, v5;
	[tilespmem:s14+$0xBC00] =	vst v3  }
0x4ab: {  	[tilespmem:s14+$0xBE00] =	vst v2;
	v2 =	vadd.s32 v4, v6  }
0x4ac: {  	[tilespmem:s14+$0xC000] =	vst v2  }
0x4ad: {  	[tilespmem:s14+$0xC200] =	vst v8  }
0x4ae: {  	[tilespmem:s14+$0xC400] =	vst v1  }
0x4af: {  	[tilespmem:s14+$0xC600] =	vst v7  }
0x4b0: {  	v2 =	vld [tilespmem:s6+$0xA980]  }
0x4b1: {  	v3 =	vld [tilespmem:s6+$0xA800]  }
0x4b2: {  	v1 =	vld [tilespmem:s6+$0xAA80]  }
0x4b3: {  	v7 =	vld [tilespmem:s6+$0xAB00]  }
.Ltmp19:
0x4b4: {  	v4 =	vld [tilespmem:s6+$0xAA00];
	(pc) =	sbr.rel @p1 .LBB2_40-.Ltmp19, $3  }
0x4b5: {  	v6 =	vld [tilespmem:s6+$0xA880]  }
0x4b6: {  	v5 =	vld [tilespmem:s6+$0xA900];
	_ =	sdelay $0x1  }
0x4b7: {  	s1 =	sadd.s32 $0x10, s1;
	s16 =	sadd.s32 $0x10, s16;
	vm0 =	veq.f32 v7, $0.0e+00  }
0x4b8: {  	v2 =	vsel vm0, v3, v2  }
0x4b9: {  	v2 =	vadd.f32 $1.000000000e+00, v2;
	v3 =	vsel vm0, v6, v4  }
0x4ba: {  	v3 =	vadd.f32 $1.000000000e+00, v3;
	v1 =	vsel vm0, v5, v1  }
0x4bb: {  	v2 =	vmul.f32 $1.275000000e+02, v2;
	v1 =	vadd.f32 $1.000000000e+00, v1  }
0x4bc: {  	v3 =	vmul.f32 $1.275000000e+02, v3  }
0x4bd: {  	v1 =	vmul.f32 $1.275000000e+02, v1;
	v54 =	vtrunc.f32 v2  }
0x4be: {  	v4 =	vcvt.f32.s32 v54;
	v55 =	vtrunc.f32 v3  }
0x4bf: {  	v5 =	vcvt.f32.s32 v55  }
0x4c0: {  	v7 =	vsel vm0, $0x0, v0;
	v56 =	vtrunc.f32 v1;
	v8 =	vcvt.s32.f32 v4  }
0x4c1: {  	v6 =	vcvt.f32.s32 v56;
	v9 =	vand.u32 $0x80, v4;
	v11 =	vadd.s32 $0x1, v4  }
0x4c2: {  	v10 =	vcvt.s32.f32 v5;
	v12 =	vadd.s32 $0x1, v5;
	v57 =	vand.u32 $0x1FFFFF8, v5  }
0x4c3: {  	v58 =	vand.u32 $0x80, v11;
	v9 =	vmul.u32 $0x7, v9;
	v2 =	vsub.f32 v2, v8  }
0x4c4: {  	v13 =	vand.u32 $0x1FFFFF8, v12;
	v5 =	vadd.s32 v5, v57;
	v59 =	vcvt.s32.f32 v6  }
0x4c5: {  	v6 =	vshll.u32 v6, $0x10;
	v3 =	vsub.f32 v3, v10;
	v10 =	vmul.u32 $0x7, v58  }
0x4c6: {  	v5 =	vshll.u32 v5, $0x7;
	[tilespmem:s9+$0x0] =	vst v2;
	v2 =	vadd.s32 v7, v6;
	v1 =	vsub.f32 v1, v59  }
0x4c7: {  	v60 =	vadd.s32 v12, v13;
	v4 =	vadd.s32 v4, v9;
	[tilespmem:s2+$0x0] =	vst v3;
	v3 =	vadd.s32 v2, v5  }
0x4c8: {  	v61 =	vshll.u32 v60, $0x7;
	v62 =	vadd.s32 v11, v10;
	[tilespmem:s30+$0x0] =	vst v1;
	v1 =	vadd.s32 v4, v3  }
0x4c9: {  	s1 =	sand.u32 $0x1F0, s31;
	v2 =	vadd.s32 v2, v61;
	v63 =	vadd.s32 v62, v3;
	[tilespmem:s29+$0x0] =	vst v1  }
0x4ca: {  	v1 =	vadd.s32 v4, v2;
	[tilespmem:s1+$0xBA00] =	vst v63  }
0x4cb: {  	v3 =	vadd.s32 $0x10000, v3;
	[tilespmem:s1+$0xBC00] =	vst v1;
	v1 =	vadd.s32 v62, v2  }
0x4cc: {  	[tilespmem:s1+$0xBE00] =	vst v1;
	v1 =	vadd.s32 v4, v3  }
0x4cd: {  	v2 =	vadd.s32 $0x10000, v2;
	v3 =	vadd.s32 v62, v3;
	[tilespmem:s1+$0xC000] =	vst v1  }
0x4ce: {  	v1 =	vadd.s32 v4, v2;
	[tilespmem:s1+$0xC200] =	vst v3  }
0x4cf: {  	v2 =	vadd.s32 v62, v2;
	[tilespmem:s1+$0xC400] =	vst v1  }
0x4d0: {  	s0 =	simm.s32 $0xB800;
	s31 =	simm.s32 $0xC800;
	[tilespmem:s1+$0xC600] =	vst v2  }
0x4d1: {  	[tilespmem:s31], [sflag:$0x4] =	stream.indirect.gather [hbm4b:s3+s24], $0x1, s0, s24, $0xb8;
	[tilespmem:$0x1C000] =	vst v63  }
.LBB2_42:
0x4d2: {  	_ =	swait.ge [sflag:s22], $0x1000  }
0x4d3: {  	[sflag:s22] =	ssyncset.done $0x0  }
0x4d4: {  	s1 =	simm.s32 $0x0;
	s2 =	simm.s32 $0x10000;
	[sflag:s22] =	ssyncadd.s32 $0xFFFFF000  }
0x4d5: {  	s1 =	sand.u32 $0x1F0, s1;
	v1 =	vld [tilespmem:s2+$0x0]  }
0x4d6: {  	v2 =	vld [tilespmem:s1+$0x10200]  }
0x4d7: {  	v3 =	vld [tilespmem:s1+$0x10400]  }
0x4d8: {  	v4 =	vld [tilespmem:s1+$0x10600]  }
0x4d9: {  	v5 =	vld [tilespmem:s1+$0x10800]  }
0x4da: {  	v6 =	vld [tilespmem:s1+$0x10A00]  }
0x4db: {  	v7 =	vld [tilespmem:s1+$0x10C00]  }
0x4dc: {  	s7 =	simm.s32 $0x11000;
	v8 =	vld [tilespmem:s1+$0x10E00]  }
0x4dd: {  	v9 =	vld [tilespmem:s7+$0x0];
	_ =	sdelay $0x2  }
0x4de: {  	v2 =	vsub.f32 v2, v1;
	v4 =	vsub.f32 v4, v3  }
0x4df: {  	v6 =	vsub.f32 v6, v5;
	v8 =	vsub.f32 v8, v7  }
0x4e0: {  	v2 =	vmul.f32 v2, v9;
	v4 =	vmul.f32 v4, v9  }
0x4e1: {  	s1 =	simm.s32 $0x11200;
	v6 =	vmul.f32 v6, v9;
	v8 =	vmul.f32 v8, v9  }
0x4e2: {  	v63 =	vld [tilespmem:s1+$0x0];
	v1 =	vadd.f32 v2, v1;
	v2 =	vadd.f32 v4, v3  }
0x4e3: {  	v3 =	vadd.f32 v6, v5;
	v4 =	vadd.f32 v8, v7;
	_ =	sdelay $0x1  }
0x4e4: {  	v2 =	vsub.f32 v2, v1;
	v4 =	vsub.f32 v4, v3;
	_ =	sdelay $0x1  }
0x4e5: {  	s2 =	simm.s32 $0x11400;
	v2 =	vmul.f32 v2, v63;
	v4 =	vmul.f32 v4, v63  }
0x4e6: {  	v5 =	vld [tilespmem:s2+$0x0]  }
0x4e7: {  	v1 =	vadd.f32 v2, v1;
	v2 =	vadd.f32 v4, v3;
	_ =	sdelay $0x1  }
0x4e8: {  	v2 =	vsub.f32 v2, v1;
	_ =	sdelay $0x1  }
0x4e9: {  	v2 =	vmul.f32 v2, v5;
	_ =	sdelay $0x1  }
0x4ea: {  	v1 =	vadd.f32 v2, v1  }
0x4eb: {  	s6 =	simm.s32 $0x11600  }
0x4ec: {  	s9 =	simm.s32 $0x10;
	s4 =	simm.s32 $0x10010;
	[tilespmem:s6+$0x0] =	vst v1  }
0x4ed: {  	s11 =	sand.u32 $0x1F0, s9;
	v1 =	vld [tilespmem:s4+$0x0]  }
0x4ee: {  	v5 =	vld [tilespmem:s11+$0x10200]  }
0x4ef: {  	v2 =	vld [tilespmem:s11+$0x10400]  }
0x4f0: {  	v6 =	vld [tilespmem:s11+$0x10600]  }
0x4f1: {  	v3 =	vld [tilespmem:s11+$0x10800]  }
0x4f2: {  	v7 =	vld [tilespmem:s11+$0x10A00]  }
0x4f3: {  	s9 =	simm.s32 $0x20;
	v4 =	vld [tilespmem:s11+$0x10C00]  }
.LBB2_43:
0x4f4: {  	p1 =	sne.s32 s9, $0x1F0;
	v8 =	vld [tilespmem:s11+$0x10E00];
	s7 =	sadd.s32 $0x10, s7  }
0x4f5: {  	v9 =	vld [tilespmem:s7+$0x0];
	_ =	sdelay $0x2  }
0x4f6: {  	v5 =	vsub.f32 v5, v1;
	v6 =	vsub.f32 v6, v2  }
0x4f7: {  	v7 =	vsub.f32 v7, v3;
	v8 =	vsub.f32 v8, v4  }
0x4f8: {  	v5 =	vmul.f32 v5, v9;
	v6 =	vmul.f32 v6, v9  }
0x4f9: {  	s1 =	sadd.s32 $0x10, s1;
	v7 =	vmul.f32 v7, v9;
	v8 =	vmul.f32 v8, v9  }
0x4fa: {  	v9 =	vld [tilespmem:s1+$0x0];
	v1 =	vadd.f32 v5, v1;
	v2 =	vadd.f32 v6, v2  }
0x4fb: {  	v3 =	vadd.f32 v7, v3;
	v4 =	vadd.f32 v8, v4;
	_ =	sdelay $0x1  }
0x4fc: {  	v2 =	vsub.f32 v2, v1;
	v4 =	vsub.f32 v4, v3;
	_ =	sdelay $0x1  }
0x4fd: {  	s2 =	sadd.s32 $0x10, s2;
	v2 =	vmul.f32 v2, v9;
	v4 =	vmul.f32 v4, v9  }
0x4fe: {  	v5 =	vld [tilespmem:s2+$0x0]  }
0x4ff: {  	v1 =	vadd.f32 v2, v1;
	v2 =	vadd.f32 v4, v3;
	_ =	sdelay $0x1  }
0x500: {  	v2 =	vsub.f32 v2, v1;
	_ =	sdelay $0x1  }
0x501: {  	v2 =	vmul.f32 v2, v5;
	_ =	sdelay $0x1  }
0x502: {  	v1 =	vadd.f32 v2, v1  }
0x503: {  	s6 =	sadd.s32 $0x10, s6  }
0x504: {  	s4 =	sadd.s32 $0x10, s4;
	[tilespmem:s6+$0x0] =	vst v1  }
0x505: {  	s11 =	sand.u32 $0x1F0, s9;
	v1 =	vld [tilespmem:s4+$0x0]  }
0x506: {  	v5 =	vld [tilespmem:s11+$0x10200]  }
.Ltmp20:
0x507: {  	v2 =	vld [tilespmem:s11+$0x10400];
	(pc) =	sbr.rel @p1 .LBB2_43-.Ltmp20, $4  }
0x508: {  	v6 =	vld [tilespmem:s11+$0x10600]  }
0x509: {  	v3 =	vld [tilespmem:s11+$0x10800]  }
0x50a: {  	v7 =	vld [tilespmem:s11+$0x10A00]  }
0x50b: {  	s9 =	sadd.s32 $0x10, s9;
	v4 =	vld [tilespmem:s11+$0x10C00]  }
0x50c: {  	v8 =	vld [tilespmem:s11+$0x10E00];
	s4 =	sadd.s32 $0x10, s7  }
0x50d: {  	v9 =	vld [tilespmem:s4+$0x0];
	_ =	sdelay $0x2  }
0x50e: {  	v5 =	vsub.f32 v5, v1;
	v6 =	vsub.f32 v6, v2  }
0x50f: {  	v7 =	vsub.f32 v7, v3;
	v8 =	vsub.f32 v8, v4  }
0x510: {  	v5 =	vmul.f32 v5, v9;
	v6 =	vmul.f32 v6, v9  }
0x511: {  	s1 =	sadd.s32 $0x10, s1;
	v7 =	vmul.f32 v7, v9;
	v8 =	vmul.f32 v8, v9  }
0x512: {  	v61 =	vld [tilespmem:s1+$0x0];
	v1 =	vadd.f32 v5, v1;
	v2 =	vadd.f32 v6, v2  }
0x513: {  	v3 =	vadd.f32 v7, v3;
	v62 =	vadd.f32 v8, v4;
	_ =	sdelay $0x1  }
0x514: {  	v2 =	vsub.f32 v2, v1;
	v4 =	vsub.f32 v62, v3;
	_ =	sdelay $0x1  }
0x515: {  	s29 =	sadd.s32 $0x10, s2;
	v2 =	vmul.f32 v2, v61;
	v4 =	vmul.f32 v4, v61  }
0x516: {  	v63 =	vld [tilespmem:s29+$0x0]  }
0x517: {  	v1 =	vadd.f32 v2, v1;
	v2 =	vadd.f32 v4, v3;
	_ =	sdelay $0x1  }
0x518: {  	v2 =	vsub.f32 v2, v1;
	_ =	sdelay $0x1  }
0x519: {  	v2 =	vmul.f32 v2, v63;
	_ =	sdelay $0x1  }
0x51a: {  	v1 =	vadd.f32 v2, v1  }
0x51b: {  	s30 =	sadd.s32 $0x10, s6  }
.Ltmp21:
0x51c: {  	s31 =	sadd.s32 $0x100, s21;
	s0 =	simm.s32 $0x11600;
	[tilespmem:s30+$0x0] =	vst v1;
	(pc) =	sbr.rel @p0 .LBB2_48-.Ltmp21, $4  }
0x51d: {  	[hbm4b:s31+s5] =	stream.linear.scatter [tilespmem:s0], [sflag:$0x9], $0x200, $0x38;
	[tilespmem:$0x1C000] =	vst v63  }
0x51e: {  	_ =	swait.ge [sflag:s23], $0x200  }
0x51f: {  	[sflag:s23] =	ssyncset.done $0x0  }
0x520: {  	[sflag:s23] =	ssyncadd.s32 $0xFFFFFE00  }
0x521: {  	s0 =	rddreg [dreg:$0x11]  }
0x522: {  	s11 =	simm.s32 $0x0;
	s16 =	simm.s32 $0xE000;
	s1 =	sadd.s32 s20, s0  }
0x523: {  	[tilespmem:s16], [sflag:$0x9] =	stream.linear.gather [hbm4b:s1+s11], $0x1000, $0x38;
	[tilespmem:$0x1C000] =	vst v63  }
0x524: {  	_ =	swait.ge [sflag:s23], $0x1000  }
0x525: {  	s26 =	sand.u32 $0x70, s11;
	s2 =	sand.u32 $0xC00, s11;
	[sflag:s23] =	ssyncset.done $0x0  }
0x526: {  	s2 =	sor.u32 s26, s2;
	[sflag:s23] =	ssyncadd.s32 $0xFFFFF000  }
0x527: {  	v2 =	vld [tilespmem:s2+$0xE180]  }
0x528: {  	v7 =	vld [tilespmem:s2+$0xE300]  }
0x529: {  	v3 =	vld [tilespmem:s2+$0xE000]  }
0x52a: {  	v1 =	vld [tilespmem:s2+$0xE280]  }
0x52b: {  	v4 =	vld [tilespmem:s2+$0xE200]  }
0x52c: {  	s13 =	simm.s32 $0x11000;
	v6 =	vld [tilespmem:s2+$0xE080]  }
0x52d: {  	s7 =	simm.s32 $0x11200;
	s30 =	simm.s32 $0x11400;
	s29 =	simm.s32 $0xF000;
	v5 =	vld [tilespmem:s2+$0xE100]  }
0x52e: {  	s9 =	simm.s32 $0x11000;
	s31 =	simm.s32 $0x0;
	s26 =	simm.s32 $0x10  }
0x52f: {  	s1 =	simm.s32 $0x11410;
	s16 =	simm.s32 $0xF010;
	s2 =	simm.s32 $0x11200;
	vm0 =	veq.f32 v7, $0.0e+00  }
.LBB2_46:
0x530: {  	v2 =	vsel vm0, v3, v2;
	s11 =	sadd.s32 $0x80, s11;
	s13 =	sadd.s32 $0x10, s13;
	s7 =	sadd.s32 $0x10, s7  }
0x531: {  	p1 =	sne.s32 s26, $0x1F0;
	s4 =	smov.u32 s26;
	s26 =	sadd.s32 $0x10, s26;
	v2 =	vadd.f32 $1.000000000e+00, v2;
	v3 =	vsel vm0, v6, v4  }
0x532: {  	v3 =	vadd.f32 $1.000000000e+00, v3;
	v1 =	vsel vm0, v5, v1  }
0x533: {  	v2 =	vmul.f32 $1.275000000e+02, v2;
	v1 =	vadd.f32 $1.000000000e+00, v1  }
0x534: {  	v3 =	vmul.f32 $1.275000000e+02, v3  }
0x535: {  	v1 =	vmul.f32 $1.275000000e+02, v1;
	v4 =	vtrunc.f32 v2  }
0x536: {  	v4 =	vcvt.f32.s32 v4;
	v5 =	vtrunc.f32 v3  }
0x537: {  	v7 =	vsel vm0, $0x0, v0;
	v5 =	vcvt.f32.s32 v5;
	v6 =	vtrunc.f32 v1  }
0x538: {  	v6 =	vcvt.f32.s32 v6;
	v8 =	vcvt.s32.f32 v4;
	v9 =	vand.u32 $0x80, v4  }
0x539: {  	v11 =	vadd.s32 $0x1, v4;
	v10 =	vcvt.s32.f32 v5;
	v12 =	vadd.s32 $0x1, v5  }
0x53a: {  	v2 =	vsub.f32 v2, v8;
	v8 =	vand.u32 $0x1FFFFF8, v5;
	v13 =	vand.u32 $0x1FFFFF8, v12  }
0x53b: {  	s6 =	sand.u32 $0x70, s4;
	s14 =	sand.u32 $0xC00, s11;
	v3 =	vsub.f32 v3, v10;
	v10 =	vand.u32 $0x80, v11;
	v12 =	vadd.s32 v12, v13  }
0x53c: {  	s6 =	sor.u32 s6, s14;
	[tilespmem:s9+$0x0] =	vst v2;
	v2 =	vmul.u32 $0x7, v10;
	v10 =	vshll.u32 v12, $0x7;
	v12 =	vshll.u32 v6, $0x10;
	s9 =	smov.u32 s13  }
0x53d: {  	v5 =	vadd.s32 v5, v8;
	[tilespmem:s2+$0x0] =	vst v3;
	v3 =	vcvt.s32.f32 v6;
	v6 =	vadd.s32 v7, v12;
	s2 =	smov.u32 s7  }
0x53e: {  	v5 =	vshll.u32 v5, $0x7;
	v7 =	vmul.u32 $0x7, v9;
	v2 =	vadd.s32 v11, v2  }
0x53f: {  	v1 =	vsub.f32 v1, v3;
	v3 =	vadd.s32 v6, v5;
	v5 =	vadd.s32 v6, v10  }
0x540: {  	v4 =	vadd.s32 v4, v7;
	v6 =	vadd.s32 $0x10000, v3;
	v7 =	vadd.s32 v2, v3  }
0x541: {  	[tilespmem:s30+$0x0] =	vst v1;
	v1 =	vadd.s32 v4, v3;
	v3 =	vadd.s32 v4, v5;
	v8 =	vadd.s32 v2, v6;
	s30 =	smov.u32 s1  }
0x542: {  	s14 =	sand.u32 $0x1F0, s31;
	s31 =	smov.u32 s4;
	v9 =	vadd.s32 $0x10000, v5;
	[tilespmem:s29+$0x0] =	vst v1;
	s29 =	smov.u32 s16  }
0x543: {  	v1 =	vadd.s32 v4, v9;
	[tilespmem:s14+$0xF200] =	vst v7;
	v7 =	vadd.s32 v2, v9  }
0x544: {  	v2 =	vadd.s32 v2, v5;
	[tilespmem:s14+$0xF400] =	vst v3  }
0x545: {  	[tilespmem:s14+$0xF600] =	vst v2;
	v2 =	vadd.s32 v4, v6  }
0x546: {  	[tilespmem:s14+$0xF800] =	vst v2  }
0x547: {  	[tilespmem:s14+$0xFA00] =	vst v8  }
0x548: {  	[tilespmem:s14+$0xFC00] =	vst v1  }
0x549: {  	[tilespmem:s14+$0xFE00] =	vst v7  }
0x54a: {  	v2 =	vld [tilespmem:s6+$0xE180]  }
0x54b: {  	v3 =	vld [tilespmem:s6+$0xE000]  }
0x54c: {  	v1 =	vld [tilespmem:s6+$0xE280]  }
0x54d: {  	v7 =	vld [tilespmem:s6+$0xE300]  }
.Ltmp22:
0x54e: {  	v4 =	vld [tilespmem:s6+$0xE200];
	(pc) =	sbr.rel @p1 .LBB2_46-.Ltmp22, $3  }
0x54f: {  	v6 =	vld [tilespmem:s6+$0xE080]  }
0x550: {  	v5 =	vld [tilespmem:s6+$0xE100];
	_ =	sdelay $0x1  }
0x551: {  	s1 =	sadd.s32 $0x10, s1;
	s16 =	sadd.s32 $0x10, s16;
	vm0 =	veq.f32 v7, $0.0e+00  }
0x552: {  	v2 =	vsel vm0, v3, v2  }
0x553: {  	v2 =	vadd.f32 $1.000000000e+00, v2;
	v3 =	vsel vm0, v6, v4  }
0x554: {  	v3 =	vadd.f32 $1.000000000e+00, v3;
	v1 =	vsel vm0, v5, v1  }
0x555: {  	v2 =	vmul.f32 $1.275000000e+02, v2;
	v1 =	vadd.f32 $1.000000000e+00, v1  }
0x556: {  	v3 =	vmul.f32 $1.275000000e+02, v3  }
0x557: {  	v1 =	vmul.f32 $1.275000000e+02, v1;
	v54 =	vtrunc.f32 v2  }
0x558: {  	v4 =	vcvt.f32.s32 v54;
	v55 =	vtrunc.f32 v3  }
0x559: {  	v5 =	vcvt.f32.s32 v55  }
0x55a: {  	v7 =	vsel vm0, $0x0, v0;
	v56 =	vtrunc.f32 v1;
	v8 =	vcvt.s32.f32 v4  }
0x55b: {  	v6 =	vcvt.f32.s32 v56;
	v9 =	vand.u32 $0x80, v4;
	v11 =	vadd.s32 $0x1, v4  }
0x55c: {  	v10 =	vcvt.s32.f32 v5;
	v12 =	vadd.s32 $0x1, v5;
	v57 =	vand.u32 $0x1FFFFF8, v5  }
0x55d: {  	v58 =	vand.u32 $0x80, v11;
	v9 =	vmul.u32 $0x7, v9;
	v2 =	vsub.f32 v2, v8  }
0x55e: {  	v13 =	vand.u32 $0x1FFFFF8, v12;
	v5 =	vadd.s32 v5, v57;
	v59 =	vcvt.s32.f32 v6  }
0x55f: {  	v6 =	vshll.u32 v6, $0x10;
	v3 =	vsub.f32 v3, v10;
	v10 =	vmul.u32 $0x7, v58  }
0x560: {  	v5 =	vshll.u32 v5, $0x7;
	[tilespmem:s9+$0x0] =	vst v2;
	v2 =	vadd.s32 v7, v6;
	v1 =	vsub.f32 v1, v59  }
0x561: {  	v60 =	vadd.s32 v12, v13;
	v4 =	vadd.s32 v4, v9;
	[tilespmem:s2+$0x0] =	vst v3;
	v3 =	vadd.s32 v2, v5  }
0x562: {  	v61 =	vshll.u32 v60, $0x7;
	v62 =	vadd.s32 v11, v10;
	[tilespmem:s30+$0x0] =	vst v1;
	v1 =	vadd.s32 v4, v3  }
0x563: {  	s1 =	sand.u32 $0x1F0, s31;
	v2 =	vadd.s32 v2, v61;
	v63 =	vadd.s32 v62, v3;
	[tilespmem:s29+$0x0] =	vst v1  }
0x564: {  	v1 =	vadd.s32 v4, v2;
	[tilespmem:s1+$0xF200] =	vst v63  }
0x565: {  	v3 =	vadd.s32 $0x10000, v3;
	[tilespmem:s1+$0xF400] =	vst v1;
	v1 =	vadd.s32 v62, v2  }
0x566: {  	[tilespmem:s1+$0xF600] =	vst v1;
	v1 =	vadd.s32 v4, v3  }
0x567: {  	v2 =	vadd.s32 $0x10000, v2;
	v3 =	vadd.s32 v62, v3;
	[tilespmem:s1+$0xF800] =	vst v1  }
0x568: {  	v1 =	vadd.s32 v4, v2;
	[tilespmem:s1+$0xFA00] =	vst v3  }
0x569: {  	v2 =	vadd.s32 v62, v2;
	[tilespmem:s1+$0xFC00] =	vst v1  }
0x56a: {  	s0 =	simm.s32 $0xF000;
	s31 =	simm.s32 $0x10000;
	[tilespmem:s1+$0xFE00] =	vst v2  }
0x56b: {  	[tilespmem:s31], [sflag:$0x5] =	stream.indirect.gather [hbm4b:s3+s24], $0x1, s0, s24, $0xb8;
	[tilespmem:$0x1C000] =	vst v63  }
.LBB2_48:
0x56c: {  	_ =	swait.ge [sflag:s25], $0x1000  }
0x56d: {  	[sflag:s25] =	ssyncset.done $0x0  }
0x56e: {  	s1 =	simm.s32 $0x0;
	s2 =	simm.s32 $0x13800;
	[sflag:s25] =	ssyncadd.s32 $0xFFFFF000  }
0x56f: {  	s1 =	sand.u32 $0x1F0, s1;
	v1 =	vld [tilespmem:s2+$0x0]  }
0x570: {  	v2 =	vld [tilespmem:s1+$0x13A00]  }
0x571: {  	v3 =	vld [tilespmem:s1+$0x13C00]  }
0x572: {  	v4 =	vld [tilespmem:s1+$0x13E00]  }
0x573: {  	v5 =	vld [tilespmem:s1+$0x14000]  }
0x574: {  	v6 =	vld [tilespmem:s1+$0x14200]  }
0x575: {  	v7 =	vld [tilespmem:s1+$0x14400]  }
0x576: {  	s7 =	simm.s32 $0x14800;
	v8 =	vld [tilespmem:s1+$0x14600]  }
0x577: {  	v9 =	vld [tilespmem:s7+$0x0];
	_ =	sdelay $0x2  }
0x578: {  	v2 =	vsub.f32 v2, v1;
	v4 =	vsub.f32 v4, v3  }
0x579: {  	v6 =	vsub.f32 v6, v5;
	v8 =	vsub.f32 v8, v7  }
0x57a: {  	v2 =	vmul.f32 v2, v9;
	v4 =	vmul.f32 v4, v9  }
0x57b: {  	s1 =	simm.s32 $0x14A00;
	v6 =	vmul.f32 v6, v9;
	v8 =	vmul.f32 v8, v9  }
0x57c: {  	v63 =	vld [tilespmem:s1+$0x0];
	v1 =	vadd.f32 v2, v1;
	v2 =	vadd.f32 v4, v3  }
0x57d: {  	v3 =	vadd.f32 v6, v5;
	v4 =	vadd.f32 v8, v7;
	_ =	sdelay $0x1  }
0x57e: {  	v2 =	vsub.f32 v2, v1;
	v4 =	vsub.f32 v4, v3;
	_ =	sdelay $0x1  }
0x57f: {  	s2 =	simm.s32 $0x14C00;
	v2 =	vmul.f32 v2, v63;
	v4 =	vmul.f32 v4, v63  }
0x580: {  	v5 =	vld [tilespmem:s2+$0x0]  }
0x581: {  	v1 =	vadd.f32 v2, v1;
	v2 =	vadd.f32 v4, v3;
	_ =	sdelay $0x1  }
0x582: {  	v2 =	vsub.f32 v2, v1;
	_ =	sdelay $0x1  }
0x583: {  	v2 =	vmul.f32 v2, v5;
	_ =	sdelay $0x1  }
0x584: {  	v1 =	vadd.f32 v2, v1  }
0x585: {  	s6 =	simm.s32 $0x14E00  }
0x586: {  	s9 =	simm.s32 $0x10;
	s4 =	simm.s32 $0x13810;
	[tilespmem:s6+$0x0] =	vst v1  }
0x587: {  	s11 =	sand.u32 $0x1F0, s9;
	v1 =	vld [tilespmem:s4+$0x0]  }
0x588: {  	v5 =	vld [tilespmem:s11+$0x13A00]  }
0x589: {  	v2 =	vld [tilespmem:s11+$0x13C00]  }
0x58a: {  	v6 =	vld [tilespmem:s11+$0x13E00]  }
0x58b: {  	v3 =	vld [tilespmem:s11+$0x14000]  }
0x58c: {  	v7 =	vld [tilespmem:s11+$0x14200]  }
0x58d: {  	s9 =	simm.s32 $0x20;
	v4 =	vld [tilespmem:s11+$0x14400]  }
.LBB2_49:
0x58e: {  	p1 =	sne.s32 s9, $0x1F0;
	v8 =	vld [tilespmem:s11+$0x14600];
	s7 =	sadd.s32 $0x10, s7  }
0x58f: {  	v9 =	vld [tilespmem:s7+$0x0];
	_ =	sdelay $0x2  }
0x590: {  	v5 =	vsub.f32 v5, v1;
	v6 =	vsub.f32 v6, v2  }
0x591: {  	v7 =	vsub.f32 v7, v3;
	v8 =	vsub.f32 v8, v4  }
0x592: {  	v5 =	vmul.f32 v5, v9;
	v6 =	vmul.f32 v6, v9  }
0x593: {  	s1 =	sadd.s32 $0x10, s1;
	v7 =	vmul.f32 v7, v9;
	v8 =	vmul.f32 v8, v9  }
0x594: {  	v9 =	vld [tilespmem:s1+$0x0];
	v1 =	vadd.f32 v5, v1;
	v2 =	vadd.f32 v6, v2  }
0x595: {  	v3 =	vadd.f32 v7, v3;
	v4 =	vadd.f32 v8, v4;
	_ =	sdelay $0x1  }
0x596: {  	v2 =	vsub.f32 v2, v1;
	v4 =	vsub.f32 v4, v3;
	_ =	sdelay $0x1  }
0x597: {  	s2 =	sadd.s32 $0x10, s2;
	v2 =	vmul.f32 v2, v9;
	v4 =	vmul.f32 v4, v9  }
0x598: {  	v5 =	vld [tilespmem:s2+$0x0]  }
0x599: {  	v1 =	vadd.f32 v2, v1;
	v2 =	vadd.f32 v4, v3;
	_ =	sdelay $0x1  }
0x59a: {  	v2 =	vsub.f32 v2, v1;
	_ =	sdelay $0x1  }
0x59b: {  	v2 =	vmul.f32 v2, v5;
	_ =	sdelay $0x1  }
0x59c: {  	v1 =	vadd.f32 v2, v1  }
0x59d: {  	s6 =	sadd.s32 $0x10, s6  }
0x59e: {  	s4 =	sadd.s32 $0x10, s4;
	[tilespmem:s6+$0x0] =	vst v1  }
0x59f: {  	s11 =	sand.u32 $0x1F0, s9;
	v1 =	vld [tilespmem:s4+$0x0]  }
0x5a0: {  	v5 =	vld [tilespmem:s11+$0x13A00]  }
.Ltmp23:
0x5a1: {  	v2 =	vld [tilespmem:s11+$0x13C00];
	(pc) =	sbr.rel @p1 .LBB2_49-.Ltmp23, $4  }
0x5a2: {  	v6 =	vld [tilespmem:s11+$0x13E00]  }
0x5a3: {  	v3 =	vld [tilespmem:s11+$0x14000]  }
0x5a4: {  	v7 =	vld [tilespmem:s11+$0x14200]  }
0x5a5: {  	s9 =	sadd.s32 $0x10, s9;
	v4 =	vld [tilespmem:s11+$0x14400]  }
0x5a6: {  	v8 =	vld [tilespmem:s11+$0x14600];
	s4 =	sadd.s32 $0x10, s7  }
0x5a7: {  	v9 =	vld [tilespmem:s4+$0x0];
	_ =	sdelay $0x2  }
0x5a8: {  	v5 =	vsub.f32 v5, v1;
	v6 =	vsub.f32 v6, v2  }
0x5a9: {  	v7 =	vsub.f32 v7, v3;
	v8 =	vsub.f32 v8, v4  }
0x5aa: {  	v5 =	vmul.f32 v5, v9;
	v6 =	vmul.f32 v6, v9  }
0x5ab: {  	s1 =	sadd.s32 $0x10, s1;
	v7 =	vmul.f32 v7, v9;
	v8 =	vmul.f32 v8, v9  }
0x5ac: {  	v61 =	vld [tilespmem:s1+$0x0];
	v1 =	vadd.f32 v5, v1;
	v2 =	vadd.f32 v6, v2  }
0x5ad: {  	v3 =	vadd.f32 v7, v3;
	v62 =	vadd.f32 v8, v4;
	_ =	sdelay $0x1  }
0x5ae: {  	v2 =	vsub.f32 v2, v1;
	v4 =	vsub.f32 v62, v3;
	_ =	sdelay $0x1  }
0x5af: {  	s29 =	sadd.s32 $0x10, s2;
	v2 =	vmul.f32 v2, v61;
	v4 =	vmul.f32 v4, v61  }
0x5b0: {  	v63 =	vld [tilespmem:s29+$0x0]  }
0x5b1: {  	v1 =	vadd.f32 v2, v1;
	v2 =	vadd.f32 v4, v3;
	_ =	sdelay $0x1  }
0x5b2: {  	v2 =	vsub.f32 v2, v1;
	_ =	sdelay $0x1  }
0x5b3: {  	v2 =	vmul.f32 v2, v63;
	_ =	sdelay $0x1  }
0x5b4: {  	v1 =	vadd.f32 v2, v1  }
0x5b5: {  	s30 =	sadd.s32 $0x10, s6  }
.Ltmp24:
0x5b6: {  	s31 =	sadd.s32 $0x140, s21;
	s0 =	simm.s32 $0x14E00;
	[tilespmem:s30+$0x0] =	vst v1;
	(pc) =	sbr.rel @p0 .LBB2_54-.Ltmp24, $4  }
0x5b7: {  	[hbm4b:s31+s5] =	stream.linear.scatter [tilespmem:s0], [sflag:$0x9], $0x200, $0x38;
	[tilespmem:$0x1C000] =	vst v63  }
0x5b8: {  	_ =	swait.ge [sflag:s23], $0x200  }
0x5b9: {  	[sflag:s23] =	ssyncset.done $0x0  }
0x5ba: {  	[sflag:s23] =	ssyncadd.s32 $0xFFFFFE00  }
0x5bb: {  	s0 =	rddreg [dreg:$0x12];
	s11 =	simm.s32 $0x0;
	s16 =	simm.s32 $0x11800  }
0x5bc: {  	s13 =	simm.s32 $0x14800;
	s7 =	simm.s32 $0x14A00;
	s1 =	sadd.s32 s20, s0  }
0x5bd: {  	[tilespmem:s16], [sflag:$0x9] =	stream.linear.gather [hbm4b:s1+s11], $0x1000, $0x38;
	[tilespmem:$0x1C000] =	vst v63  }
0x5be: {  	s26 =	sand.u32 $0x70, s11;
	s2 =	sand.u32 $0xC00, s11;
	_ =	swait.ge [sflag:s23], $0x1000  }
0x5bf: {  	s29 =	simm.s32 $0x14C00;
	s2 =	sor.u32 s26, s2;
	[sflag:s23] =	ssyncset.done $0x0  }
0x5c0: {  	s30 =	simm.s32 $0x12800;
	s6 =	sadd.s32 $0x11800, s2;
	[sflag:s23] =	ssyncadd.s32 $0xFFFFF000  }
0x5c1: {  	s9 =	simm.s32 $0x14800;
	s31 =	simm.s32 $0x0;
	s26 =	simm.s32 $0x10;
	v1 =	vld [tilespmem:s6+$0x80]  }
0x5c2: {  	s1 =	simm.s32 $0x14C10;
	s16 =	simm.s32 $0x12810;
	v2 =	vld [tilespmem:s2+$0x11800];
	s2 =	simm.s32 $0x14A00  }
.LBB2_52:
0x5c3: {  	v3 =	vld [tilespmem:s6+$0x300];
	s11 =	sadd.s32 $0x80, s11;
	s13 =	sadd.s32 $0x10, s13;
	s7 =	sadd.s32 $0x10, s7  }
0x5c4: {  	p1 =	sne.s32 s26, $0x1F0;
	s14 =	smov.u32 s26;
	s26 =	sadd.s32 $0x10, s26;
	v4 =	vld [tilespmem:s6+$0x100]  }
0x5c5: {  	v5 =	vld [tilespmem:s6+$0x180]  }
0x5c6: {  	v6 =	vld [tilespmem:s6+$0x200]  }
0x5c7: {  	v7 =	vld [tilespmem:s6+$0x280];
	_ =	sdelay $0x1  }
0x5c8: {  	vm0 =	veq.f32 v3, $0.0e+00  }
0x5c9: {  	v2 =	vsel vm0, v2, v5  }
0x5ca: {  	v2 =	vadd.f32 $1.000000000e+00, v2;
	v1 =	vsel vm0, v1, v6  }
0x5cb: {  	v1 =	vadd.f32 $1.000000000e+00, v1;
	v3 =	vsel vm0, v4, v7  }
0x5cc: {  	s4 =	sand.u32 $0x70, s14;
	s6 =	sand.u32 $0xC00, s11;
	v2 =	vmul.f32 $1.275000000e+02, v2;
	v3 =	vadd.f32 $1.000000000e+00, v3  }
0x5cd: {  	s4 =	sor.u32 s4, s6;
	v1 =	vmul.f32 $1.275000000e+02, v1  }
0x5ce: {  	s6 =	sadd.s32 $0x11800, s4;
	v3 =	vmul.f32 $1.275000000e+02, v3;
	v4 =	vtrunc.f32 v2  }
0x5cf: {  	v4 =	vcvt.f32.s32 v4;
	v5 =	vtrunc.f32 v1  }
0x5d0: {  	v7 =	vsel vm0, $0x0, v0;
	v5 =	vcvt.f32.s32 v5;
	v6 =	vtrunc.f32 v3  }
0x5d1: {  	v6 =	vcvt.f32.s32 v6;
	v8 =	vcvt.s32.f32 v4;
	v9 =	vand.u32 $0x80, v4  }
0x5d2: {  	v10 =	vcvt.s32.f32 v5;
	v9 =	vmul.u32 $0x7, v9;
	v11 =	vand.u32 $0x1FFFFF8, v5  }
0x5d3: {  	v12 =	vadd.s32 $0x1, v5;
	v2 =	vsub.f32 v2, v8;
	v8 =	vadd.s32 $0x1, v4  }
0x5d4: {  	v13 =	vand.u32 $0x1FFFFF8, v12;
	v1 =	vsub.f32 v1, v10;
	v10 =	vand.u32 $0x80, v8  }
0x5d5: {  	[tilespmem:s9+$0x0] =	vst v2;
	v2 =	vmul.u32 $0x7, v10;
	v10 =	vadd.s32 v12, v13;
	v12 =	vshll.u32 v6, $0x10;
	s9 =	smov.u32 s13  }
0x5d6: {  	v4 =	vadd.s32 v4, v9;
	[tilespmem:s2+$0x0] =	vst v1;
	v1 =	vcvt.s32.f32 v6;
	v6 =	vshll.u32 v10, $0x7;
	s2 =	smov.u32 s7  }
0x5d7: {  	v5 =	vadd.s32 v5, v11;
	v7 =	vadd.s32 v7, v12;
	v2 =	vadd.s32 v8, v2  }
0x5d8: {  	v1 =	vsub.f32 v3, v1;
	v3 =	vshll.u32 v5, $0x7;
	v5 =	vadd.s32 v7, v6  }
0x5d9: {  	v3 =	vadd.s32 v7, v3;
	v6 =	vadd.s32 $0x10000, v5;
	v7 =	vadd.s32 v4, v5  }
0x5da: {  	[tilespmem:s29+$0x0] =	vst v1;
	v1 =	vadd.s32 $0x10000, v3;
	v8 =	vadd.s32 v4, v3;
	v9 =	vadd.s32 v4, v6;
	s29 =	smov.u32 s1  }
0x5db: {  	s0 =	sand.u32 $0x1F0, s31;
	s31 =	smov.u32 s14;
	v3 =	vadd.s32 v2, v3;
	v6 =	vadd.s32 v2, v6;
	[tilespmem:s30+$0x0] =	vst v8;
	v4 =	vadd.s32 v4, v1;
	s30 =	smov.u32 s16  }
0x5dc: {  	v1 =	vadd.s32 v2, v1;
	[tilespmem:s0+$0x12A00] =	vst v3;
	v3 =	vadd.s32 v2, v5  }
0x5dd: {  	[tilespmem:s0+$0x12C00] =	vst v7  }
0x5de: {  	[tilespmem:s0+$0x12E00] =	vst v3  }
0x5df: {  	[tilespmem:s0+$0x13000] =	vst v4  }
.Ltmp25:
0x5e0: {  	[tilespmem:s0+$0x13200] =	vst v1;
	(pc) =	sbr.rel @p1 .LBB2_52-.Ltmp25, $4  }
0x5e1: {  	[tilespmem:s0+$0x13400] =	vst v9  }
0x5e2: {  	[tilespmem:s0+$0x13600] =	vst v6  }
0x5e3: {  	v1 =	vld [tilespmem:s6+$0x80]  }
0x5e4: {  	s1 =	sadd.s32 $0x10, s1;
	s16 =	sadd.s32 $0x10, s16;
	v2 =	vld [tilespmem:s4+$0x11800]  }
0x5e5: {  	v3 =	vld [tilespmem:s6+$0x300]  }
0x5e6: {  	v4 =	vld [tilespmem:s6+$0x100]  }
0x5e7: {  	v5 =	vld [tilespmem:s6+$0x180]  }
0x5e8: {  	v6 =	vld [tilespmem:s6+$0x200]  }
0x5e9: {  	v7 =	vld [tilespmem:s6+$0x280];
	_ =	sdelay $0x2  }
0x5ea: {  	vm0 =	veq.f32 v3, $0.0e+00  }
0x5eb: {  	v2 =	vsel vm0, v2, v5  }
0x5ec: {  	v1 =	vsel vm0, v1, v6;
	v3 =	vsel vm0, v4, v7;
	v2 =	vadd.f32 $1.000000000e+00, v2  }
0x5ed: {  	v1 =	vadd.f32 $1.000000000e+00, v1;
	v3 =	vadd.f32 $1.000000000e+00, v3  }
0x5ee: {  	v2 =	vmul.f32 $1.275000000e+02, v2  }
0x5ef: {  	v1 =	vmul.f32 $1.275000000e+02, v1;
	v3 =	vmul.f32 $1.275000000e+02, v3  }
0x5f0: {  	v51 =	vtrunc.f32 v2  }
0x5f1: {  	v52 =	vtrunc.f32 v1;
	v53 =	vtrunc.f32 v3  }
0x5f2: {  	v4 =	vcvt.f32.s32 v51;
	v5 =	vcvt.f32.s32 v52  }
0x5f3: {  	v54 =	vsel vm0, $0x0, v0;
	v6 =	vcvt.f32.s32 v53  }
0x5f4: {  	v8 =	vcvt.s32.f32 v4;
	v9 =	vand.u32 $0x80, v4;
	v10 =	vcvt.s32.f32 v5  }
0x5f5: {  	v11 =	vand.u32 $0x1FFFFF8, v5;
	v55 =	vadd.s32 $0x1, v4;
	v12 =	vadd.s32 $0x1, v5  }
0x5f6: {  	v13 =	vcvt.s32.f32 v6;
	v6 =	vshll.u32 v6, $0x10;
	v9 =	vmul.u32 $0x7, v9  }
0x5f7: {  	v56 =	vand.u32 $0x80, v55;
	v5 =	vadd.s32 v5, v11;
	v2 =	vsub.f32 v2, v8  }
0x5f8: {  	v57 =	vand.u32 $0x1FFFFF8, v12;
	v1 =	vsub.f32 v1, v10;
	v10 =	vmul.u32 $0x7, v56  }
0x5f9: {  	v3 =	vsub.f32 v3, v13;
	v5 =	vshll.u32 v5, $0x7;
	[tilespmem:s9+$0x0] =	vst v2;
	v2 =	vadd.s32 v54, v6  }
0x5fa: {  	v58 =	vadd.s32 v12, v57;
	[tilespmem:s2+$0x0] =	vst v1;
	v1 =	vadd.s32 v4, v9;
	v59 =	vadd.s32 v2, v5  }
0x5fb: {  	v60 =	vshll.u32 v58, $0x7;
	v61 =	vadd.s32 v55, v10;
	[tilespmem:s29+$0x0] =	vst v3;
	v3 =	vadd.s32 v1, v59  }
0x5fc: {  	s0 =	sand.u32 $0x1F0, s31;
	v2 =	vadd.s32 v2, v60;
	[tilespmem:s30+$0x0] =	vst v3;
	v3 =	vadd.s32 v61, v59  }
0x5fd: {  	v5 =	vadd.s32 v1, v2;
	[tilespmem:s0+$0x12A00] =	vst v3  }
0x5fe: {  	v62 =	vadd.s32 v61, v2;
	v3 =	vadd.s32 $0x10000, v59;
	[tilespmem:s0+$0x12C00] =	vst v5  }
0x5ff: {  	[tilespmem:s0+$0x12E00] =	vst v62;
	v63 =	vadd.s32 v1, v3  }
0x600: {  	v2 =	vadd.s32 $0x10000, v2;
	v3 =	vadd.s32 v61, v3;
	[tilespmem:s0+$0x13000] =	vst v63  }
0x601: {  	v1 =	vadd.s32 v1, v2;
	[tilespmem:s0+$0x13200] =	vst v3  }
0x602: {  	v2 =	vadd.s32 v61, v2;
	[tilespmem:s0+$0x13400] =	vst v1  }
0x603: {  	s31 =	simm.s32 $0x12800;
	s1 =	simm.s32 $0x13800;
	[tilespmem:s0+$0x13600] =	vst v2  }
0x604: {  	[tilespmem:s1], [sflag:$0x6] =	stream.indirect.gather [hbm4b:s3+s24], $0x1, s31, s24, $0xb8;
	[tilespmem:$0x1C000] =	vst v63  }
.LBB2_54:
0x605: {  	_ =	swait.ge [sflag:s28], $0x1000  }
0x606: {  	[sflag:s28] =	ssyncset.done $0x0  }
0x607: {  	s0 =	simm.s32 $0x0;
	s1 =	simm.s32 $0x17000;
	[sflag:s28] =	ssyncadd.s32 $0xFFFFF000  }
0x608: {  	s0 =	sand.u32 $0x1F0, s0;
	v1 =	vld [tilespmem:s1+$0x0]  }
0x609: {  	v2 =	vld [tilespmem:s0+$0x17200]  }
0x60a: {  	v3 =	vld [tilespmem:s0+$0x17400]  }
0x60b: {  	v4 =	vld [tilespmem:s0+$0x17600]  }
0x60c: {  	v5 =	vld [tilespmem:s0+$0x17800]  }
0x60d: {  	v6 =	vld [tilespmem:s0+$0x17A00]  }
0x60e: {  	v7 =	vld [tilespmem:s0+$0x17C00]  }
0x60f: {  	s6 =	simm.s32 $0x18000;
	v8 =	vld [tilespmem:s0+$0x17E00]  }
0x610: {  	v9 =	vld [tilespmem:s6+$0x0];
	_ =	sdelay $0x2  }
0x611: {  	v2 =	vsub.f32 v2, v1;
	v4 =	vsub.f32 v4, v3  }
0x612: {  	v6 =	vsub.f32 v6, v5;
	v8 =	vsub.f32 v8, v7  }
0x613: {  	v2 =	vmul.f32 v2, v9;
	v4 =	vmul.f32 v4, v9  }
0x614: {  	s1 =	simm.s32 $0x18200;
	v6 =	vmul.f32 v6, v9;
	v8 =	vmul.f32 v8, v9  }
0x615: {  	v63 =	vld [tilespmem:s1+$0x0];
	v1 =	vadd.f32 v2, v1;
	v2 =	vadd.f32 v4, v3  }
0x616: {  	v3 =	vadd.f32 v6, v5;
	v4 =	vadd.f32 v8, v7;
	_ =	sdelay $0x1  }
0x617: {  	v2 =	vsub.f32 v2, v1;
	v4 =	vsub.f32 v4, v3;
	_ =	sdelay $0x1  }
0x618: {  	s2 =	simm.s32 $0x18400;
	v2 =	vmul.f32 v2, v63;
	v4 =	vmul.f32 v4, v63  }
0x619: {  	v5 =	vld [tilespmem:s2+$0x0]  }
0x61a: {  	v1 =	vadd.f32 v2, v1;
	v2 =	vadd.f32 v4, v3;
	_ =	sdelay $0x1  }
0x61b: {  	v2 =	vsub.f32 v2, v1;
	_ =	sdelay $0x1  }
0x61c: {  	v2 =	vmul.f32 v2, v5;
	_ =	sdelay $0x1  }
0x61d: {  	v1 =	vadd.f32 v2, v1  }
0x61e: {  	s7 =	simm.s32 $0x18600  }
0x61f: {  	s31 =	simm.s32 $0x10;
	s4 =	simm.s32 $0x17010;
	[tilespmem:s7+$0x0] =	vst v1  }
0x620: {  	s11 =	sand.u32 $0x1F0, s31;
	v1 =	vld [tilespmem:s4+$0x0]  }
0x621: {  	v5 =	vld [tilespmem:s11+$0x17200]  }
0x622: {  	v2 =	vld [tilespmem:s11+$0x17400]  }
0x623: {  	v6 =	vld [tilespmem:s11+$0x17600]  }
0x624: {  	v3 =	vld [tilespmem:s11+$0x17800]  }
0x625: {  	v7 =	vld [tilespmem:s11+$0x17A00]  }
0x626: {  	s9 =	simm.s32 $0x20;
	v4 =	vld [tilespmem:s11+$0x17C00]  }
.LBB2_55:
0x627: {  	p1 =	sne.s32 s9, $0x1F0;
	v8 =	vld [tilespmem:s11+$0x17E00];
	s6 =	sadd.s32 $0x10, s6  }
0x628: {  	v9 =	vld [tilespmem:s6+$0x0];
	_ =	sdelay $0x2  }
0x629: {  	v5 =	vsub.f32 v5, v1;
	v6 =	vsub.f32 v6, v2  }
0x62a: {  	v7 =	vsub.f32 v7, v3;
	v8 =	vsub.f32 v8, v4  }
0x62b: {  	v5 =	vmul.f32 v5, v9;
	v6 =	vmul.f32 v6, v9  }
0x62c: {  	s1 =	sadd.s32 $0x10, s1;
	v7 =	vmul.f32 v7, v9;
	v8 =	vmul.f32 v8, v9  }
0x62d: {  	v9 =	vld [tilespmem:s1+$0x0];
	v1 =	vadd.f32 v5, v1;
	v2 =	vadd.f32 v6, v2  }
0x62e: {  	v3 =	vadd.f32 v7, v3;
	v4 =	vadd.f32 v8, v4;
	_ =	sdelay $0x1  }
0x62f: {  	v2 =	vsub.f32 v2, v1;
	v4 =	vsub.f32 v4, v3;
	_ =	sdelay $0x1  }
0x630: {  	s2 =	sadd.s32 $0x10, s2;
	v2 =	vmul.f32 v2, v9;
	v4 =	vmul.f32 v4, v9  }
0x631: {  	v5 =	vld [tilespmem:s2+$0x0]  }
0x632: {  	v1 =	vadd.f32 v2, v1;
	v2 =	vadd.f32 v4, v3;
	_ =	sdelay $0x1  }
0x633: {  	v2 =	vsub.f32 v2, v1;
	_ =	sdelay $0x1  }
0x634: {  	v2 =	vmul.f32 v2, v5;
	_ =	sdelay $0x1  }
0x635: {  	v1 =	vadd.f32 v2, v1  }
0x636: {  	s7 =	sadd.s32 $0x10, s7  }
0x637: {  	s4 =	sadd.s32 $0x10, s4;
	[tilespmem:s7+$0x0] =	vst v1  }
0x638: {  	s11 =	sand.u32 $0x1F0, s9;
	v1 =	vld [tilespmem:s4+$0x0]  }
0x639: {  	v5 =	vld [tilespmem:s11+$0x17200]  }
.Ltmp26:
0x63a: {  	v2 =	vld [tilespmem:s11+$0x17400];
	(pc) =	sbr.rel @p1 .LBB2_55-.Ltmp26, $4  }
0x63b: {  	v6 =	vld [tilespmem:s11+$0x17600]  }
0x63c: {  	v3 =	vld [tilespmem:s11+$0x17800]  }
0x63d: {  	v7 =	vld [tilespmem:s11+$0x17A00]  }
0x63e: {  	s9 =	sadd.s32 $0x10, s9;
	v4 =	vld [tilespmem:s11+$0x17C00]  }
0x63f: {  	v8 =	vld [tilespmem:s11+$0x17E00];
	s0 =	sadd.s32 $0x10, s6  }
0x640: {  	v9 =	vld [tilespmem:s0+$0x0];
	_ =	sdelay $0x2  }
0x641: {  	v5 =	vsub.f32 v5, v1;
	v6 =	vsub.f32 v6, v2  }
0x642: {  	v7 =	vsub.f32 v7, v3;
	v8 =	vsub.f32 v8, v4  }
0x643: {  	v5 =	vmul.f32 v5, v9;
	v6 =	vmul.f32 v6, v9  }
0x644: {  	s16 =	sadd.s32 $0x10, s1;
	v7 =	vmul.f32 v7, v9;
	v8 =	vmul.f32 v8, v9  }
0x645: {  	v61 =	vld [tilespmem:s16+$0x0];
	v1 =	vadd.f32 v5, v1;
	v2 =	vadd.f32 v6, v2  }
0x646: {  	v3 =	vadd.f32 v7, v3;
	v62 =	vadd.f32 v8, v4;
	_ =	sdelay $0x1  }
0x647: {  	v2 =	vsub.f32 v2, v1;
	v4 =	vsub.f32 v62, v3;
	_ =	sdelay $0x1  }
0x648: {  	s26 =	sadd.s32 $0x10, s2;
	v2 =	vmul.f32 v2, v61;
	v4 =	vmul.f32 v4, v61  }
0x649: {  	v63 =	vld [tilespmem:s26+$0x0]  }
0x64a: {  	v1 =	vadd.f32 v2, v1;
	v2 =	vadd.f32 v4, v3;
	_ =	sdelay $0x1  }
0x64b: {  	v2 =	vsub.f32 v2, v1;
	_ =	sdelay $0x1  }
0x64c: {  	v2 =	vmul.f32 v2, v63;
	_ =	sdelay $0x1  }
0x64d: {  	v1 =	vadd.f32 v2, v1  }
0x64e: {  	s29 =	sadd.s32 $0x10, s7  }
.Ltmp27:
0x64f: {  	s30 =	sadd.s32 $0x180, s21;
	s31 =	simm.s32 $0x18600;
	[tilespmem:s29+$0x0] =	vst v1;
	(pc) =	sbr.rel @p0 .LBB2_60-.Ltmp27, $4  }
0x650: {  	[hbm4b:s30+s5] =	stream.linear.scatter [tilespmem:s31], [sflag:$0x9], $0x200, $0x38;
	[tilespmem:$0x1C000] =	vst v63  }
0x651: {  	_ =	swait.ge [sflag:s23], $0x200  }
0x652: {  	[sflag:s23] =	ssyncset.done $0x0  }
0x653: {  	[sflag:s23] =	ssyncadd.s32 $0xFFFFFE00  }
0x654: {  	s0 =	rddreg [dreg:$0x13]  }
0x655: {  	s11 =	simm.s32 $0x0;
	s1 =	simm.s32 $0x15000;
	s0 =	sadd.s32 s20, s0  }
0x656: {  	[tilespmem:s1], [sflag:$0x9] =	stream.linear.gather [hbm4b:s0+s11], $0x1000, $0x38;
	[tilespmem:$0x1C000] =	vst v63  }
0x657: {  	_ =	swait.ge [sflag:s23], $0x1000  }
0x658: {  	s30 =	sand.u32 $0x70, s11;
	s31 =	sand.u32 $0xC00, s11;
	[sflag:s23] =	ssyncset.done $0x0  }
0x659: {  	s0 =	sor.u32 s30, s31;
	[sflag:s23] =	ssyncadd.s32 $0xFFFFF000  }
0x65a: {  	v2 =	vld [tilespmem:s0+$0x15180]  }
0x65b: {  	v7 =	vld [tilespmem:s0+$0x15300]  }
0x65c: {  	v3 =	vld [tilespmem:s0+$0x15000]  }
0x65d: {  	v1 =	vld [tilespmem:s0+$0x15280]  }
0x65e: {  	v4 =	vld [tilespmem:s0+$0x15200]  }
0x65f: {  	s13 =	simm.s32 $0x18000;
	v6 =	vld [tilespmem:s0+$0x15080]  }
0x660: {  	s7 =	simm.s32 $0x18200;
	s21 =	simm.s32 $0x18400;
	s26 =	simm.s32 $0x10;
	v5 =	vld [tilespmem:s0+$0x15100]  }
0x661: {  	s16 =	simm.s32 $0x16010;
	s9 =	simm.s32 $0x18000;
	s2 =	simm.s32 $0x18200  }
0x662: {  	s29 =	simm.s32 $0x0;
	s20 =	simm.s32 $0x16000;
	s1 =	simm.s32 $0x18410;
	vm0 =	veq.f32 v7, $0.0e+00  }
.LBB2_58:
0x663: {  	v2 =	vsel vm0, v3, v2;
	s11 =	sadd.s32 $0x80, s11;
	s13 =	sadd.s32 $0x10, s13;
	s7 =	sadd.s32 $0x10, s7  }
0x664: {  	p0 =	sne.s32 s26, $0x1F0;
	s4 =	smov.u32 s26;
	s26 =	sadd.s32 $0x10, s26;
	v2 =	vadd.f32 $1.000000000e+00, v2;
	v3 =	vsel vm0, v6, v4  }
0x665: {  	v3 =	vadd.f32 $1.000000000e+00, v3;
	v1 =	vsel vm0, v5, v1  }
0x666: {  	v2 =	vmul.f32 $1.275000000e+02, v2;
	v1 =	vadd.f32 $1.000000000e+00, v1  }
0x667: {  	v3 =	vmul.f32 $1.275000000e+02, v3  }
0x668: {  	v1 =	vmul.f32 $1.275000000e+02, v1;
	v4 =	vtrunc.f32 v2  }
0x669: {  	v4 =	vcvt.f32.s32 v4;
	v5 =	vtrunc.f32 v3  }
0x66a: {  	v7 =	vsel vm0, $0x0, v0;
	v5 =	vcvt.f32.s32 v5;
	v6 =	vtrunc.f32 v1  }
0x66b: {  	v6 =	vcvt.f32.s32 v6;
	v8 =	vcvt.s32.f32 v4;
	v9 =	vand.u32 $0x80, v4  }
0x66c: {  	v11 =	vadd.s32 $0x1, v4;
	v10 =	vcvt.s32.f32 v5;
	v12 =	vadd.s32 $0x1, v5  }
0x66d: {  	v2 =	vsub.f32 v2, v8;
	v8 =	vand.u32 $0x1FFFFF8, v5;
	v13 =	vand.u32 $0x1FFFFF8, v12  }
0x66e: {  	s0 =	sand.u32 $0x70, s4;
	s6 =	sand.u32 $0xC00, s11;
	v3 =	vsub.f32 v3, v10;
	v10 =	vand.u32 $0x80, v11;
	v12 =	vadd.s32 v12, v13  }
0x66f: {  	s6 =	sor.u32 s0, s6;
	[tilespmem:s9+$0x0] =	vst v2;
	v2 =	vmul.u32 $0x7, v10;
	v10 =	vshll.u32 v12, $0x7;
	v12 =	vshll.u32 v6, $0x10;
	s9 =	smov.u32 s13  }
0x670: {  	v5 =	vadd.s32 v5, v8;
	[tilespmem:s2+$0x0] =	vst v3;
	v3 =	vcvt.s32.f32 v6;
	v6 =	vadd.s32 v7, v12;
	s2 =	smov.u32 s7  }
0x671: {  	v5 =	vshll.u32 v5, $0x7;
	v7 =	vmul.u32 $0x7, v9;
	v2 =	vadd.s32 v11, v2  }
0x672: {  	v1 =	vsub.f32 v1, v3;
	v3 =	vadd.s32 v6, v5;
	v5 =	vadd.s32 v6, v10  }
0x673: {  	v4 =	vadd.s32 v4, v7;
	v6 =	vadd.s32 $0x10000, v3;
	v7 =	vadd.s32 v2, v3  }
0x674: {  	[tilespmem:s21+$0x0] =	vst v1;
	v1 =	vadd.s32 v4, v3;
	v3 =	vadd.s32 v4, v5;
	v8 =	vadd.s32 v2, v6;
	s21 =	smov.u32 s1  }
0x675: {  	s0 =	sand.u32 $0x1F0, s29;
	s29 =	smov.u32 s4;
	v9 =	vadd.s32 $0x10000, v5;
	[tilespmem:s20+$0x0] =	vst v1;
	s20 =	smov.u32 s16  }
0x676: {  	v1 =	vadd.s32 v4, v9;
	[tilespmem:s0+$0x16200] =	vst v7;
	v7 =	vadd.s32 v2, v9  }
0x677: {  	v2 =	vadd.s32 v2, v5;
	[tilespmem:s0+$0x16400] =	vst v3  }
0x678: {  	[tilespmem:s0+$0x16600] =	vst v2;
	v2 =	vadd.s32 v4, v6  }
0x679: {  	[tilespmem:s0+$0x16800] =	vst v2  }
0x67a: {  	[tilespmem:s0+$0x16A00] =	vst v8  }
0x67b: {  	[tilespmem:s0+$0x16C00] =	vst v1  }
0x67c: {  	[tilespmem:s0+$0x16E00] =	vst v7  }
0x67d: {  	v2 =	vld [tilespmem:s6+$0x15180]  }
0x67e: {  	v3 =	vld [tilespmem:s6+$0x15000]  }
0x67f: {  	v1 =	vld [tilespmem:s6+$0x15280]  }
0x680: {  	v7 =	vld [tilespmem:s6+$0x15300]  }
.Ltmp28:
0x681: {  	v4 =	vld [tilespmem:s6+$0x15200];
	(pc) =	sbr.rel @p0 .LBB2_58-.Ltmp28, $3  }
0x682: {  	v6 =	vld [tilespmem:s6+$0x15080]  }
0x683: {  	v5 =	vld [tilespmem:s6+$0x15100];
	_ =	sdelay $0x1  }
0x684: {  	s1 =	sadd.s32 $0x10, s1;
	s16 =	sadd.s32 $0x10, s16;
	vm0 =	veq.f32 v7, $0.0e+00  }
0x685: {  	v2 =	vsel vm0, v3, v2  }
0x686: {  	v2 =	vadd.f32 $1.000000000e+00, v2;
	v3 =	vsel vm0, v6, v4  }
0x687: {  	v3 =	vadd.f32 $1.000000000e+00, v3;
	v1 =	vsel vm0, v5, v1  }
0x688: {  	v2 =	vmul.f32 $1.275000000e+02, v2;
	v1 =	vadd.f32 $1.000000000e+00, v1  }
0x689: {  	v3 =	vmul.f32 $1.275000000e+02, v3  }
0x68a: {  	v1 =	vmul.f32 $1.275000000e+02, v1;
	v54 =	vtrunc.f32 v2  }
0x68b: {  	v4 =	vcvt.f32.s32 v54;
	v55 =	vtrunc.f32 v3  }
0x68c: {  	v5 =	vcvt.f32.s32 v55  }
0x68d: {  	v7 =	vsel vm0, $0x0, v0;
	v56 =	vtrunc.f32 v1;
	v8 =	vcvt.s32.f32 v4  }
0x68e: {  	v6 =	vcvt.f32.s32 v56;
	v9 =	vand.u32 $0x80, v4;
	v11 =	vadd.s32 $0x1, v4  }
0x68f: {  	v10 =	vcvt.s32.f32 v5;
	v12 =	vadd.s32 $0x1, v5;
	v57 =	vand.u32 $0x1FFFFF8, v5  }
0x690: {  	v58 =	vand.u32 $0x80, v11;
	v9 =	vmul.u32 $0x7, v9;
	v2 =	vsub.f32 v2, v8  }
0x691: {  	v13 =	vand.u32 $0x1FFFFF8, v12;
	v5 =	vadd.s32 v5, v57;
	v59 =	vcvt.s32.f32 v6  }
0x692: {  	v6 =	vshll.u32 v6, $0x10;
	v3 =	vsub.f32 v3, v10;
	v10 =	vmul.u32 $0x7, v58  }
0x693: {  	v5 =	vshll.u32 v5, $0x7;
	[tilespmem:s9+$0x0] =	vst v2;
	v2 =	vadd.s32 v7, v6;
	v1 =	vsub.f32 v1, v59  }
0x694: {  	v60 =	vadd.s32 v12, v13;
	v4 =	vadd.s32 v4, v9;
	[tilespmem:s2+$0x0] =	vst v3;
	v3 =	vadd.s32 v2, v5  }
0x695: {  	v61 =	vshll.u32 v60, $0x7;
	v62 =	vadd.s32 v11, v10;
	[tilespmem:s21+$0x0] =	vst v1;
	v1 =	vadd.s32 v4, v3  }
0x696: {  	s0 =	sand.u32 $0x1F0, s29;
	v2 =	vadd.s32 v2, v61;
	v63 =	vadd.s32 v62, v3;
	[tilespmem:s20+$0x0] =	vst v1  }
0x697: {  	v1 =	vadd.s32 v4, v2;
	[tilespmem:s0+$0x16200] =	vst v63  }
0x698: {  	v3 =	vadd.s32 $0x10000, v3;
	[tilespmem:s0+$0x16400] =	vst v1;
	v1 =	vadd.s32 v62, v2  }
0x699: {  	[tilespmem:s0+$0x16600] =	vst v1;
	v1 =	vadd.s32 v4, v3  }
0x69a: {  	v2 =	vadd.s32 $0x10000, v2;
	v3 =	vadd.s32 v62, v3;
	[tilespmem:s0+$0x16800] =	vst v1  }
0x69b: {  	v1 =	vadd.s32 v4, v2;
	[tilespmem:s0+$0x16A00] =	vst v3  }
0x69c: {  	v2 =	vadd.s32 v62, v2;
	[tilespmem:s0+$0x16C00] =	vst v1  }
0x69d: {  	s31 =	simm.s32 $0x16000;
	s1 =	simm.s32 $0x17000;
	[tilespmem:s0+$0x16E00] =	vst v2  }
0x69e: {  	[tilespmem:s1], [sflag:$0x7] =	stream.indirect.gather [hbm4b:s3+s24], $0x1, s31, s24, $0xb8;
	[tilespmem:$0x1C000] =	vst v63  }
.LBB2_60:
0x69f: {  	_ =	swait.ge [sflag:s15], $0x1000  }
0x6a0: {  	[sflag:s15] =	ssyncset.done $0x0  }
0x6a1: {  	s0 =	simm.s32 $0x0;
	s1 =	simm.s32 $0x1A800;
	[sflag:s15] =	ssyncadd.s32 $0xFFFFF000  }
0x6a2: {  	s0 =	sand.u32 $0x1F0, s0;
	v1 =	vld [tilespmem:s1+$0x0]  }
0x6a3: {  	v2 =	vld [tilespmem:s0+$0x1AA00]  }
0x6a4: {  	v3 =	vld [tilespmem:s0+$0x1AC00]  }
0x6a5: {  	v4 =	vld [tilespmem:s0+$0x1AE00]  }
0x6a6: {  	v5 =	vld [tilespmem:s0+$0x1B000]  }
0x6a7: {  	v6 =	vld [tilespmem:s0+$0x1B200]  }
0x6a8: {  	v7 =	vld [tilespmem:s0+$0x1B400]  }
0x6a9: {  	s6 =	simm.s32 $0x1B800;
	v8 =	vld [tilespmem:s0+$0x1B600]  }
0x6aa: {  	v9 =	vld [tilespmem:s6+$0x0];
	_ =	sdelay $0x2  }
0x6ab: {  	v2 =	vsub.f32 v2, v1;
	v4 =	vsub.f32 v4, v3  }
0x6ac: {  	v6 =	vsub.f32 v6, v5;
	v8 =	vsub.f32 v8, v7  }
0x6ad: {  	v2 =	vmul.f32 v2, v9;
	v4 =	vmul.f32 v4, v9  }
0x6ae: {  	s1 =	simm.s32 $0x1BA00;
	v6 =	vmul.f32 v6, v9;
	v8 =	vmul.f32 v8, v9  }
0x6af: {  	v63 =	vld [tilespmem:s1+$0x0];
	v1 =	vadd.f32 v2, v1;
	v2 =	vadd.f32 v4, v3  }
0x6b0: {  	v3 =	vadd.f32 v6, v5;
	v4 =	vadd.f32 v8, v7;
	_ =	sdelay $0x1  }
0x6b1: {  	v2 =	vsub.f32 v2, v1;
	v4 =	vsub.f32 v4, v3;
	_ =	sdelay $0x1  }
0x6b2: {  	s2 =	simm.s32 $0x1BC00;
	v2 =	vmul.f32 v2, v63;
	v4 =	vmul.f32 v4, v63  }
0x6b3: {  	v5 =	vld [tilespmem:s2+$0x0]  }
0x6b4: {  	v1 =	vadd.f32 v2, v1;
	v2 =	vadd.f32 v4, v3;
	_ =	sdelay $0x1  }
0x6b5: {  	v2 =	vsub.f32 v2, v1;
	_ =	sdelay $0x1  }
0x6b6: {  	v2 =	vmul.f32 v2, v5;
	_ =	sdelay $0x1  }
0x6b7: {  	v1 =	vadd.f32 v2, v1  }
0x6b8: {  	s7 =	simm.s32 $0x1BE00  }
0x6b9: {  	s31 =	simm.s32 $0x10;
	s4 =	simm.s32 $0x1A810;
	[tilespmem:s7+$0x0] =	vst v1  }
0x6ba: {  	s11 =	sand.u32 $0x1F0, s31;
	v1 =	vld [tilespmem:s4+$0x0]  }
0x6bb: {  	v5 =	vld [tilespmem:s11+$0x1AA00]  }
0x6bc: {  	v2 =	vld [tilespmem:s11+$0x1AC00]  }
0x6bd: {  	v6 =	vld [tilespmem:s11+$0x1AE00]  }
0x6be: {  	v3 =	vld [tilespmem:s11+$0x1B000]  }
0x6bf: {  	v7 =	vld [tilespmem:s11+$0x1B200]  }
0x6c0: {  	s9 =	simm.s32 $0x20;
	v4 =	vld [tilespmem:s11+$0x1B400]  }
.LBB2_61:
0x6c1: {  	p0 =	sne.s32 s9, $0x1F0;
	v8 =	vld [tilespmem:s11+$0x1B600];
	s6 =	sadd.s32 $0x10, s6  }
0x6c2: {  	v9 =	vld [tilespmem:s6+$0x0];
	_ =	sdelay $0x2  }
0x6c3: {  	v5 =	vsub.f32 v5, v1;
	v6 =	vsub.f32 v6, v2  }
0x6c4: {  	v7 =	vsub.f32 v7, v3;
	v8 =	vsub.f32 v8, v4  }
0x6c5: {  	v5 =	vmul.f32 v5, v9;
	v6 =	vmul.f32 v6, v9  }
0x6c6: {  	s1 =	sadd.s32 $0x10, s1;
	v7 =	vmul.f32 v7, v9;
	v8 =	vmul.f32 v8, v9  }
0x6c7: {  	v9 =	vld [tilespmem:s1+$0x0];
	v1 =	vadd.f32 v5, v1;
	v2 =	vadd.f32 v6, v2  }
0x6c8: {  	v3 =	vadd.f32 v7, v3;
	v4 =	vadd.f32 v8, v4;
	_ =	sdelay $0x1  }
0x6c9: {  	v2 =	vsub.f32 v2, v1;
	v4 =	vsub.f32 v4, v3;
	_ =	sdelay $0x1  }
0x6ca: {  	s2 =	sadd.s32 $0x10, s2;
	v2 =	vmul.f32 v2, v9;
	v4 =	vmul.f32 v4, v9  }
0x6cb: {  	v5 =	vld [tilespmem:s2+$0x0]  }
0x6cc: {  	v1 =	vadd.f32 v2, v1;
	v2 =	vadd.f32 v4, v3;
	_ =	sdelay $0x1  }
0x6cd: {  	v2 =	vsub.f32 v2, v1;
	_ =	sdelay $0x1  }
0x6ce: {  	v2 =	vmul.f32 v2, v5;
	_ =	sdelay $0x1  }
0x6cf: {  	v1 =	vadd.f32 v2, v1  }
0x6d0: {  	s7 =	sadd.s32 $0x10, s7  }
0x6d1: {  	s4 =	sadd.s32 $0x10, s4;
	[tilespmem:s7+$0x0] =	vst v1  }
0x6d2: {  	s11 =	sand.u32 $0x1F0, s9;
	v1 =	vld [tilespmem:s4+$0x0]  }
0x6d3: {  	v5 =	vld [tilespmem:s11+$0x1AA00]  }
.Ltmp29:
0x6d4: {  	v2 =	vld [tilespmem:s11+$0x1AC00];
	(pc) =	sbr.rel @p0 .LBB2_61-.Ltmp29, $4  }
0x6d5: {  	v6 =	vld [tilespmem:s11+$0x1AE00]  }
0x6d6: {  	v3 =	vld [tilespmem:s11+$0x1B000]  }
0x6d7: {  	v7 =	vld [tilespmem:s11+$0x1B200]  }
0x6d8: {  	s9 =	sadd.s32 $0x10, s9;
	v4 =	vld [tilespmem:s11+$0x1B400]  }
0x6d9: {  	v8 =	vld [tilespmem:s11+$0x1B600];
	s0 =	sadd.s32 $0x10, s6  }
0x6da: {  	v9 =	vld [tilespmem:s0+$0x0];
	_ =	sdelay $0x2  }
0x6db: {  	v5 =	vsub.f32 v5, v1;
	v6 =	vsub.f32 v6, v2  }
0x6dc: {  	v7 =	vsub.f32 v7, v3;
	v8 =	vsub.f32 v8, v4  }
0x6dd: {  	v5 =	vmul.f32 v5, v9;
	v6 =	vmul.f32 v6, v9  }
0x6de: {  	s20 =	sadd.s32 $0x10, s1;
	v7 =	vmul.f32 v7, v9;
	v8 =	vmul.f32 v8, v9  }
0x6df: {  	v61 =	vld [tilespmem:s20+$0x0];
	v1 =	vadd.f32 v5, v1;
	v2 =	vadd.f32 v6, v2  }
0x6e0: {  	v3 =	vadd.f32 v7, v3;
	v62 =	vadd.f32 v8, v4;
	_ =	sdelay $0x1  }
0x6e1: {  	v2 =	vsub.f32 v2, v1;
	v4 =	vsub.f32 v62, v3;
	_ =	sdelay $0x1  }
0x6e2: {  	s21 =	sadd.s32 $0x10, s2;
	v2 =	vmul.f32 v2, v61;
	v4 =	vmul.f32 v4, v61  }
0x6e3: {  	v63 =	vld [tilespmem:s21+$0x0]  }
0x6e4: {  	v1 =	vadd.f32 v2, v1;
	v2 =	vadd.f32 v4, v3;
	_ =	sdelay $0x1  }
0x6e5: {  	v2 =	vsub.f32 v2, v1;
	_ =	sdelay $0x1  }
0x6e6: {  	v2 =	vmul.f32 v2, v63;
	_ =	sdelay $0x1  }
0x6e7: {  	s26 =	sadd.s32 $0x10, s7;
	s18 =	sadd.s32 $0x1, s18;
	v1 =	vadd.f32 v2, v1  }
0x6e8: {  	s29 =	sshrl.u32 s19, $0x3;
	s30 =	rddreg [dreg:$0x2];
	p0 =	sne.s32 s18, $0x8  }
.Ltmp30:
0x6e9: {  	s31 =	simm.s32 $0x1BE00;
	s0 =	sadd.s32 s30, s29;
	[tilespmem:s26+$0x0] =	vst v1;
	(pc) =	sbr.rel @p0 .LBB2_16-.Ltmp30, $4  }
0x6ea: {  	[hbm4b:s0+s5] =	stream.linear.scatter [tilespmem:s31], [sflag:$0x9], $0x200, $0x38;
	[tilespmem:$0x1C000] =	vst v63  }
0x6eb: {  	_ =	swait.ge [sflag:s23], $0x200  }
0x6ec: {  	[sflag:s23] =	ssyncset.done $0x0  }
0x6ed: {  	[sflag:s23] =	ssyncadd.s32 $0xFFFFFE00  }
0x6ee: {  	s1 =	rddreg [dreg:$0x15]  }
0x6ef: {  	s0 =	rddreg [dreg:$0x14];
	s1 =	sadd.s32 $0x1, s1  }
0x6f0: {  	p0 =	sne.s32 s1, s0  }
.Ltmp31:
0x6f1: {  	_ = 	snop;
	(pc) =	sbr.rel @p0 .LBB2_1-.Ltmp31, $1  }
0x6f2: {  	_ =	sdelay $0x3  }
0x6f3: {  	_ =	sfence.sel $0x180000  }
0x6f4: {  	[bflag:$0x0] =	sbarrier.arrive $0xFFFF  }
0x6f5: {  	_ =	strace $0x90000047  }
0x6f6: {  	s0 =	stileid.u32;
	[bflag:$0x2] =	sbarrier.arrive $0xFFFF  }
0x6f7: {  	p0 =	sne.s32 s0, $0x0;
	s0 =	rddreg [dreg:$0x3]  }
0x6f8: {  	s0 =	sadd.s32 @!p0 $0x100000, s0  }
0x6f9: {  	[sflag:s0] =	ssyncadd.tile.s32 @!p0 $0x1;
	_ =	shalt  }
.Lfunc_end2:
_tile_overlayer_lowered:
.L_overlay_start_2:
0x6fa: {  	(tag) =	ssettag $0x2  }
0x6fb: {  	s0 =	rddreg [dreg:$0x0];
	s2 =	stileid.u32  }
0x6fc: {  	s1 =	rddreg [dreg:$0x1];
	p0 =	sne.s32 s2, $0x0  }
0x6fd: {  	s3 =	rddreg [dreg:$0x2];
	[bflag:$0x3] =	sbarrier.arrive $0xFFFF;
	s2 =	simm.s32 @!p0 $0x1C09  }
0x6fe: {  	[timem:s3], [sflag:s2] =	dma.local @!p0 [hbm:s0], s1  }
0x6ff: {  	s0 =	simm.s32 @!p0 $0x9  }
0x700: {  	_ =	swait.ge @!p0 [sflag:s0], s1  }
0x701: {  	s1 =	ssub.s32 @!p0 $0x0, s1;
	[sflag:s0] =	ssyncset.done @!p0 $0x0  }
0x702: {  	[sflag:s0] =	ssyncadd.s32 @!p0 s1  }
0x703: {  	[bflag:$0x3] =	sbarrier.arrive $0xFFFF  }
0x704: {  	_ =	shalt  }

</sc_bundles>
